<compile_context>
chip_gen: v7x
topology: tpu7x:2x2x1
jax: 0.10.2.dev20260603
libtpu: 0.0.44.dev20260713+nightly
codegen_flags: <defaults>
</compile_context>

<pallas_src>
import functools

import jax
import jax.numpy as jnp
from jax import lax
from jax.experimental import pallas as pl
from jax.experimental.pallas import tpu as pltpu
from jax.experimental.pallas import tpu_sc as plsc

T = 4096
D = 768
F = 1024
E = 64
C = 80
NSLOT = E * C
PAD = 64

NC = 2
NS = 16
NW = NC * NS

_f32 = jnp.float32
_i32 = jnp.int32


def _router_body(scale_norm, x_ref, *rest):
    if scale_norm:
        gkp_ref = rest[0]
        wr_ref = rest[1]
        outs = rest[2:]
    else:
        wr_ref = rest[0]
        outs = rest[1:]
    xpad_ref, islot_ref, slotc_ref, gk_ref, lb_ref, z_ref = outs

    x = x_ref[...]
    if scale_norm:
        x = x * gkp_ref[...]
        ss = jnp.sum(x * x, axis=1, keepdims=True)
        x = x / jnp.maximum(jnp.sqrt(ss), 1e-12)
    xpad_ref[0:T, :] = x
    xpad_ref[T:T + PAD, :] = jnp.zeros((PAD, D), _f32)

    logits = jnp.dot(x, wr_ref[...], preferred_element_type=_f32)
    m = jnp.max(logits, axis=1, keepdims=True)
    ex = jnp.exp(logits - m)
    se = jnp.sum(ex, axis=1, keepdims=True)
    probs = ex / se
    gate = jnp.max(probs, axis=1, keepdims=True)
    ismax = probs >= gate

    bf16 = jnp.bfloat16
    rr = lax.broadcasted_iota(_i32, (E, E), 0)
    cc = lax.broadcasted_iota(_i32, (E, E), 1)
    u_incl = (rr <= cc).astype(bf16)
    cnt = jnp.dot(ismax.astype(bf16), u_incl, preferred_element_type=_f32)
    sel = jnp.where(ismax & (cnt == 1.0), 1.0, 0.0)

    iota_e = lax.broadcasted_iota(_i32, (1, E), 1).astype(_f32)
    eidx_f = jnp.sum(sel * iota_e, axis=1, keepdims=True)

    BLK = 512
    br = lax.broadcasted_iota(_i32, (BLK, BLK), 0)
    bc = lax.broadcasted_iota(_i32, (BLK, BLK), 1)
    l_incl = (br >= bc).astype(bf16)
    carry = jnp.zeros((1, E), _f32)
    pos_blocks = []
    for b in range(T // BLK):
        sb = sel[b * BLK:(b + 1) * BLK, :]
        s_in = jnp.dot(l_incl, sb.astype(bf16),
                       preferred_element_type=_f32)
        posf = s_in + carry - 1.0
        pos_t = jnp.sum(posf * sb, axis=1, keepdims=True)
        pos_blocks.append(pos_t)
        e_t = eidx_f[b * BLK:(b + 1) * BLK, :]
        g_t = gate[b * BLK:(b + 1) * BLK, :]
        keep = pos_t < float(C)
        slotf = e_t * float(C) + jnp.minimum(pos_t, float(C - 1))
        spread = (lax.broadcasted_iota(_i32, (BLK, 1), 0)
                  & (PAD - 1)).astype(_f32) * float(C)
        slotc_ref[b * BLK:(b + 1) * BLK, :] = jnp.where(
            keep, slotf, spread).astype(_i32)
        gk_ref[b * BLK:(b + 1) * BLK, :] = jnp.where(keep, g_t, 0.0)
        carry = carry + s_in[BLK - 1:BLK, :]

    pos_all = jnp.concatenate(pos_blocks, axis=0)
    iota_c = lax.broadcasted_iota(_i32, (1, C), 1).astype(_f32)
    oh_pos = (pos_all == iota_c).astype(_f32)
    tok = lax.broadcasted_iota(_i32, (T, 1), 0)
    hi = (1 + (tok >> 7)).astype(_f32)
    lo_part = (1 + (tok & 127)).astype(_f32)
    dn = (((0,), (0,)), ((), ()))
    oh_b = oh_pos.astype(bf16)
    hi_mm = lax.dot_general((sel * hi).astype(bf16), oh_b, dn,
                            preferred_element_type=_f32)
    lo_mm = lax.dot_general((sel * lo_part).astype(bf16), oh_b, dn,
                            preferred_element_type=_f32)
    flat = (lax.broadcasted_iota(_i32, (E, C), 0) * C
            + lax.broadcasted_iota(_i32, (E, C), 1))
    sent = (T + (flat & (PAD - 1))).astype(_f32)
    islot = jnp.where(hi_mm < 0.5, sent,
                      (hi_mm - 1.0) * 128.0 + (lo_mm - 1.0))
    islot_ref[...] = islot.astype(_i32)

    f = jnp.mean(sel, axis=0)
    p_mean = jnp.mean(probs, axis=0)
    lb_ref[...] = jnp.reshape(float(E) * jnp.sum(f * p_mean), (1, 1))
    lse = jnp.log(se) + m
    z_ref[...] = jnp.reshape(jnp.mean(lse * lse), (1, 1))


def _make_router(scale_norm):
    out_shape = (
        jax.ShapeDtypeStruct((T + PAD, D), _f32),
        jax.ShapeDtypeStruct((E, C), _i32),
        jax.ShapeDtypeStruct((T, 1), _i32),
        jax.ShapeDtypeStruct((T, 1), _f32),
        jax.ShapeDtypeStruct((1, 1), _f32),
        jax.ShapeDtypeStruct((1, 1), _f32),
    )
    return pl.pallas_call(
        functools.partial(_router_body, scale_norm),
        out_shape=out_shape,
    )


_router0 = _make_router(False)
_router1 = _make_router(True)


def _gather_factory(n_rows, n_src, chunk, dtype, width=D):
    rows_pw = n_rows // NW
    n_ch = rows_pw // chunk

    def body(src_hbm, idx_hbm, out_hbm, idx_v, *rest):
        bufs = rest[:n_ch]
        gsems = rest[n_ch:2 * n_ch]
        wsems = rest[2 * n_ch:3 * n_ch]
        cid = lax.axis_index("c")
        sid = lax.axis_index("s")
        base = (sid * NC + cid) * rows_pw

        pltpu.sync_copy(idx_hbm.at[pl.ds(base, rows_pw)], idx_v)
        gets = [
            pltpu.async_copy(
                src_hbm.at[idx_v.at[pl.ds(j * chunk, chunk)]],
                bufs[j], gsems[j])
            for j in range(n_ch)
        ]
        puts = []
        for j in range(n_ch):
            gets[j].wait()
            puts.append(pltpu.async_copy(
                bufs[j], out_hbm.at[pl.ds(base + j * chunk, chunk)],
                wsems[j]))
        for p in puts:
            p.wait()

    return pl.kernel(
        body,
        out_type=jax.ShapeDtypeStruct((n_rows, width), dtype),
        mesh=plsc.VectorSubcoreMesh(core_axis_name="c",
                                    subcore_axis_name="s"),
        compiler_params=pltpu.CompilerParams(needs_layout_passes=False),
        scratch_types=(
            [pltpu.VMEM((rows_pw,), _i32)]
            + [pltpu.VMEM((chunk, width), dtype)] * n_ch
            + [pltpu.SemaphoreType.DMA] * (2 * n_ch)
        ),
    )


@functools.cache
def _get_dispatch():
    return _gather_factory(NSLOT, T + PAD, 40, _f32)


@functools.cache
def _get_combine():
    return _gather_factory(T, NSLOT, 32, _f32)


def _ffn_body(buf_ref, w1_ref, b1_ref, w2_ref, b2_ref, eo_ref):
    bf16 = jnp.bfloat16
    x = buf_ref[0].astype(bf16)
    h = jnp.dot(x, w1_ref[0].astype(bf16),
                preferred_element_type=_f32) + b1_ref[0]
    h = jnp.maximum(h, 0.0)
    eo = jnp.dot(h.astype(bf16), w2_ref[0].astype(bf16),
                 preferred_element_type=_f32) + b2_ref[0]
    eo_ref[0, :, :] = eo


_ffn = pl.pallas_call(
    _ffn_body,
    grid=(E,),
    in_specs=[
        pl.BlockSpec((1, C, D), lambda e: (e, 0, 0)),
        pl.BlockSpec((1, D, F), lambda e: (e, 0, 0)),
        pl.BlockSpec((1, 1, F), lambda e: (e, 0, 0)),
        pl.BlockSpec((1, F, D), lambda e: (e, 0, 0)),
        pl.BlockSpec((1, 1, D), lambda e: (e, 0, 0)),
    ],
    out_specs=pl.BlockSpec((1, C, D), lambda e: (e, 0, 0)),
    out_shape=jax.ShapeDtypeStruct((E, C, D), _f32),
)


def _final_body(raw_ref, gk_ref, out_ref):
    x = raw_ref[...] * gk_ref[...]
    ss = jnp.sum(x * x, axis=1, keepdims=True)
    out_ref[...] = x / jnp.maximum(jnp.sqrt(ss), 1e-12)


_finalize = pl.pallas_call(
    _final_body,
    out_shape=jax.ShapeDtypeStruct((T, D), _f32),
)


def kernel(y, Wr0, W1_0, b1_0, W2_0, b2_0, Wr1, W1_1, b1_1, W2_1, b2_1):
    dispatch, combine = _get_dispatch(), _get_combine()
    xpad0, islot0, slotc0, gk0, lb0, z0 = _router0(y, Wr0)
    buf0 = dispatch(xpad0, islot0.reshape(NSLOT))
    eo0 = _ffn(buf0.reshape(E, C, D), W1_0, b1_0.reshape(E, 1, F),
               W2_0, b2_0.reshape(E, 1, D))
    h0raw = combine(eo0.reshape(NSLOT, D), slotc0.reshape(T))

    xpad1, islot1, slotc1, gk1, lb1, z1 = _router1(h0raw, gk0, Wr1)
    buf1 = dispatch(xpad1, islot1.reshape(NSLOT))
    eo1 = _ffn(buf1.reshape(E, C, D), W1_1, b1_1.reshape(E, 1, F),
               W2_1, b2_1.reshape(E, 1, D))
    h1raw = combine(eo1.reshape(NSLOT, D), slotc1.reshape(T))

    out = _finalize(h1raw, gk1)
    return (out, lb0.reshape(()), z0.reshape(()), lb1.reshape(()),
            z1.reshape(()))

# --- scband reference (transcript-rebuilt; emitter-appended) ---
"""Pipeline reference for scband-sparse-invertor-66314295050800 (READ-ONLY COPY).

The authoritative reference and input builder live on the scoring server;
editing this copy changes nothing except your own understanding.
"""

import jax, jax.numpy as jnp
import numpy as np
import math

T = 4096
D_MODEL = 768
D_FF = 1024
E = 64
TOPK = 1
CF = 1.25


def setup_inputs(seed: int = 0) -> dict:
    key = jax.random.key(seed)
    ks = jax.random.split(key, 11)
    y = jax.random.normal(ks[0], (T, D_MODEL), dtype=jnp.float32)
    s_in = 1.0 / math.sqrt(D_MODEL)
    s_ff = 1.0 / math.sqrt(D_FF)
    Wr0 = jax.random.normal(ks[1], (D_MODEL, E), dtype=jnp.float32) * 0.02
    W1_0 = jax.random.normal(ks[2], (E, D_MODEL, D_FF), dtype=jnp.float32) * s_in
    b1_0 = jnp.zeros((E, D_FF), dtype=jnp.float32)
    W2_0 = jax.random.normal(ks[3], (E, D_FF, D_MODEL), dtype=jnp.float32) * s_ff
    b2_0 = jnp.zeros((E, D_MODEL), dtype=jnp.float32)
    Wr1 = jax.random.normal(ks[4], (D_MODEL, E), dtype=jnp.float32) * 0.02
    W1_1 = jax.random.normal(ks[5], (E, D_MODEL, D_FF), dtype=jnp.float32) * s_in
    b1_1 = jnp.zeros((E, D_FF), dtype=jnp.float32)
    W2_1 = jax.random.normal(ks[6], (E, D_FF, D_MODEL), dtype=jnp.float32) * s_ff
    b2_1 = jnp.zeros((E, D_MODEL), dtype=jnp.float32)
    return {"y": y, "Wr0": Wr0, "W1_0": W1_0, "b1_0": b1_0, "W2_0": W2_0, "b2_0": b2_0,
            "Wr1": Wr1, "W1_1": W1_1, "b1_1": b1_1, "W2_1": W2_1, "b2_1": b2_1}


def _l2_normalize(x, eps=1e-12):
    n = jnp.sqrt(jnp.sum(x * x, axis=-1, keepdims=True))
    return x / jnp.maximum(n, eps)


def _sparse_expert_layer(x, Wr, W1, b1, W2, b2):
    Tt, d = x.shape
    logits = x @ Wr                                  # [T, E]
    probs = jax.nn.softmax(logits, axis=-1)
    gate, eidx = jax.lax.top_k(probs, TOPK)          # [T, k]
    e_flat = eidx.reshape(-1)                        # [T*k]
    g_flat = gate.reshape(-1)                        # [T*k]
    x_rep = jnp.repeat(x, TOPK, axis=0)              # [T*k, d]
    onehot = jax.nn.one_hot(e_flat, E, dtype=jnp.float32)   # [T*k, E]
    C = int(math.ceil(Tt * TOPK * CF / E))
    pos = (jnp.cumsum(onehot, axis=0) - 1.0) * onehot
    pos_tok = jnp.sum(pos, axis=1).astype(jnp.int32)
    keep = pos_tok < C
    pos_safe = jnp.where(keep, pos_tok, C - 1)
    valw = keep.astype(jnp.float32)[:, None]
    # dispatch: scatter-add tokens into per-expert capacity buffers
    buf = jnp.zeros((E, C, d), dtype=jnp.float32).at[e_flat, pos_safe].add(x_rep * valw)
    h = jax.nn.relu(jnp.einsum('ecd,edf->ecf', buf, W1) + b1[:, None, :])
    eo = jnp.einsum('ecf,efd->ecd', h, W2) + b2[:, None, :]
    # combine: gather expert outputs back to token order
    contrib = eo[e_flat, pos_safe] * valw * g_flat[:, None]
    out = contrib.reshape(Tt, TOPK, d).sum(axis=1)
    f = jnp.mean(onehot, axis=0)
    P = jnp.mean(probs, axis=0)
    lb_loss = E * jnp.sum(f * P)
    z_loss = jnp.mean(jax.nn.logsumexp(logits, axis=-1) ** 2)
    return out, lb_loss, z_loss


def reference(y, Wr0, W1_0, b1_0, W2_0, b2_0, Wr1, W1_1, b1_1, W2_1, b2_1):
    h0, lb0, z0 = _sparse_expert_layer(y, Wr0, W1_0, b1_0, W2_0, b2_0)
    h0 = _l2_normalize(h0)
    h1, lb1, z1 = _sparse_expert_layer(h0, Wr1, W1_1, b1_1, W2_1, b2_1)
    out = _l2_normalize(h1)
    return (out, lb0, z0, lb1, z1)

if __name__ == "__main__":
    import jax
    _d = setup_inputs()
    print(jax.jit(kernel)(*tuple(_d.values())))

</pallas_src>

<mosaic_0001>
#map = affine_map<(d0, d1) -> (0, 0)>
#map1 = affine_map<(d0, d1) -> (0)>
module attributes {stable_mosaic.version = 14 : i64} {
  func.func @body(%arg0: i32, %arg1: i32, %arg2: memref<4160x768xf32, #tpu.memory_space<hbm>>, %arg3: memref<5120xi32, #tpu.memory_space<hbm>>, %arg4: memref<5120x768xf32, #tpu.memory_space<hbm>>, %arg5: memref<160xi32, #tpu.memory_space<vmem>>, %arg6: memref<40x768xf32, #tpu.memory_space<vmem>>, %arg7: memref<40x768xf32, #tpu.memory_space<vmem>>, %arg8: memref<40x768xf32, #tpu.memory_space<vmem>>, %arg9: memref<40x768xf32, #tpu.memory_space<vmem>>, %arg10: memref<!tpu.dma_semaphore, #tpu.memory_space<semaphore_mem>>, %arg11: memref<!tpu.dma_semaphore, #tpu.memory_space<semaphore_mem>>, %arg12: memref<!tpu.dma_semaphore, #tpu.memory_space<semaphore_mem>>, %arg13: memref<!tpu.dma_semaphore, #tpu.memory_space<semaphore_mem>>, %arg14: memref<!tpu.dma_semaphore, #tpu.memory_space<semaphore_mem>>, %arg15: memref<!tpu.dma_semaphore, #tpu.memory_space<semaphore_mem>>, %arg16: memref<!tpu.dma_semaphore, #tpu.memory_space<semaphore_mem>>, %arg17: memref<!tpu.dma_semaphore, #tpu.memory_space<semaphore_mem>>) attributes {dimension_semantics = [#tpu.dimension_semantics<core_parallel>, #tpu.dimension_semantics<subcore_parallel>], iteration_bounds = array<i64: 2, 16>, scalar_prefetch = 0 : i64, scratch_operands = 13 : i64, tpu.core_type = #tpu.core_type<sc_vector_subcore>, window_params = [{transform_indices = #map}, {transform_indices = #map1}, {transform_indices = #map}]} {
    %mul3A = arith.constant 2 : i32
    %mul3A_0 = arith.muli %arg1, %mul3A : i32
    %add3A = arith.addi %mul3A_0, %arg0 : i32
    %mul3A_1 = arith.constant 160 : i32
    %mul3A_2 = arith.muli %add3A, %mul3A_1 : i32
    "tpu.region"() ({
      %run_scoped3A = tpu.sem_alloc : memref<!tpu.dma_semaphore, #tpu.memory_space<semaphore_mem>>
      %dma_start3A_81 = tpu.memref_slice %arg3[%mul3A_2] : memref<5120xi32, #tpu.memory_space<hbm>> -> memref<160xi32, #tpu.memory_space<hbm>>
      %dma_start3A_82 = tpu.memref_slice %arg3[%mul3A_2] : memref<5120xi32, #tpu.memory_space<hbm>> -> memref<160xi32, #tpu.memory_space<hbm>>
      tpu.enqueue_dma source(%dma_start3A_82 : memref<160xi32, #tpu.memory_space<hbm>>) target(%arg5 : memref<160xi32, #tpu.memory_space<vmem>>) target_semaphore(%run_scoped3A : memref<!tpu.dma_semaphore, #tpu.memory_space<semaphore_mem>>)
      %dma_wait3A_83 = tpu.memref_slice %arg3[%mul3A_2] : memref<5120xi32, #tpu.memory_space<hbm>> -> memref<160xi32, #tpu.memory_space<hbm>>
      %dma_wait3A_84 = tpu.memref_slice %arg3[%mul3A_2] : memref<5120xi32, #tpu.memory_space<hbm>> -> memref<160xi32, #tpu.memory_space<hbm>>
      tpu.wait_dma2 semaphore(%run_scoped3A : memref<!tpu.dma_semaphore, #tpu.memory_space<semaphore_mem>>) src(%dma_wait3A_84 : memref<160xi32, #tpu.memory_space<hbm>>) dst(%arg5 : memref<160xi32, #tpu.memory_space<vmem>>)
      tpu.yield
    }) : () -> ()
    %dma_start3A = arith.constant 0 : i32
    %dma_start3A_3 = tpu.memref_slice %arg5[%dma_start3A] : memref<160xi32, #tpu.memory_space<vmem>> -> memref<40xi32, #tpu.memory_space<vmem>>
    %dma_start3A_4 = arith.constant 0 : i32
    %dma_start3A_5 = arith.constant 0 : i32
    %dma_start3A_6 = tpu.memref_slice %arg2[%dma_start3A_4, %dma_start3A_5] : memref<4160x768xf32, #tpu.memory_space<hbm>> -> memref<4160x768xf32, #tpu.memory_space<hbm>>
    tpu.enqueue_indirect_dma source(%dma_start3A_6 : memref<4160x768xf32, #tpu.memory_space<hbm>>) target(%arg6 : memref<40x768xf32, #tpu.memory_space<vmem>>) offsets(%dma_start3A_3 : memref<40xi32, #tpu.memory_space<vmem>>) semaphore(%arg10 : memref<!tpu.dma_semaphore, #tpu.memory_space<semaphore_mem>>)
    %dma_start3A_7 = arith.constant 40 : i32
    %dma_start3A_8 = tpu.memref_slice %arg5[%dma_start3A_7] : memref<160xi32, #tpu.memory_space<vmem>> -> memref<40xi32, #tpu.memory_space<vmem>>
    %dma_start3A_9 = arith.constant 0 : i32
    %dma_start3A_10 = arith.constant 0 : i32
    %dma_start3A_11 = tpu.memref_slice %arg2[%dma_start3A_9, %dma_start3A_10] : memref<4160x768xf32, #tpu.memory_space<hbm>> -> memref<4160x768xf32, #tpu.memory_space<hbm>>
    tpu.enqueue_indirect_dma source(%dma_start3A_11 : memref<4160x768xf32, #tpu.memory_space<hbm>>) target(%arg7 : memref<40x768xf32, #tpu.memory_space<vmem>>) offsets(%dma_start3A_8 : memref<40xi32, #tpu.memory_space<vmem>>) semaphore(%arg11 : memref<!tpu.dma_semaphore, #tpu.memory_space<semaphore_mem>>)
    %dma_start3A_12 = arith.constant 80 : i32
    %dma_start3A_13 = tpu.memref_slice %arg5[%dma_start3A_12] : memref<160xi32, #tpu.memory_space<vmem>> -> memref<40xi32, #tpu.memory_space<vmem>>
    %dma_start3A_14 = arith.constant 0 : i32
    %dma_start3A_15 = arith.constant 0 : i32
    %dma_start3A_16 = tpu.memref_slice %arg2[%dma_start3A_14, %dma_start3A_15] : memref<4160x768xf32, #tpu.memory_space<hbm>> -> memref<4160x768xf32, #tpu.memory_space<hbm>>
    tpu.enqueue_indirect_dma source(%dma_start3A_16 : memref<4160x768xf32, #tpu.memory_space<hbm>>) target(%arg8 : memref<40x768xf32, #tpu.memory_space<vmem>>) offsets(%dma_start3A_13 : memref<40xi32, #tpu.memory_space<vmem>>) semaphore(%arg12 : memref<!tpu.dma_semaphore, #tpu.memory_space<semaphore_mem>>)
    %dma_start3A_17 = arith.constant 120 : i32
    %dma_start3A_18 = tpu.memref_slice %arg5[%dma_start3A_17] : memref<160xi32, #tpu.memory_space<vmem>> -> memref<40xi32, #tpu.memory_space<vmem>>
    %dma_start3A_19 = arith.constant 0 : i32
    %dma_start3A_20 = arith.constant 0 : i32
    %dma_start3A_21 = tpu.memref_slice %arg2[%dma_start3A_19, %dma_start3A_20] : memref<4160x768xf32, #tpu.memory_space<hbm>> -> memref<4160x768xf32, #tpu.memory_space<hbm>>
    tpu.enqueue_indirect_dma source(%dma_start3A_21 : memref<4160x768xf32, #tpu.memory_space<hbm>>) target(%arg9 : memref<40x768xf32, #tpu.memory_space<vmem>>) offsets(%dma_start3A_18 : memref<40xi32, #tpu.memory_space<vmem>>) semaphore(%arg13 : memref<!tpu.dma_semaphore, #tpu.memory_space<semaphore_mem>>)
    %dma_wait3A = arith.constant 0 : i32
    %dma_wait3A_22 = tpu.memref_slice %arg5[%dma_wait3A] : memref<160xi32, #tpu.memory_space<vmem>> -> memref<40xi32, #tpu.memory_space<vmem>>
    %dma_wait3A_23 = arith.constant 0 : i32
    %dma_wait3A_24 = arith.constant 0 : i32
    %dma_wait3A_25 = tpu.memref_slice %arg2[%dma_wait3A_23, %dma_wait3A_24] : memref<4160x768xf32, #tpu.memory_space<hbm>> -> memref<4160x768xf32, #tpu.memory_space<hbm>>
    tpu.wait_indirect_dma semaphore(%arg10 : memref<!tpu.dma_semaphore, #tpu.memory_space<semaphore_mem>>) src(%dma_wait3A_25 : memref<4160x768xf32, #tpu.memory_space<hbm>>) dst(%arg6 : memref<40x768xf32, #tpu.memory_space<vmem>>)
    %add3A_26 = arith.constant 0 : i32
    %add3A_27 = arith.addi %mul3A_2, %add3A_26 : i32
    %dma_start3A_28 = arith.constant 0 : i32
    %dma_start3A_29 = tpu.memref_slice %arg4[%add3A_27, %dma_start3A_28] : memref<5120x768xf32, #tpu.memory_space<hbm>> -> memref<40x768xf32, #tpu.memory_space<hbm>>
    %dma_start3A_30 = arith.constant 0 : i32
    %dma_start3A_31 = tpu.memref_slice %arg4[%add3A_27, %dma_start3A_30] : memref<5120x768xf32, #tpu.memory_space<hbm>> -> memref<40x768xf32, #tpu.memory_space<hbm>>
    tpu.enqueue_dma source(%arg6 : memref<40x768xf32, #tpu.memory_space<vmem>>) target(%dma_start3A_31 : memref<40x768xf32, #tpu.memory_space<hbm>>) target_semaphore(%arg14 : memref<!tpu.dma_semaphore, #tpu.memory_space<semaphore_mem>>)
    %dma_wait3A_32 = arith.constant 40 : i32
    %dma_wait3A_33 = tpu.memref_slice %arg5[%dma_wait3A_32] : memref<160xi32, #tpu.memory_space<vmem>> -> memref<40xi32, #tpu.memory_space<vmem>>
    %dma_wait3A_34 = arith.constant 0 : i32
    %dma_wait3A_35 = arith.constant 0 : i32
    %dma_wait3A_36 = tpu.memref_slice %arg2[%dma_wait3A_34, %dma_wait3A_35] : memref<4160x768xf32, #tpu.memory_space<hbm>> -> memref<4160x768xf32, #tpu.memory_space<hbm>>
    tpu.wait_indirect_dma semaphore(%arg11 : memref<!tpu.dma_semaphore, #tpu.memory_space<semaphore_mem>>) src(%dma_wait3A_36 : memref<4160x768xf32, #tpu.memory_space<hbm>>) dst(%arg7 : memref<40x768xf32, #tpu.memory_space<vmem>>)
    %add3A_37 = arith.constant 40 : i32
    %add3A_38 = arith.addi %mul3A_2, %add3A_37 : i32
    %dma_start3A_39 = arith.constant 0 : i32
    %dma_start3A_40 = tpu.memref_slice %arg4[%add3A_38, %dma_start3A_39] : memref<5120x768xf32, #tpu.memory_space<hbm>> -> memref<40x768xf32, #tpu.memory_space<hbm>>
    %dma_start3A_41 = arith.constant 0 : i32
    %dma_start3A_42 = tpu.memref_slice %arg4[%add3A_38, %dma_start3A_41] : memref<5120x768xf32, #tpu.memory_space<hbm>> -> memref<40x768xf32, #tpu.memory_space<hbm>>
    tpu.enqueue_dma source(%arg7 : memref<40x768xf32, #tpu.memory_space<vmem>>) target(%dma_start3A_42 : memref<40x768xf32, #tpu.memory_space<hbm>>) target_semaphore(%arg15 : memref<!tpu.dma_semaphore, #tpu.memory_space<semaphore_mem>>)
    %dma_wait3A_43 = arith.constant 80 : i32
    %dma_wait3A_44 = tpu.memref_slice %arg5[%dma_wait3A_43] : memref<160xi32, #tpu.memory_space<vmem>> -> memref<40xi32, #tpu.memory_space<vmem>>
    %dma_wait3A_45 = arith.constant 0 : i32
    %dma_wait3A_46 = arith.constant 0 : i32
    %dma_wait3A_47 = tpu.memref_slice %arg2[%dma_wait3A_45, %dma_wait3A_46] : memref<4160x768xf32, #tpu.memory_space<hbm>> -> memref<4160x768xf32, #tpu.memory_space<hbm>>
    tpu.wait_indirect_dma semaphore(%arg12 : memref<!tpu.dma_semaphore, #tpu.memory_space<semaphore_mem>>) src(%dma_wait3A_47 : memref<4160x768xf32, #tpu.memory_space<hbm>>) dst(%arg8 : memref<40x768xf32, #tpu.memory_space<vmem>>)
    %add3A_48 = arith.constant 80 : i32
    %add3A_49 = arith.addi %mul3A_2, %add3A_48 : i32
    %dma_start3A_50 = arith.constant 0 : i32
    %dma_start3A_51 = tpu.memref_slice %arg4[%add3A_49, %dma_start3A_50] : memref<5120x768xf32, #tpu.memory_space<hbm>> -> memref<40x768xf32, #tpu.memory_space<hbm>>
    %dma_start3A_52 = arith.constant 0 : i32
    %dma_start3A_53 = tpu.memref_slice %arg4[%add3A_49, %dma_start3A_52] : memref<5120x768xf32, #tpu.memory_space<hbm>> -> memref<40x768xf32, #tpu.memory_space<hbm>>
    tpu.enqueue_dma source(%arg8 : memref<40x768xf32, #tpu.memory_space<vmem>>) target(%dma_start3A_53 : memref<40x768xf32, #tpu.memory_space<hbm>>) target_semaphore(%arg16 : memref<!tpu.dma_semaphore, #tpu.memory_space<semaphore_mem>>)
    %dma_wait3A_54 = arith.constant 120 : i32
    %dma_wait3A_55 = tpu.memref_slice %arg5[%dma_wait3A_54] : memref<160xi32, #tpu.memory_space<vmem>> -> memref<40xi32, #tpu.memory_space<vmem>>
    %dma_wait3A_56 = arith.constant 0 : i32
    %dma_wait3A_57 = arith.constant 0 : i32
    %dma_wait3A_58 = tpu.memref_slice %arg2[%dma_wait3A_56, %dma_wait3A_57] : memref<4160x768xf32, #tpu.memory_space<hbm>> -> memref<4160x768xf32, #tpu.memory_space<hbm>>
    tpu.wait_indirect_dma semaphore(%arg13 : memref<!tpu.dma_semaphore, #tpu.memory_space<semaphore_mem>>) src(%dma_wait3A_58 : memref<4160x768xf32, #tpu.memory_space<hbm>>) dst(%arg9 : memref<40x768xf32, #tpu.memory_space<vmem>>)
    %add3A_59 = arith.constant 120 : i32
    %add3A_60 = arith.addi %mul3A_2, %add3A_59 : i32
    %dma_start3A_61 = arith.constant 0 : i32
    %dma_start3A_62 = tpu.memref_slice %arg4[%add3A_60, %dma_start3A_61] : memref<5120x768xf32, #tpu.memory_space<hbm>> -> memref<40x768xf32, #tpu.memory_space<hbm>>
    %dma_start3A_63 = arith.constant 0 : i32
    %dma_start3A_64 = tpu.memref_slice %arg4[%add3A_60, %dma_start3A_63] : memref<5120x768xf32, #tpu.memory_space<hbm>> -> memref<40x768xf32, #tpu.memory_space<hbm>>
    tpu.enqueue_dma source(%arg9 : memref<40x768xf32, #tpu.memory_space<vmem>>) target(%dma_start3A_64 : memref<40x768xf32, #tpu.memory_space<hbm>>) target_semaphore(%arg17 : memref<!tpu.dma_semaphore, #tpu.memory_space<semaphore_mem>>)
    %dma_wait3A_65 = arith.constant 0 : i32
    %dma_wait3A_66 = tpu.memref_slice %arg4[%add3A_27, %dma_wait3A_65] : memref<5120x768xf32, #tpu.memory_space<hbm>> -> memref<40x768xf32, #tpu.memory_space<hbm>>
    %dma_wait3A_67 = arith.constant 0 : i32
    %dma_wait3A_68 = tpu.memref_slice %arg4[%add3A_27, %dma_wait3A_67] : memref<5120x768xf32, #tpu.memory_space<hbm>> -> memref<40x768xf32, #tpu.memory_space<hbm>>
    tpu.wait_dma2 semaphore(%arg14 : memref<!tpu.dma_semaphore, #tpu.memory_space<semaphore_mem>>) src(%arg6 : memref<40x768xf32, #tpu.memory_space<vmem>>) dst(%dma_wait3A_68 : memref<40x768xf32, #tpu.memory_space<hbm>>)
    %dma_wait3A_69 = arith.constant 0 : i32
    %dma_wait3A_70 = tpu.memref_slice %arg4[%add3A_38, %dma_wait3A_69] : memref<5120x768xf32, #tpu.memory_space<hbm>> -> memref<40x768xf32, #tpu.memory_space<hbm>>
    %dma_wait3A_71 = arith.constant 0 : i32
    %dma_wait3A_72 = tpu.memref_slice %arg4[%add3A_38, %dma_wait3A_71] : memref<5120x768xf32, #tpu.memory_space<hbm>> -> memref<40x768xf32, #tpu.memory_space<hbm>>
    tpu.wait_dma2 semaphore(%arg15 : memref<!tpu.dma_semaphore, #tpu.memory_space<semaphore_mem>>) src(%arg7 : memref<40x768xf32, #tpu.memory_space<vmem>>) dst(%dma_wait3A_72 : memref<40x768xf32, #tpu.memory_space<hbm>>)
    %dma_wait3A_73 = arith.constant 0 : i32
    %dma_wait3A_74 = tpu.memref_slice %arg4[%add3A_49, %dma_wait3A_73] : memref<5120x768xf32, #tpu.memory_space<hbm>> -> memref<40x768xf32, #tpu.memory_space<hbm>>
    %dma_wait3A_75 = arith.constant 0 : i32
    %dma_wait3A_76 = tpu.memref_slice %arg4[%add3A_49, %dma_wait3A_75] : memref<5120x768xf32, #tpu.memory_space<hbm>> -> memref<40x768xf32, #tpu.memory_space<hbm>>
    tpu.wait_dma2 semaphore(%arg16 : memref<!tpu.dma_semaphore, #tpu.memory_space<semaphore_mem>>) src(%arg8 : memref<40x768xf32, #tpu.memory_space<vmem>>) dst(%dma_wait3A_76 : memref<40x768xf32, #tpu.memory_space<hbm>>)
    %dma_wait3A_77 = arith.constant 0 : i32
    %dma_wait3A_78 = tpu.memref_slice %arg4[%add3A_60, %dma_wait3A_77] : memref<5120x768xf32, #tpu.memory_space<hbm>> -> memref<40x768xf32, #tpu.memory_space<hbm>>
    %dma_wait3A_79 = arith.constant 0 : i32
    %dma_wait3A_80 = tpu.memref_slice %arg4[%add3A_60, %dma_wait3A_79] : memref<5120x768xf32, #tpu.memory_space<hbm>> -> memref<40x768xf32, #tpu.memory_space<hbm>>
    tpu.wait_dma2 semaphore(%arg17 : memref<!tpu.dma_semaphore, #tpu.memory_space<semaphore_mem>>) src(%arg9 : memref<40x768xf32, #tpu.memory_space<vmem>>) dst(%dma_wait3A_80 : memref<40x768xf32, #tpu.memory_space<hbm>>)
    return
  }
}

#map = affine_map<(d0, d1) -> (0, 0)>
#map1 = affine_map<(d0, d1) -> (0)>
module attributes {stable_mosaic.version = 14 : i64} {
  func.func @body(%arg0: i32, %arg1: i32, %arg2: memref<5120x768xf32, #tpu.memory_space<hbm>>, %arg3: memref<4096xi32, #tpu.memory_space<hbm>>, %arg4: memref<4096x768xf32, #tpu.memory_space<hbm>>, %arg5: memref<128xi32, #tpu.memory_space<vmem>>, %arg6: memref<32x768xf32, #tpu.memory_space<vmem>>, %arg7: memref<32x768xf32, #tpu.memory_space<vmem>>, %arg8: memref<32x768xf32, #tpu.memory_space<vmem>>, %arg9: memref<32x768xf32, #tpu.memory_space<vmem>>, %arg10: memref<!tpu.dma_semaphore, #tpu.memory_space<semaphore_mem>>, %arg11: memref<!tpu.dma_semaphore, #tpu.memory_space<semaphore_mem>>, %arg12: memref<!tpu.dma_semaphore, #tpu.memory_space<semaphore_mem>>, %arg13: memref<!tpu.dma_semaphore, #tpu.memory_space<semaphore_mem>>, %arg14: memref<!tpu.dma_semaphore, #tpu.memory_space<semaphore_mem>>, %arg15: memref<!tpu.dma_semaphore, #tpu.memory_space<semaphore_mem>>, %arg16: memref<!tpu.dma_semaphore, #tpu.memory_space<semaphore_mem>>, %arg17: memref<!tpu.dma_semaphore, #tpu.memory_space<semaphore_mem>>) attributes {dimension_semantics = [#tpu.dimension_semantics<core_parallel>, #tpu.dimension_semantics<subcore_parallel>], iteration_bounds = array<i64: 2, 16>, scalar_prefetch = 0 : i64, scratch_operands = 13 : i64, tpu.core_type = #tpu.core_type<sc_vector_subcore>, window_params = [{transform_indices = #map}, {transform_indices = #map1}, {transform_indices = #map}]} {
    %mul3A = arith.constant 2 : i32
    %mul3A_0 = arith.muli %arg1, %mul3A : i32
    %add3A = arith.addi %mul3A_0, %arg0 : i32
    %mul3A_1 = arith.constant 128 : i32
    %mul3A_2 = arith.muli %add3A, %mul3A_1 : i32
    "tpu.region"() ({
      %run_scoped3A = tpu.sem_alloc : memref<!tpu.dma_semaphore, #tpu.memory_space<semaphore_mem>>
      %dma_start3A_81 = tpu.memref_slice %arg3[%mul3A_2] : memref<4096xi32, #tpu.memory_space<hbm>> -> memref<128xi32, #tpu.memory_space<hbm>>
      %dma_start3A_82 = tpu.memref_slice %arg3[%mul3A_2] : memref<4096xi32, #tpu.memory_space<hbm>> -> memref<128xi32, #tpu.memory_space<hbm>>
      tpu.enqueue_dma source(%dma_start3A_82 : memref<128xi32, #tpu.memory_space<hbm>>) target(%arg5 : memref<128xi32, #tpu.memory_space<vmem>>) target_semaphore(%run_scoped3A : memref<!tpu.dma_semaphore, #tpu.memory_space<semaphore_mem>>)
      %dma_wait3A_83 = tpu.memref_slice %arg3[%mul3A_2] : memref<4096xi32, #tpu.memory_space<hbm>> -> memref<128xi32, #tpu.memory_space<hbm>>
      %dma_wait3A_84 = tpu.memref_slice %arg3[%mul3A_2] : memref<4096xi32, #tpu.memory_space<hbm>> -> memref<128xi32, #tpu.memory_space<hbm>>
      tpu.wait_dma2 semaphore(%run_scoped3A : memref<!tpu.dma_semaphore, #tpu.memory_space<semaphore_mem>>) src(%dma_wait3A_84 : memref<128xi32, #tpu.memory_space<hbm>>) dst(%arg5 : memref<128xi32, #tpu.memory_space<vmem>>)
      tpu.yield
    }) : () -> ()
    %dma_start3A = arith.constant 0 : i32
    %dma_start3A_3 = tpu.memref_slice %arg5[%dma_start3A] : memref<128xi32, #tpu.memory_space<vmem>> -> memref<32xi32, #tpu.memory_space<vmem>>
    %dma_start3A_4 = arith.constant 0 : i32
    %dma_start3A_5 = arith.constant 0 : i32
    %dma_start3A_6 = tpu.memref_slice %arg2[%dma_start3A_4, %dma_start3A_5] : memref<5120x768xf32, #tpu.memory_space<hbm>> -> memref<5120x768xf32, #tpu.memory_space<hbm>>
    tpu.enqueue_indirect_dma source(%dma_start3A_6 : memref<5120x768xf32, #tpu.memory_space<hbm>>) target(%arg6 : memref<32x768xf32, #tpu.memory_space<vmem>>) offsets(%dma_start3A_3 : memref<32xi32, #tpu.memory_space<vmem>>) semaphore(%arg10 : memref<!tpu.dma_semaphore, #tpu.memory_space<semaphore_mem>>)
    %dma_start3A_7 = arith.constant 32 : i32
    %dma_start3A_8 = tpu.memref_slice %arg5[%dma_start3A_7] : memref<128xi32, #tpu.memory_space<vmem>> -> memref<32xi32, #tpu.memory_space<vmem>>
    %dma_start3A_9 = arith.constant 0 : i32
    %dma_start3A_10 = arith.constant 0 : i32
    %dma_start3A_11 = tpu.memref_slice %arg2[%dma_start3A_9, %dma_start3A_10] : memref<5120x768xf32, #tpu.memory_space<hbm>> -> memref<5120x768xf32, #tpu.memory_space<hbm>>
    tpu.enqueue_indirect_dma source(%dma_start3A_11 : memref<5120x768xf32, #tpu.memory_space<hbm>>) target(%arg7 : memref<32x768xf32, #tpu.memory_space<vmem>>) offsets(%dma_start3A_8 : memref<32xi32, #tpu.memory_space<vmem>>) semaphore(%arg11 : memref<!tpu.dma_semaphore, #tpu.memory_space<semaphore_mem>>)
    %dma_start3A_12 = arith.constant 64 : i32
    %dma_start3A_13 = tpu.memref_slice %arg5[%dma_start3A_12] : memref<128xi32, #tpu.memory_space<vmem>> -> memref<32xi32, #tpu.memory_space<vmem>>
    %dma_start3A_14 = arith.constant 0 : i32
    %dma_start3A_15 = arith.constant 0 : i32
    %dma_start3A_16 = tpu.memref_slice %arg2[%dma_start3A_14, %dma_start3A_15] : memref<5120x768xf32, #tpu.memory_space<hbm>> -> memref<5120x768xf32, #tpu.memory_space<hbm>>
    tpu.enqueue_indirect_dma source(%dma_start3A_16 : memref<5120x768xf32, #tpu.memory_space<hbm>>) target(%arg8 : memref<32x768xf32, #tpu.memory_space<vmem>>) offsets(%dma_start3A_13 : memref<32xi32, #tpu.memory_space<vmem>>) semaphore(%arg12 : memref<!tpu.dma_semaphore, #tpu.memory_space<semaphore_mem>>)
    %dma_start3A_17 = arith.constant 96 : i32
    %dma_start3A_18 = tpu.memref_slice %arg5[%dma_start3A_17] : memref<128xi32, #tpu.memory_space<vmem>> -> memref<32xi32, #tpu.memory_space<vmem>>
    %dma_start3A_19 = arith.constant 0 : i32
    %dma_start3A_20 = arith.constant 0 : i32
    %dma_start3A_21 = tpu.memref_slice %arg2[%dma_start3A_19, %dma_start3A_20] : memref<5120x768xf32, #tpu.memory_space<hbm>> -> memref<5120x768xf32, #tpu.memory_space<hbm>>
    tpu.enqueue_indirect_dma source(%dma_start3A_21 : memref<5120x768xf32, #tpu.memory_space<hbm>>) target(%arg9 : memref<32x768xf32, #tpu.memory_space<vmem>>) offsets(%dma_start3A_18 : memref<32xi32, #tpu.memory_space<vmem>>) semaphore(%arg13 : memref<!tpu.dma_semaphore, #tpu.memory_space<semaphore_mem>>)
    %dma_wait3A = arith.constant 0 : i32
    %dma_wait3A_22 = tpu.memref_slice %arg5[%dma_wait3A] : memref<128xi32, #tpu.memory_space<vmem>> -> memref<32xi32, #tpu.memory_space<vmem>>
    %dma_wait3A_23 = arith.constant 0 : i32
    %dma_wait3A_24 = arith.constant 0 : i32
    %dma_wait3A_25 = tpu.memref_slice %arg2[%dma_wait3A_23, %dma_wait3A_24] : memref<5120x768xf32, #tpu.memory_space<hbm>> -> memref<5120x768xf32, #tpu.memory_space<hbm>>
    tpu.wait_indirect_dma semaphore(%arg10 : memref<!tpu.dma_semaphore, #tpu.memory_space<semaphore_mem>>) src(%dma_wait3A_25 : memref<5120x768xf32, #tpu.memory_space<hbm>>) dst(%arg6 : memref<32x768xf32, #tpu.memory_space<vmem>>)
    %add3A_26 = arith.constant 0 : i32
    %add3A_27 = arith.addi %mul3A_2, %add3A_26 : i32
    %dma_start3A_28 = arith.constant 0 : i32
    %dma_start3A_29 = tpu.memref_slice %arg4[%add3A_27, %dma_start3A_28] : memref<4096x768xf32, #tpu.memory_space<hbm>> -> memref<32x768xf32, #tpu.memory_space<hbm>>
    %dma_start3A_30 = arith.constant 0 : i32
    %dma_start3A_31 = tpu.memref_slice %arg4[%add3A_27, %dma_start3A_30] : memref<4096x768xf32, #tpu.memory_space<hbm>> -> memref<32x768xf32, #tpu.memory_space<hbm>>
    tpu.enqueue_dma source(%arg6 : memref<32x768xf32, #tpu.memory_space<vmem>>) target(%dma_start3A_31 : memref<32x768xf32, #tpu.memory_space<hbm>>) target_semaphore(%arg14 : memref<!tpu.dma_semaphore, #tpu.memory_space<semaphore_mem>>)
    %dma_wait3A_32 = arith.constant 32 : i32
    %dma_wait3A_33 = tpu.memref_slice %arg5[%dma_wait3A_32] : memref<128xi32, #tpu.memory_space<vmem>> -> memref<32xi32, #tpu.memory_space<vmem>>
    %dma_wait3A_34 = arith.constant 0 : i32
    %dma_wait3A_35 = arith.constant 0 : i32
    %dma_wait3A_36 = tpu.memref_slice %arg2[%dma_wait3A_34, %dma_wait3A_35] : memref<5120x768xf32, #tpu.memory_space<hbm>> -> memref<5120x768xf32, #tpu.memory_space<hbm>>
    tpu.wait_indirect_dma semaphore(%arg11 : memref<!tpu.dma_semaphore, #tpu.memory_space<semaphore_mem>>) src(%dma_wait3A_36 : memref<5120x768xf32, #tpu.memory_space<hbm>>) dst(%arg7 : memref<32x768xf32, #tpu.memory_space<vmem>>)
    %add3A_37 = arith.constant 32 : i32
    %add3A_38 = arith.addi %mul3A_2, %add3A_37 : i32
    %dma_start3A_39 = arith.constant 0 : i32
    %dma_start3A_40 = tpu.memref_slice %arg4[%add3A_38, %dma_start3A_39] : memref<4096x768xf32, #tpu.memory_space<hbm>> -> memref<32x768xf32, #tpu.memory_space<hbm>>
    %dma_start3A_41 = arith.constant 0 : i32
    %dma_start3A_42 = tpu.memref_slice %arg4[%add3A_38, %dma_start3A_41] : memref<4096x768xf32, #tpu.memory_space<hbm>> -> memref<32x768xf32, #tpu.memory_space<hbm>>
    tpu.enqueue_dma source(%arg7 : memref<32x768xf32, #tpu.memory_space<vmem>>) target(%dma_start3A_42 : memref<32x768xf32, #tpu.memory_space<hbm>>) target_semaphore(%arg15 : memref<!tpu.dma_semaphore, #tpu.memory_space<semaphore_mem>>)
    %dma_wait3A_43 = arith.constant 64 : i32
    %dma_wait3A_44 = tpu.memref_slice %arg5[%dma_wait3A_43] : memref<128xi32, #tpu.memory_space<vmem>> -> memref<32xi32, #tpu.memory_space<vmem>>
    %dma_wait3A_45 = arith.constant 0 : i32
    %dma_wait3A_46 = arith.constant 0 : i32
    %dma_wait3A_47 = tpu.memref_slice %arg2[%dma_wait3A_45, %dma_wait3A_46] : memref<5120x768xf32, #tpu.memory_space<hbm>> -> memref<5120x768xf32, #tpu.memory_space<hbm>>
    tpu.wait_indirect_dma semaphore(%arg12 : memref<!tpu.dma_semaphore, #tpu.memory_space<semaphore_mem>>) src(%dma_wait3A_47 : memref<5120x768xf32, #tpu.memory_space<hbm>>) dst(%arg8 : memref<32x768xf32, #tpu.memory_space<vmem>>)
    %add3A_48 = arith.constant 64 : i32
    %add3A_49 = arith.addi %mul3A_2, %add3A_48 : i32
    %dma_start3A_50 = arith.constant 0 : i32
    %dma_start3A_51 = tpu.memref_slice %arg4[%add3A_49, %dma_start3A_50] : memref<4096x768xf32, #tpu.memory_space<hbm>> -> memref<32x768xf32, #tpu.memory_space<hbm>>
    %dma_start3A_52 = arith.constant 0 : i32
    %dma_start3A_53 = tpu.memref_slice %arg4[%add3A_49, %dma_start3A_52] : memref<4096x768xf32, #tpu.memory_space<hbm>> -> memref<32x768xf32, #tpu.memory_space<hbm>>
    tpu.enqueue_dma source(%arg8 : memref<32x768xf32, #tpu.memory_space<vmem>>) target(%dma_start3A_53 : memref<32x768xf32, #tpu.memory_space<hbm>>) target_semaphore(%arg16 : memref<!tpu.dma_semaphore, #tpu.memory_space<semaphore_mem>>)
    %dma_wait3A_54 = arith.constant 96 : i32
    %dma_wait3A_55 = tpu.memref_slice %arg5[%dma_wait3A_54] : memref<128xi32, #tpu.memory_space<vmem>> -> memref<32xi32, #tpu.memory_space<vmem>>
    %dma_wait3A_56 = arith.constant 0 : i32
    %dma_wait3A_57 = arith.constant 0 : i32
    %dma_wait3A_58 = tpu.memref_slice %arg2[%dma_wait3A_56, %dma_wait3A_57] : memref<5120x768xf32, #tpu.memory_space<hbm>> -> memref<5120x768xf32, #tpu.memory_space<hbm>>
    tpu.wait_indirect_dma semaphore(%arg13 : memref<!tpu.dma_semaphore, #tpu.memory_space<semaphore_mem>>) src(%dma_wait3A_58 : memref<5120x768xf32, #tpu.memory_space<hbm>>) dst(%arg9 : memref<32x768xf32, #tpu.memory_space<vmem>>)
    %add3A_59 = arith.constant 96 : i32
    %add3A_60 = arith.addi %mul3A_2, %add3A_59 : i32
    %dma_start3A_61 = arith.constant 0 : i32
    %dma_start3A_62 = tpu.memref_slice %arg4[%add3A_60, %dma_start3A_61] : memref<4096x768xf32, #tpu.memory_space<hbm>> -> memref<32x768xf32, #tpu.memory_space<hbm>>
    %dma_start3A_63 = arith.constant 0 : i32
    %dma_start3A_64 = tpu.memref_slice %arg4[%add3A_60, %dma_start3A_63] : memref<4096x768xf32, #tpu.memory_space<hbm>> -> memref<32x768xf32, #tpu.memory_space<hbm>>
    tpu.enqueue_dma source(%arg9 : memref<32x768xf32, #tpu.memory_space<vmem>>) target(%dma_start3A_64 : memref<32x768xf32, #tpu.memory_space<hbm>>) target_semaphore(%arg17 : memref<!tpu.dma_semaphore, #tpu.memory_space<semaphore_mem>>)
    %dma_wait3A_65 = arith.constant 0 : i32
    %dma_wait3A_66 = tpu.memref_slice %arg4[%add3A_27, %dma_wait3A_65] : memref<4096x768xf32, #tpu.memory_space<hbm>> -> memref<32x768xf32, #tpu.memory_space<hbm>>
    %dma_wait3A_67 = arith.constant 0 : i32
    %dma_wait3A_68 = tpu.memref_slice %arg4[%add3A_27, %dma_wait3A_67] : memref<4096x768xf32, #tpu.memory_space<hbm>> -> memref<32x768xf32, #tpu.memory_space<hbm>>
    tpu.wait_dma2 semaphore(%arg14 : memref<!tpu.dma_semaphore, #tpu.memory_space<semaphore_mem>>) src(%arg6 : memref<32x768xf32, #tpu.memory_space<vmem>>) dst(%dma_wait3A_68 : memref<32x768xf32, #tpu.memory_space<hbm>>)
    %dma_wait3A_69 = arith.constant 0 : i32
    %dma_wait3A_70 = tpu.memref_slice %arg4[%add3A_38, %dma_wait3A_69] : memref<4096x768xf32, #tpu.memory_space<hbm>> -> memref<32x768xf32, #tpu.memory_space<hbm>>
    %dma_wait3A_71 = arith.constant 0 : i32
    %dma_wait3A_72 = tpu.memref_slice %arg4[%add3A_38, %dma_wait3A_71] : memref<4096x768xf32, #tpu.memory_space<hbm>> -> memref<32x768xf32, #tpu.memory_space<hbm>>
    tpu.wait_dma2 semaphore(%arg15 : memref<!tpu.dma_semaphore, #tpu.memory_space<semaphore_mem>>) src(%arg7 : memref<32x768xf32, #tpu.memory_space<vmem>>) dst(%dma_wait3A_72 : memref<32x768xf32, #tpu.memory_space<hbm>>)
    %dma_wait3A_73 = arith.constant 0 : i32
    %dma_wait3A_74 = tpu.memref_slice %arg4[%add3A_49, %dma_wait3A_73] : memref<4096x768xf32, #tpu.memory_space<hbm>> -> memref<32x768xf32, #tpu.memory_space<hbm>>
    %dma_wait3A_75 = arith.constant 0 : i32
    %dma_wait3A_76 = tpu.memref_slice %arg4[%add3A_49, %dma_wait3A_75] : memref<4096x768xf32, #tpu.memory_space<hbm>> -> memref<32x768xf32, #tpu.memory_space<hbm>>
    tpu.wait_dma2 semaphore(%arg16 : memref<!tpu.dma_semaphore, #tpu.memory_space<semaphore_mem>>) src(%arg8 : memref<32x768xf32, #tpu.memory_space<vmem>>) dst(%dma_wait3A_76 : memref<32x768xf32, #tpu.memory_space<hbm>>)
    %dma_wait3A_77 = arith.constant 0 : i32
    %dma_wait3A_78 = tpu.memref_slice %arg4[%add3A_60, %dma_wait3A_77] : memref<4096x768xf32, #tpu.memory_space<hbm>> -> memref<32x768xf32, #tpu.memory_space<hbm>>
    %dma_wait3A_79 = arith.constant 0 : i32
    %dma_wait3A_80 = tpu.memref_slice %arg4[%add3A_60, %dma_wait3A_79] : memref<4096x768xf32, #tpu.memory_space<hbm>> -> memref<32x768xf32, #tpu.memory_space<hbm>>
    tpu.wait_dma2 semaphore(%arg17 : memref<!tpu.dma_semaphore, #tpu.memory_space<semaphore_mem>>) src(%arg9 : memref<32x768xf32, #tpu.memory_space<vmem>>) dst(%dma_wait3A_80 : memref<32x768xf32, #tpu.memory_space<hbm>>)
    return
  }
}

#map = affine_map<(d0, d1) -> (0, 0)>
#map1 = affine_map<(d0, d1) -> (0)>
module attributes {stable_mosaic.version = 14 : i64} {
  func.func @body(%arg0: i32, %arg1: i32, %arg2: memref<4160x768xf32, #tpu.memory_space<hbm>>, %arg3: memref<5120xi32, #tpu.memory_space<hbm>>, %arg4: memref<5120x768xf32, #tpu.memory_space<hbm>>, %arg5: memref<160xi32, #tpu.memory_space<vmem>>, %arg6: memref<40x768xf32, #tpu.memory_space<vmem>>, %arg7: memref<40x768xf32, #tpu.memory_space<vmem>>, %arg8: memref<40x768xf32, #tpu.memory_space<vmem>>, %arg9: memref<40x768xf32, #tpu.memory_space<vmem>>, %arg10: memref<!tpu.dma_semaphore, #tpu.memory_space<semaphore_mem>>, %arg11: memref<!tpu.dma_semaphore, #tpu.memory_space<semaphore_mem>>, %arg12: memref<!tpu.dma_semaphore, #tpu.memory_space<semaphore_mem>>, %arg13: memref<!tpu.dma_semaphore, #tpu.memory_space<semaphore_mem>>, %arg14: memref<!tpu.dma_semaphore, #tpu.memory_space<semaphore_mem>>, %arg15: memref<!tpu.dma_semaphore, #tpu.memory_space<semaphore_mem>>, %arg16: memref<!tpu.dma_semaphore, #tpu.memory_space<semaphore_mem>>, %arg17: memref<!tpu.dma_semaphore, #tpu.memory_space<semaphore_mem>>) attributes {dimension_semantics = [#tpu.dimension_semantics<core_parallel>, #tpu.dimension_semantics<subcore_parallel>], iteration_bounds = array<i64: 2, 16>, scalar_prefetch = 0 : i64, scratch_operands = 13 : i64, tpu.core_type = #tpu.core_type<sc_vector_subcore>, window_params = [{transform_indices = #map}, {transform_indices = #map1}, {transform_indices = #map}]} {
    %mul3A = arith.constant 2 : i32
    %mul3A_0 = arith.muli %arg1, %mul3A : i32
    %add3A = arith.addi %mul3A_0, %arg0 : i32
    %mul3A_1 = arith.constant 160 : i32
    %mul3A_2 = arith.muli %add3A, %mul3A_1 : i32
    "tpu.region"() ({
      %run_scoped3A = tpu.sem_alloc : memref<!tpu.dma_semaphore, #tpu.memory_space<semaphore_mem>>
      %dma_start3A_81 = tpu.memref_slice %arg3[%mul3A_2] : memref<5120xi32, #tpu.memory_space<hbm>> -> memref<160xi32, #tpu.memory_space<hbm>>
      %dma_start3A_82 = tpu.memref_slice %arg3[%mul3A_2] : memref<5120xi32, #tpu.memory_space<hbm>> -> memref<160xi32, #tpu.memory_space<hbm>>
      tpu.enqueue_dma source(%dma_start3A_82 : memref<160xi32, #tpu.memory_space<hbm>>) target(%arg5 : memref<160xi32, #tpu.memory_space<vmem>>) target_semaphore(%run_scoped3A : memref<!tpu.dma_semaphore, #tpu.memory_space<semaphore_mem>>)
      %dma_wait3A_83 = tpu.memref_slice %arg3[%mul3A_2] : memref<5120xi32, #tpu.memory_space<hbm>> -> memref<160xi32, #tpu.memory_space<hbm>>
      %dma_wait3A_84 = tpu.memref_slice %arg3[%mul3A_2] : memref<5120xi32, #tpu.memory_space<hbm>> -> memref<160xi32, #tpu.memory_space<hbm>>
      tpu.wait_dma2 semaphore(%run_scoped3A : memref<!tpu.dma_semaphore, #tpu.memory_space<semaphore_mem>>) src(%dma_wait3A_84 : memref<160xi32, #tpu.memory_space<hbm>>) dst(%arg5 : memref<160xi32, #tpu.memory_space<vmem>>)
      tpu.yield
    }) : () -> ()
    %dma_start3A = arith.constant 0 : i32
    %dma_start3A_3 = tpu.memref_slice %arg5[%dma_start3A] : memref<160xi32, #tpu.memory_space<vmem>> -> memref<40xi32, #tpu.memory_space<vmem>>
    %dma_start3A_4 = arith.constant 0 : i32
    %dma_start3A_5 = arith.constant 0 : i32
    %dma_start3A_6 = tpu.memref_slice %arg2[%dma_start3A_4, %dma_start3A_5] : memref<4160x768xf32, #tpu.memory_space<hbm>> -> memref<4160x768xf32, #tpu.memory_space<hbm>>
    tpu.enqueue_indirect_dma source(%dma_start3A_6 : memref<4160x768xf32, #tpu.memory_space<hbm>>) target(%arg6 : memref<40x768xf32, #tpu.memory_space<vmem>>) offsets(%dma_start3A_3 : memref<40xi32, #tpu.memory_space<vmem>>) semaphore(%arg10 : memref<!tpu.dma_semaphore, #tpu.memory_space<semaphore_mem>>)
    %dma_start3A_7 = arith.constant 40 : i32
    %dma_start3A_8 = tpu.memref_slice %arg5[%dma_start3A_7] : memref<160xi32, #tpu.memory_space<vmem>> -> memref<40xi32, #tpu.memory_space<vmem>>
    %dma_start3A_9 = arith.constant 0 : i32
    %dma_start3A_10 = arith.constant 0 : i32
    %dma_start3A_11 = tpu.memref_slice %arg2[%dma_start3A_9, %dma_start3A_10] : memref<4160x768xf32, #tpu.memory_space<hbm>> -> memref<4160x768xf32, #tpu.memory_space<hbm>>
    tpu.enqueue_indirect_dma source(%dma_start3A_11 : memref<4160x768xf32, #tpu.memory_space<hbm>>) target(%arg7 : memref<40x768xf32, #tpu.memory_space<vmem>>) offsets(%dma_start3A_8 : memref<40xi32, #tpu.memory_space<vmem>>) semaphore(%arg11 : memref<!tpu.dma_semaphore, #tpu.memory_space<semaphore_mem>>)
    %dma_start3A_12 = arith.constant 80 : i32
    %dma_start3A_13 = tpu.memref_slice %arg5[%dma_start3A_12] : memref<160xi32, #tpu.memory_space<vmem>> -> memref<40xi32, #tpu.memory_space<vmem>>
    %dma_start3A_14 = arith.constant 0 : i32
    %dma_start3A_15 = arith.constant 0 : i32
    %dma_start3A_16 = tpu.memref_slice %arg2[%dma_start3A_14, %dma_start3A_15] : memref<4160x768xf32, #tpu.memory_space<hbm>> -> memref<4160x768xf32, #tpu.memory_space<hbm>>
    tpu.enqueue_indirect_dma source(%dma_start3A_16 : memref<4160x768xf32, #tpu.memory_space<hbm>>) target(%arg8 : memref<40x768xf32, #tpu.memory_space<vmem>>) offsets(%dma_start3A_13 : memref<40xi32, #tpu.memory_space<vmem>>) semaphore(%arg12 : memref<!tpu.dma_semaphore, #tpu.memory_space<semaphore_mem>>)
    %dma_start3A_17 = arith.constant 120 : i32
    %dma_start3A_18 = tpu.memref_slice %arg5[%dma_start3A_17] : memref<160xi32, #tpu.memory_space<vmem>> -> memref<40xi32, #tpu.memory_space<vmem>>
    %dma_start3A_19 = arith.constant 0 : i32
    %dma_start3A_20 = arith.constant 0 : i32
    %dma_start3A_21 = tpu.memref_slice %arg2[%dma_start3A_19, %dma_start3A_20] : memref<4160x768xf32, #tpu.memory_space<hbm>> -> memref<4160x768xf32, #tpu.memory_space<hbm>>
    tpu.enqueue_indirect_dma source(%dma_start3A_21 : memref<4160x768xf32, #tpu.memory_space<hbm>>) target(%arg9 : memref<40x768xf32, #tpu.memory_space<vmem>>) offsets(%dma_start3A_18 : memref<40xi32, #tpu.memory_space<vmem>>) semaphore(%arg13 : memref<!tpu.dma_semaphore, #tpu.memory_space<semaphore_mem>>)
    %dma_wait3A = arith.constant 0 : i32
    %dma_wait3A_22 = tpu.memref_slice %arg5[%dma_wait3A] : memref<160xi32, #tpu.memory_space<vmem>> -> memref<40xi32, #tpu.memory_space<vmem>>
    %dma_wait3A_23 = arith.constant 0 : i32
    %dma_wait3A_24 = arith.constant 0 : i32
    %dma_wait3A_25 = tpu.memref_slice %arg2[%dma_wait3A_23, %dma_wait3A_24] : memref<4160x768xf32, #tpu.memory_space<hbm>> -> memref<4160x768xf32, #tpu.memory_space<hbm>>
    tpu.wait_indirect_dma semaphore(%arg10 : memref<!tpu.dma_semaphore, #tpu.memory_space<semaphore_mem>>) src(%dma_wait3A_25 : memref<4160x768xf32, #tpu.memory_space<hbm>>) dst(%arg6 : memref<40x768xf32, #tpu.memory_space<vmem>>)
    %add3A_26 = arith.constant 0 : i32
    %add3A_27 = arith.addi %mul3A_2, %add3A_26 : i32
    %dma_start3A_28 = arith.constant 0 : i32
    %dma_start3A_29 = tpu.memref_slice %arg4[%add3A_27, %dma_start3A_28] : memref<5120x768xf32, #tpu.memory_space<hbm>> -> memref<40x768xf32, #tpu.memory_space<hbm>>
    %dma_start3A_30 = arith.constant 0 : i32
    %dma_start3A_31 = tpu.memref_slice %arg4[%add3A_27, %dma_start3A_30] : memref<5120x768xf32, #tpu.memory_space<hbm>> -> memref<40x768xf32, #tpu.memory_space<hbm>>
    tpu.enqueue_dma source(%arg6 : memref<40x768xf32, #tpu.memory_space<vmem>>) target(%dma_start3A_31 : memref<40x768xf32, #tpu.memory_space<hbm>>) target_semaphore(%arg14 : memref<!tpu.dma_semaphore, #tpu.memory_space<semaphore_mem>>)
    %dma_wait3A_32 = arith.constant 40 : i32
    %dma_wait3A_33 = tpu.memref_slice %arg5[%dma_wait3A_32] : memref<160xi32, #tpu.memory_space<vmem>> -> memref<40xi32, #tpu.memory_space<vmem>>
    %dma_wait3A_34 = arith.constant 0 : i32
    %dma_wait3A_35 = arith.constant 0 : i32
    %dma_wait3A_36 = tpu.memref_slice %arg2[%dma_wait3A_34, %dma_wait3A_35] : memref<4160x768xf32, #tpu.memory_space<hbm>> -> memref<4160x768xf32, #tpu.memory_space<hbm>>
    tpu.wait_indirect_dma semaphore(%arg11 : memref<!tpu.dma_semaphore, #tpu.memory_space<semaphore_mem>>) src(%dma_wait3A_36 : memref<4160x768xf32, #tpu.memory_space<hbm>>) dst(%arg7 : memref<40x768xf32, #tpu.memory_space<vmem>>)
    %add3A_37 = arith.constant 40 : i32
    %add3A_38 = arith.addi %mul3A_2, %add3A_37 : i32
    %dma_start3A_39 = arith.constant 0 : i32
    %dma_start3A_40 = tpu.memref_slice %arg4[%add3A_38, %dma_start3A_39] : memref<5120x768xf32, #tpu.memory_space<hbm>> -> memref<40x768xf32, #tpu.memory_space<hbm>>
    %dma_start3A_41 = arith.constant 0 : i32
    %dma_start3A_42 = tpu.memref_slice %arg4[%add3A_38, %dma_start3A_41] : memref<5120x768xf32, #tpu.memory_space<hbm>> -> memref<40x768xf32, #tpu.memory_space<hbm>>
    tpu.enqueue_dma source(%arg7 : memref<40x768xf32, #tpu.memory_space<vmem>>) target(%dma_start3A_42 : memref<40x768xf32, #tpu.memory_space<hbm>>) target_semaphore(%arg15 : memref<!tpu.dma_semaphore, #tpu.memory_space<semaphore_mem>>)
    %dma_wait3A_43 = arith.constant 80 : i32
    %dma_wait3A_44 = tpu.memref_slice %arg5[%dma_wait3A_43] : memref<160xi32, #tpu.memory_space<vmem>> -> memref<40xi32, #tpu.memory_space<vmem>>
    %dma_wait3A_45 = arith.constant 0 : i32
    %dma_wait3A_46 = arith.constant 0 : i32
    %dma_wait3A_47 = tpu.memref_slice %arg2[%dma_wait3A_45, %dma_wait3A_46] : memref<4160x768xf32, #tpu.memory_space<hbm>> -> memref<4160x768xf32, #tpu.memory_space<hbm>>
    tpu.wait_indirect_dma semaphore(%arg12 : memref<!tpu.dma_semaphore, #tpu.memory_space<semaphore_mem>>) src(%dma_wait3A_47 : memref<4160x768xf32, #tpu.memory_space<hbm>>) dst(%arg8 : memref<40x768xf32, #tpu.memory_space<vmem>>)
    %add3A_48 = arith.constant 80 : i32
    %add3A_49 = arith.addi %mul3A_2, %add3A_48 : i32
    %dma_start3A_50 = arith.constant 0 : i32
    %dma_start3A_51 = tpu.memref_slice %arg4[%add3A_49, %dma_start3A_50] : memref<5120x768xf32, #tpu.memory_space<hbm>> -> memref<40x768xf32, #tpu.memory_space<hbm>>
    %dma_start3A_52 = arith.constant 0 : i32
    %dma_start3A_53 = tpu.memref_slice %arg4[%add3A_49, %dma_start3A_52] : memref<5120x768xf32, #tpu.memory_space<hbm>> -> memref<40x768xf32, #tpu.memory_space<hbm>>
    tpu.enqueue_dma source(%arg8 : memref<40x768xf32, #tpu.memory_space<vmem>>) target(%dma_start3A_53 : memref<40x768xf32, #tpu.memory_space<hbm>>) target_semaphore(%arg16 : memref<!tpu.dma_semaphore, #tpu.memory_space<semaphore_mem>>)
    %dma_wait3A_54 = arith.constant 120 : i32
    %dma_wait3A_55 = tpu.memref_slice %arg5[%dma_wait3A_54] : memref<160xi32, #tpu.memory_space<vmem>> -> memref<40xi32, #tpu.memory_space<vmem>>
    %dma_wait3A_56 = arith.constant 0 : i32
    %dma_wait3A_57 = arith.constant 0 : i32
    %dma_wait3A_58 = tpu.memref_slice %arg2[%dma_wait3A_56, %dma_wait3A_57] : memref<4160x768xf32, #tpu.memory_space<hbm>> -> memref<4160x768xf32, #tpu.memory_space<hbm>>
    tpu.wait_indirect_dma semaphore(%arg13 : memref<!tpu.dma_semaphore, #tpu.memory_space<semaphore_mem>>) src(%dma_wait3A_58 : memref<4160x768xf32, #tpu.memory_space<hbm>>) dst(%arg9 : memref<40x768xf32, #tpu.memory_space<vmem>>)
    %add3A_59 = arith.constant 120 : i32
    %add3A_60 = arith.addi %mul3A_2, %add3A_59 : i32
    %dma_start3A_61 = arith.constant 0 : i32
    %dma_start3A_62 = tpu.memref_slice %arg4[%add3A_60, %dma_start3A_61] : memref<5120x768xf32, #tpu.memory_space<hbm>> -> memref<40x768xf32, #tpu.memory_space<hbm>>
    %dma_start3A_63 = arith.constant 0 : i32
    %dma_start3A_64 = tpu.memref_slice %arg4[%add3A_60, %dma_start3A_63] : memref<5120x768xf32, #tpu.memory_space<hbm>> -> memref<40x768xf32, #tpu.memory_space<hbm>>
    tpu.enqueue_dma source(%arg9 : memref<40x768xf32, #tpu.memory_space<vmem>>) target(%dma_start3A_64 : memref<40x768xf32, #tpu.memory_space<hbm>>) target_semaphore(%arg17 : memref<!tpu.dma_semaphore, #tpu.memory_space<semaphore_mem>>)
    %dma_wait3A_65 = arith.constant 0 : i32
    %dma_wait3A_66 = tpu.memref_slice %arg4[%add3A_27, %dma_wait3A_65] : memref<5120x768xf32, #tpu.memory_space<hbm>> -> memref<40x768xf32, #tpu.memory_space<hbm>>
    %dma_wait3A_67 = arith.constant 0 : i32
    %dma_wait3A_68 = tpu.memref_slice %arg4[%add3A_27, %dma_wait3A_67] : memref<5120x768xf32, #tpu.memory_space<hbm>> -> memref<40x768xf32, #tpu.memory_space<hbm>>
    tpu.wait_dma2 semaphore(%arg14 : memref<!tpu.dma_semaphore, #tpu.memory_space<semaphore_mem>>) src(%arg6 : memref<40x768xf32, #tpu.memory_space<vmem>>) dst(%dma_wait3A_68 : memref<40x768xf32, #tpu.memory_space<hbm>>)
    %dma_wait3A_69 = arith.constant 0 : i32
    %dma_wait3A_70 = tpu.memref_slice %arg4[%add3A_38, %dma_wait3A_69] : memref<5120x768xf32, #tpu.memory_space<hbm>> -> memref<40x768xf32, #tpu.memory_space<hbm>>
    %dma_wait3A_71 = arith.constant 0 : i32
    %dma_wait3A_72 = tpu.memref_slice %arg4[%add3A_38, %dma_wait3A_71] : memref<5120x768xf32, #tpu.memory_space<hbm>> -> memref<40x768xf32, #tpu.memory_space<hbm>>
    tpu.wait_dma2 semaphore(%arg15 : memref<!tpu.dma_semaphore, #tpu.memory_space<semaphore_mem>>) src(%arg7 : memref<40x768xf32, #tpu.memory_space<vmem>>) dst(%dma_wait3A_72 : memref<40x768xf32, #tpu.memory_space<hbm>>)
    %dma_wait3A_73 = arith.constant 0 : i32
    %dma_wait3A_74 = tpu.memref_slice %arg4[%add3A_49, %dma_wait3A_73] : memref<5120x768xf32, #tpu.memory_space<hbm>> -> memref<40x768xf32, #tpu.memory_space<hbm>>
    %dma_wait3A_75 = arith.constant 0 : i32
    %dma_wait3A_76 = tpu.memref_slice %arg4[%add3A_49, %dma_wait3A_75] : memref<5120x768xf32, #tpu.memory_space<hbm>> -> memref<40x768xf32, #tpu.memory_space<hbm>>
    tpu.wait_dma2 semaphore(%arg16 : memref<!tpu.dma_semaphore, #tpu.memory_space<semaphore_mem>>) src(%arg8 : memref<40x768xf32, #tpu.memory_space<vmem>>) dst(%dma_wait3A_76 : memref<40x768xf32, #tpu.memory_space<hbm>>)
    %dma_wait3A_77 = arith.constant 0 : i32
    %dma_wait3A_78 = tpu.memref_slice %arg4[%add3A_60, %dma_wait3A_77] : memref<5120x768xf32, #tpu.memory_space<hbm>> -> memref<40x768xf32, #tpu.memory_space<hbm>>
    %dma_wait3A_79 = arith.constant 0 : i32
    %dma_wait3A_80 = tpu.memref_slice %arg4[%add3A_60, %dma_wait3A_79] : memref<5120x768xf32, #tpu.memory_space<hbm>> -> memref<40x768xf32, #tpu.memory_space<hbm>>
    tpu.wait_dma2 semaphore(%arg17 : memref<!tpu.dma_semaphore, #tpu.memory_space<semaphore_mem>>) src(%arg9 : memref<40x768xf32, #tpu.memory_space<vmem>>) dst(%dma_wait3A_80 : memref<40x768xf32, #tpu.memory_space<hbm>>)
    return
  }
}

#map = affine_map<(d0, d1) -> (0, 0)>
#map1 = affine_map<(d0, d1) -> (0)>
module attributes {stable_mosaic.version = 14 : i64} {
  func.func @body(%arg0: i32, %arg1: i32, %arg2: memref<5120x768xf32, #tpu.memory_space<hbm>>, %arg3: memref<4096xi32, #tpu.memory_space<hbm>>, %arg4: memref<4096x768xf32, #tpu.memory_space<hbm>>, %arg5: memref<128xi32, #tpu.memory_space<vmem>>, %arg6: memref<32x768xf32, #tpu.memory_space<vmem>>, %arg7: memref<32x768xf32, #tpu.memory_space<vmem>>, %arg8: memref<32x768xf32, #tpu.memory_space<vmem>>, %arg9: memref<32x768xf32, #tpu.memory_space<vmem>>, %arg10: memref<!tpu.dma_semaphore, #tpu.memory_space<semaphore_mem>>, %arg11: memref<!tpu.dma_semaphore, #tpu.memory_space<semaphore_mem>>, %arg12: memref<!tpu.dma_semaphore, #tpu.memory_space<semaphore_mem>>, %arg13: memref<!tpu.dma_semaphore, #tpu.memory_space<semaphore_mem>>, %arg14: memref<!tpu.dma_semaphore, #tpu.memory_space<semaphore_mem>>, %arg15: memref<!tpu.dma_semaphore, #tpu.memory_space<semaphore_mem>>, %arg16: memref<!tpu.dma_semaphore, #tpu.memory_space<semaphore_mem>>, %arg17: memref<!tpu.dma_semaphore, #tpu.memory_space<semaphore_mem>>) attributes {dimension_semantics = [#tpu.dimension_semantics<core_parallel>, #tpu.dimension_semantics<subcore_parallel>], iteration_bounds = array<i64: 2, 16>, scalar_prefetch = 0 : i64, scratch_operands = 13 : i64, tpu.core_type = #tpu.core_type<sc_vector_subcore>, window_params = [{transform_indices = #map}, {transform_indices = #map1}, {transform_indices = #map}]} {
    %mul3A = arith.constant 2 : i32
    %mul3A_0 = arith.muli %arg1, %mul3A : i32
    %add3A = arith.addi %mul3A_0, %arg0 : i32
    %mul3A_1 = arith.constant 128 : i32
    %mul3A_2 = arith.muli %add3A, %mul3A_1 : i32
    "tpu.region"() ({
      %run_scoped3A = tpu.sem_alloc : memref<!tpu.dma_semaphore, #tpu.memory_space<semaphore_mem>>
      %dma_start3A_81 = tpu.memref_slice %arg3[%mul3A_2] : memref<4096xi32, #tpu.memory_space<hbm>> -> memref<128xi32, #tpu.memory_space<hbm>>
      %dma_start3A_82 = tpu.memref_slice %arg3[%mul3A_2] : memref<4096xi32, #tpu.memory_space<hbm>> -> memref<128xi32, #tpu.memory_space<hbm>>
      tpu.enqueue_dma source(%dma_start3A_82 : memref<128xi32, #tpu.memory_space<hbm>>) target(%arg5 : memref<128xi32, #tpu.memory_space<vmem>>) target_semaphore(%run_scoped3A : memref<!tpu.dma_semaphore, #tpu.memory_space<semaphore_mem>>)
      %dma_wait3A_83 = tpu.memref_slice %arg3[%mul3A_2] : memref<4096xi32, #tpu.memory_space<hbm>> -> memref<128xi32, #tpu.memory_space<hbm>>
      %dma_wait3A_84 = tpu.memref_slice %arg3[%mul3A_2] : memref<4096xi32, #tpu.memory_space<hbm>> -> memref<128xi32, #tpu.memory_space<hbm>>
      tpu.wait_dma2 semaphore(%run_scoped3A : memref<!tpu.dma_semaphore, #tpu.memory_space<semaphore_mem>>) src(%dma_wait3A_84 : memref<128xi32, #tpu.memory_space<hbm>>) dst(%arg5 : memref<128xi32, #tpu.memory_space<vmem>>)
      tpu.yield
    }) : () -> ()
    %dma_start3A = arith.constant 0 : i32
    %dma_start3A_3 = tpu.memref_slice %arg5[%dma_start3A] : memref<128xi32, #tpu.memory_space<vmem>> -> memref<32xi32, #tpu.memory_space<vmem>>
    %dma_start3A_4 = arith.constant 0 : i32
    %dma_start3A_5 = arith.constant 0 : i32
    %dma_start3A_6 = tpu.memref_slice %arg2[%dma_start3A_4, %dma_start3A_5] : memref<5120x768xf32, #tpu.memory_space<hbm>> -> memref<5120x768xf32, #tpu.memory_space<hbm>>
    tpu.enqueue_indirect_dma source(%dma_start3A_6 : memref<5120x768xf32, #tpu.memory_space<hbm>>) target(%arg6 : memref<32x768xf32, #tpu.memory_space<vmem>>) offsets(%dma_start3A_3 : memref<32xi32, #tpu.memory_space<vmem>>) semaphore(%arg10 : memref<!tpu.dma_semaphore, #tpu.memory_space<semaphore_mem>>)
    %dma_start3A_7 = arith.constant 32 : i32
    %dma_start3A_8 = tpu.memref_slice %arg5[%dma_start3A_7] : memref<128xi32, #tpu.memory_space<vmem>> -> memref<32xi32, #tpu.memory_space<vmem>>
    %dma_start3A_9 = arith.constant 0 : i32
    %dma_start3A_10 = arith.constant 0 : i32
    %dma_start3A_11 = tpu.memref_slice %arg2[%dma_start3A_9, %dma_start3A_10] : memref<5120x768xf32, #tpu.memory_space<hbm>> -> memref<5120x768xf32, #tpu.memory_space<hbm>>
    tpu.enqueue_indirect_dma source(%dma_start3A_11 : memref<5120x768xf32, #tpu.memory_space<hbm>>) target(%arg7 : memref<32x768xf32, #tpu.memory_space<vmem>>) offsets(%dma_start3A_8 : memref<32xi32, #tpu.memory_space<vmem>>) semaphore(%arg11 : memref<!tpu.dma_semaphore, #tpu.memory_space<semaphore_mem>>)
    %dma_start3A_12 = arith.constant 64 : i32
    %dma_start3A_13 = tpu.memref_slice %arg5[%dma_start3A_12] : memref<128xi32, #tpu.memory_space<vmem>> -> memref<32xi32, #tpu.memory_space<vmem>>
    %dma_start3A_14 = arith.constant 0 : i32
    %dma_start3A_15 = arith.constant 0 : i32
    %dma_start3A_16 = tpu.memref_slice %arg2[%dma_start3A_14, %dma_start3A_15] : memref<5120x768xf32, #tpu.memory_space<hbm>> -> memref<5120x768xf32, #tpu.memory_space<hbm>>
    tpu.enqueue_indirect_dma source(%dma_start3A_16 : memref<5120x768xf32, #tpu.memory_space<hbm>>) target(%arg8 : memref<32x768xf32, #tpu.memory_space<vmem>>) offsets(%dma_start3A_13 : memref<32xi32, #tpu.memory_space<vmem>>) semaphore(%arg12 : memref<!tpu.dma_semaphore, #tpu.memory_space<semaphore_mem>>)
    %dma_start3A_17 = arith.constant 96 : i32
    %dma_start3A_18 = tpu.memref_slice %arg5[%dma_start3A_17] : memref<128xi32, #tpu.memory_space<vmem>> -> memref<32xi32, #tpu.memory_space<vmem>>
    %dma_start3A_19 = arith.constant 0 : i32
    %dma_start3A_20 = arith.constant 0 : i32
    %dma_start3A_21 = tpu.memref_slice %arg2[%dma_start3A_19, %dma_start3A_20] : memref<5120x768xf32, #tpu.memory_space<hbm>> -> memref<5120x768xf32, #tpu.memory_space<hbm>>
    tpu.enqueue_indirect_dma source(%dma_start3A_21 : memref<5120x768xf32, #tpu.memory_space<hbm>>) target(%arg9 : memref<32x768xf32, #tpu.memory_space<vmem>>) offsets(%dma_start3A_18 : memref<32xi32, #tpu.memory_space<vmem>>) semaphore(%arg13 : memref<!tpu.dma_semaphore, #tpu.memory_space<semaphore_mem>>)
    %dma_wait3A = arith.constant 0 : i32
    %dma_wait3A_22 = tpu.memref_slice %arg5[%dma_wait3A] : memref<128xi32, #tpu.memory_space<vmem>> -> memref<32xi32, #tpu.memory_space<vmem>>
    %dma_wait3A_23 = arith.constant 0 : i32
    %dma_wait3A_24 = arith.constant 0 : i32
    %dma_wait3A_25 = tpu.memref_slice %arg2[%dma_wait3A_23, %dma_wait3A_24] : memref<5120x768xf32, #tpu.memory_space<hbm>> -> memref<5120x768xf32, #tpu.memory_space<hbm>>
    tpu.wait_indirect_dma semaphore(%arg10 : memref<!tpu.dma_semaphore, #tpu.memory_space<semaphore_mem>>) src(%dma_wait3A_25 : memref<5120x768xf32, #tpu.memory_space<hbm>>) dst(%arg6 : memref<32x768xf32, #tpu.memory_space<vmem>>)
    %add3A_26 = arith.constant 0 : i32
    %add3A_27 = arith.addi %mul3A_2, %add3A_26 : i32
    %dma_start3A_28 = arith.constant 0 : i32
    %dma_start3A_29 = tpu.memref_slice %arg4[%add3A_27, %dma_start3A_28] : memref<4096x768xf32, #tpu.memory_space<hbm>> -> memref<32x768xf32, #tpu.memory_space<hbm>>
    %dma_start3A_30 = arith.constant 0 : i32
    %dma_start3A_31 = tpu.memref_slice %arg4[%add3A_27, %dma_start3A_30] : memref<4096x768xf32, #tpu.memory_space<hbm>> -> memref<32x768xf32, #tpu.memory_space<hbm>>
    tpu.enqueue_dma source(%arg6 : memref<32x768xf32, #tpu.memory_space<vmem>>) target(%dma_start3A_31 : memref<32x768xf32, #tpu.memory_space<hbm>>) target_semaphore(%arg14 : memref<!tpu.dma_semaphore, #tpu.memory_space<semaphore_mem>>)
    %dma_wait3A_32 = arith.constant 32 : i32
    %dma_wait3A_33 = tpu.memref_slice %arg5[%dma_wait3A_32] : memref<128xi32, #tpu.memory_space<vmem>> -> memref<32xi32, #tpu.memory_space<vmem>>
    %dma_wait3A_34 = arith.constant 0 : i32
    %dma_wait3A_35 = arith.constant 0 : i32
    %dma_wait3A_36 = tpu.memref_slice %arg2[%dma_wait3A_34, %dma_wait3A_35] : memref<5120x768xf32, #tpu.memory_space<hbm>> -> memref<5120x768xf32, #tpu.memory_space<hbm>>
    tpu.wait_indirect_dma semaphore(%arg11 : memref<!tpu.dma_semaphore, #tpu.memory_space<semaphore_mem>>) src(%dma_wait3A_36 : memref<5120x768xf32, #tpu.memory_space<hbm>>) dst(%arg7 : memref<32x768xf32, #tpu.memory_space<vmem>>)
    %add3A_37 = arith.constant 32 : i32
    %add3A_38 = arith.addi %mul3A_2, %add3A_37 : i32
    %dma_start3A_39 = arith.constant 0 : i32
    %dma_start3A_40 = tpu.memref_slice %arg4[%add3A_38, %dma_start3A_39] : memref<4096x768xf32, #tpu.memory_space<hbm>> -> memref<32x768xf32, #tpu.memory_space<hbm>>
    %dma_start3A_41 = arith.constant 0 : i32
    %dma_start3A_42 = tpu.memref_slice %arg4[%add3A_38, %dma_start3A_41] : memref<4096x768xf32, #tpu.memory_space<hbm>> -> memref<32x768xf32, #tpu.memory_space<hbm>>
    tpu.enqueue_dma source(%arg7 : memref<32x768xf32, #tpu.memory_space<vmem>>) target(%dma_start3A_42 : memref<32x768xf32, #tpu.memory_space<hbm>>) target_semaphore(%arg15 : memref<!tpu.dma_semaphore, #tpu.memory_space<semaphore_mem>>)
    %dma_wait3A_43 = arith.constant 64 : i32
    %dma_wait3A_44 = tpu.memref_slice %arg5[%dma_wait3A_43] : memref<128xi32, #tpu.memory_space<vmem>> -> memref<32xi32, #tpu.memory_space<vmem>>
    %dma_wait3A_45 = arith.constant 0 : i32
    %dma_wait3A_46 = arith.constant 0 : i32
    %dma_wait3A_47 = tpu.memref_slice %arg2[%dma_wait3A_45, %dma_wait3A_46] : memref<5120x768xf32, #tpu.memory_space<hbm>> -> memref<5120x768xf32, #tpu.memory_space<hbm>>
    tpu.wait_indirect_dma semaphore(%arg12 : memref<!tpu.dma_semaphore, #tpu.memory_space<semaphore_mem>>) src(%dma_wait3A_47 : memref<5120x768xf32, #tpu.memory_space<hbm>>) dst(%arg8 : memref<32x768xf32, #tpu.memory_space<vmem>>)
    %add3A_48 = arith.constant 64 : i32
    %add3A_49 = arith.addi %mul3A_2, %add3A_48 : i32
    %dma_start3A_50 = arith.constant 0 : i32
    %dma_start3A_51 = tpu.memref_slice %arg4[%add3A_49, %dma_start3A_50] : memref<4096x768xf32, #tpu.memory_space<hbm>> -> memref<32x768xf32, #tpu.memory_space<hbm>>
    %dma_start3A_52 = arith.constant 0 : i32
    %dma_start3A_53 = tpu.memref_slice %arg4[%add3A_49, %dma_start3A_52] : memref<4096x768xf32, #tpu.memory_space<hbm>> -> memref<32x768xf32, #tpu.memory_space<hbm>>
    tpu.enqueue_dma source(%arg8 : memref<32x768xf32, #tpu.memory_space<vmem>>) target(%dma_start3A_53 : memref<32x768xf32, #tpu.memory_space<hbm>>) target_semaphore(%arg16 : memref<!tpu.dma_semaphore, #tpu.memory_space<semaphore_mem>>)
    %dma_wait3A_54 = arith.constant 96 : i32
    %dma_wait3A_55 = tpu.memref_slice %arg5[%dma_wait3A_54] : memref<128xi32, #tpu.memory_space<vmem>> -> memref<32xi32, #tpu.memory_space<vmem>>
    %dma_wait3A_56 = arith.constant 0 : i32
    %dma_wait3A_57 = arith.constant 0 : i32
    %dma_wait3A_58 = tpu.memref_slice %arg2[%dma_wait3A_56, %dma_wait3A_57] : memref<5120x768xf32, #tpu.memory_space<hbm>> -> memref<5120x768xf32, #tpu.memory_space<hbm>>
    tpu.wait_indirect_dma semaphore(%arg13 : memref<!tpu.dma_semaphore, #tpu.memory_space<semaphore_mem>>) src(%dma_wait3A_58 : memref<5120x768xf32, #tpu.memory_space<hbm>>) dst(%arg9 : memref<32x768xf32, #tpu.memory_space<vmem>>)
    %add3A_59 = arith.constant 96 : i32
    %add3A_60 = arith.addi %mul3A_2, %add3A_59 : i32
    %dma_start3A_61 = arith.constant 0 : i32
    %dma_start3A_62 = tpu.memref_slice %arg4[%add3A_60, %dma_start3A_61] : memref<4096x768xf32, #tpu.memory_space<hbm>> -> memref<32x768xf32, #tpu.memory_space<hbm>>
    %dma_start3A_63 = arith.constant 0 : i32
    %dma_start3A_64 = tpu.memref_slice %arg4[%add3A_60, %dma_start3A_63] : memref<4096x768xf32, #tpu.memory_space<hbm>> -> memref<32x768xf32, #tpu.memory_space<hbm>>
    tpu.enqueue_dma source(%arg9 : memref<32x768xf32, #tpu.memory_space<vmem>>) target(%dma_start3A_64 : memref<32x768xf32, #tpu.memory_space<hbm>>) target_semaphore(%arg17 : memref<!tpu.dma_semaphore, #tpu.memory_space<semaphore_mem>>)
    %dma_wait3A_65 = arith.constant 0 : i32
    %dma_wait3A_66 = tpu.memref_slice %arg4[%add3A_27, %dma_wait3A_65] : memref<4096x768xf32, #tpu.memory_space<hbm>> -> memref<32x768xf32, #tpu.memory_space<hbm>>
    %dma_wait3A_67 = arith.constant 0 : i32
    %dma_wait3A_68 = tpu.memref_slice %arg4[%add3A_27, %dma_wait3A_67] : memref<4096x768xf32, #tpu.memory_space<hbm>> -> memref<32x768xf32, #tpu.memory_space<hbm>>
    tpu.wait_dma2 semaphore(%arg14 : memref<!tpu.dma_semaphore, #tpu.memory_space<semaphore_mem>>) src(%arg6 : memref<32x768xf32, #tpu.memory_space<vmem>>) dst(%dma_wait3A_68 : memref<32x768xf32, #tpu.memory_space<hbm>>)
    %dma_wait3A_69 = arith.constant 0 : i32
    %dma_wait3A_70 = tpu.memref_slice %arg4[%add3A_38, %dma_wait3A_69] : memref<4096x768xf32, #tpu.memory_space<hbm>> -> memref<32x768xf32, #tpu.memory_space<hbm>>
    %dma_wait3A_71 = arith.constant 0 : i32
    %dma_wait3A_72 = tpu.memref_slice %arg4[%add3A_38, %dma_wait3A_71] : memref<4096x768xf32, #tpu.memory_space<hbm>> -> memref<32x768xf32, #tpu.memory_space<hbm>>
    tpu.wait_dma2 semaphore(%arg15 : memref<!tpu.dma_semaphore, #tpu.memory_space<semaphore_mem>>) src(%arg7 : memref<32x768xf32, #tpu.memory_space<vmem>>) dst(%dma_wait3A_72 : memref<32x768xf32, #tpu.memory_space<hbm>>)
    %dma_wait3A_73 = arith.constant 0 : i32
    %dma_wait3A_74 = tpu.memref_slice %arg4[%add3A_49, %dma_wait3A_73] : memref<4096x768xf32, #tpu.memory_space<hbm>> -> memref<32x768xf32, #tpu.memory_space<hbm>>
    %dma_wait3A_75 = arith.constant 0 : i32
    %dma_wait3A_76 = tpu.memref_slice %arg4[%add3A_49, %dma_wait3A_75] : memref<4096x768xf32, #tpu.memory_space<hbm>> -> memref<32x768xf32, #tpu.memory_space<hbm>>
    tpu.wait_dma2 semaphore(%arg16 : memref<!tpu.dma_semaphore, #tpu.memory_space<semaphore_mem>>) src(%arg8 : memref<32x768xf32, #tpu.memory_space<vmem>>) dst(%dma_wait3A_76 : memref<32x768xf32, #tpu.memory_space<hbm>>)
    %dma_wait3A_77 = arith.constant 0 : i32
    %dma_wait3A_78 = tpu.memref_slice %arg4[%add3A_60, %dma_wait3A_77] : memref<4096x768xf32, #tpu.memory_space<hbm>> -> memref<32x768xf32, #tpu.memory_space<hbm>>
    %dma_wait3A_79 = arith.constant 0 : i32
    %dma_wait3A_80 = tpu.memref_slice %arg4[%add3A_60, %dma_wait3A_79] : memref<4096x768xf32, #tpu.memory_space<hbm>> -> memref<32x768xf32, #tpu.memory_space<hbm>>
    tpu.wait_dma2 semaphore(%arg17 : memref<!tpu.dma_semaphore, #tpu.memory_space<semaphore_mem>>) src(%arg9 : memref<32x768xf32, #tpu.memory_space<vmem>>) dst(%dma_wait3A_80 : memref<32x768xf32, #tpu.memory_space<hbm>>)
    return
  }
}

module attributes {stable_mosaic.version = 14 : i64} {
  func.func @_router_body(%arg0: memref<4096x768xf32, #tpu.memory_space<vmem>>, %arg1: memref<768x64xf32, #tpu.memory_space<vmem>>, %arg2: memref<4160x768xf32, #tpu.memory_space<vmem>>, %arg3: memref<64x80xi32, #tpu.memory_space<vmem>>, %arg4: memref<4096x1xi32, #tpu.memory_space<vmem>>, %arg5: memref<4096x1xf32, #tpu.memory_space<vmem>>, %arg6: memref<1x1xf32, #tpu.memory_space<vmem>>, %arg7: memref<1x1xf32, #tpu.memory_space<vmem>>) attributes {dimension_semantics = [], scalar_prefetch = 0 : i64, scratch_operands = 0 : i64, tpu.core_type = #tpu.core_type<tc>} {
    %get3A = arith.constant 0 : index
    %get3A_0 = arith.constant 0 : index
    %get3A_1 = vector.load %arg0[%get3A, %get3A_0] : memref<4096x768xf32, #tpu.memory_space<vmem>>, vector<4096x768xf32>
    %swap3A = arith.constant 0 : index
    %swap3A_2 = arith.constant 0 : index
    %swap3A_3 = vector.load %arg2[%swap3A, %swap3A_2] : memref<4160x768xf32, #tpu.memory_space<vmem>>, vector<4096x768xf32>
    tpu.vector_store %arg2[%swap3A, %swap3A_2], %get3A_1 {strides = array<i32>} : memref<4160x768xf32, #tpu.memory_space<vmem>>, vector<4096x768xf32>,
    %broadcast_in_dim3A = arith.constant 0.000000e+00 : f32
    %broadcast_in_dim3A_4 = vector.broadcast %broadcast_in_dim3A : f32 to vector<64x768xf32>
    %swap3A_5 = arith.constant 4096 : index
    %swap3A_6 = arith.constant 0 : index
    %swap3A_7 = vector.load %arg2[%swap3A_5, %swap3A_6] : memref<4160x768xf32, #tpu.memory_space<vmem>>, vector<64x768xf32>
    tpu.vector_store %arg2[%swap3A_5, %swap3A_6], %broadcast_in_dim3A_4 {strides = array<i32>} : memref<4160x768xf32, #tpu.memory_space<vmem>>, vector<64x768xf32>,
    %get3A_8 = arith.constant 0 : index
    %get3A_9 = arith.constant 0 : index
    %get3A_10 = vector.load %arg1[%get3A_8, %get3A_9] : memref<768x64xf32, #tpu.memory_space<vmem>>, vector<768x64xf32>
    %dot_general3A = arith.constant dense<0.000000e+00> : vector<4096x64xf32>
    %dot_general3A_11 = tpu.matmul %get3A_1, %get3A_10, %dot_general3A {dimension_numbers = #tpu.dot_dimension_numbers<[1], [0], [0], [1], [0, 0, 1, 1], [], []>, transpose_lhs_hint = false} : vector<4096x768xf32>, vector<768x64xf32>, vector<4096x64xf32> -> vector<4096x64xf32>
    %reduce_max3A = arith.constant dense<0xFF800000> : vector<4096xf32>
    %reduce_max3A_12 = vector.multi_reduction <maximumf>, %dot_general3A_11, %reduce_max3A [1] : vector<4096x64xf32> to vector<4096xf32>
    %broadcast_in_dim3A_13 = vector.shape_cast %reduce_max3A_12 : vector<4096xf32> to vector<4096x1xf32>
    %sub3A = vector.broadcast %broadcast_in_dim3A_13 : vector<4096x1xf32> to vector<4096x64xf32>
    %sub3A_14 = arith.subf %dot_general3A_11, %sub3A : vector<4096x64xf32>
    %exp3A = math.exp %sub3A_14 : vector<4096x64xf32>
    %reduce_sum3A = arith.constant dense<0.000000e+00> : vector<4096xf32>
    %reduce_sum3A_15 = vector.multi_reduction <add>, %exp3A, %reduce_sum3A [1] : vector<4096x64xf32> to vector<4096xf32>
    %broadcast_in_dim3A_16 = vector.shape_cast %reduce_sum3A_15 : vector<4096xf32> to vector<4096x1xf32>
    %div3A = vector.broadcast %broadcast_in_dim3A_16 : vector<4096x1xf32> to vector<4096x64xf32>
    %div3A_17 = arith.divf %exp3A, %div3A : vector<4096x64xf32>
    %reduce_max3A_18 = arith.constant dense<0xFF800000> : vector<4096xf32>
    %reduce_max3A_19 = vector.multi_reduction <maximumf>, %div3A_17, %reduce_max3A_18 [1] : vector<4096x64xf32> to vector<4096xf32>
    %broadcast_in_dim3A_20 = vector.shape_cast %reduce_max3A_19 : vector<4096xf32> to vector<4096x1xf32>
    %ge3A = vector.broadcast %broadcast_in_dim3A_20 : vector<4096x1xf32> to vector<4096x64xf32>
    %ge3A_21 = arith.cmpf oge, %div3A_17, %ge3A : vector<4096x64xf32>
    %iota3A = tpu.iota {dimensions = array<i32: 0>} : vector<64x64xi32>
    %iota3A_22 = tpu.iota {dimensions = array<i32: 1>} : vector<64x64xi32>
    %le3A = arith.cmpi sle, %iota3A, %iota3A_22 : vector<64x64xi32>
    %convert_element_type3A = arith.extui %le3A : vector<64x64xi1> to vector<64x64xi32>
    %convert_element_type3A_23 = arith.sitofp %convert_element_type3A : vector<64x64xi32> to vector<64x64xf32>
    %convert_element_type3A_24 = arith.truncf %convert_element_type3A_23 : vector<64x64xf32> to vector<64x64xbf16>
    %convert_element_type3A_25 = arith.extui %ge3A_21 : vector<4096x64xi1> to vector<4096x64xi32>
    %convert_element_type3A_26 = arith.sitofp %convert_element_type3A_25 : vector<4096x64xi32> to vector<4096x64xf32>
    %convert_element_type3A_27 = arith.truncf %convert_element_type3A_26 : vector<4096x64xf32> to vector<4096x64xbf16>
    %dot_general3A_28 = arith.constant dense<0.000000e+00> : vector<4096x64xf32>
    %dot_general3A_29 = tpu.matmul %convert_element_type3A_27, %convert_element_type3A_24, %dot_general3A_28 {dimension_numbers = #tpu.dot_dimension_numbers<[1], [0], [0], [1], [0, 0, 1, 1], [], []>, transpose_lhs_hint = false} : vector<4096x64xbf16>, vector<64x64xbf16>, vector<4096x64xf32> -> vector<4096x64xf32>
    %eq3A = arith.constant 1.000000e+00 : f32
    %eq3A_30 = vector.broadcast %eq3A : f32 to vector<4096x64xf32>
    %eq3A_31 = arith.cmpf oeq, %dot_general3A_29, %eq3A_30 : vector<4096x64xf32>
    %and3A = arith.andi %ge3A_21, %eq3A_31 : vector<4096x64xi1>
    %jit3A = arith.constant 1.000000e+00 : f32
    %jit3A_32 = arith.constant 0.000000e+00 : f32
    %broadcast_in_dim3A_33 = vector.broadcast %jit3A : f32 to vector<4096x64xf32>
    %broadcast_in_dim3A_34 = vector.broadcast %jit3A_32 : f32 to vector<4096x64xf32>
    %select_n3A = arith.select %and3A, %broadcast_in_dim3A_33, %broadcast_in_dim3A_34 : vector<4096x64xi1>, vector<4096x64xf32>
    %iota3A_35 = tpu.iota {dimensions = array<i32: 1>} : vector<1x64xi32>
    %convert_element_type3A_36 = arith.sitofp %iota3A_35 : vector<1x64xi32> to vector<1x64xf32>
    %mul3A = vector.broadcast %convert_element_type3A_36 : vector<1x64xf32> to vector<4096x64xf32>
    %mul3A_37 = arith.mulf %select_n3A, %mul3A : vector<4096x64xf32>
    %reduce_sum3A_38 = arith.constant dense<0.000000e+00> : vector<4096xf32>
    %reduce_sum3A_39 = vector.multi_reduction <add>, %mul3A_37, %reduce_sum3A_38 [1] : vector<4096x64xf32> to vector<4096xf32>
    %broadcast_in_dim3A_40 = vector.shape_cast %reduce_sum3A_39 : vector<4096xf32> to vector<4096x1xf32>
    %iota3A_41 = tpu.iota {dimensions = array<i32: 0>} : vector<512x512xi32>
    %iota3A_42 = tpu.iota {dimensions = array<i32: 1>} : vector<512x512xi32>
    %ge3A_43 = arith.cmpi sge, %iota3A_41, %iota3A_42 : vector<512x512xi32>
    %convert_element_type3A_44 = arith.extui %ge3A_43 : vector<512x512xi1> to vector<512x512xi32>
    %convert_element_type3A_45 = arith.sitofp %convert_element_type3A_44 : vector<512x512xi32> to vector<512x512xf32>
    %convert_element_type3A_46 = arith.truncf %convert_element_type3A_45 : vector<512x512xf32> to vector<512x512xbf16>
    %broadcast_in_dim3A_47 = arith.constant 0.000000e+00 : f32
    %broadcast_in_dim3A_48 = vector.broadcast %broadcast_in_dim3A_47 : f32 to vector<1x64xf32>
    %slice3A = vector.extract_strided_slice %select_n3A {offsets = [0, 0], sizes = [512, 64], strides = [1, 1]} : vector<4096x64xf32> to vector<512x64xf32>
    %convert_element_type3A_49 = arith.truncf %slice3A : vector<512x64xf32> to vector<512x64xbf16>
    %dot_general3A_50 = arith.constant dense<0.000000e+00> : vector<512x64xf32>
    %dot_general3A_51 = tpu.matmul %convert_element_type3A_46, %convert_element_type3A_49, %dot_general3A_50 {dimension_numbers = #tpu.dot_dimension_numbers<[1], [0], [0], [1], [0, 0, 1, 1], [], []>, transpose_lhs_hint = false} : vector<512x512xbf16>, vector<512x64xbf16>, vector<512x64xf32> -> vector<512x64xf32>
    %add3A = vector.broadcast %broadcast_in_dim3A_48 : vector<1x64xf32> to vector<512x64xf32>
    %add3A_52 = arith.addf %dot_general3A_51, %add3A : vector<512x64xf32>
    %sub3A_53 = arith.constant 1.000000e+00 : f32
    %sub3A_54 = vector.broadcast %sub3A_53 : f32 to vector<512x64xf32>
    %sub3A_55 = arith.subf %add3A_52, %sub3A_54 : vector<512x64xf32>
    %mul3A_56 = arith.mulf %sub3A_55, %slice3A : vector<512x64xf32>
    %reduce_sum3A_57 = arith.constant dense<0.000000e+00> : vector<512xf32>
    %reduce_sum3A_58 = vector.multi_reduction <add>, %mul3A_56, %reduce_sum3A_57 [1] : vector<512x64xf32> to vector<512xf32>
    %broadcast_in_dim3A_59 = vector.shape_cast %reduce_sum3A_58 : vector<512xf32> to vector<512x1xf32>
    %slice3A_60 = vector.extract_strided_slice %broadcast_in_dim3A_40 {offsets = [0, 0], sizes = [512, 1], strides = [1, 1]} : vector<4096x1xf32> to vector<512x1xf32>
    %slice3A_61 = vector.extract_strided_slice %broadcast_in_dim3A_20 {offsets = [0, 0], sizes = [512, 1], strides = [1, 1]} : vector<4096x1xf32> to vector<512x1xf32>
    %lt3A = arith.constant 8.000000e+01 : f32
    %lt3A_62 = vector.broadcast %lt3A : f32 to vector<512x1xf32>
    %lt3A_63 = arith.cmpf olt, %broadcast_in_dim3A_59, %lt3A_62 : vector<512x1xf32>
    %mul3A_64 = arith.constant 8.000000e+01 : f32
    %mul3A_65 = vector.broadcast %mul3A_64 : f32 to vector<512x1xf32>
    %mul3A_66 = arith.mulf %slice3A_60, %mul3A_65 : vector<512x1xf32>
    %min3A = arith.constant 7.900000e+01 : f32
    %min3A_67 = vector.broadcast %min3A : f32 to vector<512x1xf32>
    %min3A_68 = arith.minimumf %broadcast_in_dim3A_59, %min3A_67 : vector<512x1xf32>
    %add3A_69 = arith.addf %mul3A_66, %min3A_68 : vector<512x1xf32>
    %iota3A_70 = tpu.iota {dimensions = array<i32: 0>} : vector<512x1xi32>
    %and3A_71 = arith.constant 63 : i32
    %and3A_72 = vector.broadcast %and3A_71 : i32 to vector<512x1xi32>
    %and3A_73 = arith.andi %iota3A_70, %and3A_72 : vector<512x1xi32>
    %convert_element_type3A_74 = arith.sitofp %and3A_73 : vector<512x1xi32> to vector<512x1xf32>
    %mul3A_75 = arith.constant 8.000000e+01 : f32
    %mul3A_76 = vector.broadcast %mul3A_75 : f32 to vector<512x1xf32>
    %mul3A_77 = arith.mulf %convert_element_type3A_74, %mul3A_76 : vector<512x1xf32>
    %select_n3A_78 = arith.select %lt3A_63, %add3A_69, %mul3A_77 : vector<512x1xi1>, vector<512x1xf32>
    %convert_element_type3A_79 = arith.fptosi %select_n3A_78 : vector<512x1xf32> to vector<512x1xi32>
    %swap3A_80 = arith.constant 0 : index
    %swap3A_81 = arith.constant 0 : index
    %swap3A_82 = vector.load %arg4[%swap3A_80, %swap3A_81] : memref<4096x1xi32, #tpu.memory_space<vmem>>, vector<512x1xi32>
    tpu.vector_store %arg4[%swap3A_80, %swap3A_81], %convert_element_type3A_79 {strides = array<i32>} : memref<4096x1xi32, #tpu.memory_space<vmem>>, vector<512x1xi32>,
    %jit3A_83 = arith.constant 0.000000e+00 : f32
    %broadcast_in_dim3A_84 = vector.broadcast %jit3A_83 : f32 to vector<512x1xf32>
    %select_n3A_85 = arith.select %lt3A_63, %slice3A_61, %broadcast_in_dim3A_84 : vector<512x1xi1>, vector<512x1xf32>
    %swap3A_86 = arith.constant 0 : index
    %swap3A_87 = arith.constant 0 : index
    %swap3A_88 = vector.load %arg5[%swap3A_86, %swap3A_87] : memref<4096x1xf32, #tpu.memory_space<vmem>>, vector<512x1xf32>
    tpu.vector_store %arg5[%swap3A_86, %swap3A_87], %select_n3A_85 {strides = array<i32>} : memref<4096x1xf32, #tpu.memory_space<vmem>>, vector<512x1xf32>,
    %slice3A_89 = vector.extract_strided_slice %dot_general3A_51 {offsets = [511, 0], sizes = [1, 64], strides = [1, 1]} : vector<512x64xf32> to vector<1x64xf32>
    %add3A_90 = arith.addf %broadcast_in_dim3A_48, %slice3A_89 : vector<1x64xf32>
    %slice3A_91 = vector.extract_strided_slice %select_n3A {offsets = [512, 0], sizes = [512, 64], strides = [1, 1]} : vector<4096x64xf32> to vector<512x64xf32>
    %convert_element_type3A_92 = arith.truncf %slice3A_91 : vector<512x64xf32> to vector<512x64xbf16>
    %dot_general3A_93 = arith.constant dense<0.000000e+00> : vector<512x64xf32>
    %dot_general3A_94 = tpu.matmul %convert_element_type3A_46, %convert_element_type3A_92, %dot_general3A_93 {dimension_numbers = #tpu.dot_dimension_numbers<[1], [0], [0], [1], [0, 0, 1, 1], [], []>, transpose_lhs_hint = false} : vector<512x512xbf16>, vector<512x64xbf16>, vector<512x64xf32> -> vector<512x64xf32>
    %add3A_95 = vector.broadcast %add3A_90 : vector<1x64xf32> to vector<512x64xf32>
    %add3A_96 = arith.addf %dot_general3A_94, %add3A_95 : vector<512x64xf32>
    %sub3A_97 = arith.constant 1.000000e+00 : f32
    %sub3A_98 = vector.broadcast %sub3A_97 : f32 to vector<512x64xf32>
    %sub3A_99 = arith.subf %add3A_96, %sub3A_98 : vector<512x64xf32>
    %mul3A_100 = arith.mulf %sub3A_99, %slice3A_91 : vector<512x64xf32>
    %reduce_sum3A_101 = arith.constant dense<0.000000e+00> : vector<512xf32>
    %reduce_sum3A_102 = vector.multi_reduction <add>, %mul3A_100, %reduce_sum3A_101 [1] : vector<512x64xf32> to vector<512xf32>
    %broadcast_in_dim3A_103 = vector.shape_cast %reduce_sum3A_102 : vector<512xf32> to vector<512x1xf32>
    %slice3A_104 = vector.extract_strided_slice %broadcast_in_dim3A_40 {offsets = [512, 0], sizes = [512, 1], strides = [1, 1]} : vector<4096x1xf32> to vector<512x1xf32>
    %slice3A_105 = vector.extract_strided_slice %broadcast_in_dim3A_20 {offsets = [512, 0], sizes = [512, 1], strides = [1, 1]} : vector<4096x1xf32> to vector<512x1xf32>
    %lt3A_106 = arith.constant 8.000000e+01 : f32
    %lt3A_107 = vector.broadcast %lt3A_106 : f32 to vector<512x1xf32>
    %lt3A_108 = arith.cmpf olt, %broadcast_in_dim3A_103, %lt3A_107 : vector<512x1xf32>
    %mul3A_109 = arith.constant 8.000000e+01 : f32
    %mul3A_110 = vector.broadcast %mul3A_109 : f32 to vector<512x1xf32>
    %mul3A_111 = arith.mulf %slice3A_104, %mul3A_110 : vector<512x1xf32>
    %min3A_112 = arith.constant 7.900000e+01 : f32
    %min3A_113 = vector.broadcast %min3A_112 : f32 to vector<512x1xf32>
    %min3A_114 = arith.minimumf %broadcast_in_dim3A_103, %min3A_113 : vector<512x1xf32>
    %add3A_115 = arith.addf %mul3A_111, %min3A_114 : vector<512x1xf32>
    %iota3A_116 = tpu.iota {dimensions = array<i32: 0>} : vector<512x1xi32>
    %and3A_117 = arith.constant 63 : i32
    %and3A_118 = vector.broadcast %and3A_117 : i32 to vector<512x1xi32>
    %and3A_119 = arith.andi %iota3A_116, %and3A_118 : vector<512x1xi32>
    %convert_element_type3A_120 = arith.sitofp %and3A_119 : vector<512x1xi32> to vector<512x1xf32>
    %mul3A_121 = arith.constant 8.000000e+01 : f32
    %mul3A_122 = vector.broadcast %mul3A_121 : f32 to vector<512x1xf32>
    %mul3A_123 = arith.mulf %convert_element_type3A_120, %mul3A_122 : vector<512x1xf32>
    %select_n3A_124 = arith.select %lt3A_108, %add3A_115, %mul3A_123 : vector<512x1xi1>, vector<512x1xf32>
    %convert_element_type3A_125 = arith.fptosi %select_n3A_124 : vector<512x1xf32> to vector<512x1xi32>
    %swap3A_126 = arith.constant 512 : index
    %swap3A_127 = arith.constant 0 : index
    %swap3A_128 = vector.load %arg4[%swap3A_126, %swap3A_127] : memref<4096x1xi32, #tpu.memory_space<vmem>>, vector<512x1xi32>
    tpu.vector_store %arg4[%swap3A_126, %swap3A_127], %convert_element_type3A_125 {strides = array<i32>} : memref<4096x1xi32, #tpu.memory_space<vmem>>, vector<512x1xi32>,
    %jit3A_129 = arith.constant 0.000000e+00 : f32
    %broadcast_in_dim3A_130 = vector.broadcast %jit3A_129 : f32 to vector<512x1xf32>
    %select_n3A_131 = arith.select %lt3A_108, %slice3A_105, %broadcast_in_dim3A_130 : vector<512x1xi1>, vector<512x1xf32>
    %swap3A_132 = arith.constant 512 : index
    %swap3A_133 = arith.constant 0 : index
    %swap3A_134 = vector.load %arg5[%swap3A_132, %swap3A_133] : memref<4096x1xf32, #tpu.memory_space<vmem>>, vector<512x1xf32>
    tpu.vector_store %arg5[%swap3A_132, %swap3A_133], %select_n3A_131 {strides = array<i32>} : memref<4096x1xf32, #tpu.memory_space<vmem>>, vector<512x1xf32>,
    %slice3A_135 = vector.extract_strided_slice %dot_general3A_94 {offsets = [511, 0], sizes = [1, 64], strides = [1, 1]} : vector<512x64xf32> to vector<1x64xf32>
    %add3A_136 = arith.addf %add3A_90, %slice3A_135 : vector<1x64xf32>
    %slice3A_137 = vector.extract_strided_slice %select_n3A {offsets = [1024, 0], sizes = [512, 64], strides = [1, 1]} : vector<4096x64xf32> to vector<512x64xf32>
    %convert_element_type3A_138 = arith.truncf %slice3A_137 : vector<512x64xf32> to vector<512x64xbf16>
    %dot_general3A_139 = arith.constant dense<0.000000e+00> : vector<512x64xf32>
    %dot_general3A_140 = tpu.matmul %convert_element_type3A_46, %convert_element_type3A_138, %dot_general3A_139 {dimension_numbers = #tpu.dot_dimension_numbers<[1], [0], [0], [1], [0, 0, 1, 1], [], []>, transpose_lhs_hint = false} : vector<512x512xbf16>, vector<512x64xbf16>, vector<512x64xf32> -> vector<512x64xf32>
    %add3A_141 = vector.broadcast %add3A_136 : vector<1x64xf32> to vector<512x64xf32>
    %add3A_142 = arith.addf %dot_general3A_140, %add3A_141 : vector<512x64xf32>
    %sub3A_143 = arith.constant 1.000000e+00 : f32
    %sub3A_144 = vector.broadcast %sub3A_143 : f32 to vector<512x64xf32>
    %sub3A_145 = arith.subf %add3A_142, %sub3A_144 : vector<512x64xf32>
    %mul3A_146 = arith.mulf %sub3A_145, %slice3A_137 : vector<512x64xf32>
    %reduce_sum3A_147 = arith.constant dense<0.000000e+00> : vector<512xf32>
    %reduce_sum3A_148 = vector.multi_reduction <add>, %mul3A_146, %reduce_sum3A_147 [1] : vector<512x64xf32> to vector<512xf32>
    %broadcast_in_dim3A_149 = vector.shape_cast %reduce_sum3A_148 : vector<512xf32> to vector<512x1xf32>
    %slice3A_150 = vector.extract_strided_slice %broadcast_in_dim3A_40 {offsets = [1024, 0], sizes = [512, 1], strides = [1, 1]} : vector<4096x1xf32> to vector<512x1xf32>
    %slice3A_151 = vector.extract_strided_slice %broadcast_in_dim3A_20 {offsets = [1024, 0], sizes = [512, 1], strides = [1, 1]} : vector<4096x1xf32> to vector<512x1xf32>
    %lt3A_152 = arith.constant 8.000000e+01 : f32
    %lt3A_153 = vector.broadcast %lt3A_152 : f32 to vector<512x1xf32>
    %lt3A_154 = arith.cmpf olt, %broadcast_in_dim3A_149, %lt3A_153 : vector<512x1xf32>
    %mul3A_155 = arith.constant 8.000000e+01 : f32
    %mul3A_156 = vector.broadcast %mul3A_155 : f32 to vector<512x1xf32>
    %mul3A_157 = arith.mulf %slice3A_150, %mul3A_156 : vector<512x1xf32>
    %min3A_158 = arith.constant 7.900000e+01 : f32
    %min3A_159 = vector.broadcast %min3A_158 : f32 to vector<512x1xf32>
    %min3A_160 = arith.minimumf %broadcast_in_dim3A_149, %min3A_159 : vector<512x1xf32>
    %add3A_161 = arith.addf %mul3A_157, %min3A_160 : vector<512x1xf32>
    %iota3A_162 = tpu.iota {dimensions = array<i32: 0>} : vector<512x1xi32>
    %and3A_163 = arith.constant 63 : i32
    %and3A_164 = vector.broadcast %and3A_163 : i32 to vector<512x1xi32>
    %and3A_165 = arith.andi %iota3A_162, %and3A_164 : vector<512x1xi32>
    %convert_element_type3A_166 = arith.sitofp %and3A_165 : vector<512x1xi32> to vector<512x1xf32>
    %mul3A_167 = arith.constant 8.000000e+01 : f32
    %mul3A_168 = vector.broadcast %mul3A_167 : f32 to vector<512x1xf32>
    %mul3A_169 = arith.mulf %convert_element_type3A_166, %mul3A_168 : vector<512x1xf32>
    %select_n3A_170 = arith.select %lt3A_154, %add3A_161, %mul3A_169 : vector<512x1xi1>, vector<512x1xf32>
    %convert_element_type3A_171 = arith.fptosi %select_n3A_170 : vector<512x1xf32> to vector<512x1xi32>
    %swap3A_172 = arith.constant 1024 : index
    %swap3A_173 = arith.constant 0 : index
    %swap3A_174 = vector.load %arg4[%swap3A_172, %swap3A_173] : memref<4096x1xi32, #tpu.memory_space<vmem>>, vector<512x1xi32>
    tpu.vector_store %arg4[%swap3A_172, %swap3A_173], %convert_element_type3A_171 {strides = array<i32>} : memref<4096x1xi32, #tpu.memory_space<vmem>>, vector<512x1xi32>,
    %jit3A_175 = arith.constant 0.000000e+00 : f32
    %broadcast_in_dim3A_176 = vector.broadcast %jit3A_175 : f32 to vector<512x1xf32>
    %select_n3A_177 = arith.select %lt3A_154, %slice3A_151, %broadcast_in_dim3A_176 : vector<512x1xi1>, vector<512x1xf32>
    %swap3A_178 = arith.constant 1024 : index
    %swap3A_179 = arith.constant 0 : index
    %swap3A_180 = vector.load %arg5[%swap3A_178, %swap3A_179] : memref<4096x1xf32, #tpu.memory_space<vmem>>, vector<512x1xf32>
    tpu.vector_store %arg5[%swap3A_178, %swap3A_179], %select_n3A_177 {strides = array<i32>} : memref<4096x1xf32, #tpu.memory_space<vmem>>, vector<512x1xf32>,
    %slice3A_181 = vector.extract_strided_slice %dot_general3A_140 {offsets = [511, 0], sizes = [1, 64], strides = [1, 1]} : vector<512x64xf32> to vector<1x64xf32>
    %add3A_182 = arith.addf %add3A_136, %slice3A_181 : vector<1x64xf32>
    %slice3A_183 = vector.extract_strided_slice %select_n3A {offsets = [1536, 0], sizes = [512, 64], strides = [1, 1]} : vector<4096x64xf32> to vector<512x64xf32>
    %convert_element_type3A_184 = arith.truncf %slice3A_183 : vector<512x64xf32> to vector<512x64xbf16>
    %dot_general3A_185 = arith.constant dense<0.000000e+00> : vector<512x64xf32>
    %dot_general3A_186 = tpu.matmul %convert_element_type3A_46, %convert_element_type3A_184, %dot_general3A_185 {dimension_numbers = #tpu.dot_dimension_numbers<[1], [0], [0], [1], [0, 0, 1, 1], [], []>, transpose_lhs_hint = false} : vector<512x512xbf16>, vector<512x64xbf16>, vector<512x64xf32> -> vector<512x64xf32>
    %add3A_187 = vector.broadcast %add3A_182 : vector<1x64xf32> to vector<512x64xf32>
    %add3A_188 = arith.addf %dot_general3A_186, %add3A_187 : vector<512x64xf32>
    %sub3A_189 = arith.constant 1.000000e+00 : f32
    %sub3A_190 = vector.broadcast %sub3A_189 : f32 to vector<512x64xf32>
    %sub3A_191 = arith.subf %add3A_188, %sub3A_190 : vector<512x64xf32>
    %mul3A_192 = arith.mulf %sub3A_191, %slice3A_183 : vector<512x64xf32>
    %reduce_sum3A_193 = arith.constant dense<0.000000e+00> : vector<512xf32>
    %reduce_sum3A_194 = vector.multi_reduction <add>, %mul3A_192, %reduce_sum3A_193 [1] : vector<512x64xf32> to vector<512xf32>
    %broadcast_in_dim3A_195 = vector.shape_cast %reduce_sum3A_194 : vector<512xf32> to vector<512x1xf32>
    %slice3A_196 = vector.extract_strided_slice %broadcast_in_dim3A_40 {offsets = [1536, 0], sizes = [512, 1], strides = [1, 1]} : vector<4096x1xf32> to vector<512x1xf32>
    %slice3A_197 = vector.extract_strided_slice %broadcast_in_dim3A_20 {offsets = [1536, 0], sizes = [512, 1], strides = [1, 1]} : vector<4096x1xf32> to vector<512x1xf32>
    %lt3A_198 = arith.constant 8.000000e+01 : f32
    %lt3A_199 = vector.broadcast %lt3A_198 : f32 to vector<512x1xf32>
    %lt3A_200 = arith.cmpf olt, %broadcast_in_dim3A_195, %lt3A_199 : vector<512x1xf32>
    %mul3A_201 = arith.constant 8.000000e+01 : f32
    %mul3A_202 = vector.broadcast %mul3A_201 : f32 to vector<512x1xf32>
    %mul3A_203 = arith.mulf %slice3A_196, %mul3A_202 : vector<512x1xf32>
    %min3A_204 = arith.constant 7.900000e+01 : f32
    %min3A_205 = vector.broadcast %min3A_204 : f32 to vector<512x1xf32>
    %min3A_206 = arith.minimumf %broadcast_in_dim3A_195, %min3A_205 : vector<512x1xf32>
    %add3A_207 = arith.addf %mul3A_203, %min3A_206 : vector<512x1xf32>
    %iota3A_208 = tpu.iota {dimensions = array<i32: 0>} : vector<512x1xi32>
    %and3A_209 = arith.constant 63 : i32
    %and3A_210 = vector.broadcast %and3A_209 : i32 to vector<512x1xi32>
    %and3A_211 = arith.andi %iota3A_208, %and3A_210 : vector<512x1xi32>
    %convert_element_type3A_212 = arith.sitofp %and3A_211 : vector<512x1xi32> to vector<512x1xf32>
    %mul3A_213 = arith.constant 8.000000e+01 : f32
    %mul3A_214 = vector.broadcast %mul3A_213 : f32 to vector<512x1xf32>
    %mul3A_215 = arith.mulf %convert_element_type3A_212, %mul3A_214 : vector<512x1xf32>
    %select_n3A_216 = arith.select %lt3A_200, %add3A_207, %mul3A_215 : vector<512x1xi1>, vector<512x1xf32>
    %convert_element_type3A_217 = arith.fptosi %select_n3A_216 : vector<512x1xf32> to vector<512x1xi32>
    %swap3A_218 = arith.constant 1536 : index
    %swap3A_219 = arith.constant 0 : index
    %swap3A_220 = vector.load %arg4[%swap3A_218, %swap3A_219] : memref<4096x1xi32, #tpu.memory_space<vmem>>, vector<512x1xi32>
    tpu.vector_store %arg4[%swap3A_218, %swap3A_219], %convert_element_type3A_217 {strides = array<i32>} : memref<4096x1xi32, #tpu.memory_space<vmem>>, vector<512x1xi32>,
    %jit3A_221 = arith.constant 0.000000e+00 : f32
    %broadcast_in_dim3A_222 = vector.broadcast %jit3A_221 : f32 to vector<512x1xf32>
    %select_n3A_223 = arith.select %lt3A_200, %slice3A_197, %broadcast_in_dim3A_222 : vector<512x1xi1>, vector<512x1xf32>
    %swap3A_224 = arith.constant 1536 : index
    %swap3A_225 = arith.constant 0 : index
    %swap3A_226 = vector.load %arg5[%swap3A_224, %swap3A_225] : memref<4096x1xf32, #tpu.memory_space<vmem>>, vector<512x1xf32>
    tpu.vector_store %arg5[%swap3A_224, %swap3A_225], %select_n3A_223 {strides = array<i32>} : memref<4096x1xf32, #tpu.memory_space<vmem>>, vector<512x1xf32>,
    %slice3A_227 = vector.extract_strided_slice %dot_general3A_186 {offsets = [511, 0], sizes = [1, 64], strides = [1, 1]} : vector<512x64xf32> to vector<1x64xf32>
    %add3A_228 = arith.addf %add3A_182, %slice3A_227 : vector<1x64xf32>
    %slice3A_229 = vector.extract_strided_slice %select_n3A {offsets = [2048, 0], sizes = [512, 64], strides = [1, 1]} : vector<4096x64xf32> to vector<512x64xf32>
    %convert_element_type3A_230 = arith.truncf %slice3A_229 : vector<512x64xf32> to vector<512x64xbf16>
    %dot_general3A_231 = arith.constant dense<0.000000e+00> : vector<512x64xf32>
    %dot_general3A_232 = tpu.matmul %convert_element_type3A_46, %convert_element_type3A_230, %dot_general3A_231 {dimension_numbers = #tpu.dot_dimension_numbers<[1], [0], [0], [1], [0, 0, 1, 1], [], []>, transpose_lhs_hint = false} : vector<512x512xbf16>, vector<512x64xbf16>, vector<512x64xf32> -> vector<512x64xf32>
    %add3A_233 = vector.broadcast %add3A_228 : vector<1x64xf32> to vector<512x64xf32>
    %add3A_234 = arith.addf %dot_general3A_232, %add3A_233 : vector<512x64xf32>
    %sub3A_235 = arith.constant 1.000000e+00 : f32
    %sub3A_236 = vector.broadcast %sub3A_235 : f32 to vector<512x64xf32>
    %sub3A_237 = arith.subf %add3A_234, %sub3A_236 : vector<512x64xf32>
    %mul3A_238 = arith.mulf %sub3A_237, %slice3A_229 : vector<512x64xf32>
    %reduce_sum3A_239 = arith.constant dense<0.000000e+00> : vector<512xf32>
    %reduce_sum3A_240 = vector.multi_reduction <add>, %mul3A_238, %reduce_sum3A_239 [1] : vector<512x64xf32> to vector<512xf32>
    %broadcast_in_dim3A_241 = vector.shape_cast %reduce_sum3A_240 : vector<512xf32> to vector<512x1xf32>
    %slice3A_242 = vector.extract_strided_slice %broadcast_in_dim3A_40 {offsets = [2048, 0], sizes = [512, 1], strides = [1, 1]} : vector<4096x1xf32> to vector<512x1xf32>
    %slice3A_243 = vector.extract_strided_slice %broadcast_in_dim3A_20 {offsets = [2048, 0], sizes = [512, 1], strides = [1, 1]} : vector<4096x1xf32> to vector<512x1xf32>
    %lt3A_244 = arith.constant 8.000000e+01 : f32
    %lt3A_245 = vector.broadcast %lt3A_244 : f32 to vector<512x1xf32>
    %lt3A_246 = arith.cmpf olt, %broadcast_in_dim3A_241, %lt3A_245 : vector<512x1xf32>
    %mul3A_247 = arith.constant 8.000000e+01 : f32
    %mul3A_248 = vector.broadcast %mul3A_247 : f32 to vector<512x1xf32>
    %mul3A_249 = arith.mulf %slice3A_242, %mul3A_248 : vector<512x1xf32>
    %min3A_250 = arith.constant 7.900000e+01 : f32
    %min3A_251 = vector.broadcast %min3A_250 : f32 to vector<512x1xf32>
    %min3A_252 = arith.minimumf %broadcast_in_dim3A_241, %min3A_251 : vector<512x1xf32>
    %add3A_253 = arith.addf %mul3A_249, %min3A_252 : vector<512x1xf32>
    %iota3A_254 = tpu.iota {dimensions = array<i32: 0>} : vector<512x1xi32>
    %and3A_255 = arith.constant 63 : i32
    %and3A_256 = vector.broadcast %and3A_255 : i32 to vector<512x1xi32>
    %and3A_257 = arith.andi %iota3A_254, %and3A_256 : vector<512x1xi32>
    %convert_element_type3A_258 = arith.sitofp %and3A_257 : vector<512x1xi32> to vector<512x1xf32>
    %mul3A_259 = arith.constant 8.000000e+01 : f32
    %mul3A_260 = vector.broadcast %mul3A_259 : f32 to vector<512x1xf32>
    %mul3A_261 = arith.mulf %convert_element_type3A_258, %mul3A_260 : vector<512x1xf32>
    %select_n3A_262 = arith.select %lt3A_246, %add3A_253, %mul3A_261 : vector<512x1xi1>, vector<512x1xf32>
    %convert_element_type3A_263 = arith.fptosi %select_n3A_262 : vector<512x1xf32> to vector<512x1xi32>
    %swap3A_264 = arith.constant 2048 : index
    %swap3A_265 = arith.constant 0 : index
    %swap3A_266 = vector.load %arg4[%swap3A_264, %swap3A_265] : memref<4096x1xi32, #tpu.memory_space<vmem>>, vector<512x1xi32>
    tpu.vector_store %arg4[%swap3A_264, %swap3A_265], %convert_element_type3A_263 {strides = array<i32>} : memref<4096x1xi32, #tpu.memory_space<vmem>>, vector<512x1xi32>,
    %jit3A_267 = arith.constant 0.000000e+00 : f32
    %broadcast_in_dim3A_268 = vector.broadcast %jit3A_267 : f32 to vector<512x1xf32>
    %select_n3A_269 = arith.select %lt3A_246, %slice3A_243, %broadcast_in_dim3A_268 : vector<512x1xi1>, vector<512x1xf32>
    %swap3A_270 = arith.constant 2048 : index
    %swap3A_271 = arith.constant 0 : index
    %swap3A_272 = vector.load %arg5[%swap3A_270, %swap3A_271] : memref<4096x1xf32, #tpu.memory_space<vmem>>, vector<512x1xf32>
    tpu.vector_store %arg5[%swap3A_270, %swap3A_271], %select_n3A_269 {strides = array<i32>} : memref<4096x1xf32, #tpu.memory_space<vmem>>, vector<512x1xf32>,
    %slice3A_273 = vector.extract_strided_slice %dot_general3A_232 {offsets = [511, 0], sizes = [1, 64], strides = [1, 1]} : vector<512x64xf32> to vector<1x64xf32>
    %add3A_274 = arith.addf %add3A_228, %slice3A_273 : vector<1x64xf32>
    %slice3A_275 = vector.extract_strided_slice %select_n3A {offsets = [2560, 0], sizes = [512, 64], strides = [1, 1]} : vector<4096x64xf32> to vector<512x64xf32>
    %convert_element_type3A_276 = arith.truncf %slice3A_275 : vector<512x64xf32> to vector<512x64xbf16>
    %dot_general3A_277 = arith.constant dense<0.000000e+00> : vector<512x64xf32>
    %dot_general3A_278 = tpu.matmul %convert_element_type3A_46, %convert_element_type3A_276, %dot_general3A_277 {dimension_numbers = #tpu.dot_dimension_numbers<[1], [0], [0], [1], [0, 0, 1, 1], [], []>, transpose_lhs_hint = false} : vector<512x512xbf16>, vector<512x64xbf16>, vector<512x64xf32> -> vector<512x64xf32>
    %add3A_279 = vector.broadcast %add3A_274 : vector<1x64xf32> to vector<512x64xf32>
    %add3A_280 = arith.addf %dot_general3A_278, %add3A_279 : vector<512x64xf32>
    %sub3A_281 = arith.constant 1.000000e+00 : f32
    %sub3A_282 = vector.broadcast %sub3A_281 : f32 to vector<512x64xf32>
    %sub3A_283 = arith.subf %add3A_280, %sub3A_282 : vector<512x64xf32>
    %mul3A_284 = arith.mulf %sub3A_283, %slice3A_275 : vector<512x64xf32>
    %reduce_sum3A_285 = arith.constant dense<0.000000e+00> : vector<512xf32>
    %reduce_sum3A_286 = vector.multi_reduction <add>, %mul3A_284, %reduce_sum3A_285 [1] : vector<512x64xf32> to vector<512xf32>
    %broadcast_in_dim3A_287 = vector.shape_cast %reduce_sum3A_286 : vector<512xf32> to vector<512x1xf32>
    %slice3A_288 = vector.extract_strided_slice %broadcast_in_dim3A_40 {offsets = [2560, 0], sizes = [512, 1], strides = [1, 1]} : vector<4096x1xf32> to vector<512x1xf32>
    %slice3A_289 = vector.extract_strided_slice %broadcast_in_dim3A_20 {offsets = [2560, 0], sizes = [512, 1], strides = [1, 1]} : vector<4096x1xf32> to vector<512x1xf32>
    %lt3A_290 = arith.constant 8.000000e+01 : f32
    %lt3A_291 = vector.broadcast %lt3A_290 : f32 to vector<512x1xf32>
    %lt3A_292 = arith.cmpf olt, %broadcast_in_dim3A_287, %lt3A_291 : vector<512x1xf32>
    %mul3A_293 = arith.constant 8.000000e+01 : f32
    %mul3A_294 = vector.broadcast %mul3A_293 : f32 to vector<512x1xf32>
    %mul3A_295 = arith.mulf %slice3A_288, %mul3A_294 : vector<512x1xf32>
    %min3A_296 = arith.constant 7.900000e+01 : f32
    %min3A_297 = vector.broadcast %min3A_296 : f32 to vector<512x1xf32>
    %min3A_298 = arith.minimumf %broadcast_in_dim3A_287, %min3A_297 : vector<512x1xf32>
    %add3A_299 = arith.addf %mul3A_295, %min3A_298 : vector<512x1xf32>
    %iota3A_300 = tpu.iota {dimensions = array<i32: 0>} : vector<512x1xi32>
    %and3A_301 = arith.constant 63 : i32
    %and3A_302 = vector.broadcast %and3A_301 : i32 to vector<512x1xi32>
    %and3A_303 = arith.andi %iota3A_300, %and3A_302 : vector<512x1xi32>
    %convert_element_type3A_304 = arith.sitofp %and3A_303 : vector<512x1xi32> to vector<512x1xf32>
    %mul3A_305 = arith.constant 8.000000e+01 : f32
    %mul3A_306 = vector.broadcast %mul3A_305 : f32 to vector<512x1xf32>
    %mul3A_307 = arith.mulf %convert_element_type3A_304, %mul3A_306 : vector<512x1xf32>
    %select_n3A_308 = arith.select %lt3A_292, %add3A_299, %mul3A_307 : vector<512x1xi1>, vector<512x1xf32>
    %convert_element_type3A_309 = arith.fptosi %select_n3A_308 : vector<512x1xf32> to vector<512x1xi32>
    %swap3A_310 = arith.constant 2560 : index
    %swap3A_311 = arith.constant 0 : index
    %swap3A_312 = vector.load %arg4[%swap3A_310, %swap3A_311] : memref<4096x1xi32, #tpu.memory_space<vmem>>, vector<512x1xi32>
    tpu.vector_store %arg4[%swap3A_310, %swap3A_311], %convert_element_type3A_309 {strides = array<i32>} : memref<4096x1xi32, #tpu.memory_space<vmem>>, vector<512x1xi32>,
    %jit3A_313 = arith.constant 0.000000e+00 : f32
    %broadcast_in_dim3A_314 = vector.broadcast %jit3A_313 : f32 to vector<512x1xf32>
    %select_n3A_315 = arith.select %lt3A_292, %slice3A_289, %broadcast_in_dim3A_314 : vector<512x1xi1>, vector<512x1xf32>
    %swap3A_316 = arith.constant 2560 : index
    %swap3A_317 = arith.constant 0 : index
    %swap3A_318 = vector.load %arg5[%swap3A_316, %swap3A_317] : memref<4096x1xf32, #tpu.memory_space<vmem>>, vector<512x1xf32>
    tpu.vector_store %arg5[%swap3A_316, %swap3A_317], %select_n3A_315 {strides = array<i32>} : memref<4096x1xf32, #tpu.memory_space<vmem>>, vector<512x1xf32>,
    %slice3A_319 = vector.extract_strided_slice %dot_general3A_278 {offsets = [511, 0], sizes = [1, 64], strides = [1, 1]} : vector<512x64xf32> to vector<1x64xf32>
    %add3A_320 = arith.addf %add3A_274, %slice3A_319 : vector<1x64xf32>
    %slice3A_321 = vector.extract_strided_slice %select_n3A {offsets = [3072, 0], sizes = [512, 64], strides = [1, 1]} : vector<4096x64xf32> to vector<512x64xf32>
    %convert_element_type3A_322 = arith.truncf %slice3A_321 : vector<512x64xf32> to vector<512x64xbf16>
    %dot_general3A_323 = arith.constant dense<0.000000e+00> : vector<512x64xf32>
    %dot_general3A_324 = tpu.matmul %convert_element_type3A_46, %convert_element_type3A_322, %dot_general3A_323 {dimension_numbers = #tpu.dot_dimension_numbers<[1], [0], [0], [1], [0, 0, 1, 1], [], []>, transpose_lhs_hint = false} : vector<512x512xbf16>, vector<512x64xbf16>, vector<512x64xf32> -> vector<512x64xf32>
    %add3A_325 = vector.broadcast %add3A_320 : vector<1x64xf32> to vector<512x64xf32>
    %add3A_326 = arith.addf %dot_general3A_324, %add3A_325 : vector<512x64xf32>
    %sub3A_327 = arith.constant 1.000000e+00 : f32
    %sub3A_328 = vector.broadcast %sub3A_327 : f32 to vector<512x64xf32>
    %sub3A_329 = arith.subf %add3A_326, %sub3A_328 : vector<512x64xf32>
    %mul3A_330 = arith.mulf %sub3A_329, %slice3A_321 : vector<512x64xf32>
    %reduce_sum3A_331 = arith.constant dense<0.000000e+00> : vector<512xf32>
    %reduce_sum3A_332 = vector.multi_reduction <add>, %mul3A_330, %reduce_sum3A_331 [1] : vector<512x64xf32> to vector<512xf32>
    %broadcast_in_dim3A_333 = vector.shape_cast %reduce_sum3A_332 : vector<512xf32> to vector<512x1xf32>
    %slice3A_334 = vector.extract_strided_slice %broadcast_in_dim3A_40 {offsets = [3072, 0], sizes = [512, 1], strides = [1, 1]} : vector<4096x1xf32> to vector<512x1xf32>
    %slice3A_335 = vector.extract_strided_slice %broadcast_in_dim3A_20 {offsets = [3072, 0], sizes = [512, 1], strides = [1, 1]} : vector<4096x1xf32> to vector<512x1xf32>
    %lt3A_336 = arith.constant 8.000000e+01 : f32
    %lt3A_337 = vector.broadcast %lt3A_336 : f32 to vector<512x1xf32>
    %lt3A_338 = arith.cmpf olt, %broadcast_in_dim3A_333, %lt3A_337 : vector<512x1xf32>
    %mul3A_339 = arith.constant 8.000000e+01 : f32
    %mul3A_340 = vector.broadcast %mul3A_339 : f32 to vector<512x1xf32>
    %mul3A_341 = arith.mulf %slice3A_334, %mul3A_340 : vector<512x1xf32>
    %min3A_342 = arith.constant 7.900000e+01 : f32
    %min3A_343 = vector.broadcast %min3A_342 : f32 to vector<512x1xf32>
    %min3A_344 = arith.minimumf %broadcast_in_dim3A_333, %min3A_343 : vector<512x1xf32>
    %add3A_345 = arith.addf %mul3A_341, %min3A_344 : vector<512x1xf32>
    %iota3A_346 = tpu.iota {dimensions = array<i32: 0>} : vector<512x1xi32>
    %and3A_347 = arith.constant 63 : i32
    %and3A_348 = vector.broadcast %and3A_347 : i32 to vector<512x1xi32>
    %and3A_349 = arith.andi %iota3A_346, %and3A_348 : vector<512x1xi32>
    %convert_element_type3A_350 = arith.sitofp %and3A_349 : vector<512x1xi32> to vector<512x1xf32>
    %mul3A_351 = arith.constant 8.000000e+01 : f32
    %mul3A_352 = vector.broadcast %mul3A_351 : f32 to vector<512x1xf32>
    %mul3A_353 = arith.mulf %convert_element_type3A_350, %mul3A_352 : vector<512x1xf32>
    %select_n3A_354 = arith.select %lt3A_338, %add3A_345, %mul3A_353 : vector<512x1xi1>, vector<512x1xf32>
    %convert_element_type3A_355 = arith.fptosi %select_n3A_354 : vector<512x1xf32> to vector<512x1xi32>
    %swap3A_356 = arith.constant 3072 : index
    %swap3A_357 = arith.constant 0 : index
    %swap3A_358 = vector.load %arg4[%swap3A_356, %swap3A_357] : memref<4096x1xi32, #tpu.memory_space<vmem>>, vector<512x1xi32>
    tpu.vector_store %arg4[%swap3A_356, %swap3A_357], %convert_element_type3A_355 {strides = array<i32>} : memref<4096x1xi32, #tpu.memory_space<vmem>>, vector<512x1xi32>,
    %jit3A_359 = arith.constant 0.000000e+00 : f32
    %broadcast_in_dim3A_360 = vector.broadcast %jit3A_359 : f32 to vector<512x1xf32>
    %select_n3A_361 = arith.select %lt3A_338, %slice3A_335, %broadcast_in_dim3A_360 : vector<512x1xi1>, vector<512x1xf32>
    %swap3A_362 = arith.constant 3072 : index
    %swap3A_363 = arith.constant 0 : index
    %swap3A_364 = vector.load %arg5[%swap3A_362, %swap3A_363] : memref<4096x1xf32, #tpu.memory_space<vmem>>, vector<512x1xf32>
    tpu.vector_store %arg5[%swap3A_362, %swap3A_363], %select_n3A_361 {strides = array<i32>} : memref<4096x1xf32, #tpu.memory_space<vmem>>, vector<512x1xf32>,
    %slice3A_365 = vector.extract_strided_slice %dot_general3A_324 {offsets = [511, 0], sizes = [1, 64], strides = [1, 1]} : vector<512x64xf32> to vector<1x64xf32>
    %add3A_366 = arith.addf %add3A_320, %slice3A_365 : vector<1x64xf32>
    %slice3A_367 = vector.extract_strided_slice %select_n3A {offsets = [3584, 0], sizes = [512, 64], strides = [1, 1]} : vector<4096x64xf32> to vector<512x64xf32>
    %convert_element_type3A_368 = arith.truncf %slice3A_367 : vector<512x64xf32> to vector<512x64xbf16>
    %dot_general3A_369 = arith.constant dense<0.000000e+00> : vector<512x64xf32>
    %dot_general3A_370 = tpu.matmul %convert_element_type3A_46, %convert_element_type3A_368, %dot_general3A_369 {dimension_numbers = #tpu.dot_dimension_numbers<[1], [0], [0], [1], [0, 0, 1, 1], [], []>, transpose_lhs_hint = false} : vector<512x512xbf16>, vector<512x64xbf16>, vector<512x64xf32> -> vector<512x64xf32>
    %add3A_371 = vector.broadcast %add3A_366 : vector<1x64xf32> to vector<512x64xf32>
    %add3A_372 = arith.addf %dot_general3A_370, %add3A_371 : vector<512x64xf32>
    %sub3A_373 = arith.constant 1.000000e+00 : f32
    %sub3A_374 = vector.broadcast %sub3A_373 : f32 to vector<512x64xf32>
    %sub3A_375 = arith.subf %add3A_372, %sub3A_374 : vector<512x64xf32>
    %mul3A_376 = arith.mulf %sub3A_375, %slice3A_367 : vector<512x64xf32>
    %reduce_sum3A_377 = arith.constant dense<0.000000e+00> : vector<512xf32>
    %reduce_sum3A_378 = vector.multi_reduction <add>, %mul3A_376, %reduce_sum3A_377 [1] : vector<512x64xf32> to vector<512xf32>
    %broadcast_in_dim3A_379 = vector.shape_cast %reduce_sum3A_378 : vector<512xf32> to vector<512x1xf32>
    %slice3A_380 = vector.extract_strided_slice %broadcast_in_dim3A_40 {offsets = [3584, 0], sizes = [512, 1], strides = [1, 1]} : vector<4096x1xf32> to vector<512x1xf32>
    %slice3A_381 = vector.extract_strided_slice %broadcast_in_dim3A_20 {offsets = [3584, 0], sizes = [512, 1], strides = [1, 1]} : vector<4096x1xf32> to vector<512x1xf32>
    %lt3A_382 = arith.constant 8.000000e+01 : f32
    %lt3A_383 = vector.broadcast %lt3A_382 : f32 to vector<512x1xf32>
    %lt3A_384 = arith.cmpf olt, %broadcast_in_dim3A_379, %lt3A_383 : vector<512x1xf32>
    %mul3A_385 = arith.constant 8.000000e+01 : f32
    %mul3A_386 = vector.broadcast %mul3A_385 : f32 to vector<512x1xf32>
    %mul3A_387 = arith.mulf %slice3A_380, %mul3A_386 : vector<512x1xf32>
    %min3A_388 = arith.constant 7.900000e+01 : f32
    %min3A_389 = vector.broadcast %min3A_388 : f32 to vector<512x1xf32>
    %min3A_390 = arith.minimumf %broadcast_in_dim3A_379, %min3A_389 : vector<512x1xf32>
    %add3A_391 = arith.addf %mul3A_387, %min3A_390 : vector<512x1xf32>
    %iota3A_392 = tpu.iota {dimensions = array<i32: 0>} : vector<512x1xi32>
    %and3A_393 = arith.constant 63 : i32
    %and3A_394 = vector.broadcast %and3A_393 : i32 to vector<512x1xi32>
    %and3A_395 = arith.andi %iota3A_392, %and3A_394 : vector<512x1xi32>
    %convert_element_type3A_396 = arith.sitofp %and3A_395 : vector<512x1xi32> to vector<512x1xf32>
    %mul3A_397 = arith.constant 8.000000e+01 : f32
    %mul3A_398 = vector.broadcast %mul3A_397 : f32 to vector<512x1xf32>
    %mul3A_399 = arith.mulf %convert_element_type3A_396, %mul3A_398 : vector<512x1xf32>
    %select_n3A_400 = arith.select %lt3A_384, %add3A_391, %mul3A_399 : vector<512x1xi1>, vector<512x1xf32>
    %convert_element_type3A_401 = arith.fptosi %select_n3A_400 : vector<512x1xf32> to vector<512x1xi32>
    %swap3A_402 = arith.constant 3584 : index
    %swap3A_403 = arith.constant 0 : index
    %swap3A_404 = vector.load %arg4[%swap3A_402, %swap3A_403] : memref<4096x1xi32, #tpu.memory_space<vmem>>, vector<512x1xi32>
    tpu.vector_store %arg4[%swap3A_402, %swap3A_403], %convert_element_type3A_401 {strides = array<i32>} : memref<4096x1xi32, #tpu.memory_space<vmem>>, vector<512x1xi32>,
    %jit3A_405 = arith.constant 0.000000e+00 : f32
    %broadcast_in_dim3A_406 = vector.broadcast %jit3A_405 : f32 to vector<512x1xf32>
    %select_n3A_407 = arith.select %lt3A_384, %slice3A_381, %broadcast_in_dim3A_406 : vector<512x1xi1>, vector<512x1xf32>
    %swap3A_408 = arith.constant 3584 : index
    %swap3A_409 = arith.constant 0 : index
    %swap3A_410 = vector.load %arg5[%swap3A_408, %swap3A_409] : memref<4096x1xf32, #tpu.memory_space<vmem>>, vector<512x1xf32>
    tpu.vector_store %arg5[%swap3A_408, %swap3A_409], %select_n3A_407 {strides = array<i32>} : memref<4096x1xf32, #tpu.memory_space<vmem>>, vector<512x1xf32>,
    %concatenate3A = tpu.concatenate %broadcast_in_dim3A_59, %broadcast_in_dim3A_103, %broadcast_in_dim3A_149, %broadcast_in_dim3A_195, %broadcast_in_dim3A_241, %broadcast_in_dim3A_287, %broadcast_in_dim3A_333, %broadcast_in_dim3A_379 in 0 : vector<512x1xf32>, vector<512x1xf32>, vector<512x1xf32>, vector<512x1xf32>, vector<512x1xf32>, vector<512x1xf32>, vector<512x1xf32>, vector<512x1xf32> -> vector<4096x1xf32>
    %iota3A_411 = tpu.iota {dimensions = array<i32: 1>} : vector<1x80xi32>
    %convert_element_type3A_412 = arith.sitofp %iota3A_411 : vector<1x80xi32> to vector<1x80xf32>
    %eq3A_413 = vector.broadcast %concatenate3A : vector<4096x1xf32> to vector<4096x80xf32>
    %eq3A_414 = vector.broadcast %convert_element_type3A_412 : vector<1x80xf32> to vector<4096x80xf32>
    %eq3A_415 = arith.cmpf oeq, %eq3A_413, %eq3A_414 : vector<4096x80xf32>
    %convert_element_type3A_416 = arith.extui %eq3A_415 : vector<4096x80xi1> to vector<4096x80xi32>
    %convert_element_type3A_417 = arith.sitofp %convert_element_type3A_416 : vector<4096x80xi32> to vector<4096x80xf32>
    %iota3A_418 = tpu.iota {dimensions = array<i32: 0>} : vector<4096x1xi32>
    %shift_right_arithmetic3A = arith.constant 7 : i32
    %shift_right_arithmetic3A_419 = vector.broadcast %shift_right_arithmetic3A : i32 to vector<4096x1xi32>
    %shift_right_arithmetic3A_420 = arith.shrsi %iota3A_418, %shift_right_arithmetic3A_419 : vector<4096x1xi32>
    %add3A_421 = arith.constant 1 : i32
    %add3A_422 = vector.broadcast %add3A_421 : i32 to vector<4096x1xi32>
    %add3A_423 = arith.addi %add3A_422, %shift_right_arithmetic3A_420 : vector<4096x1xi32>
    %convert_element_type3A_424 = arith.sitofp %add3A_423 : vector<4096x1xi32> to vector<4096x1xf32>
    %and3A_425 = arith.constant 127 : i32
    %and3A_426 = vector.broadcast %and3A_425 : i32 to vector<4096x1xi32>
    %and3A_427 = arith.andi %iota3A_418, %and3A_426 : vector<4096x1xi32>
    %add3A_428 = arith.constant 1 : i32
    %add3A_429 = vector.broadcast %add3A_428 : i32 to vector<4096x1xi32>
    %add3A_430 = arith.addi %add3A_429, %and3A_427 : vector<4096x1xi32>
    %convert_element_type3A_431 = arith.sitofp %add3A_430 : vector<4096x1xi32> to vector<4096x1xf32>
    %convert_element_type3A_432 = arith.truncf %convert_element_type3A_417 : vector<4096x80xf32> to vector<4096x80xbf16>
    %mul3A_433 = vector.broadcast %convert_element_type3A_424 : vector<4096x1xf32> to vector<4096x64xf32>
    %mul3A_434 = arith.mulf %select_n3A, %mul3A_433 : vector<4096x64xf32>
    %convert_element_type3A_435 = arith.truncf %mul3A_434 : vector<4096x64xf32> to vector<4096x64xbf16>
    %dot_general3A_436 = arith.constant dense<0.000000e+00> : vector<64x80xf32>
    %dot_general3A_437 = tpu.matmul %convert_element_type3A_435, %convert_element_type3A_432, %dot_general3A_436 {dimension_numbers = #tpu.dot_dimension_numbers<[0], [0], [1], [1], [0, 1, 1, 1], [], []>, transpose_lhs_hint = false} : vector<4096x64xbf16>, vector<4096x80xbf16>, vector<64x80xf32> -> vector<64x80xf32>
    %mul3A_438 = vector.broadcast %convert_element_type3A_431 : vector<4096x1xf32> to vector<4096x64xf32>
    %mul3A_439 = arith.mulf %select_n3A, %mul3A_438 : vector<4096x64xf32>
    %convert_element_type3A_440 = arith.truncf %mul3A_439 : vector<4096x64xf32> to vector<4096x64xbf16>
    %dot_general3A_441 = arith.constant dense<0.000000e+00> : vector<64x80xf32>
    %dot_general3A_442 = tpu.matmul %convert_element_type3A_440, %convert_element_type3A_432, %dot_general3A_441 {dimension_numbers = #tpu.dot_dimension_numbers<[0], [0], [1], [1], [0, 1, 1, 1], [], []>, transpose_lhs_hint = false} : vector<4096x64xbf16>, vector<4096x80xbf16>, vector<64x80xf32> -> vector<64x80xf32>
    %iota3A_443 = tpu.iota {dimensions = array<i32: 0>} : vector<64x80xi32>
    %mul3A_444 = arith.constant 80 : i32
    %mul3A_445 = vector.broadcast %mul3A_444 : i32 to vector<64x80xi32>
    %mul3A_446 = arith.muli %iota3A_443, %mul3A_445 : vector<64x80xi32>
    %iota3A_447 = tpu.iota {dimensions = array<i32: 1>} : vector<64x80xi32>
    %add3A_448 = arith.addi %mul3A_446, %iota3A_447 : vector<64x80xi32>
    %and3A_449 = arith.constant 63 : i32
    %and3A_450 = vector.broadcast %and3A_449 : i32 to vector<64x80xi32>
    %and3A_451 = arith.andi %add3A_448, %and3A_450 : vector<64x80xi32>
    %add3A_452 = arith.constant 4096 : i32
    %add3A_453 = vector.broadcast %add3A_452 : i32 to vector<64x80xi32>
    %add3A_454 = arith.addi %add3A_453, %and3A_451 : vector<64x80xi32>
    %convert_element_type3A_455 = arith.sitofp %add3A_454 : vector<64x80xi32> to vector<64x80xf32>
    %lt3A_456 = arith.constant 5.000000e-01 : f32
    %lt3A_457 = vector.broadcast %lt3A_456 : f32 to vector<64x80xf32>
    %lt3A_458 = arith.cmpf olt, %dot_general3A_437, %lt3A_457 : vector<64x80xf32>
    %sub3A_459 = arith.constant 1.000000e+00 : f32
    %sub3A_460 = vector.broadcast %sub3A_459 : f32 to vector<64x80xf32>
    %sub3A_461 = arith.subf %dot_general3A_437, %sub3A_460 : vector<64x80xf32>
    %mul3A_462 = arith.constant 1.280000e+02 : f32
    %mul3A_463 = vector.broadcast %mul3A_462 : f32 to vector<64x80xf32>
    %mul3A_464 = arith.mulf %sub3A_461, %mul3A_463 : vector<64x80xf32>
    %sub3A_465 = arith.constant 1.000000e+00 : f32
    %sub3A_466 = vector.broadcast %sub3A_465 : f32 to vector<64x80xf32>
    %sub3A_467 = arith.subf %dot_general3A_442, %sub3A_466 : vector<64x80xf32>
    %add3A_468 = arith.addf %mul3A_464, %sub3A_467 : vector<64x80xf32>
    %select_n3A_469 = arith.select %lt3A_458, %convert_element_type3A_455, %add3A_468 : vector<64x80xi1>, vector<64x80xf32>
    %convert_element_type3A_470 = arith.fptosi %select_n3A_469 : vector<64x80xf32> to vector<64x80xi32>
    %swap3A_471 = arith.constant 0 : index
    %swap3A_472 = arith.constant 0 : index
    %swap3A_473 = vector.load %arg3[%swap3A_471, %swap3A_472] : memref<64x80xi32, #tpu.memory_space<vmem>>, vector<64x80xi32>
    tpu.vector_store %arg3[%swap3A_471, %swap3A_472], %convert_element_type3A_470 {strides = array<i32>} : memref<64x80xi32, #tpu.memory_space<vmem>>, vector<64x80xi32>,
    %reduce_sum3A_474 = arith.constant dense<0.000000e+00> : vector<64xf32>
    %reduce_sum3A_475 = vector.multi_reduction <add>, %select_n3A, %reduce_sum3A_474 [0] : vector<4096x64xf32> to vector<64xf32>
    %div3A_476 = arith.constant 4.096000e+03 : f32
    %div3A_477 = vector.broadcast %div3A_476 : f32 to vector<64xf32>
    %div3A_478 = arith.divf %reduce_sum3A_475, %div3A_477 : vector<64xf32>
    %reduce_sum3A_479 = arith.constant dense<0.000000e+00> : vector<64xf32>
    %reduce_sum3A_480 = vector.multi_reduction <add>, %div3A_17, %reduce_sum3A_479 [0] : vector<4096x64xf32> to vector<64xf32>
    %div3A_481 = arith.constant 4.096000e+03 : f32
    %div3A_482 = vector.broadcast %div3A_481 : f32 to vector<64xf32>
    %div3A_483 = arith.divf %reduce_sum3A_480, %div3A_482 : vector<64xf32>
    %mul3A_484 = arith.mulf %div3A_478, %div3A_483 : vector<64xf32>
    %reduce_sum3A_485 = vector.shape_cast %mul3A_484 : vector<64xf32> to vector<1x64xf32>
    %reduce_sum3A_486 = arith.constant dense<0.000000e+00> : vector<1xf32>
    %reduce_sum3A_487 = vector.multi_reduction <add>, %reduce_sum3A_485, %reduce_sum3A_486 [1] : vector<1x64xf32> to vector<1xf32>
    %reduce_sum3A_488 = vector.shape_cast %reduce_sum3A_487 : vector<1xf32> to vector<1x1xf32>
    %reduce_sum3A_489 = vector.extract %reduce_sum3A_488[0, 0] : f32 from vector<1x1xf32>
    %mul3A_490 = arith.constant 6.400000e+01 : f32
    %mul3A_491 = arith.mulf %mul3A_490, %reduce_sum3A_489 : f32
    %reshape3A = vector.broadcast %mul3A_491 : f32 to vector<1x1xf32>
    %swap3A_492 = arith.constant 0 : index
    %swap3A_493 = arith.constant 0 : index
    %swap3A_494 = vector.load %arg6[%swap3A_492, %swap3A_493] : memref<1x1xf32, #tpu.memory_space<vmem>>, vector<1x1xf32>
    tpu.vector_store %arg6[%swap3A_492, %swap3A_493], %reshape3A {strides = array<i32>} : memref<1x1xf32, #tpu.memory_space<vmem>>, vector<1x1xf32>,
    %log3A = math.log %broadcast_in_dim3A_16 : vector<4096x1xf32>
    %add3A_495 = arith.addf %log3A, %broadcast_in_dim3A_13 : vector<4096x1xf32>
    %mul3A_496 = arith.mulf %add3A_495, %add3A_495 : vector<4096x1xf32>
    %reduce_sum3A_497 = vector.shape_cast %mul3A_496 : vector<4096x1xf32> to vector<1x4096x1xf32>
    %reduce_sum3A_498 = arith.constant dense<0.000000e+00> : vector<1xf32>
    %reduce_sum3A_499 = vector.multi_reduction <add>, %reduce_sum3A_497, %reduce_sum3A_498 [1, 2] : vector<1x4096x1xf32> to vector<1xf32>
    %reduce_sum3A_500 = vector.shape_cast %reduce_sum3A_499 : vector<1xf32> to vector<1x1x1xf32>
    %reduce_sum3A_501 = vector.extract %reduce_sum3A_500[0, 0, 0] : f32 from vector<1x1x1xf32>
    %div3A_502 = arith.constant 4.096000e+03 : f32
    %div3A_503 = arith.divf %reduce_sum3A_501, %div3A_502 : f32
    %reshape3A_504 = vector.broadcast %div3A_503 : f32 to vector<1x1xf32>
    %swap3A_505 = arith.constant 0 : index
    %swap3A_506 = arith.constant 0 : index
    %swap3A_507 = vector.load %arg7[%swap3A_505, %swap3A_506] : memref<1x1xf32, #tpu.memory_space<vmem>>, vector<1x1xf32>
    tpu.vector_store %arg7[%swap3A_505, %swap3A_506], %reshape3A_504 {strides = array<i32>} : memref<1x1xf32, #tpu.memory_space<vmem>>, vector<1x1xf32>,
    return
  }
}

module attributes {stable_mosaic.version = 14 : i64} {
  func.func @_ffn_body(%arg0: i32, %arg1: memref<1x80x768xf32, #tpu.memory_space<vmem>>, %arg2: memref<1x768x1024xf32, #tpu.memory_space<vmem>>, %arg3: memref<1x1x1024xf32, #tpu.memory_space<vmem>>, %arg4: memref<1x1024x768xf32, #tpu.memory_space<vmem>>, %arg5: memref<1x1x768xf32, #tpu.memory_space<vmem>>, %arg6: memref<1x80x768xf32, #tpu.memory_space<vmem>>) attributes {dimension_semantics = [#tpu.dimension_semantics<arbitrary>], iteration_bounds = array<i64: 64>, scalar_prefetch = 0 : i64, scratch_operands = 0 : i64, tpu.core_type = #tpu.core_type<tc>, window_params = [{transform_indices = @transform_0, window_bounds = array<i64: 1, 80, 768>}, {transform_indices = @transform_1, window_bounds = array<i64: 1, 768, 1024>}, {transform_indices = @transform_2, window_bounds = array<i64: 1, 1, 1024>}, {transform_indices = @transform_3, window_bounds = array<i64: 1, 1024, 768>}, {transform_indices = @transform_4, window_bounds = array<i64: 1, 1, 768>}, {transform_indices = @transform_5, window_bounds = array<i64: 1, 80, 768>}]} {
    %get3A = arith.constant 0 : index
    %get3A_0 = arith.constant 0 : index
    %get3A_1 = arith.constant 0 : index
    %get3A_2 = vector.load %arg1[%get3A, %get3A_0, %get3A_1] : memref<1x80x768xf32, #tpu.memory_space<vmem>>, vector<1x80x768xf32>
    %get3A_3 = vector.shape_cast %get3A_2 : vector<1x80x768xf32> to vector<80x768xf32>
    %convert_element_type3A = arith.truncf %get3A_3 : vector<80x768xf32> to vector<80x768xbf16>
    %get3A_4 = arith.constant 0 : index
    %get3A_5 = arith.constant 0 : index
    %get3A_6 = arith.constant 0 : index
    %get3A_7 = vector.load %arg2[%get3A_4, %get3A_5, %get3A_6] : memref<1x768x1024xf32, #tpu.memory_space<vmem>>, vector<1x768x1024xf32>
    %get3A_8 = vector.shape_cast %get3A_7 : vector<1x768x1024xf32> to vector<768x1024xf32>
    %convert_element_type3A_9 = arith.truncf %get3A_8 : vector<768x1024xf32> to vector<768x1024xbf16>
    %dot_general3A = arith.constant dense<0.000000e+00> : vector<80x1024xf32>
    %dot_general3A_10 = tpu.matmul %convert_element_type3A, %convert_element_type3A_9, %dot_general3A {dimension_numbers = #tpu.dot_dimension_numbers<[1], [0], [0], [1], [0, 0, 1, 1], [], []>, transpose_lhs_hint = false} : vector<80x768xbf16>, vector<768x1024xbf16>, vector<80x1024xf32> -> vector<80x1024xf32>
    %get3A_11 = arith.constant 0 : index
    %get3A_12 = arith.constant 0 : index
    %get3A_13 = arith.constant 0 : index
    %get3A_14 = vector.load %arg3[%get3A_11, %get3A_12, %get3A_13] : memref<1x1x1024xf32, #tpu.memory_space<vmem>>, vector<1x1x1024xf32>
    %get3A_15 = vector.shape_cast %get3A_14 : vector<1x1x1024xf32> to vector<1x1024xf32>
    %add3A = vector.broadcast %get3A_15 : vector<1x1024xf32> to vector<80x1024xf32>
    %add3A_16 = arith.addf %dot_general3A_10, %add3A : vector<80x1024xf32>
    %max3A = arith.constant 0.000000e+00 : f32
    %max3A_17 = vector.broadcast %max3A : f32 to vector<80x1024xf32>
    %max3A_18 = arith.maximumf %add3A_16, %max3A_17 : vector<80x1024xf32>
    %convert_element_type3A_19 = arith.truncf %max3A_18 : vector<80x1024xf32> to vector<80x1024xbf16>
    %get3A_20 = arith.constant 0 : index
    %get3A_21 = arith.constant 0 : index
    %get3A_22 = arith.constant 0 : index
    %get3A_23 = vector.load %arg4[%get3A_20, %get3A_21, %get3A_22] : memref<1x1024x768xf32, #tpu.memory_space<vmem>>, vector<1x1024x768xf32>
    %get3A_24 = vector.shape_cast %get3A_23 : vector<1x1024x768xf32> to vector<1024x768xf32>
    %convert_element_type3A_25 = arith.truncf %get3A_24 : vector<1024x768xf32> to vector<1024x768xbf16>
    %dot_general3A_26 = arith.constant dense<0.000000e+00> : vector<80x768xf32>
    %dot_general3A_27 = tpu.matmul %convert_element_type3A_19, %convert_element_type3A_25, %dot_general3A_26 {dimension_numbers = #tpu.dot_dimension_numbers<[1], [0], [0], [1], [0, 0, 1, 1], [], []>, transpose_lhs_hint = false} : vector<80x1024xbf16>, vector<1024x768xbf16>, vector<80x768xf32> -> vector<80x768xf32>
    %get3A_28 = arith.constant 0 : index
    %get3A_29 = arith.constant 0 : index
    %get3A_30 = arith.constant 0 : index
    %get3A_31 = vector.load %arg5[%get3A_28, %get3A_29, %get3A_30] : memref<1x1x768xf32, #tpu.memory_space<vmem>>, vector<1x1x768xf32>
    %get3A_32 = vector.shape_cast %get3A_31 : vector<1x1x768xf32> to vector<1x768xf32>
    %add3A_33 = vector.broadcast %get3A_32 : vector<1x768xf32> to vector<80x768xf32>
    %add3A_34 = arith.addf %dot_general3A_27, %add3A_33 : vector<80x768xf32>
    %swap3A = arith.constant 0 : index
    %swap3A_35 = arith.constant 0 : index
    %swap3A_36 = arith.constant 0 : index
    %swap3A_37 = vector.load %arg6[%swap3A, %swap3A_35, %swap3A_36] : memref<1x80x768xf32, #tpu.memory_space<vmem>>, vector<1x80x768xf32>
    %swap3A_38 = vector.shape_cast %swap3A_37 : vector<1x80x768xf32> to vector<80x768xf32>
    %swap3A_39 = vector.shape_cast %add3A_34 : vector<80x768xf32> to vector<1x80x768xf32>
    tpu.vector_store %arg6[%swap3A, %swap3A_35, %swap3A_36], %swap3A_39 {strides = array<i32>} : memref<1x80x768xf32, #tpu.memory_space<vmem>>, vector<1x80x768xf32>,
    return
  }
  func.func @transform_0(%arg0: i32) -> (i32, i32, i32) {
    %c0_i32 = arith.constant 0 : i32
    %c0_i32_0 = arith.constant 0 : i32
    %c0_i32_1 = arith.constant 0 : i32
    return %arg0, %c0_i32, %c0_i32_0 : i32, i32, i32
  }
  func.func @transform_1(%arg0: i32) -> (i32, i32, i32) {
    %c0_i32 = arith.constant 0 : i32
    %c0_i32_0 = arith.constant 0 : i32
    %c0_i32_1 = arith.constant 0 : i32
    return %arg0, %c0_i32, %c0_i32_0 : i32, i32, i32
  }
  func.func @transform_2(%arg0: i32) -> (i32, i32, i32) {
    %c0_i32 = arith.constant 0 : i32
    %c0_i32_0 = arith.constant 0 : i32
    %c0_i32_1 = arith.constant 0 : i32
    return %arg0, %c0_i32, %c0_i32_0 : i32, i32, i32
  }
  func.func @transform_3(%arg0: i32) -> (i32, i32, i32) {
    %c0_i32 = arith.constant 0 : i32
    %c0_i32_0 = arith.constant 0 : i32
    %c0_i32_1 = arith.constant 0 : i32
    return %arg0, %c0_i32, %c0_i32_0 : i32, i32, i32
  }
  func.func @transform_4(%arg0: i32) -> (i32, i32, i32) {
    %c0_i32 = arith.constant 0 : i32
    %c0_i32_0 = arith.constant 0 : i32
    %c0_i32_1 = arith.constant 0 : i32
    return %arg0, %c0_i32, %c0_i32_0 : i32, i32, i32
  }
  func.func @transform_5(%arg0: i32) -> (i32, i32, i32) {
    %c0_i32 = arith.constant 0 : i32
    %c0_i32_0 = arith.constant 0 : i32
    %c0_i32_1 = arith.constant 0 : i32
    return %arg0, %c0_i32, %c0_i32_0 : i32, i32, i32
  }
}

module attributes {stable_mosaic.version = 14 : i64} {
  func.func @_router_body(%arg0: memref<4096x768xf32, #tpu.memory_space<vmem>>, %arg1: memref<4096x1xf32, #tpu.memory_space<vmem>>, %arg2: memref<768x64xf32, #tpu.memory_space<vmem>>, %arg3: memref<4160x768xf32, #tpu.memory_space<vmem>>, %arg4: memref<64x80xi32, #tpu.memory_space<vmem>>, %arg5: memref<4096x1xi32, #tpu.memory_space<vmem>>, %arg6: memref<4096x1xf32, #tpu.memory_space<vmem>>, %arg7: memref<1x1xf32, #tpu.memory_space<vmem>>, %arg8: memref<1x1xf32, #tpu.memory_space<vmem>>) attributes {dimension_semantics = [], scalar_prefetch = 0 : i64, scratch_operands = 0 : i64, tpu.core_type = #tpu.core_type<tc>} {
    %get3A = arith.constant 0 : index
    %get3A_0 = arith.constant 0 : index
    %get3A_1 = vector.load %arg0[%get3A, %get3A_0] : memref<4096x768xf32, #tpu.memory_space<vmem>>, vector<4096x768xf32>
    %get3A_2 = arith.constant 0 : index
    %get3A_3 = arith.constant 0 : index
    %get3A_4 = vector.load %arg1[%get3A_2, %get3A_3] : memref<4096x1xf32, #tpu.memory_space<vmem>>, vector<4096x1xf32>
    %mul3A = vector.broadcast %get3A_4 : vector<4096x1xf32> to vector<4096x768xf32>
    %mul3A_5 = arith.mulf %get3A_1, %mul3A : vector<4096x768xf32>
    %mul3A_6 = arith.mulf %mul3A_5, %mul3A_5 : vector<4096x768xf32>
    %reduce_sum3A = arith.constant dense<0.000000e+00> : vector<4096xf32>
    %reduce_sum3A_7 = vector.multi_reduction <add>, %mul3A_6, %reduce_sum3A [1] : vector<4096x768xf32> to vector<4096xf32>
    %broadcast_in_dim3A = vector.shape_cast %reduce_sum3A_7 : vector<4096xf32> to vector<4096x1xf32>
    %sqrt3A = math.sqrt %broadcast_in_dim3A : vector<4096x1xf32>
    %max3A = arith.constant 9.99999996E-13 : f32
    %max3A_8 = vector.broadcast %max3A : f32 to vector<4096x1xf32>
    %max3A_9 = arith.maximumf %sqrt3A, %max3A_8 : vector<4096x1xf32>
    %div3A = vector.broadcast %max3A_9 : vector<4096x1xf32> to vector<4096x768xf32>
    %div3A_10 = arith.divf %mul3A_5, %div3A : vector<4096x768xf32>
    %swap3A = arith.constant 0 : index
    %swap3A_11 = arith.constant 0 : index
    %swap3A_12 = vector.load %arg3[%swap3A, %swap3A_11] : memref<4160x768xf32, #tpu.memory_space<vmem>>, vector<4096x768xf32>
    tpu.vector_store %arg3[%swap3A, %swap3A_11], %div3A_10 {strides = array<i32>} : memref<4160x768xf32, #tpu.memory_space<vmem>>, vector<4096x768xf32>,
    %broadcast_in_dim3A_13 = arith.constant 0.000000e+00 : f32
    %broadcast_in_dim3A_14 = vector.broadcast %broadcast_in_dim3A_13 : f32 to vector<64x768xf32>
    %swap3A_15 = arith.constant 4096 : index
    %swap3A_16 = arith.constant 0 : index
    %swap3A_17 = vector.load %arg3[%swap3A_15, %swap3A_16] : memref<4160x768xf32, #tpu.memory_space<vmem>>, vector<64x768xf32>
    tpu.vector_store %arg3[%swap3A_15, %swap3A_16], %broadcast_in_dim3A_14 {strides = array<i32>} : memref<4160x768xf32, #tpu.memory_space<vmem>>, vector<64x768xf32>,
    %get3A_18 = arith.constant 0 : index
    %get3A_19 = arith.constant 0 : index
    %get3A_20 = vector.load %arg2[%get3A_18, %get3A_19] : memref<768x64xf32, #tpu.memory_space<vmem>>, vector<768x64xf32>
    %dot_general3A = arith.constant dense<0.000000e+00> : vector<4096x64xf32>
    %dot_general3A_21 = tpu.matmul %div3A_10, %get3A_20, %dot_general3A {dimension_numbers = #tpu.dot_dimension_numbers<[1], [0], [0], [1], [0, 0, 1, 1], [], []>, transpose_lhs_hint = false} : vector<4096x768xf32>, vector<768x64xf32>, vector<4096x64xf32> -> vector<4096x64xf32>
    %reduce_max3A = arith.constant dense<0xFF800000> : vector<4096xf32>
    %reduce_max3A_22 = vector.multi_reduction <maximumf>, %dot_general3A_21, %reduce_max3A [1] : vector<4096x64xf32> to vector<4096xf32>
    %broadcast_in_dim3A_23 = vector.shape_cast %reduce_max3A_22 : vector<4096xf32> to vector<4096x1xf32>
    %sub3A = vector.broadcast %broadcast_in_dim3A_23 : vector<4096x1xf32> to vector<4096x64xf32>
    %sub3A_24 = arith.subf %dot_general3A_21, %sub3A : vector<4096x64xf32>
    %exp3A = math.exp %sub3A_24 : vector<4096x64xf32>
    %reduce_sum3A_25 = arith.constant dense<0.000000e+00> : vector<4096xf32>
    %reduce_sum3A_26 = vector.multi_reduction <add>, %exp3A, %reduce_sum3A_25 [1] : vector<4096x64xf32> to vector<4096xf32>
    %broadcast_in_dim3A_27 = vector.shape_cast %reduce_sum3A_26 : vector<4096xf32> to vector<4096x1xf32>
    %div3A_28 = vector.broadcast %broadcast_in_dim3A_27 : vector<4096x1xf32> to vector<4096x64xf32>
    %div3A_29 = arith.divf %exp3A, %div3A_28 : vector<4096x64xf32>
    %reduce_max3A_30 = arith.constant dense<0xFF800000> : vector<4096xf32>
    %reduce_max3A_31 = vector.multi_reduction <maximumf>, %div3A_29, %reduce_max3A_30 [1] : vector<4096x64xf32> to vector<4096xf32>
    %broadcast_in_dim3A_32 = vector.shape_cast %reduce_max3A_31 : vector<4096xf32> to vector<4096x1xf32>
    %ge3A = vector.broadcast %broadcast_in_dim3A_32 : vector<4096x1xf32> to vector<4096x64xf32>
    %ge3A_33 = arith.cmpf oge, %div3A_29, %ge3A : vector<4096x64xf32>
    %iota3A = tpu.iota {dimensions = array<i32: 0>} : vector<64x64xi32>
    %iota3A_34 = tpu.iota {dimensions = array<i32: 1>} : vector<64x64xi32>
    %le3A = arith.cmpi sle, %iota3A, %iota3A_34 : vector<64x64xi32>
    %convert_element_type3A = arith.extui %le3A : vector<64x64xi1> to vector<64x64xi32>
    %convert_element_type3A_35 = arith.sitofp %convert_element_type3A : vector<64x64xi32> to vector<64x64xf32>
    %convert_element_type3A_36 = arith.truncf %convert_element_type3A_35 : vector<64x64xf32> to vector<64x64xbf16>
    %convert_element_type3A_37 = arith.extui %ge3A_33 : vector<4096x64xi1> to vector<4096x64xi32>
    %convert_element_type3A_38 = arith.sitofp %convert_element_type3A_37 : vector<4096x64xi32> to vector<4096x64xf32>
    %convert_element_type3A_39 = arith.truncf %convert_element_type3A_38 : vector<4096x64xf32> to vector<4096x64xbf16>
    %dot_general3A_40 = arith.constant dense<0.000000e+00> : vector<4096x64xf32>
    %dot_general3A_41 = tpu.matmul %convert_element_type3A_39, %convert_element_type3A_36, %dot_general3A_40 {dimension_numbers = #tpu.dot_dimension_numbers<[1], [0], [0], [1], [0, 0, 1, 1], [], []>, transpose_lhs_hint = false} : vector<4096x64xbf16>, vector<64x64xbf16>, vector<4096x64xf32> -> vector<4096x64xf32>
    %eq3A = arith.constant 1.000000e+00 : f32
    %eq3A_42 = vector.broadcast %eq3A : f32 to vector<4096x64xf32>
    %eq3A_43 = arith.cmpf oeq, %dot_general3A_41, %eq3A_42 : vector<4096x64xf32>
    %and3A = arith.andi %ge3A_33, %eq3A_43 : vector<4096x64xi1>
    %jit3A = arith.constant 1.000000e+00 : f32
    %jit3A_44 = arith.constant 0.000000e+00 : f32
    %broadcast_in_dim3A_45 = vector.broadcast %jit3A : f32 to vector<4096x64xf32>
    %broadcast_in_dim3A_46 = vector.broadcast %jit3A_44 : f32 to vector<4096x64xf32>
    %select_n3A = arith.select %and3A, %broadcast_in_dim3A_45, %broadcast_in_dim3A_46 : vector<4096x64xi1>, vector<4096x64xf32>
    %iota3A_47 = tpu.iota {dimensions = array<i32: 1>} : vector<1x64xi32>
    %convert_element_type3A_48 = arith.sitofp %iota3A_47 : vector<1x64xi32> to vector<1x64xf32>
    %mul3A_49 = vector.broadcast %convert_element_type3A_48 : vector<1x64xf32> to vector<4096x64xf32>
    %mul3A_50 = arith.mulf %select_n3A, %mul3A_49 : vector<4096x64xf32>
    %reduce_sum3A_51 = arith.constant dense<0.000000e+00> : vector<4096xf32>
    %reduce_sum3A_52 = vector.multi_reduction <add>, %mul3A_50, %reduce_sum3A_51 [1] : vector<4096x64xf32> to vector<4096xf32>
    %broadcast_in_dim3A_53 = vector.shape_cast %reduce_sum3A_52 : vector<4096xf32> to vector<4096x1xf32>
    %iota3A_54 = tpu.iota {dimensions = array<i32: 0>} : vector<512x512xi32>
    %iota3A_55 = tpu.iota {dimensions = array<i32: 1>} : vector<512x512xi32>
    %ge3A_56 = arith.cmpi sge, %iota3A_54, %iota3A_55 : vector<512x512xi32>
    %convert_element_type3A_57 = arith.extui %ge3A_56 : vector<512x512xi1> to vector<512x512xi32>
    %convert_element_type3A_58 = arith.sitofp %convert_element_type3A_57 : vector<512x512xi32> to vector<512x512xf32>
    %convert_element_type3A_59 = arith.truncf %convert_element_type3A_58 : vector<512x512xf32> to vector<512x512xbf16>
    %broadcast_in_dim3A_60 = arith.constant 0.000000e+00 : f32
    %broadcast_in_dim3A_61 = vector.broadcast %broadcast_in_dim3A_60 : f32 to vector<1x64xf32>
    %slice3A = vector.extract_strided_slice %select_n3A {offsets = [0, 0], sizes = [512, 64], strides = [1, 1]} : vector<4096x64xf32> to vector<512x64xf32>
    %convert_element_type3A_62 = arith.truncf %slice3A : vector<512x64xf32> to vector<512x64xbf16>
    %dot_general3A_63 = arith.constant dense<0.000000e+00> : vector<512x64xf32>
    %dot_general3A_64 = tpu.matmul %convert_element_type3A_59, %convert_element_type3A_62, %dot_general3A_63 {dimension_numbers = #tpu.dot_dimension_numbers<[1], [0], [0], [1], [0, 0, 1, 1], [], []>, transpose_lhs_hint = false} : vector<512x512xbf16>, vector<512x64xbf16>, vector<512x64xf32> -> vector<512x64xf32>
    %add3A = vector.broadcast %broadcast_in_dim3A_61 : vector<1x64xf32> to vector<512x64xf32>
    %add3A_65 = arith.addf %dot_general3A_64, %add3A : vector<512x64xf32>
    %sub3A_66 = arith.constant 1.000000e+00 : f32
    %sub3A_67 = vector.broadcast %sub3A_66 : f32 to vector<512x64xf32>
    %sub3A_68 = arith.subf %add3A_65, %sub3A_67 : vector<512x64xf32>
    %mul3A_69 = arith.mulf %sub3A_68, %slice3A : vector<512x64xf32>
    %reduce_sum3A_70 = arith.constant dense<0.000000e+00> : vector<512xf32>
    %reduce_sum3A_71 = vector.multi_reduction <add>, %mul3A_69, %reduce_sum3A_70 [1] : vector<512x64xf32> to vector<512xf32>
    %broadcast_in_dim3A_72 = vector.shape_cast %reduce_sum3A_71 : vector<512xf32> to vector<512x1xf32>
    %slice3A_73 = vector.extract_strided_slice %broadcast_in_dim3A_53 {offsets = [0, 0], sizes = [512, 1], strides = [1, 1]} : vector<4096x1xf32> to vector<512x1xf32>
    %slice3A_74 = vector.extract_strided_slice %broadcast_in_dim3A_32 {offsets = [0, 0], sizes = [512, 1], strides = [1, 1]} : vector<4096x1xf32> to vector<512x1xf32>
    %lt3A = arith.constant 8.000000e+01 : f32
    %lt3A_75 = vector.broadcast %lt3A : f32 to vector<512x1xf32>
    %lt3A_76 = arith.cmpf olt, %broadcast_in_dim3A_72, %lt3A_75 : vector<512x1xf32>
    %mul3A_77 = arith.constant 8.000000e+01 : f32
    %mul3A_78 = vector.broadcast %mul3A_77 : f32 to vector<512x1xf32>
    %mul3A_79 = arith.mulf %slice3A_73, %mul3A_78 : vector<512x1xf32>
    %min3A = arith.constant 7.900000e+01 : f32
    %min3A_80 = vector.broadcast %min3A : f32 to vector<512x1xf32>
    %min3A_81 = arith.minimumf %broadcast_in_dim3A_72, %min3A_80 : vector<512x1xf32>
    %add3A_82 = arith.addf %mul3A_79, %min3A_81 : vector<512x1xf32>
    %iota3A_83 = tpu.iota {dimensions = array<i32: 0>} : vector<512x1xi32>
    %and3A_84 = arith.constant 63 : i32
    %and3A_85 = vector.broadcast %and3A_84 : i32 to vector<512x1xi32>
    %and3A_86 = arith.andi %iota3A_83, %and3A_85 : vector<512x1xi32>
    %convert_element_type3A_87 = arith.sitofp %and3A_86 : vector<512x1xi32> to vector<512x1xf32>
    %mul3A_88 = arith.constant 8.000000e+01 : f32
    %mul3A_89 = vector.broadcast %mul3A_88 : f32 to vector<512x1xf32>
    %mul3A_90 = arith.mulf %convert_element_type3A_87, %mul3A_89 : vector<512x1xf32>
    %select_n3A_91 = arith.select %lt3A_76, %add3A_82, %mul3A_90 : vector<512x1xi1>, vector<512x1xf32>
    %convert_element_type3A_92 = arith.fptosi %select_n3A_91 : vector<512x1xf32> to vector<512x1xi32>
    %swap3A_93 = arith.constant 0 : index
    %swap3A_94 = arith.constant 0 : index
    %swap3A_95 = vector.load %arg5[%swap3A_93, %swap3A_94] : memref<4096x1xi32, #tpu.memory_space<vmem>>, vector<512x1xi32>
    tpu.vector_store %arg5[%swap3A_93, %swap3A_94], %convert_element_type3A_92 {strides = array<i32>} : memref<4096x1xi32, #tpu.memory_space<vmem>>, vector<512x1xi32>,
    %jit3A_96 = arith.constant 0.000000e+00 : f32
    %broadcast_in_dim3A_97 = vector.broadcast %jit3A_96 : f32 to vector<512x1xf32>
    %select_n3A_98 = arith.select %lt3A_76, %slice3A_74, %broadcast_in_dim3A_97 : vector<512x1xi1>, vector<512x1xf32>
    %swap3A_99 = arith.constant 0 : index
    %swap3A_100 = arith.constant 0 : index
    %swap3A_101 = vector.load %arg6[%swap3A_99, %swap3A_100] : memref<4096x1xf32, #tpu.memory_space<vmem>>, vector<512x1xf32>
    tpu.vector_store %arg6[%swap3A_99, %swap3A_100], %select_n3A_98 {strides = array<i32>} : memref<4096x1xf32, #tpu.memory_space<vmem>>, vector<512x1xf32>,
    %slice3A_102 = vector.extract_strided_slice %dot_general3A_64 {offsets = [511, 0], sizes = [1, 64], strides = [1, 1]} : vector<512x64xf32> to vector<1x64xf32>
    %add3A_103 = arith.addf %broadcast_in_dim3A_61, %slice3A_102 : vector<1x64xf32>
    %slice3A_104 = vector.extract_strided_slice %select_n3A {offsets = [512, 0], sizes = [512, 64], strides = [1, 1]} : vector<4096x64xf32> to vector<512x64xf32>
    %convert_element_type3A_105 = arith.truncf %slice3A_104 : vector<512x64xf32> to vector<512x64xbf16>
    %dot_general3A_106 = arith.constant dense<0.000000e+00> : vector<512x64xf32>
    %dot_general3A_107 = tpu.matmul %convert_element_type3A_59, %convert_element_type3A_105, %dot_general3A_106 {dimension_numbers = #tpu.dot_dimension_numbers<[1], [0], [0], [1], [0, 0, 1, 1], [], []>, transpose_lhs_hint = false} : vector<512x512xbf16>, vector<512x64xbf16>, vector<512x64xf32> -> vector<512x64xf32>
    %add3A_108 = vector.broadcast %add3A_103 : vector<1x64xf32> to vector<512x64xf32>
    %add3A_109 = arith.addf %dot_general3A_107, %add3A_108 : vector<512x64xf32>
    %sub3A_110 = arith.constant 1.000000e+00 : f32
    %sub3A_111 = vector.broadcast %sub3A_110 : f32 to vector<512x64xf32>
    %sub3A_112 = arith.subf %add3A_109, %sub3A_111 : vector<512x64xf32>
    %mul3A_113 = arith.mulf %sub3A_112, %slice3A_104 : vector<512x64xf32>
    %reduce_sum3A_114 = arith.constant dense<0.000000e+00> : vector<512xf32>
    %reduce_sum3A_115 = vector.multi_reduction <add>, %mul3A_113, %reduce_sum3A_114 [1] : vector<512x64xf32> to vector<512xf32>
    %broadcast_in_dim3A_116 = vector.shape_cast %reduce_sum3A_115 : vector<512xf32> to vector<512x1xf32>
    %slice3A_117 = vector.extract_strided_slice %broadcast_in_dim3A_53 {offsets = [512, 0], sizes = [512, 1], strides = [1, 1]} : vector<4096x1xf32> to vector<512x1xf32>
    %slice3A_118 = vector.extract_strided_slice %broadcast_in_dim3A_32 {offsets = [512, 0], sizes = [512, 1], strides = [1, 1]} : vector<4096x1xf32> to vector<512x1xf32>
    %lt3A_119 = arith.constant 8.000000e+01 : f32
    %lt3A_120 = vector.broadcast %lt3A_119 : f32 to vector<512x1xf32>
    %lt3A_121 = arith.cmpf olt, %broadcast_in_dim3A_116, %lt3A_120 : vector<512x1xf32>
    %mul3A_122 = arith.constant 8.000000e+01 : f32
    %mul3A_123 = vector.broadcast %mul3A_122 : f32 to vector<512x1xf32>
    %mul3A_124 = arith.mulf %slice3A_117, %mul3A_123 : vector<512x1xf32>
    %min3A_125 = arith.constant 7.900000e+01 : f32
    %min3A_126 = vector.broadcast %min3A_125 : f32 to vector<512x1xf32>
    %min3A_127 = arith.minimumf %broadcast_in_dim3A_116, %min3A_126 : vector<512x1xf32>
    %add3A_128 = arith.addf %mul3A_124, %min3A_127 : vector<512x1xf32>
    %iota3A_129 = tpu.iota {dimensions = array<i32: 0>} : vector<512x1xi32>
    %and3A_130 = arith.constant 63 : i32
    %and3A_131 = vector.broadcast %and3A_130 : i32 to vector<512x1xi32>
    %and3A_132 = arith.andi %iota3A_129, %and3A_131 : vector<512x1xi32>
    %convert_element_type3A_133 = arith.sitofp %and3A_132 : vector<512x1xi32> to vector<512x1xf32>
    %mul3A_134 = arith.constant 8.000000e+01 : f32
    %mul3A_135 = vector.broadcast %mul3A_134 : f32 to vector<512x1xf32>
    %mul3A_136 = arith.mulf %convert_element_type3A_133, %mul3A_135 : vector<512x1xf32>
    %select_n3A_137 = arith.select %lt3A_121, %add3A_128, %mul3A_136 : vector<512x1xi1>, vector<512x1xf32>
    %convert_element_type3A_138 = arith.fptosi %select_n3A_137 : vector<512x1xf32> to vector<512x1xi32>
    %swap3A_139 = arith.constant 512 : index
    %swap3A_140 = arith.constant 0 : index
    %swap3A_141 = vector.load %arg5[%swap3A_139, %swap3A_140] : memref<4096x1xi32, #tpu.memory_space<vmem>>, vector<512x1xi32>
    tpu.vector_store %arg5[%swap3A_139, %swap3A_140], %convert_element_type3A_138 {strides = array<i32>} : memref<4096x1xi32, #tpu.memory_space<vmem>>, vector<512x1xi32>,
    %jit3A_142 = arith.constant 0.000000e+00 : f32
    %broadcast_in_dim3A_143 = vector.broadcast %jit3A_142 : f32 to vector<512x1xf32>
    %select_n3A_144 = arith.select %lt3A_121, %slice3A_118, %broadcast_in_dim3A_143 : vector<512x1xi1>, vector<512x1xf32>
    %swap3A_145 = arith.constant 512 : index
    %swap3A_146 = arith.constant 0 : index
    %swap3A_147 = vector.load %arg6[%swap3A_145, %swap3A_146] : memref<4096x1xf32, #tpu.memory_space<vmem>>, vector<512x1xf32>
    tpu.vector_store %arg6[%swap3A_145, %swap3A_146], %select_n3A_144 {strides = array<i32>} : memref<4096x1xf32, #tpu.memory_space<vmem>>, vector<512x1xf32>,
    %slice3A_148 = vector.extract_strided_slice %dot_general3A_107 {offsets = [511, 0], sizes = [1, 64], strides = [1, 1]} : vector<512x64xf32> to vector<1x64xf32>
    %add3A_149 = arith.addf %add3A_103, %slice3A_148 : vector<1x64xf32>
    %slice3A_150 = vector.extract_strided_slice %select_n3A {offsets = [1024, 0], sizes = [512, 64], strides = [1, 1]} : vector<4096x64xf32> to vector<512x64xf32>
    %convert_element_type3A_151 = arith.truncf %slice3A_150 : vector<512x64xf32> to vector<512x64xbf16>
    %dot_general3A_152 = arith.constant dense<0.000000e+00> : vector<512x64xf32>
    %dot_general3A_153 = tpu.matmul %convert_element_type3A_59, %convert_element_type3A_151, %dot_general3A_152 {dimension_numbers = #tpu.dot_dimension_numbers<[1], [0], [0], [1], [0, 0, 1, 1], [], []>, transpose_lhs_hint = false} : vector<512x512xbf16>, vector<512x64xbf16>, vector<512x64xf32> -> vector<512x64xf32>
    %add3A_154 = vector.broadcast %add3A_149 : vector<1x64xf32> to vector<512x64xf32>
    %add3A_155 = arith.addf %dot_general3A_153, %add3A_154 : vector<512x64xf32>
    %sub3A_156 = arith.constant 1.000000e+00 : f32
    %sub3A_157 = vector.broadcast %sub3A_156 : f32 to vector<512x64xf32>
    %sub3A_158 = arith.subf %add3A_155, %sub3A_157 : vector<512x64xf32>
    %mul3A_159 = arith.mulf %sub3A_158, %slice3A_150 : vector<512x64xf32>
    %reduce_sum3A_160 = arith.constant dense<0.000000e+00> : vector<512xf32>
    %reduce_sum3A_161 = vector.multi_reduction <add>, %mul3A_159, %reduce_sum3A_160 [1] : vector<512x64xf32> to vector<512xf32>
    %broadcast_in_dim3A_162 = vector.shape_cast %reduce_sum3A_161 : vector<512xf32> to vector<512x1xf32>
    %slice3A_163 = vector.extract_strided_slice %broadcast_in_dim3A_53 {offsets = [1024, 0], sizes = [512, 1], strides = [1, 1]} : vector<4096x1xf32> to vector<512x1xf32>
    %slice3A_164 = vector.extract_strided_slice %broadcast_in_dim3A_32 {offsets = [1024, 0], sizes = [512, 1], strides = [1, 1]} : vector<4096x1xf32> to vector<512x1xf32>
    %lt3A_165 = arith.constant 8.000000e+01 : f32
    %lt3A_166 = vector.broadcast %lt3A_165 : f32 to vector<512x1xf32>
    %lt3A_167 = arith.cmpf olt, %broadcast_in_dim3A_162, %lt3A_166 : vector<512x1xf32>
    %mul3A_168 = arith.constant 8.000000e+01 : f32
    %mul3A_169 = vector.broadcast %mul3A_168 : f32 to vector<512x1xf32>
    %mul3A_170 = arith.mulf %slice3A_163, %mul3A_169 : vector<512x1xf32>
    %min3A_171 = arith.constant 7.900000e+01 : f32
    %min3A_172 = vector.broadcast %min3A_171 : f32 to vector<512x1xf32>
    %min3A_173 = arith.minimumf %broadcast_in_dim3A_162, %min3A_172 : vector<512x1xf32>
    %add3A_174 = arith.addf %mul3A_170, %min3A_173 : vector<512x1xf32>
    %iota3A_175 = tpu.iota {dimensions = array<i32: 0>} : vector<512x1xi32>
    %and3A_176 = arith.constant 63 : i32
    %and3A_177 = vector.broadcast %and3A_176 : i32 to vector<512x1xi32>
    %and3A_178 = arith.andi %iota3A_175, %and3A_177 : vector<512x1xi32>
    %convert_element_type3A_179 = arith.sitofp %and3A_178 : vector<512x1xi32> to vector<512x1xf32>
    %mul3A_180 = arith.constant 8.000000e+01 : f32
    %mul3A_181 = vector.broadcast %mul3A_180 : f32 to vector<512x1xf32>
    %mul3A_182 = arith.mulf %convert_element_type3A_179, %mul3A_181 : vector<512x1xf32>
    %select_n3A_183 = arith.select %lt3A_167, %add3A_174, %mul3A_182 : vector<512x1xi1>, vector<512x1xf32>
    %convert_element_type3A_184 = arith.fptosi %select_n3A_183 : vector<512x1xf32> to vector<512x1xi32>
    %swap3A_185 = arith.constant 1024 : index
    %swap3A_186 = arith.constant 0 : index
    %swap3A_187 = vector.load %arg5[%swap3A_185, %swap3A_186] : memref<4096x1xi32, #tpu.memory_space<vmem>>, vector<512x1xi32>
    tpu.vector_store %arg5[%swap3A_185, %swap3A_186], %convert_element_type3A_184 {strides = array<i32>} : memref<4096x1xi32, #tpu.memory_space<vmem>>, vector<512x1xi32>,
    %jit3A_188 = arith.constant 0.000000e+00 : f32
    %broadcast_in_dim3A_189 = vector.broadcast %jit3A_188 : f32 to vector<512x1xf32>
    %select_n3A_190 = arith.select %lt3A_167, %slice3A_164, %broadcast_in_dim3A_189 : vector<512x1xi1>, vector<512x1xf32>
    %swap3A_191 = arith.constant 1024 : index
    %swap3A_192 = arith.constant 0 : index
    %swap3A_193 = vector.load %arg6[%swap3A_191, %swap3A_192] : memref<4096x1xf32, #tpu.memory_space<vmem>>, vector<512x1xf32>
    tpu.vector_store %arg6[%swap3A_191, %swap3A_192], %select_n3A_190 {strides = array<i32>} : memref<4096x1xf32, #tpu.memory_space<vmem>>, vector<512x1xf32>,
    %slice3A_194 = vector.extract_strided_slice %dot_general3A_153 {offsets = [511, 0], sizes = [1, 64], strides = [1, 1]} : vector<512x64xf32> to vector<1x64xf32>
    %add3A_195 = arith.addf %add3A_149, %slice3A_194 : vector<1x64xf32>
    %slice3A_196 = vector.extract_strided_slice %select_n3A {offsets = [1536, 0], sizes = [512, 64], strides = [1, 1]} : vector<4096x64xf32> to vector<512x64xf32>
    %convert_element_type3A_197 = arith.truncf %slice3A_196 : vector<512x64xf32> to vector<512x64xbf16>
    %dot_general3A_198 = arith.constant dense<0.000000e+00> : vector<512x64xf32>
    %dot_general3A_199 = tpu.matmul %convert_element_type3A_59, %convert_element_type3A_197, %dot_general3A_198 {dimension_numbers = #tpu.dot_dimension_numbers<[1], [0], [0], [1], [0, 0, 1, 1], [], []>, transpose_lhs_hint = false} : vector<512x512xbf16>, vector<512x64xbf16>, vector<512x64xf32> -> vector<512x64xf32>
    %add3A_200 = vector.broadcast %add3A_195 : vector<1x64xf32> to vector<512x64xf32>
    %add3A_201 = arith.addf %dot_general3A_199, %add3A_200 : vector<512x64xf32>
    %sub3A_202 = arith.constant 1.000000e+00 : f32
    %sub3A_203 = vector.broadcast %sub3A_202 : f32 to vector<512x64xf32>
    %sub3A_204 = arith.subf %add3A_201, %sub3A_203 : vector<512x64xf32>
    %mul3A_205 = arith.mulf %sub3A_204, %slice3A_196 : vector<512x64xf32>
    %reduce_sum3A_206 = arith.constant dense<0.000000e+00> : vector<512xf32>
    %reduce_sum3A_207 = vector.multi_reduction <add>, %mul3A_205, %reduce_sum3A_206 [1] : vector<512x64xf32> to vector<512xf32>
    %broadcast_in_dim3A_208 = vector.shape_cast %reduce_sum3A_207 : vector<512xf32> to vector<512x1xf32>
    %slice3A_209 = vector.extract_strided_slice %broadcast_in_dim3A_53 {offsets = [1536, 0], sizes = [512, 1], strides = [1, 1]} : vector<4096x1xf32> to vector<512x1xf32>
    %slice3A_210 = vector.extract_strided_slice %broadcast_in_dim3A_32 {offsets = [1536, 0], sizes = [512, 1], strides = [1, 1]} : vector<4096x1xf32> to vector<512x1xf32>
    %lt3A_211 = arith.constant 8.000000e+01 : f32
    %lt3A_212 = vector.broadcast %lt3A_211 : f32 to vector<512x1xf32>
    %lt3A_213 = arith.cmpf olt, %broadcast_in_dim3A_208, %lt3A_212 : vector<512x1xf32>
    %mul3A_214 = arith.constant 8.000000e+01 : f32
    %mul3A_215 = vector.broadcast %mul3A_214 : f32 to vector<512x1xf32>
    %mul3A_216 = arith.mulf %slice3A_209, %mul3A_215 : vector<512x1xf32>
    %min3A_217 = arith.constant 7.900000e+01 : f32
    %min3A_218 = vector.broadcast %min3A_217 : f32 to vector<512x1xf32>
    %min3A_219 = arith.minimumf %broadcast_in_dim3A_208, %min3A_218 : vector<512x1xf32>
    %add3A_220 = arith.addf %mul3A_216, %min3A_219 : vector<512x1xf32>
    %iota3A_221 = tpu.iota {dimensions = array<i32: 0>} : vector<512x1xi32>
    %and3A_222 = arith.constant 63 : i32
    %and3A_223 = vector.broadcast %and3A_222 : i32 to vector<512x1xi32>
    %and3A_224 = arith.andi %iota3A_221, %and3A_223 : vector<512x1xi32>
    %convert_element_type3A_225 = arith.sitofp %and3A_224 : vector<512x1xi32> to vector<512x1xf32>
    %mul3A_226 = arith.constant 8.000000e+01 : f32
    %mul3A_227 = vector.broadcast %mul3A_226 : f32 to vector<512x1xf32>
    %mul3A_228 = arith.mulf %convert_element_type3A_225, %mul3A_227 : vector<512x1xf32>
    %select_n3A_229 = arith.select %lt3A_213, %add3A_220, %mul3A_228 : vector<512x1xi1>, vector<512x1xf32>
    %convert_element_type3A_230 = arith.fptosi %select_n3A_229 : vector<512x1xf32> to vector<512x1xi32>
    %swap3A_231 = arith.constant 1536 : index
    %swap3A_232 = arith.constant 0 : index
    %swap3A_233 = vector.load %arg5[%swap3A_231, %swap3A_232] : memref<4096x1xi32, #tpu.memory_space<vmem>>, vector<512x1xi32>
    tpu.vector_store %arg5[%swap3A_231, %swap3A_232], %convert_element_type3A_230 {strides = array<i32>} : memref<4096x1xi32, #tpu.memory_space<vmem>>, vector<512x1xi32>,
    %jit3A_234 = arith.constant 0.000000e+00 : f32
    %broadcast_in_dim3A_235 = vector.broadcast %jit3A_234 : f32 to vector<512x1xf32>
    %select_n3A_236 = arith.select %lt3A_213, %slice3A_210, %broadcast_in_dim3A_235 : vector<512x1xi1>, vector<512x1xf32>
    %swap3A_237 = arith.constant 1536 : index
    %swap3A_238 = arith.constant 0 : index
    %swap3A_239 = vector.load %arg6[%swap3A_237, %swap3A_238] : memref<4096x1xf32, #tpu.memory_space<vmem>>, vector<512x1xf32>
    tpu.vector_store %arg6[%swap3A_237, %swap3A_238], %select_n3A_236 {strides = array<i32>} : memref<4096x1xf32, #tpu.memory_space<vmem>>, vector<512x1xf32>,
    %slice3A_240 = vector.extract_strided_slice %dot_general3A_199 {offsets = [511, 0], sizes = [1, 64], strides = [1, 1]} : vector<512x64xf32> to vector<1x64xf32>
    %add3A_241 = arith.addf %add3A_195, %slice3A_240 : vector<1x64xf32>
    %slice3A_242 = vector.extract_strided_slice %select_n3A {offsets = [2048, 0], sizes = [512, 64], strides = [1, 1]} : vector<4096x64xf32> to vector<512x64xf32>
    %convert_element_type3A_243 = arith.truncf %slice3A_242 : vector<512x64xf32> to vector<512x64xbf16>
    %dot_general3A_244 = arith.constant dense<0.000000e+00> : vector<512x64xf32>
    %dot_general3A_245 = tpu.matmul %convert_element_type3A_59, %convert_element_type3A_243, %dot_general3A_244 {dimension_numbers = #tpu.dot_dimension_numbers<[1], [0], [0], [1], [0, 0, 1, 1], [], []>, transpose_lhs_hint = false} : vector<512x512xbf16>, vector<512x64xbf16>, vector<512x64xf32> -> vector<512x64xf32>
    %add3A_246 = vector.broadcast %add3A_241 : vector<1x64xf32> to vector<512x64xf32>
    %add3A_247 = arith.addf %dot_general3A_245, %add3A_246 : vector<512x64xf32>
    %sub3A_248 = arith.constant 1.000000e+00 : f32
    %sub3A_249 = vector.broadcast %sub3A_248 : f32 to vector<512x64xf32>
    %sub3A_250 = arith.subf %add3A_247, %sub3A_249 : vector<512x64xf32>
    %mul3A_251 = arith.mulf %sub3A_250, %slice3A_242 : vector<512x64xf32>
    %reduce_sum3A_252 = arith.constant dense<0.000000e+00> : vector<512xf32>
    %reduce_sum3A_253 = vector.multi_reduction <add>, %mul3A_251, %reduce_sum3A_252 [1] : vector<512x64xf32> to vector<512xf32>
    %broadcast_in_dim3A_254 = vector.shape_cast %reduce_sum3A_253 : vector<512xf32> to vector<512x1xf32>
    %slice3A_255 = vector.extract_strided_slice %broadcast_in_dim3A_53 {offsets = [2048, 0], sizes = [512, 1], strides = [1, 1]} : vector<4096x1xf32> to vector<512x1xf32>
    %slice3A_256 = vector.extract_strided_slice %broadcast_in_dim3A_32 {offsets = [2048, 0], sizes = [512, 1], strides = [1, 1]} : vector<4096x1xf32> to vector<512x1xf32>
    %lt3A_257 = arith.constant 8.000000e+01 : f32
    %lt3A_258 = vector.broadcast %lt3A_257 : f32 to vector<512x1xf32>
    %lt3A_259 = arith.cmpf olt, %broadcast_in_dim3A_254, %lt3A_258 : vector<512x1xf32>
    %mul3A_260 = arith.constant 8.000000e+01 : f32
    %mul3A_261 = vector.broadcast %mul3A_260 : f32 to vector<512x1xf32>
    %mul3A_262 = arith.mulf %slice3A_255, %mul3A_261 : vector<512x1xf32>
    %min3A_263 = arith.constant 7.900000e+01 : f32
    %min3A_264 = vector.broadcast %min3A_263 : f32 to vector<512x1xf32>
    %min3A_265 = arith.minimumf %broadcast_in_dim3A_254, %min3A_264 : vector<512x1xf32>
    %add3A_266 = arith.addf %mul3A_262, %min3A_265 : vector<512x1xf32>
    %iota3A_267 = tpu.iota {dimensions = array<i32: 0>} : vector<512x1xi32>
    %and3A_268 = arith.constant 63 : i32
    %and3A_269 = vector.broadcast %and3A_268 : i32 to vector<512x1xi32>
    %and3A_270 = arith.andi %iota3A_267, %and3A_269 : vector<512x1xi32>
    %convert_element_type3A_271 = arith.sitofp %and3A_270 : vector<512x1xi32> to vector<512x1xf32>
    %mul3A_272 = arith.constant 8.000000e+01 : f32
    %mul3A_273 = vector.broadcast %mul3A_272 : f32 to vector<512x1xf32>
    %mul3A_274 = arith.mulf %convert_element_type3A_271, %mul3A_273 : vector<512x1xf32>
    %select_n3A_275 = arith.select %lt3A_259, %add3A_266, %mul3A_274 : vector<512x1xi1>, vector<512x1xf32>
    %convert_element_type3A_276 = arith.fptosi %select_n3A_275 : vector<512x1xf32> to vector<512x1xi32>
    %swap3A_277 = arith.constant 2048 : index
    %swap3A_278 = arith.constant 0 : index
    %swap3A_279 = vector.load %arg5[%swap3A_277, %swap3A_278] : memref<4096x1xi32, #tpu.memory_space<vmem>>, vector<512x1xi32>
    tpu.vector_store %arg5[%swap3A_277, %swap3A_278], %convert_element_type3A_276 {strides = array<i32>} : memref<4096x1xi32, #tpu.memory_space<vmem>>, vector<512x1xi32>,
    %jit3A_280 = arith.constant 0.000000e+00 : f32
    %broadcast_in_dim3A_281 = vector.broadcast %jit3A_280 : f32 to vector<512x1xf32>
    %select_n3A_282 = arith.select %lt3A_259, %slice3A_256, %broadcast_in_dim3A_281 : vector<512x1xi1>, vector<512x1xf32>
    %swap3A_283 = arith.constant 2048 : index
    %swap3A_284 = arith.constant 0 : index
    %swap3A_285 = vector.load %arg6[%swap3A_283, %swap3A_284] : memref<4096x1xf32, #tpu.memory_space<vmem>>, vector<512x1xf32>
    tpu.vector_store %arg6[%swap3A_283, %swap3A_284], %select_n3A_282 {strides = array<i32>} : memref<4096x1xf32, #tpu.memory_space<vmem>>, vector<512x1xf32>,
    %slice3A_286 = vector.extract_strided_slice %dot_general3A_245 {offsets = [511, 0], sizes = [1, 64], strides = [1, 1]} : vector<512x64xf32> to vector<1x64xf32>
    %add3A_287 = arith.addf %add3A_241, %slice3A_286 : vector<1x64xf32>
    %slice3A_288 = vector.extract_strided_slice %select_n3A {offsets = [2560, 0], sizes = [512, 64], strides = [1, 1]} : vector<4096x64xf32> to vector<512x64xf32>
    %convert_element_type3A_289 = arith.truncf %slice3A_288 : vector<512x64xf32> to vector<512x64xbf16>
    %dot_general3A_290 = arith.constant dense<0.000000e+00> : vector<512x64xf32>
    %dot_general3A_291 = tpu.matmul %convert_element_type3A_59, %convert_element_type3A_289, %dot_general3A_290 {dimension_numbers = #tpu.dot_dimension_numbers<[1], [0], [0], [1], [0, 0, 1, 1], [], []>, transpose_lhs_hint = false} : vector<512x512xbf16>, vector<512x64xbf16>, vector<512x64xf32> -> vector<512x64xf32>
    %add3A_292 = vector.broadcast %add3A_287 : vector<1x64xf32> to vector<512x64xf32>
    %add3A_293 = arith.addf %dot_general3A_291, %add3A_292 : vector<512x64xf32>
    %sub3A_294 = arith.constant 1.000000e+00 : f32
    %sub3A_295 = vector.broadcast %sub3A_294 : f32 to vector<512x64xf32>
    %sub3A_296 = arith.subf %add3A_293, %sub3A_295 : vector<512x64xf32>
    %mul3A_297 = arith.mulf %sub3A_296, %slice3A_288 : vector<512x64xf32>
    %reduce_sum3A_298 = arith.constant dense<0.000000e+00> : vector<512xf32>
    %reduce_sum3A_299 = vector.multi_reduction <add>, %mul3A_297, %reduce_sum3A_298 [1] : vector<512x64xf32> to vector<512xf32>
    %broadcast_in_dim3A_300 = vector.shape_cast %reduce_sum3A_299 : vector<512xf32> to vector<512x1xf32>
    %slice3A_301 = vector.extract_strided_slice %broadcast_in_dim3A_53 {offsets = [2560, 0], sizes = [512, 1], strides = [1, 1]} : vector<4096x1xf32> to vector<512x1xf32>
    %slice3A_302 = vector.extract_strided_slice %broadcast_in_dim3A_32 {offsets = [2560, 0], sizes = [512, 1], strides = [1, 1]} : vector<4096x1xf32> to vector<512x1xf32>
    %lt3A_303 = arith.constant 8.000000e+01 : f32
    %lt3A_304 = vector.broadcast %lt3A_303 : f32 to vector<512x1xf32>
    %lt3A_305 = arith.cmpf olt, %broadcast_in_dim3A_300, %lt3A_304 : vector<512x1xf32>
    %mul3A_306 = arith.constant 8.000000e+01 : f32
    %mul3A_307 = vector.broadcast %mul3A_306 : f32 to vector<512x1xf32>
    %mul3A_308 = arith.mulf %slice3A_301, %mul3A_307 : vector<512x1xf32>
    %min3A_309 = arith.constant 7.900000e+01 : f32
    %min3A_310 = vector.broadcast %min3A_309 : f32 to vector<512x1xf32>
    %min3A_311 = arith.minimumf %broadcast_in_dim3A_300, %min3A_310 : vector<512x1xf32>
    %add3A_312 = arith.addf %mul3A_308, %min3A_311 : vector<512x1xf32>
    %iota3A_313 = tpu.iota {dimensions = array<i32: 0>} : vector<512x1xi32>
    %and3A_314 = arith.constant 63 : i32
    %and3A_315 = vector.broadcast %and3A_314 : i32 to vector<512x1xi32>
    %and3A_316 = arith.andi %iota3A_313, %and3A_315 : vector<512x1xi32>
    %convert_element_type3A_317 = arith.sitofp %and3A_316 : vector<512x1xi32> to vector<512x1xf32>
    %mul3A_318 = arith.constant 8.000000e+01 : f32
    %mul3A_319 = vector.broadcast %mul3A_318 : f32 to vector<512x1xf32>
    %mul3A_320 = arith.mulf %convert_element_type3A_317, %mul3A_319 : vector<512x1xf32>
    %select_n3A_321 = arith.select %lt3A_305, %add3A_312, %mul3A_320 : vector<512x1xi1>, vector<512x1xf32>
    %convert_element_type3A_322 = arith.fptosi %select_n3A_321 : vector<512x1xf32> to vector<512x1xi32>
    %swap3A_323 = arith.constant 2560 : index
    %swap3A_324 = arith.constant 0 : index
    %swap3A_325 = vector.load %arg5[%swap3A_323, %swap3A_324] : memref<4096x1xi32, #tpu.memory_space<vmem>>, vector<512x1xi32>
    tpu.vector_store %arg5[%swap3A_323, %swap3A_324], %convert_element_type3A_322 {strides = array<i32>} : memref<4096x1xi32, #tpu.memory_space<vmem>>, vector<512x1xi32>,
    %jit3A_326 = arith.constant 0.000000e+00 : f32
    %broadcast_in_dim3A_327 = vector.broadcast %jit3A_326 : f32 to vector<512x1xf32>
    %select_n3A_328 = arith.select %lt3A_305, %slice3A_302, %broadcast_in_dim3A_327 : vector<512x1xi1>, vector<512x1xf32>
    %swap3A_329 = arith.constant 2560 : index
    %swap3A_330 = arith.constant 0 : index
    %swap3A_331 = vector.load %arg6[%swap3A_329, %swap3A_330] : memref<4096x1xf32, #tpu.memory_space<vmem>>, vector<512x1xf32>
    tpu.vector_store %arg6[%swap3A_329, %swap3A_330], %select_n3A_328 {strides = array<i32>} : memref<4096x1xf32, #tpu.memory_space<vmem>>, vector<512x1xf32>,
    %slice3A_332 = vector.extract_strided_slice %dot_general3A_291 {offsets = [511, 0], sizes = [1, 64], strides = [1, 1]} : vector<512x64xf32> to vector<1x64xf32>
    %add3A_333 = arith.addf %add3A_287, %slice3A_332 : vector<1x64xf32>
    %slice3A_334 = vector.extract_strided_slice %select_n3A {offsets = [3072, 0], sizes = [512, 64], strides = [1, 1]} : vector<4096x64xf32> to vector<512x64xf32>
    %convert_element_type3A_335 = arith.truncf %slice3A_334 : vector<512x64xf32> to vector<512x64xbf16>
    %dot_general3A_336 = arith.constant dense<0.000000e+00> : vector<512x64xf32>
    %dot_general3A_337 = tpu.matmul %convert_element_type3A_59, %convert_element_type3A_335, %dot_general3A_336 {dimension_numbers = #tpu.dot_dimension_numbers<[1], [0], [0], [1], [0, 0, 1, 1], [], []>, transpose_lhs_hint = false} : vector<512x512xbf16>, vector<512x64xbf16>, vector<512x64xf32> -> vector<512x64xf32>
    %add3A_338 = vector.broadcast %add3A_333 : vector<1x64xf32> to vector<512x64xf32>
    %add3A_339 = arith.addf %dot_general3A_337, %add3A_338 : vector<512x64xf32>
    %sub3A_340 = arith.constant 1.000000e+00 : f32
    %sub3A_341 = vector.broadcast %sub3A_340 : f32 to vector<512x64xf32>
    %sub3A_342 = arith.subf %add3A_339, %sub3A_341 : vector<512x64xf32>
    %mul3A_343 = arith.mulf %sub3A_342, %slice3A_334 : vector<512x64xf32>
    %reduce_sum3A_344 = arith.constant dense<0.000000e+00> : vector<512xf32>
    %reduce_sum3A_345 = vector.multi_reduction <add>, %mul3A_343, %reduce_sum3A_344 [1] : vector<512x64xf32> to vector<512xf32>
    %broadcast_in_dim3A_346 = vector.shape_cast %reduce_sum3A_345 : vector<512xf32> to vector<512x1xf32>
    %slice3A_347 = vector.extract_strided_slice %broadcast_in_dim3A_53 {offsets = [3072, 0], sizes = [512, 1], strides = [1, 1]} : vector<4096x1xf32> to vector<512x1xf32>
    %slice3A_348 = vector.extract_strided_slice %broadcast_in_dim3A_32 {offsets = [3072, 0], sizes = [512, 1], strides = [1, 1]} : vector<4096x1xf32> to vector<512x1xf32>
    %lt3A_349 = arith.constant 8.000000e+01 : f32
    %lt3A_350 = vector.broadcast %lt3A_349 : f32 to vector<512x1xf32>
    %lt3A_351 = arith.cmpf olt, %broadcast_in_dim3A_346, %lt3A_350 : vector<512x1xf32>
    %mul3A_352 = arith.constant 8.000000e+01 : f32
    %mul3A_353 = vector.broadcast %mul3A_352 : f32 to vector<512x1xf32>
    %mul3A_354 = arith.mulf %slice3A_347, %mul3A_353 : vector<512x1xf32>
    %min3A_355 = arith.constant 7.900000e+01 : f32
    %min3A_356 = vector.broadcast %min3A_355 : f32 to vector<512x1xf32>
    %min3A_357 = arith.minimumf %broadcast_in_dim3A_346, %min3A_356 : vector<512x1xf32>
    %add3A_358 = arith.addf %mul3A_354, %min3A_357 : vector<512x1xf32>
    %iota3A_359 = tpu.iota {dimensions = array<i32: 0>} : vector<512x1xi32>
    %and3A_360 = arith.constant 63 : i32
    %and3A_361 = vector.broadcast %and3A_360 : i32 to vector<512x1xi32>
    %and3A_362 = arith.andi %iota3A_359, %and3A_361 : vector<512x1xi32>
    %convert_element_type3A_363 = arith.sitofp %and3A_362 : vector<512x1xi32> to vector<512x1xf32>
    %mul3A_364 = arith.constant 8.000000e+01 : f32
    %mul3A_365 = vector.broadcast %mul3A_364 : f32 to vector<512x1xf32>
    %mul3A_366 = arith.mulf %convert_element_type3A_363, %mul3A_365 : vector<512x1xf32>
    %select_n3A_367 = arith.select %lt3A_351, %add3A_358, %mul3A_366 : vector<512x1xi1>, vector<512x1xf32>
    %convert_element_type3A_368 = arith.fptosi %select_n3A_367 : vector<512x1xf32> to vector<512x1xi32>
    %swap3A_369 = arith.constant 3072 : index
    %swap3A_370 = arith.constant 0 : index
    %swap3A_371 = vector.load %arg5[%swap3A_369, %swap3A_370] : memref<4096x1xi32, #tpu.memory_space<vmem>>, vector<512x1xi32>
    tpu.vector_store %arg5[%swap3A_369, %swap3A_370], %convert_element_type3A_368 {strides = array<i32>} : memref<4096x1xi32, #tpu.memory_space<vmem>>, vector<512x1xi32>,
    %jit3A_372 = arith.constant 0.000000e+00 : f32
    %broadcast_in_dim3A_373 = vector.broadcast %jit3A_372 : f32 to vector<512x1xf32>
    %select_n3A_374 = arith.select %lt3A_351, %slice3A_348, %broadcast_in_dim3A_373 : vector<512x1xi1>, vector<512x1xf32>
    %swap3A_375 = arith.constant 3072 : index
    %swap3A_376 = arith.constant 0 : index
    %swap3A_377 = vector.load %arg6[%swap3A_375, %swap3A_376] : memref<4096x1xf32, #tpu.memory_space<vmem>>, vector<512x1xf32>
    tpu.vector_store %arg6[%swap3A_375, %swap3A_376], %select_n3A_374 {strides = array<i32>} : memref<4096x1xf32, #tpu.memory_space<vmem>>, vector<512x1xf32>,
    %slice3A_378 = vector.extract_strided_slice %dot_general3A_337 {offsets = [511, 0], sizes = [1, 64], strides = [1, 1]} : vector<512x64xf32> to vector<1x64xf32>
    %add3A_379 = arith.addf %add3A_333, %slice3A_378 : vector<1x64xf32>
    %slice3A_380 = vector.extract_strided_slice %select_n3A {offsets = [3584, 0], sizes = [512, 64], strides = [1, 1]} : vector<4096x64xf32> to vector<512x64xf32>
    %convert_element_type3A_381 = arith.truncf %slice3A_380 : vector<512x64xf32> to vector<512x64xbf16>
    %dot_general3A_382 = arith.constant dense<0.000000e+00> : vector<512x64xf32>
    %dot_general3A_383 = tpu.matmul %convert_element_type3A_59, %convert_element_type3A_381, %dot_general3A_382 {dimension_numbers = #tpu.dot_dimension_numbers<[1], [0], [0], [1], [0, 0, 1, 1], [], []>, transpose_lhs_hint = false} : vector<512x512xbf16>, vector<512x64xbf16>, vector<512x64xf32> -> vector<512x64xf32>
    %add3A_384 = vector.broadcast %add3A_379 : vector<1x64xf32> to vector<512x64xf32>
    %add3A_385 = arith.addf %dot_general3A_383, %add3A_384 : vector<512x64xf32>
    %sub3A_386 = arith.constant 1.000000e+00 : f32
    %sub3A_387 = vector.broadcast %sub3A_386 : f32 to vector<512x64xf32>
    %sub3A_388 = arith.subf %add3A_385, %sub3A_387 : vector<512x64xf32>
    %mul3A_389 = arith.mulf %sub3A_388, %slice3A_380 : vector<512x64xf32>
    %reduce_sum3A_390 = arith.constant dense<0.000000e+00> : vector<512xf32>
    %reduce_sum3A_391 = vector.multi_reduction <add>, %mul3A_389, %reduce_sum3A_390 [1] : vector<512x64xf32> to vector<512xf32>
    %broadcast_in_dim3A_392 = vector.shape_cast %reduce_sum3A_391 : vector<512xf32> to vector<512x1xf32>
    %slice3A_393 = vector.extract_strided_slice %broadcast_in_dim3A_53 {offsets = [3584, 0], sizes = [512, 1], strides = [1, 1]} : vector<4096x1xf32> to vector<512x1xf32>
    %slice3A_394 = vector.extract_strided_slice %broadcast_in_dim3A_32 {offsets = [3584, 0], sizes = [512, 1], strides = [1, 1]} : vector<4096x1xf32> to vector<512x1xf32>
    %lt3A_395 = arith.constant 8.000000e+01 : f32
    %lt3A_396 = vector.broadcast %lt3A_395 : f32 to vector<512x1xf32>
    %lt3A_397 = arith.cmpf olt, %broadcast_in_dim3A_392, %lt3A_396 : vector<512x1xf32>
    %mul3A_398 = arith.constant 8.000000e+01 : f32
    %mul3A_399 = vector.broadcast %mul3A_398 : f32 to vector<512x1xf32>
    %mul3A_400 = arith.mulf %slice3A_393, %mul3A_399 : vector<512x1xf32>
    %min3A_401 = arith.constant 7.900000e+01 : f32
    %min3A_402 = vector.broadcast %min3A_401 : f32 to vector<512x1xf32>
    %min3A_403 = arith.minimumf %broadcast_in_dim3A_392, %min3A_402 : vector<512x1xf32>
    %add3A_404 = arith.addf %mul3A_400, %min3A_403 : vector<512x1xf32>
    %iota3A_405 = tpu.iota {dimensions = array<i32: 0>} : vector<512x1xi32>
    %and3A_406 = arith.constant 63 : i32
    %and3A_407 = vector.broadcast %and3A_406 : i32 to vector<512x1xi32>
    %and3A_408 = arith.andi %iota3A_405, %and3A_407 : vector<512x1xi32>
    %convert_element_type3A_409 = arith.sitofp %and3A_408 : vector<512x1xi32> to vector<512x1xf32>
    %mul3A_410 = arith.constant 8.000000e+01 : f32
    %mul3A_411 = vector.broadcast %mul3A_410 : f32 to vector<512x1xf32>
    %mul3A_412 = arith.mulf %convert_element_type3A_409, %mul3A_411 : vector<512x1xf32>
    %select_n3A_413 = arith.select %lt3A_397, %add3A_404, %mul3A_412 : vector<512x1xi1>, vector<512x1xf32>
    %convert_element_type3A_414 = arith.fptosi %select_n3A_413 : vector<512x1xf32> to vector<512x1xi32>
    %swap3A_415 = arith.constant 3584 : index
    %swap3A_416 = arith.constant 0 : index
    %swap3A_417 = vector.load %arg5[%swap3A_415, %swap3A_416] : memref<4096x1xi32, #tpu.memory_space<vmem>>, vector<512x1xi32>
    tpu.vector_store %arg5[%swap3A_415, %swap3A_416], %convert_element_type3A_414 {strides = array<i32>} : memref<4096x1xi32, #tpu.memory_space<vmem>>, vector<512x1xi32>,
    %jit3A_418 = arith.constant 0.000000e+00 : f32
    %broadcast_in_dim3A_419 = vector.broadcast %jit3A_418 : f32 to vector<512x1xf32>
    %select_n3A_420 = arith.select %lt3A_397, %slice3A_394, %broadcast_in_dim3A_419 : vector<512x1xi1>, vector<512x1xf32>
    %swap3A_421 = arith.constant 3584 : index
    %swap3A_422 = arith.constant 0 : index
    %swap3A_423 = vector.load %arg6[%swap3A_421, %swap3A_422] : memref<4096x1xf32, #tpu.memory_space<vmem>>, vector<512x1xf32>
    tpu.vector_store %arg6[%swap3A_421, %swap3A_422], %select_n3A_420 {strides = array<i32>} : memref<4096x1xf32, #tpu.memory_space<vmem>>, vector<512x1xf32>,
    %concatenate3A = tpu.concatenate %broadcast_in_dim3A_72, %broadcast_in_dim3A_116, %broadcast_in_dim3A_162, %broadcast_in_dim3A_208, %broadcast_in_dim3A_254, %broadcast_in_dim3A_300, %broadcast_in_dim3A_346, %broadcast_in_dim3A_392 in 0 : vector<512x1xf32>, vector<512x1xf32>, vector<512x1xf32>, vector<512x1xf32>, vector<512x1xf32>, vector<512x1xf32>, vector<512x1xf32>, vector<512x1xf32> -> vector<4096x1xf32>
    %iota3A_424 = tpu.iota {dimensions = array<i32: 1>} : vector<1x80xi32>
    %convert_element_type3A_425 = arith.sitofp %iota3A_424 : vector<1x80xi32> to vector<1x80xf32>
    %eq3A_426 = vector.broadcast %concatenate3A : vector<4096x1xf32> to vector<4096x80xf32>
    %eq3A_427 = vector.broadcast %convert_element_type3A_425 : vector<1x80xf32> to vector<4096x80xf32>
    %eq3A_428 = arith.cmpf oeq, %eq3A_426, %eq3A_427 : vector<4096x80xf32>
    %convert_element_type3A_429 = arith.extui %eq3A_428 : vector<4096x80xi1> to vector<4096x80xi32>
    %convert_element_type3A_430 = arith.sitofp %convert_element_type3A_429 : vector<4096x80xi32> to vector<4096x80xf32>
    %iota3A_431 = tpu.iota {dimensions = array<i32: 0>} : vector<4096x1xi32>
    %shift_right_arithmetic3A = arith.constant 7 : i32
    %shift_right_arithmetic3A_432 = vector.broadcast %shift_right_arithmetic3A : i32 to vector<4096x1xi32>
    %shift_right_arithmetic3A_433 = arith.shrsi %iota3A_431, %shift_right_arithmetic3A_432 : vector<4096x1xi32>
    %add3A_434 = arith.constant 1 : i32
    %add3A_435 = vector.broadcast %add3A_434 : i32 to vector<4096x1xi32>
    %add3A_436 = arith.addi %add3A_435, %shift_right_arithmetic3A_433 : vector<4096x1xi32>
    %convert_element_type3A_437 = arith.sitofp %add3A_436 : vector<4096x1xi32> to vector<4096x1xf32>
    %and3A_438 = arith.constant 127 : i32
    %and3A_439 = vector.broadcast %and3A_438 : i32 to vector<4096x1xi32>
    %and3A_440 = arith.andi %iota3A_431, %and3A_439 : vector<4096x1xi32>
    %add3A_441 = arith.constant 1 : i32
    %add3A_442 = vector.broadcast %add3A_441 : i32 to vector<4096x1xi32>
    %add3A_443 = arith.addi %add3A_442, %and3A_440 : vector<4096x1xi32>
    %convert_element_type3A_444 = arith.sitofp %add3A_443 : vector<4096x1xi32> to vector<4096x1xf32>
    %convert_element_type3A_445 = arith.truncf %convert_element_type3A_430 : vector<4096x80xf32> to vector<4096x80xbf16>
    %mul3A_446 = vector.broadcast %convert_element_type3A_437 : vector<4096x1xf32> to vector<4096x64xf32>
    %mul3A_447 = arith.mulf %select_n3A, %mul3A_446 : vector<4096x64xf32>
    %convert_element_type3A_448 = arith.truncf %mul3A_447 : vector<4096x64xf32> to vector<4096x64xbf16>
    %dot_general3A_449 = arith.constant dense<0.000000e+00> : vector<64x80xf32>
    %dot_general3A_450 = tpu.matmul %convert_element_type3A_448, %convert_element_type3A_445, %dot_general3A_449 {dimension_numbers = #tpu.dot_dimension_numbers<[0], [0], [1], [1], [0, 1, 1, 1], [], []>, transpose_lhs_hint = false} : vector<4096x64xbf16>, vector<4096x80xbf16>, vector<64x80xf32> -> vector<64x80xf32>
    %mul3A_451 = vector.broadcast %convert_element_type3A_444 : vector<4096x1xf32> to vector<4096x64xf32>
    %mul3A_452 = arith.mulf %select_n3A, %mul3A_451 : vector<4096x64xf32>
    %convert_element_type3A_453 = arith.truncf %mul3A_452 : vector<4096x64xf32> to vector<4096x64xbf16>
    %dot_general3A_454 = arith.constant dense<0.000000e+00> : vector<64x80xf32>
    %dot_general3A_455 = tpu.matmul %convert_element_type3A_453, %convert_element_type3A_445, %dot_general3A_454 {dimension_numbers = #tpu.dot_dimension_numbers<[0], [0], [1], [1], [0, 1, 1, 1], [], []>, transpose_lhs_hint = false} : vector<4096x64xbf16>, vector<4096x80xbf16>, vector<64x80xf32> -> vector<64x80xf32>
    %iota3A_456 = tpu.iota {dimensions = array<i32: 0>} : vector<64x80xi32>
    %mul3A_457 = arith.constant 80 : i32
    %mul3A_458 = vector.broadcast %mul3A_457 : i32 to vector<64x80xi32>
    %mul3A_459 = arith.muli %iota3A_456, %mul3A_458 : vector<64x80xi32>
    %iota3A_460 = tpu.iota {dimensions = array<i32: 1>} : vector<64x80xi32>
    %add3A_461 = arith.addi %mul3A_459, %iota3A_460 : vector<64x80xi32>
    %and3A_462 = arith.constant 63 : i32
    %and3A_463 = vector.broadcast %and3A_462 : i32 to vector<64x80xi32>
    %and3A_464 = arith.andi %add3A_461, %and3A_463 : vector<64x80xi32>
    %add3A_465 = arith.constant 4096 : i32
    %add3A_466 = vector.broadcast %add3A_465 : i32 to vector<64x80xi32>
    %add3A_467 = arith.addi %add3A_466, %and3A_464 : vector<64x80xi32>
    %convert_element_type3A_468 = arith.sitofp %add3A_467 : vector<64x80xi32> to vector<64x80xf32>
    %lt3A_469 = arith.constant 5.000000e-01 : f32
    %lt3A_470 = vector.broadcast %lt3A_469 : f32 to vector<64x80xf32>
    %lt3A_471 = arith.cmpf olt, %dot_general3A_450, %lt3A_470 : vector<64x80xf32>
    %sub3A_472 = arith.constant 1.000000e+00 : f32
    %sub3A_473 = vector.broadcast %sub3A_472 : f32 to vector<64x80xf32>
    %sub3A_474 = arith.subf %dot_general3A_450, %sub3A_473 : vector<64x80xf32>
    %mul3A_475 = arith.constant 1.280000e+02 : f32
    %mul3A_476 = vector.broadcast %mul3A_475 : f32 to vector<64x80xf32>
    %mul3A_477 = arith.mulf %sub3A_474, %mul3A_476 : vector<64x80xf32>
    %sub3A_478 = arith.constant 1.000000e+00 : f32
    %sub3A_479 = vector.broadcast %sub3A_478 : f32 to vector<64x80xf32>
    %sub3A_480 = arith.subf %dot_general3A_455, %sub3A_479 : vector<64x80xf32>
    %add3A_481 = arith.addf %mul3A_477, %sub3A_480 : vector<64x80xf32>
    %select_n3A_482 = arith.select %lt3A_471, %convert_element_type3A_468, %add3A_481 : vector<64x80xi1>, vector<64x80xf32>
    %convert_element_type3A_483 = arith.fptosi %select_n3A_482 : vector<64x80xf32> to vector<64x80xi32>
    %swap3A_484 = arith.constant 0 : index
    %swap3A_485 = arith.constant 0 : index
    %swap3A_486 = vector.load %arg4[%swap3A_484, %swap3A_485] : memref<64x80xi32, #tpu.memory_space<vmem>>, vector<64x80xi32>
    tpu.vector_store %arg4[%swap3A_484, %swap3A_485], %convert_element_type3A_483 {strides = array<i32>} : memref<64x80xi32, #tpu.memory_space<vmem>>, vector<64x80xi32>,
    %reduce_sum3A_487 = arith.constant dense<0.000000e+00> : vector<64xf32>
    %reduce_sum3A_488 = vector.multi_reduction <add>, %select_n3A, %reduce_sum3A_487 [0] : vector<4096x64xf32> to vector<64xf32>
    %div3A_489 = arith.constant 4.096000e+03 : f32
    %div3A_490 = vector.broadcast %div3A_489 : f32 to vector<64xf32>
    %div3A_491 = arith.divf %reduce_sum3A_488, %div3A_490 : vector<64xf32>
    %reduce_sum3A_492 = arith.constant dense<0.000000e+00> : vector<64xf32>
    %reduce_sum3A_493 = vector.multi_reduction <add>, %div3A_29, %reduce_sum3A_492 [0] : vector<4096x64xf32> to vector<64xf32>
    %div3A_494 = arith.constant 4.096000e+03 : f32
    %div3A_495 = vector.broadcast %div3A_494 : f32 to vector<64xf32>
    %div3A_496 = arith.divf %reduce_sum3A_493, %div3A_495 : vector<64xf32>
    %mul3A_497 = arith.mulf %div3A_491, %div3A_496 : vector<64xf32>
    %reduce_sum3A_498 = vector.shape_cast %mul3A_497 : vector<64xf32> to vector<1x64xf32>
    %reduce_sum3A_499 = arith.constant dense<0.000000e+00> : vector<1xf32>
    %reduce_sum3A_500 = vector.multi_reduction <add>, %reduce_sum3A_498, %reduce_sum3A_499 [1] : vector<1x64xf32> to vector<1xf32>
    %reduce_sum3A_501 = vector.shape_cast %reduce_sum3A_500 : vector<1xf32> to vector<1x1xf32>
    %reduce_sum3A_502 = vector.extract %reduce_sum3A_501[0, 0] : f32 from vector<1x1xf32>
    %mul3A_503 = arith.constant 6.400000e+01 : f32
    %mul3A_504 = arith.mulf %mul3A_503, %reduce_sum3A_502 : f32
    %reshape3A = vector.broadcast %mul3A_504 : f32 to vector<1x1xf32>
    %swap3A_505 = arith.constant 0 : index
    %swap3A_506 = arith.constant 0 : index
    %swap3A_507 = vector.load %arg7[%swap3A_505, %swap3A_506] : memref<1x1xf32, #tpu.memory_space<vmem>>, vector<1x1xf32>
    tpu.vector_store %arg7[%swap3A_505, %swap3A_506], %reshape3A {strides = array<i32>} : memref<1x1xf32, #tpu.memory_space<vmem>>, vector<1x1xf32>,
    %log3A = math.log %broadcast_in_dim3A_27 : vector<4096x1xf32>
    %add3A_508 = arith.addf %log3A, %broadcast_in_dim3A_23 : vector<4096x1xf32>
    %mul3A_509 = arith.mulf %add3A_508, %add3A_508 : vector<4096x1xf32>
    %reduce_sum3A_510 = vector.shape_cast %mul3A_509 : vector<4096x1xf32> to vector<1x4096x1xf32>
    %reduce_sum3A_511 = arith.constant dense<0.000000e+00> : vector<1xf32>
    %reduce_sum3A_512 = vector.multi_reduction <add>, %reduce_sum3A_510, %reduce_sum3A_511 [1, 2] : vector<1x4096x1xf32> to vector<1xf32>
    %reduce_sum3A_513 = vector.shape_cast %reduce_sum3A_512 : vector<1xf32> to vector<1x1x1xf32>
    %reduce_sum3A_514 = vector.extract %reduce_sum3A_513[0, 0, 0] : f32 from vector<1x1x1xf32>
    %div3A_515 = arith.constant 4.096000e+03 : f32
    %div3A_516 = arith.divf %reduce_sum3A_514, %div3A_515 : f32
    %reshape3A_517 = vector.broadcast %div3A_516 : f32 to vector<1x1xf32>
    %swap3A_518 = arith.constant 0 : index
    %swap3A_519 = arith.constant 0 : index
    %swap3A_520 = vector.load %arg8[%swap3A_518, %swap3A_519] : memref<1x1xf32, #tpu.memory_space<vmem>>, vector<1x1xf32>
    tpu.vector_store %arg8[%swap3A_518, %swap3A_519], %reshape3A_517 {strides = array<i32>} : memref<1x1xf32, #tpu.memory_space<vmem>>, vector<1x1xf32>,
    return
  }
}

module attributes {stable_mosaic.version = 14 : i64} {
  func.func @_final_body(%arg0: memref<4096x768xf32, #tpu.memory_space<vmem>>, %arg1: memref<4096x1xf32, #tpu.memory_space<vmem>>, %arg2: memref<4096x768xf32, #tpu.memory_space<vmem>>) attributes {dimension_semantics = [], scalar_prefetch = 0 : i64, scratch_operands = 0 : i64, tpu.core_type = #tpu.core_type<tc>} {
    %get3A = arith.constant 0 : index
    %get3A_0 = arith.constant 0 : index
    %get3A_1 = vector.load %arg0[%get3A, %get3A_0] : memref<4096x768xf32, #tpu.memory_space<vmem>>, vector<4096x768xf32>
    %get3A_2 = arith.constant 0 : index
    %get3A_3 = arith.constant 0 : index
    %get3A_4 = vector.load %arg1[%get3A_2, %get3A_3] : memref<4096x1xf32, #tpu.memory_space<vmem>>, vector<4096x1xf32>
    %mul3A = vector.broadcast %get3A_4 : vector<4096x1xf32> to vector<4096x768xf32>
    %mul3A_5 = arith.mulf %get3A_1, %mul3A : vector<4096x768xf32>
    %mul3A_6 = arith.mulf %mul3A_5, %mul3A_5 : vector<4096x768xf32>
    %reduce_sum3A = arith.constant dense<0.000000e+00> : vector<4096xf32>
    %reduce_sum3A_7 = vector.multi_reduction <add>, %mul3A_6, %reduce_sum3A [1] : vector<4096x768xf32> to vector<4096xf32>
    %broadcast_in_dim3A = vector.shape_cast %reduce_sum3A_7 : vector<4096xf32> to vector<4096x1xf32>
    %sqrt3A = math.sqrt %broadcast_in_dim3A : vector<4096x1xf32>
    %max3A = arith.constant 9.99999996E-13 : f32
    %max3A_8 = vector.broadcast %max3A : f32 to vector<4096x1xf32>
    %max3A_9 = arith.maximumf %sqrt3A, %max3A_8 : vector<4096x1xf32>
    %div3A = vector.broadcast %max3A_9 : vector<4096x1xf32> to vector<4096x768xf32>
    %div3A_10 = arith.divf %mul3A_5, %div3A : vector<4096x768xf32>
    %swap3A = arith.constant 0 : index
    %swap3A_11 = arith.constant 0 : index
    %swap3A_12 = vector.load %arg2[%swap3A, %swap3A_11] : memref<4096x768xf32, #tpu.memory_space<vmem>>, vector<4096x768xf32>
    tpu.vector_store %arg2[%swap3A, %swap3A_11], %div3A_10 {strides = array<i32>} : memref<4096x768xf32, #tpu.memory_space<vmem>>, vector<4096x768xf32>,
    return
  }
}

</mosaic_0001>

<sc_bundles>
// kernel: kernel.11.cloned.1.call-start
scs
__scs_entry_jumppad:
0x0: {  	(pc) =	sbr.rel $0x88, $3  }
0x1: {  	(tag) =	ssettag $0x0;
	lr =	simm.s32 $0x1  }
0x2: {  	[smem:$0x3F96] =	sst lr;
	_ =	strace $0xD0000000  }
0x3: {  	_ = 	snop  }
0x4: {  	_ = 	snop  }
0x5: {  	_ = 	snop  }
0x6: {  	_ = 	snop  }
0x7: {  	_ = 	snop  }
__scs_overlays_trampoline_lowered:
0x8: {  	[smem:$0x3FA5] =	sst s0  }
0x9: {  	[smem:$0x3FA6] =	sst s1  }
0xa: {  	[smem:$0x3FA7] =	sst s2  }
0xb: {  	[smem:$0x3FA8] =	sst s3  }
0xc: {  	[smem:$0x3FA9] =	sst s4  }
0xd: {  	[smem:$0x3FAA] =	sst s5  }
0xe: {  	[smem:$0x3FAB] =	sst s6  }
0xf: {  	[smem:$0x3FAC] =	sst s7  }
0x10: {  	[smem:$0x3FAD] =	sst s8  }
0x11: {  	[smem:$0x3FAE] =	sst s9;
	s0 =	simm.s32 @!p0 $0x0  }
0x12: {  	s1 =	sld [smem:$0x3F94];
	s0 =	simm.s32 @p0 $0x1  }
0x13: {  	[smem:$0x3FAF] =	sst s0;
	s0 =	simm.s32 @!p1 $0x0  }
0x14: {  	s2 =	sld [smem:$0x3F93];
	s0 =	simm.s32 @p1 $0x1  }
0x15: {  	[smem:$0x3FB0] =	sst s0;
	s0 =	simm.s32 @!p2 $0x0  }
0x16: {  	s3 =	sld [smem:$0x3FDB];
	s0 =	simm.s32 @p2 $0x1  }
0x17: {  	s4 =	simm.s32 $0x1BF5;
	[smem:$0x3FB2] =	sst s0  }
0x18: {  	s0 =	sld [smem:$0x3F95];
	_ =	swait.ge [sflag:s4], $0x0  }
0x19: {  	s7 =	sld [smem:$0x3F96]  }
0x1a: {  	s8 =	sadd.s32 $0xFFFFE003, lr  }
0x1b: {  	s9 =	sadd.s32 $0xFFFFFEF7, lr;
	s5 =	simm.s32 $0xFFFFFFFF;
	p2 =	slt.u32 s8, $0xFFFFF086  }
0x1c: {  	p1 =	slt.u32 s9, $0xF7A;
	s5 =	simm.s32 @!p2 $0x0  }
0x1d: {  	s5 =	simm.s32 @p1 $0x1;
	p0 =	seq.s32 s7, s2  }
0x1e: {  	s7 =	smul.u32 @!p0 $0xF7A, s2;
	p2 =	seq.s32 @!p0 s5, $0x0  }
0x1f: {  	s9 =	smul.u32 $0xF7A, s1;
	s8 =	simm.s32 @!p0 $0x1BF5;
	p2 =	por !p2, p0  }
0x20: {  	[sflag:s8] =	ssyncset.s32 @!p0 $0xFFFFF086;
	s6 =	sadd.s32 @!p0 s3, s7;
	s7 =	simm.s32 @!p0 $0x108  }
0x21: {  	s3 =	sadd.s32 s3, s9;
	s6 =	sadd.s32 @!p0 $0x88, s6;
	s7 =	simm.s32 @p2 $0x1082  }
0x22: {  	[simem:s7], [sflag:s8] =	dma.local @!p0 [hbm:s6], $0xF7A  }
0x23: {  	s9 =	sor.u32 $0xD0000000, s2;
	s6 =	simm.s32 $0x108;
	_ =	swait.ge @!p0 [sflag:s8], $0x0  }
0x24: {  	s3 =	sadd.s32 $0x88, s3;
	s6 =	simm.s32 @!p1 $0x1082;
	[sflag:s4] =	ssyncset.s32 $0xFFFFF086  }
0x25: {  	[simem:s6], [sflag:s4] =	dma.local [hbm:s3], $0xF7A  }
0x26: {  	[smem:$0x3F96] =	sst s1;
	(tag) =	ssettag s2;
	_ =	strace s9  }
0x27: {  	s1 =	sld [smem:$0x3FA6]  }
0x28: {  	s2 =	sld [smem:$0x3FA7]  }
0x29: {  	s4 =	sld [smem:$0x3FA9]  }
0x2a: {  	p0 =	seq.s32 s5, $0x0;
	s5 =	sld [smem:$0x3FAA]  }
0x2b: {  	s6 =	sld [smem:$0x3FAB]  }
0x2c: {  	s7 =	sld [smem:$0x3FAC]  }
0x2d: {  	s3 =	simm.s32 $0x108;
	s8 =	sld [smem:$0x3FAD]  }
0x2e: {  	s3 =	simm.s32 @!p0 $0x1082;
	s9 =	sld [smem:$0x3FAE]  }
0x2f: {  	lr =	sadd.s32 s0, s3;
	s0 =	sld [smem:$0x3FA5]  }
0x30: {  	s3 =	sld [smem:$0x3FA8]  }
0x31: {  	[smem:$0x3FB1] =	sst s10  }
0x32: {  	s10 =	sld [smem:$0x3FAF];
	_ =	sdelay $0x3  }
0x33: {  	p0 =	seq.s32 s10, $0x1;
	s10 =	sld [smem:$0x3FB1];
	_ =	sdelay $0x3  }
0x34: {  	[smem:$0x3FB1] =	sst s10  }
0x35: {  	s10 =	sld [smem:$0x3FB0];
	_ =	sdelay $0x3  }
0x36: {  	p1 =	seq.s32 s10, $0x1;
	s10 =	sld [smem:$0x3FB1];
	_ =	sdelay $0x3  }
0x37: {  	[smem:$0x3FB1] =	sst s10  }
0x38: {  	s10 =	sld [smem:$0x3FB2]  }
0x39: {  	_ = 	snop;
	(pc) =	sbr.ind lr, $3  }
0x3a: {  	_ = 	snop  }
0x3b: {  	_ = 	snop  }
0x3c: {  	p2 =	seq.s32 s10, $0x1;
	s10 =	sld [smem:$0x3FB1]  }
0x3d: {  	_ =	shalt  }
0x3e: {  	_ =	shalt  }
0x3f: {  	_ =	shalt  }
0x40: {  	_ =	shalt  }
0x41: {  	_ =	shalt  }
0x42: {  	_ =	shalt  }
0x43: {  	_ =	shalt  }
0x44: {  	_ =	shalt  }
0x45: {  	_ =	shalt  }
0x46: {  	_ =	shalt  }
0x47: {  	_ =	shalt  }
0x48: {  	_ =	shalt  }
0x49: {  	_ =	shalt  }
0x4a: {  	_ =	shalt  }
0x4b: {  	_ =	shalt  }
0x4c: {  	_ =	shalt  }
0x4d: {  	_ =	shalt  }
0x4e: {  	_ =	shalt  }
0x4f: {  	_ =	shalt  }
0x50: {  	_ =	shalt  }
0x51: {  	_ =	shalt  }
0x52: {  	_ =	shalt  }
0x53: {  	_ =	shalt  }
0x54: {  	_ =	shalt  }
0x55: {  	_ =	shalt  }
0x56: {  	_ =	shalt  }
0x57: {  	_ =	shalt  }
0x58: {  	_ =	shalt  }
0x59: {  	_ =	shalt  }
0x5a: {  	_ =	shalt  }
0x5b: {  	_ =	shalt  }
0x5c: {  	_ =	shalt  }
0x5d: {  	_ =	shalt  }
0x5e: {  	_ =	shalt  }
0x5f: {  	_ =	shalt  }
0x60: {  	_ =	shalt  }
0x61: {  	_ =	shalt  }
0x62: {  	_ =	shalt  }
0x63: {  	_ =	shalt  }
0x64: {  	_ =	shalt  }
0x65: {  	_ =	shalt  }
0x66: {  	_ =	shalt  }
0x67: {  	_ =	shalt  }
0x68: {  	_ =	shalt  }
0x69: {  	_ =	shalt  }
0x6a: {  	_ =	shalt  }
0x6b: {  	_ =	shalt  }
0x6c: {  	_ =	shalt  }
0x6d: {  	_ =	shalt  }
0x6e: {  	_ =	shalt  }
0x6f: {  	_ =	shalt  }
0x70: {  	_ =	shalt  }
0x71: {  	_ =	shalt  }
0x72: {  	_ =	shalt  }
0x73: {  	_ =	shalt  }
0x74: {  	_ =	shalt  }
0x75: {  	_ =	shalt  }
0x76: {  	_ =	shalt  }
0x77: {  	_ =	shalt  }
0x78: {  	_ =	shalt  }
0x79: {  	_ =	shalt  }
0x7a: {  	_ =	shalt  }
0x7b: {  	_ =	shalt  }
0x7c: {  	_ =	shalt  }
0x7d: {  	_ =	shalt  }
0x7e: {  	_ =	shalt  }
0x7f: {  	_ =	shalt  }
0x80: {  	_ =	shalt  }
0x81: {  	_ =	shalt  }
0x82: {  	_ =	shalt  }
0x83: {  	_ =	shalt  }
0x84: {  	_ =	shalt  }
0x85: {  	_ =	shalt  }
0x86: {  	_ =	shalt  }
0x87: {  	_ =	shalt  }
.Lfunc_end0:
.L_simem_size_0:
called_computation_lowered:
.L_overlay_start_0:
0x88: {  	s2 =	sld [smem:$0x3FD9]  }
0x89: {  	s3 =	sld [smem:$0x3FFE];
	_ =	sdelay $0x1  }
0x8a: {  	s1 =	srdreg.scid  }
0x8b: {  	s0 =	sand.u32 $0x1, s1  }
0x8c: {  	s14 =	sshll.u32 s0, $0xA;
	s2 =	sadd.s32 s3, s2  }
0x8d: {  	s2 =	sadd.s32 s2, s14  }
0x8e: {  	[smem:$0x3FBD] =	sst s2  }
0x8f: {  	_ = 	snop  }
0x90: {  	s2 =	sld [smem:$0x3FD0];
	_ =	sdelay $0x2  }
0x91: {  	s15 =	simm.s32 $0xA;
	s4 =	simm.s32 $0x10  }
0x92: {  	[smem:s4], [sflag:s15] =	dma.local [hbm:s2], $0x1  }
0x93: {  	_ =	swait.eq [sflag:s15], $0x1  }
0x94: {  	[sflag:s15] =	ssyncset.done $0x0  }
0x95: {  	[sflag:s15] =	ssyncadd.s32 $0xFFFFFFFF  }
0x96: {  	s16 =	sld [smem:$0x10];
	(tm) =	ssettm $0x1  }
0x97: {  	s17 =	sld [smem:$0x3FFB];
	_ =	sdelay $0x3  }
0x98: {  	_ =	strace s17  }
0x99: {  	s3 =	sld [smem:$0x3FFC];
	_ =	sdelay $0x3  }
0x9a: {  	_ =	strace s3  }
0x9b: {  	s3 =	sld [smem:$0x3FFD];
	_ =	sdelay $0x3  }
0x9c: {  	_ =	strace s3  }
0x9d: {  	_ =	strace $0x8FFFFFFF  }
0x9e: {  	s18 =	sld [smem:$0x3FDB];
	_ =	sdelay $0x1  }
0x9f: {  	s19 =	simm.s32 $_scs_section_size  }
0xa0: {  	s5 =	simm.s32 $_size__tile_overlayer_lowered;
	s6 =	simm.s32 $_tile_overlayer_lowered  }
0xa1: {  	s22 =	simm.s32 $0x1BFF;
	s21 =	sshll.u32 s6, $0x1;
	s3 =	sadd.s32 s19, s18  }
0xa2: {  	s7 =	simm.s32 $0x0;
	s20 =	sshll.u32 s5, $0x1;
	s5 =	sadd.s32 s21, s3  }
0xa3: {  	[timem:s7], [sflag:s22] =	dma.local [hbm:s5], s20  }
0xa4: {  	_ =	swait.ge [sflag:s22], s20  }
0xa5: {  	s4 =	ssub.s32 $0x0, s20;
	[sflag:s22] =	ssyncset.done $0x0  }
0xa6: {  	[sflag:s22] =	ssyncadd.s32 s4;
	_ =	sdelay $0x1  }
0xa7: {  	s23 =	simm.s32 $0x1B8B  }
0xa8: {  	_ =	swait.ge [sflag:s23], $0x1  }
0xa9: {  	[sflag:s23] =	ssyncset.done $0x0  }
0xaa: {  	s25 =	simm.s32 $0x1B8E;
	s24 =	sld [smem:$0x3FFE];
	[sflag:s23] =	ssyncadd.s32 $0xFFFFFFFF  }
0xab: {  	s26 =	simm.s32 $execute0_lowered;
	[smem:$0x3FD2] =	sst s25  }
0xac: {  	s5 =	sshll.u32 s26, $0x1;
	_ =	strace $0x80000046;
	[dreg:$0x1] =	wrdreg $0xFFFFFFFF  }
0xad: {  	s28 =	simm.s32 $_size_execute0_lowered;
	s3 =	sadd.s32 s3, s5;
	[dreg:$0x0] =	wrdreg $0x0  }
0xae: {  	s5 =	sshll.u32 s28, $0x1;
	[dreg:$0x2] =	wrdreg s3  }
0xaf: {  	[dreg:$0x3] =	wrdreg s5  }
0xb0: {  	[dreg:$0x4] =	wrdreg $0xC0  }
0xb1: {  	_ =	task [dreg:s7], $0x5FFFF  }
0xb2: {  	[dreg:$0x1] =	wrdreg $0xFFFFFFFF  }
0xb3: {  	[dreg:$0x0] =	wrdreg $0x60  }
0xb4: {  	[dreg:$0x2] =	wrdreg s24  }
0xb5: {  	[dreg:$0x3] =	wrdreg s16  }
0xb6: {  	[dreg:$0x4] =	wrdreg $0x9  }
0xb7: {  	_ =	task.clear_ibuf [dreg:s7], $0x5FFFF;
	_ =	strace $0x90000046  }
0xb8: {  	s29 =	simm.s32 $0x9;
	_ =	strace $0x80000048  }
0xb9: {  	_ =	swait.ge [sflag:s29], $0x1  }
0xba: {  	[sflag:s29] =	ssyncadd.s32 $0xFFFFFFFF  }
0xbb: {  	_ =	strace $0x90000048  }
0xbc: {  	_ =	sfence  }
0xbd: {  	s30 =	sld [smem:$0x0];
	_ =	sdelay $0x2  }
0xbe: {  	s31 =	sshll.u32 s1, $0xD;
	s1 =	sshrl.u32 s1, $0x2  }
0xbf: {  	s3 =	sand.u32 $0x4000, s31;
	s1 =	sadd.s32 s1, s30  }
0xc0: {  	s0 =	sor.u32 s3, s0;
	s1 =	sshll.u32 s1, $0x11  }
0xc1: {  	s0 =	sor.u32 s1, s0  }
0xc2: {  	s0 =	sadd.s32 $0x8F2B, s0  }
0xc3: {  	[sflag:s0] =	ssyncadd.remote.s32 $0x1  }
0xc4: {  	_ =	sfence.sel $0xFFFF  }
0xc5: {  	[dreg:$0x0] =	wrdreg $0xFFFFFFFF;
	(pc) =	sbr.abs _section_cstart, $3  }
0xc6: {  	[dreg:$0x1] =	wrdreg $0xFFFFFFFF  }
0xc7: {  	_ =	task.clear_ibuf [dreg:s7], $0x2FFFF;
	_ =	strace $0x9FFFFFFF  }
0xc8: {  	(tm) =	ssettm $0x7FFFFFFF  }
0xc9: {  	_ =	shalt  }
tec
execute0_lowered:
.L_overlay_start_1:
0x0: {  	(tag) =	ssettag $0x1  }
0x1: {  	s1 =	srdreg.scid;
	s0 =	stileid.u32  }
0x2: {  	s5 =	sand.u32 $0x1, s1;
	s2 =	sshll.u32 s0, $0x1  }
0x3: {  	s3 =	rddreg [dreg:$0x1];
	s2 =	sor.u32 s5, s2  }
0x4: {  	s1 =	rddreg [dreg:$0x0];
	s4 =	smul.u32 $0xA0, s2;
	s2 =	simm.s32 $0x0  }
0x5: {  	s25 =	simm.s32 $0x900;
	[smem:$0x7FF] =	sst s2  }
0x6: {  	s26 =	simm.s32 $0x1100;
	_ =	strace $0x80000047;
	[dreg:$0x7] =	wrdreg s25  }
0x7: {  	s0 =	simm.s32 $0x1900;
	[dreg:$0x8] =	wrdreg s26  }
0x8: {  	s9 =	simm.s32 $0x3900;
	[dreg:$0x9] =	wrdreg s0  }
0x9: {  	s10 =	simm.s32 $0x4100;
	[dreg:$0xd] =	wrdreg s9  }
0xa: {  	s11 =	simm.s32 $0x4900;
	[dreg:$0xe] =	wrdreg s10  }
0xb: {  	s12 =	simm.s32 $0x5100;
	[dreg:$0xf] =	wrdreg s11  }
0xc: {  	s13 =	simm.s32 $0x5900;
	[dreg:$0x10] =	wrdreg s12  }
0xd: {  	s14 =	simm.s32 $0x6100;
	[dreg:$0x11] =	wrdreg s13  }
0xe: {  	s15 =	simm.s32 $0x6900;
	[dreg:$0x12] =	wrdreg s14  }
0xf: {  	s16 =	simm.s32 $0x7100;
	[dreg:$0x13] =	wrdreg s15  }
0x10: {  	s17 =	simm.s32 $0x8100;
	[dreg:$0x14] =	wrdreg s16  }
0x11: {  	s18 =	simm.s32 $0x8900;
	[dreg:$0x15] =	wrdreg s17  }
0x12: {  	s19 =	simm.s32 $0x9100;
	[dreg:$0x16] =	wrdreg s18  }
0x13: {  	s20 =	simm.s32 $0x9900;
	[dreg:$0x17] =	wrdreg s19  }
0x14: {  	s21 =	simm.s32 $0xA100;
	[dreg:$0x18] =	wrdreg s20  }
0x15: {  	[dreg:$0x19] =	wrdreg s21;
	s25 =	simm.s32 $0xC100  }
0x16: {  	s28 =	simm.s32 $0x4;
	s26 =	simm.s32 $0xC900;
	[dreg:$0x1d] =	wrdreg s25  }
0x17: {  	s29 =	simm.s32 $0x5;
	s0 =	simm.s32 $0xD100;
	[dreg:$0x1e] =	wrdreg s26  }
0x18: {  	s30 =	simm.s32 $0x6;
	s9 =	simm.s32 $0xF900;
	[dreg:$0x1f] =	wrdreg s0  }
0x19: {  	s31 =	simm.s32 $0x7;
	s10 =	simm.s32 $0x10100;
	[smem:$0x7ED] =	sst s9  }
0x1a: {  	s23 =	sadd.s32 $0x73E00, s1;
	s11 =	simm.s32 $0x10900;
	[smem:$0x7EE] =	sst s10  }
0x1b: {  	s5 =	ssub.s32 $0x2, s5;
	s12 =	simm.s32 $0x11100;
	[smem:$0x7EF] =	sst s11  }
0x1c: {  	s6 =	sshrl.u32 s4, $0x3;
	s13 =	simm.s32 $0x11900;
	[smem:$0x7F0] =	sst s12  }
0x1d: {  	s7 =	sadd.s32 $0x28, s4;
	s14 =	simm.s32 $0x12100;
	[smem:$0x7F1] =	sst s13  }
0x1e: {  	s4 =	sadd.s32 $0x78, s4;
	s15 =	simm.s32 $0x12900;
	[smem:$0x7F2] =	sst s14  }
0x1f: {  	s16 =	simm.s32 $0x13100;
	s17 =	sshrl.u32 s5, $0x1;
	[smem:$0x7F3] =	sst s15  }
0x20: {  	s18 =	simm.s32 $0x13900;
	s19 =	simm.s32 $0x14100;
	[smem:$0x7F4] =	sst s16  }
0x21: {  	s20 =	simm.s32 $0x14900;
	s21 =	simm.s32 $0x15100;
	[smem:$0x7F5] =	sst s18  }
0x22: {  	s8 =	smul.u32 $0x300, s6;
	s7 =	sshrl.u32 s7, $0x3;
	[smem:$0x7F6] =	sst s19  }
0x23: {  	s3 =	sadd.s32 s3, s6;
	s4 =	sshrl.u32 s4, $0x3;
	[smem:$0x7F7] =	sst s20  }
0x24: {  	[smem:$0x7F8] =	sst s21;
	s9 =	simm.s32 $0x100;
	s10 =	simm.s32 $0x7900  }
0x25: {  	s25 =	simm.s32 $0x17900;
	s11 =	simm.s32 $0xF100;
	s26 =	simm.s32 $0x18100  }
0x26: {  	s12 =	simm.s32 $0x16900;
	s14 =	simm.s32 $0x19100;
	s15 =	simm.s32 $0x19900  }
0x27: {  	s16 =	simm.s32 $0x1A100;
	s18 =	simm.s32 $0x1B100;
	[dreg:$0x3] =	wrdreg s3  }
0x28: {  	s19 =	simm.s32 $0x1B900;
	s20 =	simm.s32 $0x1C100;
	[smem:$0x7FC] =	sst s25  }
0x29: {  	s22 =	smul.u32 $0x300, s7;
	s7 =	simm.s32 $0x2900;
	[smem:$0x7FD] =	sst s26  }
0x2a: {  	s3 =	sadd.s32 s23, s8;
	[dreg:$0xb] =	wrdreg s7;
	s8 =	simm.s32 $0x3100  }
0x2b: {  	s21 =	simm.s32 $0x1C900;
	s7 =	simm.s32 $0xE100;
	[dreg:$0xc] =	wrdreg s8  }
0x2c: {  	s4 =	smul.u32 $0x300, s4;
	s6 =	sadd.s32 s23, s22;
	[smem:$0x7EB] =	sst s7  }
0x2d: {  	s25 =	simm.s32 $0x2;
	s24 =	sadd.s32 $0x1E00, s3;
	[dreg:$0x4] =	wrdreg s6  }
0x2e: {  	s26 =	simm.s32 $0x3;
	s4 =	sadd.s32 s23, s4;
	[dreg:$0x5] =	wrdreg s24  }
0x2f: {  	s22 =	simm.s32 $0xA900;
	s23 =	simm.s32 $0xB100;
	[dreg:$0x6] =	wrdreg s4  }
0x30: {  	s8 =	simm.s32 $0xE900;
	s7 =	ssub.s32 s5, s17;
	[dreg:$0x1a] =	wrdreg s22  }
0x31: {  	s5 =	sadd.s32 $0x2700, s1;
	s17 =	simm.s32 $0x1A900;
	[dreg:$0x1b] =	wrdreg s23  }
0x32: {  	s6 =	simm.s32 $0x2100;
	s24 =	simm.s32 $0xB900;
	[smem:$0x7EC] =	sst s8  }
0x33: {  	s4 =	sadd.s32 $0x2600, s1;
	s7 =	smax.u32 s7, $0x1;
	[dreg:$0xa] =	wrdreg s6  }
0x34: {  	s22 =	simm.s32 $0x15900;
	s8 =	simm.s32 $0x9;
	[dreg:$0x1c] =	wrdreg s24  }
0x35: {  	s23 =	simm.s32 $0x16100;
	s6 =	simm.s32 $0xD900;
	[smem:$0x7F9] =	sst s22  }
0x36: {  	v2 =	vlaneseq.u32;
	[smem:$0x7FA] =	sst s23;
	s24 =	simm.s32 $0x17100;
	s22 =	simm.s32 $0x1D100  }
0x37: {  	vm0 =	vmmov $0xffff;
	v1 =	vshrl.u32 v2, $0x3;
	s23 =	simm.s32 $0x1D900;
	[smem:$0x7EA] =	sst s6;
	s6 =	sadd.s32 $0x2800, s1  }
0x38: {  	v0 =	vand.u32 $0x7, v2;
	v2 =	vor.u32 $0x8, v2;
	v1 =	vmul.u32 $0x8, v1;
	[smem:$0x7FB] =	sst s24;
	s24 =	simm.s32 $0x1;
	s1 =	simm.s32 $0x8  }
.LBB2_1:
0x39: {  	s0 =	rddreg [dreg:$0x3]  }
0x3a: {  	[tilespmem:s2], [sflag:$0x9] =	stream.linear.gather [hbm4b:s0+s2], $0xA0, $0x38;
	[tilespmem:$0x1E100] =	vst v63  }
0x3b: {  	_ =	swait.ge [sflag:s8], $0xA0  }
0x3c: {  	[sflag:s8] =	ssyncset.done $0x0  }
0x3d: {  	[sflag:s8] =	ssyncadd.s32 $0xFFFFFF60  }
0x3e: {  	v3 =	vld [tilespmem:$0x0];
	_ =	sdelay $0x4  }
0x3f: {  	v4 =	vshrl.u32 v3, $0x3  }
0x40: {  	v4 =	vmul.u32 $0x30, v4  }
0x41: {  	v3 =	vand.u32 $0x7, v3  }
0x42: {  	v3 =	vor.u32 v3, v4  }
0x43: {  	v4 =	vperm.xlane v3, v0;
	_ =	sdelay $0x1  }
0x44: {  	v4 =	vadd.s32 v1, v4;
	_ =	sdelay $0x3  }
0x45: {  	v3 =	vperm.xlane v3, v2  }
0x46: {  	[tilespmem:s9], [sflag:$0x1] =	stream.indirect_vreg.gather [hbm4b:s4+s2], $0x80, v4, vm0, $0xb8;
	[tilespmem:$0x1E100] =	vst v63  }
0x47: {  	s0 =	rddreg [dreg:$0x7];
	v3 =	vadd.s32 v1, v3  }
0x48: {  	[tilespmem:s0], [sflag:$0x1] =	stream.indirect_vreg.gather [hbm4b:s5+s2], $0x80, v4, vm0, $0xb8;
	[tilespmem:$0x1E100] =	vst v63  }
0x49: {  	s13 =	rddreg [dreg:$0x8]  }
0x4a: {  	[tilespmem:s13], [sflag:$0x1] =	stream.indirect_vreg.gather [hbm4b:s6+s2], $0x80, v4, vm0, $0xb8;
	[tilespmem:$0x1E100] =	vst v63  }
0x4b: {  	s0 =	rddreg [dreg:$0x9]  }
0x4c: {  	[tilespmem:s0], [sflag:$0x1] =	stream.indirect_vreg.gather [hbm4b:s4+s2], $0x80, v3, vm0, $0xb8;
	[tilespmem:$0x1E100] =	vst v63  }
0x4d: {  	s13 =	rddreg [dreg:$0xa]  }
0x4e: {  	[tilespmem:s13], [sflag:$0x1] =	stream.indirect_vreg.gather [hbm4b:s5+s2], $0x80, v3, vm0, $0xb8;
	[tilespmem:$0x1E100] =	vst v63  }
0x4f: {  	s0 =	rddreg [dreg:$0xb]  }
0x50: {  	[tilespmem:s0], [sflag:$0x1] =	stream.indirect_vreg.gather [hbm4b:s6+s2], $0x80, v3, vm0, $0xb8;
	[tilespmem:$0x1E100] =	vst v63  }
0x51: {  	v3 =	vld [tilespmem:$0x10];
	_ =	sdelay $0x4  }
0x52: {  	v53 =	vshrl.u32 v3, $0x3  }
0x53: {  	v4 =	vmul.u32 $0x30, v53  }
0x54: {  	v3 =	vand.u32 $0x7, v3  }
0x55: {  	v3 =	vor.u32 v3, v4  }
0x56: {  	v4 =	vperm.xlane v3, v0;
	_ =	sdelay $0x1  }
0x57: {  	v4 =	vadd.s32 v1, v4;
	_ =	sdelay $0x3  }
0x58: {  	s0 =	rddreg [dreg:$0xc];
	v3 =	vperm.xlane v3, v2  }
0x59: {  	[tilespmem:s0], [sflag:$0x1] =	stream.indirect_vreg.gather [hbm4b:s4+s2], $0x80, v4, vm0, $0xb8;
	[tilespmem:$0x1E100] =	vst v63  }
0x5a: {  	s13 =	rddreg [dreg:$0xd];
	v3 =	vadd.s32 v1, v3  }
0x5b: {  	[tilespmem:s13], [sflag:$0x1] =	stream.indirect_vreg.gather [hbm4b:s5+s2], $0x80, v4, vm0, $0xb8;
	[tilespmem:$0x1E100] =	vst v63  }
0x5c: {  	s0 =	rddreg [dreg:$0xe]  }
0x5d: {  	[tilespmem:s0], [sflag:$0x1] =	stream.indirect_vreg.gather [hbm4b:s6+s2], $0x80, v4, vm0, $0xb8;
	[tilespmem:$0x1E100] =	vst v63  }
0x5e: {  	s13 =	rddreg [dreg:$0xf]  }
0x5f: {  	[tilespmem:s13], [sflag:$0x1] =	stream.indirect_vreg.gather [hbm4b:s4+s2], $0x80, v3, vm0, $0xb8;
	[tilespmem:$0x1E100] =	vst v63  }
0x60: {  	s0 =	rddreg [dreg:$0x10]  }
0x61: {  	[tilespmem:s0], [sflag:$0x1] =	stream.indirect_vreg.gather [hbm4b:s5+s2], $0x80, v3, vm0, $0xb8;
	[tilespmem:$0x1E100] =	vst v63  }
0x62: {  	s13 =	rddreg [dreg:$0x11]  }
0x63: {  	[tilespmem:s13], [sflag:$0x1] =	stream.indirect_vreg.gather [hbm4b:s6+s2], $0x80, v3, vm0, $0xb8;
	[tilespmem:$0x1E100] =	vst v63  }
0x64: {  	v3 =	vld.msk [tilespmem:$0x20], $0xff;
	_ =	sdelay $0x4  }
0x65: {  	v54 =	vshrl.u32 v3, $0x3  }
0x66: {  	v4 =	vmul.u32 $0x30, v54  }
0x67: {  	v3 =	vand.u32 $0x7, v3  }
0x68: {  	v3 =	vor.u32 v3, v4  }
0x69: {  	v3 =	vperm.xlane v3, v0;
	_ =	sdelay $0x1  }
0x6a: {  	v3 =	vadd.s32 v1, v3;
	_ =	sdelay $0x3  }
0x6b: {  	s0 =	rddreg [dreg:$0x12]  }
0x6c: {  	[tilespmem:s0], [sflag:$0x1] =	stream.indirect_vreg.gather [hbm4b:s4+s2], $0x80, v3, vm0, $0xb8;
	[tilespmem:$0x1E100] =	vst v63  }
0x6d: {  	s13 =	rddreg [dreg:$0x13]  }
0x6e: {  	[tilespmem:s13], [sflag:$0x1] =	stream.indirect_vreg.gather [hbm4b:s5+s2], $0x80, v3, vm0, $0xb8;
	[tilespmem:$0x1E100] =	vst v63  }
0x6f: {  	s0 =	rddreg [dreg:$0x14]  }
0x70: {  	[tilespmem:s0], [sflag:$0x1] =	stream.indirect_vreg.gather [hbm4b:s6+s2], $0x80, v3, vm0, $0xb8;
	[tilespmem:$0x1E100] =	vst v63  }
0x71: {  	v3 =	vld [tilespmem:$0x28];
	_ =	sdelay $0x4  }
0x72: {  	v55 =	vshrl.u32 v3, $0x3  }
0x73: {  	v4 =	vmul.u32 $0x30, v55  }
0x74: {  	v3 =	vand.u32 $0x7, v3  }
0x75: {  	v3 =	vor.u32 v3, v4  }
0x76: {  	v4 =	vperm.xlane v3, v0;
	_ =	sdelay $0x1  }
0x77: {  	v4 =	vadd.s32 v1, v4;
	_ =	sdelay $0x3  }
0x78: {  	v3 =	vperm.xlane v3, v2  }
0x79: {  	[tilespmem:s10], [sflag:$0x2] =	stream.indirect_vreg.gather [hbm4b:s4+s2], $0x80, v4, vm0, $0xb8;
	[tilespmem:$0x1E100] =	vst v63  }
0x7a: {  	s0 =	rddreg [dreg:$0x15];
	v3 =	vadd.s32 v1, v3  }
0x7b: {  	[tilespmem:s0], [sflag:$0x2] =	stream.indirect_vreg.gather [hbm4b:s5+s2], $0x80, v4, vm0, $0xb8;
	[tilespmem:$0x1E100] =	vst v63  }
0x7c: {  	s13 =	rddreg [dreg:$0x16]  }
0x7d: {  	[tilespmem:s13], [sflag:$0x2] =	stream.indirect_vreg.gather [hbm4b:s6+s2], $0x80, v4, vm0, $0xb8;
	[tilespmem:$0x1E100] =	vst v63  }
0x7e: {  	s0 =	rddreg [dreg:$0x17]  }
0x7f: {  	[tilespmem:s0], [sflag:$0x2] =	stream.indirect_vreg.gather [hbm4b:s4+s2], $0x80, v3, vm0, $0xb8;
	[tilespmem:$0x1E100] =	vst v63  }
0x80: {  	s13 =	rddreg [dreg:$0x18]  }
0x81: {  	[tilespmem:s13], [sflag:$0x2] =	stream.indirect_vreg.gather [hbm4b:s5+s2], $0x80, v3, vm0, $0xb8;
	[tilespmem:$0x1E100] =	vst v63  }
0x82: {  	s0 =	rddreg [dreg:$0x19]  }
0x83: {  	[tilespmem:s0], [sflag:$0x2] =	stream.indirect_vreg.gather [hbm4b:s6+s2], $0x80, v3, vm0, $0xb8;
	[tilespmem:$0x1E100] =	vst v63  }
0x84: {  	v3 =	vld [tilespmem:$0x38];
	_ =	sdelay $0x4  }
0x85: {  	v56 =	vshrl.u32 v3, $0x3  }
0x86: {  	v4 =	vmul.u32 $0x30, v56  }
0x87: {  	v3 =	vand.u32 $0x7, v3  }
0x88: {  	v3 =	vor.u32 v3, v4  }
0x89: {  	v4 =	vperm.xlane v3, v0;
	_ =	sdelay $0x1  }
0x8a: {  	v4 =	vadd.s32 v1, v4;
	_ =	sdelay $0x3  }
0x8b: {  	s0 =	rddreg [dreg:$0x1a];
	v3 =	vperm.xlane v3, v2  }
0x8c: {  	[tilespmem:s0], [sflag:$0x2] =	stream.indirect_vreg.gather [hbm4b:s4+s2], $0x80, v4, vm0, $0xb8;
	[tilespmem:$0x1E100] =	vst v63  }
0x8d: {  	s13 =	rddreg [dreg:$0x1b];
	v3 =	vadd.s32 v1, v3  }
0x8e: {  	[tilespmem:s13], [sflag:$0x2] =	stream.indirect_vreg.gather [hbm4b:s5+s2], $0x80, v4, vm0, $0xb8;
	[tilespmem:$0x1E100] =	vst v63  }
0x8f: {  	s0 =	rddreg [dreg:$0x1c]  }
0x90: {  	[tilespmem:s0], [sflag:$0x2] =	stream.indirect_vreg.gather [hbm4b:s6+s2], $0x80, v4, vm0, $0xb8;
	[tilespmem:$0x1E100] =	vst v63  }
0x91: {  	s13 =	rddreg [dreg:$0x1d]  }
0x92: {  	[tilespmem:s13], [sflag:$0x2] =	stream.indirect_vreg.gather [hbm4b:s4+s2], $0x80, v3, vm0, $0xb8;
	[tilespmem:$0x1E100] =	vst v63  }
0x93: {  	s0 =	rddreg [dreg:$0x1e]  }
0x94: {  	[tilespmem:s0], [sflag:$0x2] =	stream.indirect_vreg.gather [hbm4b:s5+s2], $0x80, v3, vm0, $0xb8;
	[tilespmem:$0x1E100] =	vst v63  }
0x95: {  	s13 =	rddreg [dreg:$0x1f]  }
0x96: {  	[tilespmem:s13], [sflag:$0x2] =	stream.indirect_vreg.gather [hbm4b:s6+s2], $0x80, v3, vm0, $0xb8;
	[tilespmem:$0x1E100] =	vst v63  }
0x97: {  	v3 =	vld.msk [tilespmem:$0x48], $0xff;
	_ =	sdelay $0x4  }
0x98: {  	v57 =	vshrl.u32 v3, $0x3  }
0x99: {  	v4 =	vmul.u32 $0x30, v57  }
0x9a: {  	v3 =	vand.u32 $0x7, v3  }
0x9b: {  	v3 =	vor.u32 v3, v4  }
0x9c: {  	v3 =	vperm.xlane v3, v0;
	_ =	sdelay $0x1  }
0x9d: {  	v3 =	vadd.s32 v1, v3;
	_ =	sdelay $0x1  }
0x9e: {  	s0 =	sld [smem:$0x7EA];
	_ =	sdelay $0x1  }
0x9f: {  	s13 =	sld [smem:$0x7EB]  }
0xa0: {  	[tilespmem:s0], [sflag:$0x2] =	stream.indirect_vreg.gather [hbm4b:s4+s2], $0x80, v3, vm0, $0xb8;
	[tilespmem:$0x1E100] =	vst v63  }
0xa1: {  	s0 =	sld [smem:$0x7EC]  }
0xa2: {  	[tilespmem:s13], [sflag:$0x2] =	stream.indirect_vreg.gather [hbm4b:s5+s2], $0x80, v3, vm0, $0xb8;
	[tilespmem:$0x1E100] =	vst v63  }
0xa3: {  	_ = 	snop  }
0xa4: {  	[tilespmem:s0], [sflag:$0x2] =	stream.indirect_vreg.gather [hbm4b:s6+s2], $0x80, v3, vm0, $0xb8;
	[tilespmem:$0x1E100] =	vst v63  }
0xa5: {  	v3 =	vld [tilespmem:$0x50];
	_ =	sdelay $0x4  }
0xa6: {  	v58 =	vshrl.u32 v3, $0x3  }
0xa7: {  	v4 =	vmul.u32 $0x30, v58  }
0xa8: {  	v3 =	vand.u32 $0x7, v3  }
0xa9: {  	v3 =	vor.u32 v3, v4  }
0xaa: {  	v4 =	vperm.xlane v3, v0;
	_ =	sdelay $0x1  }
0xab: {  	v4 =	vadd.s32 v1, v4;
	_ =	sdelay $0x3  }
0xac: {  	s0 =	sld [smem:$0x7ED];
	v3 =	vperm.xlane v3, v2  }
0xad: {  	[tilespmem:s11], [sflag:$0x3] =	stream.indirect_vreg.gather [hbm4b:s4+s2], $0x80, v4, vm0, $0xb8;
	[tilespmem:$0x1E100] =	vst v63  }
0xae: {  	s13 =	sld [smem:$0x7EE];
	v3 =	vadd.s32 v1, v3  }
0xaf: {  	[tilespmem:s0], [sflag:$0x3] =	stream.indirect_vreg.gather [hbm4b:s5+s2], $0x80, v4, vm0, $0xb8;
	[tilespmem:$0x1E100] =	vst v63  }
0xb0: {  	s0 =	sld [smem:$0x7EF]  }
0xb1: {  	[tilespmem:s13], [sflag:$0x3] =	stream.indirect_vreg.gather [hbm4b:s6+s2], $0x80, v4, vm0, $0xb8;
	[tilespmem:$0x1E100] =	vst v63  }
0xb2: {  	s13 =	sld [smem:$0x7F0]  }
0xb3: {  	[tilespmem:s0], [sflag:$0x3] =	stream.indirect_vreg.gather [hbm4b:s4+s2], $0x80, v3, vm0, $0xb8;
	[tilespmem:$0x1E100] =	vst v63  }
0xb4: {  	s0 =	sld [smem:$0x7F1]  }
0xb5: {  	[tilespmem:s13], [sflag:$0x3] =	stream.indirect_vreg.gather [hbm4b:s5+s2], $0x80, v3, vm0, $0xb8;
	[tilespmem:$0x1E100] =	vst v63  }
0xb6: {  	_ = 	snop  }
0xb7: {  	[tilespmem:s0], [sflag:$0x3] =	stream.indirect_vreg.gather [hbm4b:s6+s2], $0x80, v3, vm0, $0xb8;
	[tilespmem:$0x1E100] =	vst v63  }
0xb8: {  	v3 =	vld [tilespmem:$0x60];
	_ =	sdelay $0x4  }
0xb9: {  	v59 =	vshrl.u32 v3, $0x3  }
0xba: {  	v4 =	vmul.u32 $0x30, v59  }
0xbb: {  	v3 =	vand.u32 $0x7, v3  }
0xbc: {  	v3 =	vor.u32 v3, v4  }
0xbd: {  	v4 =	vperm.xlane v3, v0;
	_ =	sdelay $0x1  }
0xbe: {  	v4 =	vadd.s32 v1, v4;
	_ =	sdelay $0x1  }
0xbf: {  	s0 =	sld [smem:$0x7F2];
	_ =	sdelay $0x1  }
0xc0: {  	s13 =	sld [smem:$0x7F3];
	v3 =	vperm.xlane v3, v2  }
0xc1: {  	[tilespmem:s0], [sflag:$0x3] =	stream.indirect_vreg.gather [hbm4b:s4+s2], $0x80, v4, vm0, $0xb8;
	[tilespmem:$0x1E100] =	vst v63  }
0xc2: {  	v3 =	vadd.s32 v1, v3;
	s0 =	sld [smem:$0x7F4]  }
0xc3: {  	[tilespmem:s13], [sflag:$0x3] =	stream.indirect_vreg.gather [hbm4b:s5+s2], $0x80, v4, vm0, $0xb8;
	[tilespmem:$0x1E100] =	vst v63  }
0xc4: {  	s13 =	sld [smem:$0x7F5]  }
0xc5: {  	[tilespmem:s0], [sflag:$0x3] =	stream.indirect_vreg.gather [hbm4b:s6+s2], $0x80, v4, vm0, $0xb8;
	[tilespmem:$0x1E100] =	vst v63  }
0xc6: {  	s0 =	sld [smem:$0x7F6]  }
0xc7: {  	[tilespmem:s13], [sflag:$0x3] =	stream.indirect_vreg.gather [hbm4b:s4+s2], $0x80, v3, vm0, $0xb8;
	[tilespmem:$0x1E100] =	vst v63  }
0xc8: {  	s13 =	sld [smem:$0x7F7]  }
0xc9: {  	[tilespmem:s0], [sflag:$0x3] =	stream.indirect_vreg.gather [hbm4b:s5+s2], $0x80, v3, vm0, $0xb8;
	[tilespmem:$0x1E100] =	vst v63  }
0xca: {  	_ = 	snop  }
0xcb: {  	[tilespmem:s13], [sflag:$0x3] =	stream.indirect_vreg.gather [hbm4b:s6+s2], $0x80, v3, vm0, $0xb8;
	[tilespmem:$0x1E100] =	vst v63  }
0xcc: {  	v3 =	vld.msk [tilespmem:$0x70], $0xff;
	_ =	sdelay $0x4  }
0xcd: {  	v60 =	vshrl.u32 v3, $0x3  }
0xce: {  	v4 =	vmul.u32 $0x30, v60  }
0xcf: {  	v3 =	vand.u32 $0x7, v3  }
0xd0: {  	v3 =	vor.u32 v3, v4  }
0xd1: {  	v3 =	vperm.xlane v3, v0;
	_ =	sdelay $0x1  }
0xd2: {  	v3 =	vadd.s32 v1, v3;
	_ =	sdelay $0x1  }
0xd3: {  	s0 =	sld [smem:$0x7F8];
	_ =	sdelay $0x1  }
0xd4: {  	s13 =	sld [smem:$0x7F9]  }
0xd5: {  	[tilespmem:s0], [sflag:$0x3] =	stream.indirect_vreg.gather [hbm4b:s4+s2], $0x80, v3, vm0, $0xb8;
	[tilespmem:$0x1E100] =	vst v63  }
0xd6: {  	s0 =	sld [smem:$0x7FA]  }
0xd7: {  	[tilespmem:s13], [sflag:$0x3] =	stream.indirect_vreg.gather [hbm4b:s5+s2], $0x80, v3, vm0, $0xb8;
	[tilespmem:$0x1E100] =	vst v63  }
0xd8: {  	_ = 	snop  }
0xd9: {  	[tilespmem:s0], [sflag:$0x3] =	stream.indirect_vreg.gather [hbm4b:s6+s2], $0x80, v3, vm0, $0xb8;
	[tilespmem:$0x1E100] =	vst v63  }
0xda: {  	v3 =	vld [tilespmem:$0x78];
	_ =	sdelay $0x4  }
0xdb: {  	v61 =	vshrl.u32 v3, $0x3  }
0xdc: {  	v4 =	vmul.u32 $0x30, v61  }
0xdd: {  	v3 =	vand.u32 $0x7, v3  }
0xde: {  	v3 =	vor.u32 v3, v4  }
0xdf: {  	v4 =	vperm.xlane v3, v0;
	_ =	sdelay $0x1  }
0xe0: {  	v4 =	vadd.s32 v1, v4;
	_ =	sdelay $0x3  }
0xe1: {  	s0 =	sld [smem:$0x7FB];
	v3 =	vperm.xlane v3, v2  }
0xe2: {  	[tilespmem:s12], [sflag:$0x4] =	stream.indirect_vreg.gather [hbm4b:s4+s2], $0x80, v4, vm0, $0xb8;
	[tilespmem:$0x1E100] =	vst v63  }
0xe3: {  	s13 =	sld [smem:$0x7FC];
	v3 =	vadd.s32 v1, v3  }
0xe4: {  	[tilespmem:s0], [sflag:$0x4] =	stream.indirect_vreg.gather [hbm4b:s5+s2], $0x80, v4, vm0, $0xb8;
	[tilespmem:$0x1E100] =	vst v63  }
0xe5: {  	s0 =	sld [smem:$0x7FD]  }
0xe6: {  	[tilespmem:s13], [sflag:$0x4] =	stream.indirect_vreg.gather [hbm4b:s6+s2], $0x80, v4, vm0, $0xb8;
	[tilespmem:$0x1E100] =	vst v63  }
0xe7: {  	_ = 	snop  }
0xe8: {  	[tilespmem:s0], [sflag:$0x4] =	stream.indirect_vreg.gather [hbm4b:s4+s2], $0x80, v3, vm0, $0xb8;
	[tilespmem:$0x1E100] =	vst v63  }
0xe9: {  	s13 =	simm.s32 $0x18900  }
0xea: {  	[tilespmem:s13], [sflag:$0x4] =	stream.indirect_vreg.gather [hbm4b:s5+s2], $0x80, v3, vm0, $0xb8;
	[tilespmem:$0x1E100] =	vst v63  }
0xeb: {  	_ = 	snop  }
0xec: {  	[tilespmem:s14], [sflag:$0x4] =	stream.indirect_vreg.gather [hbm4b:s6+s2], $0x80, v3, vm0, $0xb8;
	[tilespmem:$0x1E100] =	vst v63  }
0xed: {  	v3 =	vld [tilespmem:$0x88];
	_ =	sdelay $0x4  }
0xee: {  	v62 =	vshrl.u32 v3, $0x3  }
0xef: {  	v4 =	vmul.u32 $0x30, v62  }
0xf0: {  	v3 =	vand.u32 $0x7, v3  }
0xf1: {  	v3 =	vor.u32 v3, v4  }
0xf2: {  	v4 =	vperm.xlane v3, v0;
	_ =	sdelay $0x1  }
0xf3: {  	v4 =	vadd.s32 v1, v4;
	_ =	sdelay $0x3  }
0xf4: {  	v3 =	vperm.xlane v3, v2  }
0xf5: {  	[tilespmem:s15], [sflag:$0x4] =	stream.indirect_vreg.gather [hbm4b:s4+s2], $0x80, v4, vm0, $0xb8;
	[tilespmem:$0x1E100] =	vst v63  }
0xf6: {  	v3 =	vadd.s32 v1, v3  }
0xf7: {  	[tilespmem:s16], [sflag:$0x4] =	stream.indirect_vreg.gather [hbm4b:s5+s2], $0x80, v4, vm0, $0xb8;
	[tilespmem:$0x1E100] =	vst v63  }
0xf8: {  	_ = 	snop  }
0xf9: {  	[tilespmem:s17], [sflag:$0x4] =	stream.indirect_vreg.gather [hbm4b:s6+s2], $0x80, v4, vm0, $0xb8;
	[tilespmem:$0x1E100] =	vst v63  }
0xfa: {  	_ = 	snop  }
0xfb: {  	[tilespmem:s18], [sflag:$0x4] =	stream.indirect_vreg.gather [hbm4b:s4+s2], $0x80, v3, vm0, $0xb8;
	[tilespmem:$0x1E100] =	vst v63  }
0xfc: {  	_ = 	snop  }
0xfd: {  	[tilespmem:s19], [sflag:$0x4] =	stream.indirect_vreg.gather [hbm4b:s5+s2], $0x80, v3, vm0, $0xb8;
	[tilespmem:$0x1E100] =	vst v63  }
0xfe: {  	_ = 	snop  }
0xff: {  	[tilespmem:s20], [sflag:$0x4] =	stream.indirect_vreg.gather [hbm4b:s6+s2], $0x80, v3, vm0, $0xb8;
	[tilespmem:$0x1E100] =	vst v63  }
0x100: {  	v3 =	vld.msk [tilespmem:$0x98], $0xff;
	_ =	sdelay $0x4  }
0x101: {  	v63 =	vshrl.u32 v3, $0x3  }
0x102: {  	v4 =	vmul.u32 $0x30, v63  }
0x103: {  	v3 =	vand.u32 $0x7, v3  }
0x104: {  	v3 =	vor.u32 v3, v4  }
0x105: {  	v3 =	vperm.xlane v3, v0;
	_ =	sdelay $0x1  }
0x106: {  	v3 =	vadd.s32 v1, v3;
	_ =	sdelay $0x4  }
0x107: {  	[tilespmem:s21], [sflag:$0x4] =	stream.indirect_vreg.gather [hbm4b:s4+s2], $0x80, v3, vm0, $0xb8;
	[tilespmem:$0x1E100] =	vst v63  }
0x108: {  	_ = 	snop  }
0x109: {  	[tilespmem:s22], [sflag:$0x4] =	stream.indirect_vreg.gather [hbm4b:s5+s2], $0x80, v3, vm0, $0xb8;
	[tilespmem:$0x1E100] =	vst v63  }
0x10a: {  	_ = 	snop  }
0x10b: {  	[tilespmem:s23], [sflag:$0x4] =	stream.indirect_vreg.gather [hbm4b:s6+s2], $0x80, v3, vm0, $0xb8;
	[tilespmem:$0x1E100] =	vst v63  }
0x10c: {  	_ =	swait.ge [sflag:s24], $0x7800  }
0x10d: {  	[sflag:s24] =	ssyncset.done $0x0  }
0x10e: {  	[sflag:s24] =	ssyncadd.s32 $0xFFFF8800  }
0x10f: {  	[hbm4b:s3+s2] =	stream.linear.scatter [tilespmem:s9], [sflag:$0x5], $0x7800, $0x38;
	[tilespmem:$0x1E100] =	vst v63  }
0x110: {  	_ =	swait.ge [sflag:s25], $0x7800  }
0x111: {  	[sflag:s25] =	ssyncset.done $0x0  }
0x112: {  	s13 =	rddreg [dreg:$0x4];
	[sflag:s25] =	ssyncadd.s32 $0xFFFF8800  }
0x113: {  	[hbm4b:s13+s2] =	stream.linear.scatter [tilespmem:s10], [sflag:$0x6], $0x7800, $0x38;
	[tilespmem:$0x1E100] =	vst v63  }
0x114: {  	_ =	swait.ge [sflag:s26], $0x7800  }
0x115: {  	[sflag:s26] =	ssyncset.done $0x0  }
0x116: {  	s13 =	rddreg [dreg:$0x5];
	[sflag:s26] =	ssyncadd.s32 $0xFFFF8800  }
0x117: {  	[hbm4b:s13+s2] =	stream.linear.scatter [tilespmem:s11], [sflag:$0x7], $0x7800, $0x38;
	[tilespmem:$0x1E100] =	vst v63  }
0x118: {  	_ =	swait.ge [sflag:s28], $0x7800  }
0x119: {  	[sflag:s28] =	ssyncset.done $0x0  }
0x11a: {  	s13 =	rddreg [dreg:$0x6];
	[sflag:s28] =	ssyncadd.s32 $0xFFFF8800  }
0x11b: {  	[hbm4b:s13+s2] =	stream.linear.scatter [tilespmem:s12], [sflag:$0x8], $0x7800, $0x38;
	[tilespmem:$0x1E100] =	vst v63  }
0x11c: {  	_ =	swait.ge [sflag:s29], $0x7800  }
0x11d: {  	[sflag:s29] =	ssyncset.done $0x0  }
0x11e: {  	[sflag:s29] =	ssyncadd.s32 $0xFFFF8800  }
0x11f: {  	_ =	swait.ge [sflag:s30], $0x7800  }
0x120: {  	[sflag:s30] =	ssyncset.done $0x0  }
0x121: {  	[sflag:s30] =	ssyncadd.s32 $0xFFFF8800  }
0x122: {  	p0 =	sne.s32 s7, $0x1;
	_ =	swait.ge [sflag:s31], $0x7800  }
.Ltmp0:
0x123: {  	[sflag:s31] =	ssyncset.done $0x0;
	(pc) =	sbr.rel @p0 .LBB2_1-.Ltmp0, $4  }
0x124: {  	[sflag:s31] =	ssyncadd.s32 $0xFFFF8800  }
0x125: {  	_ =	swait.ge [sflag:s1], $0x7800  }
0x126: {  	[sflag:s1] =	ssyncset.done $0x0  }
0x127: {  	s7 =	sadd.s32 $0xFFFFFFFF, s7;
	[sflag:s1] =	ssyncadd.s32 $0xFFFF8800  }
0x128: {  	_ =	sfence.sel $0x180000  }
0x129: {  	[bflag:$0x0] =	sbarrier.arrive $0xFFFF  }
0x12a: {  	_ =	strace $0x90000047  }
0x12b: {  	s0 =	stileid.u32;
	[bflag:$0x2] =	sbarrier.arrive $0xFFFF  }
0x12c: {  	p0 =	sne.s32 s0, $0x0;
	s0 =	rddreg [dreg:$0x2]  }
0x12d: {  	s0 =	sadd.s32 @!p0 $0x100000, s0  }
0x12e: {  	[sflag:s0] =	ssyncadd.tile.s32 @!p0 $0x1;
	_ =	shalt  }
.Lfunc_end2:
_tile_overlayer_lowered:
.L_overlay_start_2:
0x12f: {  	(tag) =	ssettag $0x2  }
0x130: {  	s0 =	rddreg [dreg:$0x0];
	s2 =	stileid.u32  }
0x131: {  	s1 =	rddreg [dreg:$0x1];
	p0 =	sne.s32 s2, $0x0  }
0x132: {  	s3 =	rddreg [dreg:$0x2];
	[bflag:$0x3] =	sbarrier.arrive $0xFFFF;
	s2 =	simm.s32 @!p0 $0x1C09  }
0x133: {  	[timem:s3], [sflag:s2] =	dma.local @!p0 [hbm:s0], s1  }
0x134: {  	s0 =	simm.s32 @!p0 $0x9  }
0x135: {  	_ =	swait.ge @!p0 [sflag:s0], s1  }
0x136: {  	s1 =	ssub.s32 @!p0 $0x0, s1;
	[sflag:s0] =	ssyncset.done @!p0 $0x0  }
0x137: {  	[sflag:s0] =	ssyncadd.s32 @!p0 s1  }
0x138: {  	[bflag:$0x3] =	sbarrier.arrive $0xFFFF  }
0x139: {  	_ =	shalt  }

// kernel: kernel.14.cloned.1.call-start
scs
__scs_entry_jumppad:
0x0: {  	(pc) =	sbr.rel $0x88, $3  }
0x1: {  	(tag) =	ssettag $0x0;
	lr =	simm.s32 $0x1  }
0x2: {  	[smem:$0x3F96] =	sst lr;
	_ =	strace $0xD0000000  }
0x3: {  	_ = 	snop  }
0x4: {  	_ = 	snop  }
0x5: {  	_ = 	snop  }
0x6: {  	_ = 	snop  }
0x7: {  	_ = 	snop  }
__scs_overlays_trampoline_lowered:
0x8: {  	[smem:$0x3FA5] =	sst s0  }
0x9: {  	[smem:$0x3FA6] =	sst s1  }
0xa: {  	[smem:$0x3FA7] =	sst s2  }
0xb: {  	[smem:$0x3FA8] =	sst s3  }
0xc: {  	[smem:$0x3FA9] =	sst s4  }
0xd: {  	[smem:$0x3FAA] =	sst s5  }
0xe: {  	[smem:$0x3FAB] =	sst s6  }
0xf: {  	[smem:$0x3FAC] =	sst s7  }
0x10: {  	[smem:$0x3FAD] =	sst s8  }
0x11: {  	[smem:$0x3FAE] =	sst s9;
	s0 =	simm.s32 @!p0 $0x0  }
0x12: {  	s1 =	sld [smem:$0x3F94];
	s0 =	simm.s32 @p0 $0x1  }
0x13: {  	[smem:$0x3FAF] =	sst s0;
	s0 =	simm.s32 @!p1 $0x0  }
0x14: {  	s2 =	sld [smem:$0x3F93];
	s0 =	simm.s32 @p1 $0x1  }
0x15: {  	[smem:$0x3FB0] =	sst s0;
	s0 =	simm.s32 @!p2 $0x0  }
0x16: {  	s3 =	sld [smem:$0x3FDB];
	s0 =	simm.s32 @p2 $0x1  }
0x17: {  	s4 =	simm.s32 $0x1BF5;
	[smem:$0x3FB2] =	sst s0  }
0x18: {  	s0 =	sld [smem:$0x3F95];
	_ =	swait.ge [sflag:s4], $0x0  }
0x19: {  	s7 =	sld [smem:$0x3F96]  }
0x1a: {  	s8 =	sadd.s32 $0xFFFFE003, lr  }
0x1b: {  	s9 =	sadd.s32 $0xFFFFFEF7, lr;
	s5 =	simm.s32 $0xFFFFFFFF;
	p2 =	slt.u32 s8, $0xFFFFF086  }
0x1c: {  	p1 =	slt.u32 s9, $0xF7A;
	s5 =	simm.s32 @!p2 $0x0  }
0x1d: {  	s5 =	simm.s32 @p1 $0x1;
	p0 =	seq.s32 s7, s2  }
0x1e: {  	s7 =	smul.u32 @!p0 $0xF7A, s2;
	p2 =	seq.s32 @!p0 s5, $0x0  }
0x1f: {  	s9 =	smul.u32 $0xF7A, s1;
	s8 =	simm.s32 @!p0 $0x1BF5;
	p2 =	por !p2, p0  }
0x20: {  	[sflag:s8] =	ssyncset.s32 @!p0 $0xFFFFF086;
	s6 =	sadd.s32 @!p0 s3, s7;
	s7 =	simm.s32 @!p0 $0x108  }
0x21: {  	s3 =	sadd.s32 s3, s9;
	s6 =	sadd.s32 @!p0 $0x88, s6;
	s7 =	simm.s32 @p2 $0x1082  }
0x22: {  	[simem:s7], [sflag:s8] =	dma.local @!p0 [hbm:s6], $0xF7A  }
0x23: {  	s9 =	sor.u32 $0xD0000000, s2;
	s6 =	simm.s32 $0x108;
	_ =	swait.ge @!p0 [sflag:s8], $0x0  }
0x24: {  	s3 =	sadd.s32 $0x88, s3;
	s6 =	simm.s32 @!p1 $0x1082;
	[sflag:s4] =	ssyncset.s32 $0xFFFFF086  }
0x25: {  	[simem:s6], [sflag:s4] =	dma.local [hbm:s3], $0xF7A  }
0x26: {  	[smem:$0x3F96] =	sst s1;
	(tag) =	ssettag s2;
	_ =	strace s9  }
0x27: {  	s1 =	sld [smem:$0x3FA6]  }
0x28: {  	s2 =	sld [smem:$0x3FA7]  }
0x29: {  	s4 =	sld [smem:$0x3FA9]  }
0x2a: {  	p0 =	seq.s32 s5, $0x0;
	s5 =	sld [smem:$0x3FAA]  }
0x2b: {  	s6 =	sld [smem:$0x3FAB]  }
0x2c: {  	s7 =	sld [smem:$0x3FAC]  }
0x2d: {  	s3 =	simm.s32 $0x108;
	s8 =	sld [smem:$0x3FAD]  }
0x2e: {  	s3 =	simm.s32 @!p0 $0x1082;
	s9 =	sld [smem:$0x3FAE]  }
0x2f: {  	lr =	sadd.s32 s0, s3;
	s0 =	sld [smem:$0x3FA5]  }
0x30: {  	s3 =	sld [smem:$0x3FA8]  }
0x31: {  	[smem:$0x3FB1] =	sst s10  }
0x32: {  	s10 =	sld [smem:$0x3FAF];
	_ =	sdelay $0x3  }
0x33: {  	p0 =	seq.s32 s10, $0x1;
	s10 =	sld [smem:$0x3FB1];
	_ =	sdelay $0x3  }
0x34: {  	[smem:$0x3FB1] =	sst s10  }
0x35: {  	s10 =	sld [smem:$0x3FB0];
	_ =	sdelay $0x3  }
0x36: {  	p1 =	seq.s32 s10, $0x1;
	s10 =	sld [smem:$0x3FB1];
	_ =	sdelay $0x3  }
0x37: {  	[smem:$0x3FB1] =	sst s10  }
0x38: {  	s10 =	sld [smem:$0x3FB2]  }
0x39: {  	_ = 	snop;
	(pc) =	sbr.ind lr, $3  }
0x3a: {  	_ = 	snop  }
0x3b: {  	_ = 	snop  }
0x3c: {  	p2 =	seq.s32 s10, $0x1;
	s10 =	sld [smem:$0x3FB1]  }
0x3d: {  	_ =	shalt  }
0x3e: {  	_ =	shalt  }
0x3f: {  	_ =	shalt  }
0x40: {  	_ =	shalt  }
0x41: {  	_ =	shalt  }
0x42: {  	_ =	shalt  }
0x43: {  	_ =	shalt  }
0x44: {  	_ =	shalt  }
0x45: {  	_ =	shalt  }
0x46: {  	_ =	shalt  }
0x47: {  	_ =	shalt  }
0x48: {  	_ =	shalt  }
0x49: {  	_ =	shalt  }
0x4a: {  	_ =	shalt  }
0x4b: {  	_ =	shalt  }
0x4c: {  	_ =	shalt  }
0x4d: {  	_ =	shalt  }
0x4e: {  	_ =	shalt  }
0x4f: {  	_ =	shalt  }
0x50: {  	_ =	shalt  }
0x51: {  	_ =	shalt  }
0x52: {  	_ =	shalt  }
0x53: {  	_ =	shalt  }
0x54: {  	_ =	shalt  }
0x55: {  	_ =	shalt  }
0x56: {  	_ =	shalt  }
0x57: {  	_ =	shalt  }
0x58: {  	_ =	shalt  }
0x59: {  	_ =	shalt  }
0x5a: {  	_ =	shalt  }
0x5b: {  	_ =	shalt  }
0x5c: {  	_ =	shalt  }
0x5d: {  	_ =	shalt  }
0x5e: {  	_ =	shalt  }
0x5f: {  	_ =	shalt  }
0x60: {  	_ =	shalt  }
0x61: {  	_ =	shalt  }
0x62: {  	_ =	shalt  }
0x63: {  	_ =	shalt  }
0x64: {  	_ =	shalt  }
0x65: {  	_ =	shalt  }
0x66: {  	_ =	shalt  }
0x67: {  	_ =	shalt  }
0x68: {  	_ =	shalt  }
0x69: {  	_ =	shalt  }
0x6a: {  	_ =	shalt  }
0x6b: {  	_ =	shalt  }
0x6c: {  	_ =	shalt  }
0x6d: {  	_ =	shalt  }
0x6e: {  	_ =	shalt  }
0x6f: {  	_ =	shalt  }
0x70: {  	_ =	shalt  }
0x71: {  	_ =	shalt  }
0x72: {  	_ =	shalt  }
0x73: {  	_ =	shalt  }
0x74: {  	_ =	shalt  }
0x75: {  	_ =	shalt  }
0x76: {  	_ =	shalt  }
0x77: {  	_ =	shalt  }
0x78: {  	_ =	shalt  }
0x79: {  	_ =	shalt  }
0x7a: {  	_ =	shalt  }
0x7b: {  	_ =	shalt  }
0x7c: {  	_ =	shalt  }
0x7d: {  	_ =	shalt  }
0x7e: {  	_ =	shalt  }
0x7f: {  	_ =	shalt  }
0x80: {  	_ =	shalt  }
0x81: {  	_ =	shalt  }
0x82: {  	_ =	shalt  }
0x83: {  	_ =	shalt  }
0x84: {  	_ =	shalt  }
0x85: {  	_ =	shalt  }
0x86: {  	_ =	shalt  }
0x87: {  	_ =	shalt  }
.Lfunc_end0:
.L_simem_size_0:
called_computation.1_lowered:
.L_overlay_start_0:
0x88: {  	s2 =	sld [smem:$0x3FD9]  }
0x89: {  	s3 =	sld [smem:$0x3FFE];
	_ =	sdelay $0x1  }
0x8a: {  	s1 =	srdreg.scid  }
0x8b: {  	s0 =	sand.u32 $0x1, s1  }
0x8c: {  	s14 =	sshll.u32 s0, $0xA;
	s2 =	sadd.s32 s3, s2  }
0x8d: {  	s2 =	sadd.s32 s2, s14  }
0x8e: {  	[smem:$0x3FBD] =	sst s2  }
0x8f: {  	_ = 	snop  }
0x90: {  	s2 =	sld [smem:$0x3FD0];
	_ =	sdelay $0x2  }
0x91: {  	s15 =	simm.s32 $0xA;
	s4 =	simm.s32 $0x10  }
0x92: {  	[smem:s4], [sflag:s15] =	dma.local [hbm:s2], $0x1  }
0x93: {  	_ =	swait.eq [sflag:s15], $0x1  }
0x94: {  	[sflag:s15] =	ssyncset.done $0x0  }
0x95: {  	[sflag:s15] =	ssyncadd.s32 $0xFFFFFFFF  }
0x96: {  	s16 =	sld [smem:$0x10];
	(tm) =	ssettm $0x1  }
0x97: {  	s17 =	sld [smem:$0x3FFB];
	_ =	sdelay $0x3  }
0x98: {  	_ =	strace s17  }
0x99: {  	s3 =	sld [smem:$0x3FFC];
	_ =	sdelay $0x3  }
0x9a: {  	_ =	strace s3  }
0x9b: {  	s3 =	sld [smem:$0x3FFD];
	_ =	sdelay $0x3  }
0x9c: {  	_ =	strace s3  }
0x9d: {  	_ =	strace $0x8FFFFFFF  }
0x9e: {  	s18 =	sld [smem:$0x3FDB];
	_ =	sdelay $0x1  }
0x9f: {  	s19 =	simm.s32 $_scs_section_size  }
0xa0: {  	s5 =	simm.s32 $_size__tile_overlayer_lowered;
	s6 =	simm.s32 $_tile_overlayer_lowered  }
0xa1: {  	s22 =	simm.s32 $0x1BFF;
	s21 =	sshll.u32 s6, $0x1;
	s3 =	sadd.s32 s19, s18  }
0xa2: {  	s7 =	simm.s32 $0x0;
	s20 =	sshll.u32 s5, $0x1;
	s5 =	sadd.s32 s21, s3  }
0xa3: {  	[timem:s7], [sflag:s22] =	dma.local [hbm:s5], s20  }
0xa4: {  	_ =	swait.ge [sflag:s22], s20  }
0xa5: {  	s4 =	ssub.s32 $0x0, s20;
	[sflag:s22] =	ssyncset.done $0x0  }
0xa6: {  	[sflag:s22] =	ssyncadd.s32 s4;
	_ =	sdelay $0x1  }
0xa7: {  	s23 =	simm.s32 $0x1B8B  }
0xa8: {  	_ =	swait.ge [sflag:s23], $0x1  }
0xa9: {  	[sflag:s23] =	ssyncset.done $0x0  }
0xaa: {  	s25 =	simm.s32 $0x1B8E;
	s24 =	sld [smem:$0x3FFE];
	[sflag:s23] =	ssyncadd.s32 $0xFFFFFFFF  }
0xab: {  	s26 =	simm.s32 $execute0_lowered;
	[smem:$0x3FD2] =	sst s25  }
0xac: {  	s5 =	sshll.u32 s26, $0x1;
	_ =	strace $0x80000049;
	[dreg:$0x1] =	wrdreg $0xFFFFFFFF  }
0xad: {  	s28 =	simm.s32 $_size_execute0_lowered;
	s3 =	sadd.s32 s3, s5;
	[dreg:$0x0] =	wrdreg $0x0  }
0xae: {  	s5 =	sshll.u32 s28, $0x1;
	[dreg:$0x2] =	wrdreg s3  }
0xaf: {  	[dreg:$0x3] =	wrdreg s5  }
0xb0: {  	[dreg:$0x4] =	wrdreg $0xC0  }
0xb1: {  	_ =	task [dreg:s7], $0x5FFFF  }
0xb2: {  	[dreg:$0x1] =	wrdreg $0xFFFFFFFF  }
0xb3: {  	[dreg:$0x0] =	wrdreg $0x60  }
0xb4: {  	[dreg:$0x2] =	wrdreg s24  }
0xb5: {  	[dreg:$0x3] =	wrdreg s16  }
0xb6: {  	[dreg:$0x4] =	wrdreg $0x9  }
0xb7: {  	_ =	task.clear_ibuf [dreg:s7], $0x5FFFF;
	_ =	strace $0x90000049  }
0xb8: {  	s29 =	simm.s32 $0x9;
	_ =	strace $0x8000004B  }
0xb9: {  	_ =	swait.ge [sflag:s29], $0x1  }
0xba: {  	[sflag:s29] =	ssyncadd.s32 $0xFFFFFFFF  }
0xbb: {  	_ =	strace $0x9000004B  }
0xbc: {  	_ =	sfence  }
0xbd: {  	s30 =	sld [smem:$0x0];
	_ =	sdelay $0x2  }
0xbe: {  	s31 =	sshll.u32 s1, $0xD;
	s1 =	sshrl.u32 s1, $0x2  }
0xbf: {  	s3 =	sand.u32 $0x4000, s31;
	s1 =	sadd.s32 s1, s30  }
0xc0: {  	s0 =	sor.u32 s3, s0;
	s1 =	sshll.u32 s1, $0x11  }
0xc1: {  	s0 =	sor.u32 s1, s0  }
0xc2: {  	s0 =	sadd.s32 $0x8F2B, s0  }
0xc3: {  	[sflag:s0] =	ssyncadd.remote.s32 $0x1  }
0xc4: {  	_ =	sfence.sel $0xFFFF  }
0xc5: {  	[dreg:$0x0] =	wrdreg $0xFFFFFFFF;
	(pc) =	sbr.abs _section_cstart, $3  }
0xc6: {  	[dreg:$0x1] =	wrdreg $0xFFFFFFFF  }
0xc7: {  	_ =	task.clear_ibuf [dreg:s7], $0x2FFFF;
	_ =	strace $0x9FFFFFFF  }
0xc8: {  	(tm) =	ssettm $0x7FFFFFFF  }
0xc9: {  	_ =	shalt  }
tec
execute0_lowered:
.L_overlay_start_1:
0x0: {  	(tag) =	ssettag $0x1  }
0x1: {  	s1 =	srdreg.scid  }
0x2: {  	s0 =	stileid.u32;
	s5 =	sand.u32 $0x1, s1  }
0x3: {  	s4 =	rddreg [dreg:$0x1];
	s2 =	sshll.u32 s0, $0x5;
	s3 =	sshll.u32 s5, $0x4  }
0x4: {  	s1 =	rddreg [dreg:$0x0];
	s3 =	sor.u32 s3, s2;
	s2 =	simm.s32 $0x0  }
0x5: {  	s15 =	simm.s32 $0x880;
	[smem:$0x7FF] =	sst s2  }
0x6: {  	s16 =	simm.s32 $0x1080;
	_ =	strace $0x8000004A;
	[dreg:$0x7] =	wrdreg s15  }
0x7: {  	s17 =	simm.s32 $0x1880;
	[dreg:$0x8] =	wrdreg s16  }
0x8: {  	s18 =	simm.s32 $0x2080;
	[dreg:$0x9] =	wrdreg s17  }
0x9: {  	s19 =	simm.s32 $0x2880;
	[dreg:$0xa] =	wrdreg s18  }
0xa: {  	s20 =	simm.s32 $0x3080;
	[dreg:$0xb] =	wrdreg s19  }
0xb: {  	s21 =	simm.s32 $0x3880;
	[dreg:$0xc] =	wrdreg s20  }
0xc: {  	s22 =	simm.s32 $0x4080;
	[dreg:$0xd] =	wrdreg s21  }
0xd: {  	s23 =	simm.s32 $0x4880;
	[dreg:$0xe] =	wrdreg s22  }
0xe: {  	s24 =	simm.s32 $0x5080;
	[dreg:$0xf] =	wrdreg s23  }
0xf: {  	s25 =	simm.s32 $0x5880;
	[dreg:$0x10] =	wrdreg s24  }
0x10: {  	s26 =	simm.s32 $0x6880;
	[dreg:$0x11] =	wrdreg s25  }
0x11: {  	s9 =	simm.s32 $0x9080;
	s0 =	simm.s32 $0x7080;
	[dreg:$0x12] =	wrdreg s26  }
0x12: {  	s10 =	simm.s32 $0x9880;
	s11 =	simm.s32 $0xA080;
	[dreg:$0x13] =	wrdreg s0  }
0x13: {  	s12 =	simm.s32 $0xA880;
	s28 =	simm.s32 $0x4;
	[dreg:$0x17] =	wrdreg s9  }
0x14: {  	s29 =	simm.s32 $0x5;
	s6 =	smul.u32 $0x300, s3;
	[dreg:$0x18] =	wrdreg s10  }
0x15: {  	s7 =	smul.u32 $0x1800, s3;
	s3 =	sadd.s32 s3, s1;
	[dreg:$0x19] =	wrdreg s11  }
0x16: {  	s30 =	simm.s32 $0x6;
	s8 =	sadd.s32 $0xEBE00, s3;
	[dreg:$0x1a] =	wrdreg s12  }
0x17: {  	s31 =	simm.s32 $0x7;
	s15 =	simm.s32 $0xC880;
	[dreg:$0x3] =	wrdreg s8  }
0x18: {  	s5 =	ssub.s32 $0x2, s5;
	s16 =	simm.s32 $0xD080;
	[dreg:$0x1d] =	wrdreg s15  }
0x19: {  	s17 =	sshrl.u32 s5, $0x1;
	s18 =	simm.s32 $0xD880;
	[dreg:$0x1e] =	wrdreg s16  }
0x1a: {  	s19 =	simm.s32 $0xE080;
	s20 =	simm.s32 $0xE880;
	[dreg:$0x1f] =	wrdreg s18  }
0x1b: {  	s21 =	simm.s32 $0xF080;
	s22 =	simm.s32 $0xF880;
	[smem:$0x7F6] =	sst s19  }
0x1c: {  	s23 =	simm.s32 $0x10080;
	s9 =	simm.s32 $0x80;
	[smem:$0x7F7] =	sst s20  }
0x1d: {  	s24 =	simm.s32 $0x10880;
	s10 =	simm.s32 $0x6080;
	[smem:$0x7F8] =	sst s21  }
0x1e: {  	s25 =	simm.s32 $0x11080;
	s11 =	simm.s32 $0xC080;
	[smem:$0x7F9] =	sst s22  }
0x1f: {  	s26 =	simm.s32 $0x11880;
	s12 =	simm.s32 $0x12080;
	[smem:$0x7FA] =	sst s23  }
0x20: {  	s3 =	sadd.s32 s4, s6;
	s13 =	sshrl.u32 s7, $0x3;
	[smem:$0x7FB] =	sst s24  }
0x21: {  	s7 =	simm.s32 $0x8080;
	s8 =	simm.s32 $0x8880;
	[smem:$0x7FC] =	sst s25  }
0x22: {  	[smem:$0x7FD] =	sst s26;
	s15 =	simm.s32 $0x13880;
	s16 =	simm.s32 $0x14080  }
0x23: {  	s18 =	simm.s32 $0x15080;
	s19 =	simm.s32 $0x15880;
	s20 =	simm.s32 $0x16080  }
0x24: {  	s21 =	simm.s32 $0x16880;
	s22 =	simm.s32 $0x17080;
	s23 =	simm.s32 $0x17880  }
0x25: {  	s24 =	simm.s32 $0x1;
	s25 =	simm.s32 $0x2;
	s26 =	simm.s32 $0x3  }
0x26: {  	s14 =	sadd.s32 $0xC00, s3;
	s4 =	sadd.s32 s4, s13;
	[dreg:$0x15] =	wrdreg s7  }
0x27: {  	[dreg:$0x16] =	wrdreg s8;
	s13 =	simm.s32 $0xB080;
	s7 =	ssub.s32 s5, s17  }
0x28: {  	s5 =	sadd.s32 $0x73F00, s1;
	s8 =	simm.s32 $0x9;
	[dreg:$0x4] =	wrdreg s14  }
0x29: {  	s17 =	simm.s32 $0x14880;
	s6 =	sadd.s32 $0x1800, s4;
	[dreg:$0x1b] =	wrdreg s13  }
0x2a: {  	s4 =	sadd.s32 $0x2400, s4;
	s14 =	simm.s32 $0xB880;
	[dreg:$0x5] =	wrdreg s6  }
0x2b: {  	v2 =	vlaneseq.u32;
	s7 =	smax.u32 s7, $0x1;
	[dreg:$0x6] =	wrdreg s4;
	s6 =	simm.s32 $0x7880  }
0x2c: {  	vm0 =	vmmov $0xffff;
	v1 =	vshrl.u32 v2, $0x3;
	s4 =	sadd.s32 $0x73E00, s1;
	[dreg:$0x1c] =	wrdreg s14;
	s14 =	simm.s32 $0x13080  }
0x2d: {  	v0 =	vand.u32 $0x7, v2;
	v2 =	vor.u32 $0x8, v2;
	v1 =	vmul.u32 $0x8, v1;
	[dreg:$0x14] =	wrdreg s6;
	s6 =	sadd.s32 $0x74000, s1;
	s1 =	simm.s32 $0x8  }
.LBB2_1:
0x2e: {  	s0 =	rddreg [dreg:$0x3]  }
0x2f: {  	[tilespmem:s2], [sflag:$0x9] =	stream.linear.gather [hbm4b:s0+s2], $0x80, $0x38;
	[tilespmem:$0x18080] =	vst v63  }
0x30: {  	_ =	swait.ge [sflag:s8], $0x80  }
0x31: {  	[sflag:s8] =	ssyncset.done $0x0  }
0x32: {  	[sflag:s8] =	ssyncadd.s32 $0xFFFFFF80  }
0x33: {  	v3 =	vld [tilespmem:$0x0];
	_ =	sdelay $0x4  }
0x34: {  	v4 =	vshrl.u32 v3, $0x3  }
0x35: {  	v4 =	vmul.u32 $0x30, v4  }
0x36: {  	v3 =	vand.u32 $0x7, v3  }
0x37: {  	v3 =	vor.u32 v3, v4  }
0x38: {  	v4 =	vperm.xlane v3, v0;
	_ =	sdelay $0x1  }
0x39: {  	v4 =	vadd.s32 v1, v4;
	_ =	sdelay $0x3  }
0x3a: {  	v3 =	vperm.xlane v3, v2  }
0x3b: {  	[tilespmem:s9], [sflag:$0x1] =	stream.indirect_vreg.gather [hbm4b:s4+s2], $0x80, v4, vm0, $0xb8;
	[tilespmem:$0x18080] =	vst v63  }
0x3c: {  	s0 =	rddreg [dreg:$0x7];
	v3 =	vadd.s32 v1, v3  }
0x3d: {  	[tilespmem:s0], [sflag:$0x1] =	stream.indirect_vreg.gather [hbm4b:s5+s2], $0x80, v4, vm0, $0xb8;
	[tilespmem:$0x18080] =	vst v63  }
0x3e: {  	s13 =	rddreg [dreg:$0x8]  }
0x3f: {  	[tilespmem:s13], [sflag:$0x1] =	stream.indirect_vreg.gather [hbm4b:s6+s2], $0x80, v4, vm0, $0xb8;
	[tilespmem:$0x18080] =	vst v63  }
0x40: {  	s0 =	rddreg [dreg:$0x9]  }
0x41: {  	[tilespmem:s0], [sflag:$0x1] =	stream.indirect_vreg.gather [hbm4b:s4+s2], $0x80, v3, vm0, $0xb8;
	[tilespmem:$0x18080] =	vst v63  }
0x42: {  	s13 =	rddreg [dreg:$0xa]  }
0x43: {  	[tilespmem:s13], [sflag:$0x1] =	stream.indirect_vreg.gather [hbm4b:s5+s2], $0x80, v3, vm0, $0xb8;
	[tilespmem:$0x18080] =	vst v63  }
0x44: {  	s0 =	rddreg [dreg:$0xb]  }
0x45: {  	[tilespmem:s0], [sflag:$0x1] =	stream.indirect_vreg.gather [hbm4b:s6+s2], $0x80, v3, vm0, $0xb8;
	[tilespmem:$0x18080] =	vst v63  }
0x46: {  	v3 =	vld [tilespmem:$0x10];
	_ =	sdelay $0x4  }
0x47: {  	v57 =	vshrl.u32 v3, $0x3  }
0x48: {  	v4 =	vmul.u32 $0x30, v57  }
0x49: {  	v3 =	vand.u32 $0x7, v3  }
0x4a: {  	v3 =	vor.u32 v3, v4  }
0x4b: {  	v4 =	vperm.xlane v3, v0;
	_ =	sdelay $0x1  }
0x4c: {  	v4 =	vadd.s32 v1, v4;
	_ =	sdelay $0x3  }
0x4d: {  	s0 =	rddreg [dreg:$0xc];
	v3 =	vperm.xlane v3, v2  }
0x4e: {  	[tilespmem:s0], [sflag:$0x1] =	stream.indirect_vreg.gather [hbm4b:s4+s2], $0x80, v4, vm0, $0xb8;
	[tilespmem:$0x18080] =	vst v63  }
0x4f: {  	s13 =	rddreg [dreg:$0xd];
	v3 =	vadd.s32 v1, v3  }
0x50: {  	[tilespmem:s13], [sflag:$0x1] =	stream.indirect_vreg.gather [hbm4b:s5+s2], $0x80, v4, vm0, $0xb8;
	[tilespmem:$0x18080] =	vst v63  }
0x51: {  	s0 =	rddreg [dreg:$0xe]  }
0x52: {  	[tilespmem:s0], [sflag:$0x1] =	stream.indirect_vreg.gather [hbm4b:s6+s2], $0x80, v4, vm0, $0xb8;
	[tilespmem:$0x18080] =	vst v63  }
0x53: {  	s13 =	rddreg [dreg:$0xf]  }
0x54: {  	[tilespmem:s13], [sflag:$0x1] =	stream.indirect_vreg.gather [hbm4b:s4+s2], $0x80, v3, vm0, $0xb8;
	[tilespmem:$0x18080] =	vst v63  }
0x55: {  	s0 =	rddreg [dreg:$0x10]  }
0x56: {  	[tilespmem:s0], [sflag:$0x1] =	stream.indirect_vreg.gather [hbm4b:s5+s2], $0x80, v3, vm0, $0xb8;
	[tilespmem:$0x18080] =	vst v63  }
0x57: {  	s13 =	rddreg [dreg:$0x11]  }
0x58: {  	[tilespmem:s13], [sflag:$0x1] =	stream.indirect_vreg.gather [hbm4b:s6+s2], $0x80, v3, vm0, $0xb8;
	[tilespmem:$0x18080] =	vst v63  }
0x59: {  	v3 =	vld [tilespmem:$0x20];
	_ =	sdelay $0x4  }
0x5a: {  	v58 =	vshrl.u32 v3, $0x3  }
0x5b: {  	v4 =	vmul.u32 $0x30, v58  }
0x5c: {  	v3 =	vand.u32 $0x7, v3  }
0x5d: {  	v3 =	vor.u32 v3, v4  }
0x5e: {  	v4 =	vperm.xlane v3, v0;
	_ =	sdelay $0x1  }
0x5f: {  	v4 =	vadd.s32 v1, v4;
	_ =	sdelay $0x3  }
0x60: {  	v3 =	vperm.xlane v3, v2  }
0x61: {  	[tilespmem:s10], [sflag:$0x2] =	stream.indirect_vreg.gather [hbm4b:s4+s2], $0x80, v4, vm0, $0xb8;
	[tilespmem:$0x18080] =	vst v63  }
0x62: {  	s0 =	rddreg [dreg:$0x12];
	v3 =	vadd.s32 v1, v3  }
0x63: {  	[tilespmem:s0], [sflag:$0x2] =	stream.indirect_vreg.gather [hbm4b:s5+s2], $0x80, v4, vm0, $0xb8;
	[tilespmem:$0x18080] =	vst v63  }
0x64: {  	s13 =	rddreg [dreg:$0x13]  }
0x65: {  	[tilespmem:s13], [sflag:$0x2] =	stream.indirect_vreg.gather [hbm4b:s6+s2], $0x80, v4, vm0, $0xb8;
	[tilespmem:$0x18080] =	vst v63  }
0x66: {  	s0 =	rddreg [dreg:$0x14]  }
0x67: {  	[tilespmem:s0], [sflag:$0x2] =	stream.indirect_vreg.gather [hbm4b:s4+s2], $0x80, v3, vm0, $0xb8;
	[tilespmem:$0x18080] =	vst v63  }
0x68: {  	s13 =	rddreg [dreg:$0x15]  }
0x69: {  	[tilespmem:s13], [sflag:$0x2] =	stream.indirect_vreg.gather [hbm4b:s5+s2], $0x80, v3, vm0, $0xb8;
	[tilespmem:$0x18080] =	vst v63  }
0x6a: {  	s0 =	rddreg [dreg:$0x16]  }
0x6b: {  	[tilespmem:s0], [sflag:$0x2] =	stream.indirect_vreg.gather [hbm4b:s6+s2], $0x80, v3, vm0, $0xb8;
	[tilespmem:$0x18080] =	vst v63  }
0x6c: {  	v3 =	vld [tilespmem:$0x30];
	_ =	sdelay $0x4  }
0x6d: {  	v59 =	vshrl.u32 v3, $0x3  }
0x6e: {  	v4 =	vmul.u32 $0x30, v59  }
0x6f: {  	v3 =	vand.u32 $0x7, v3  }
0x70: {  	v3 =	vor.u32 v3, v4  }
0x71: {  	v4 =	vperm.xlane v3, v0;
	_ =	sdelay $0x1  }
0x72: {  	v4 =	vadd.s32 v1, v4;
	_ =	sdelay $0x3  }
0x73: {  	s0 =	rddreg [dreg:$0x17];
	v3 =	vperm.xlane v3, v2  }
0x74: {  	[tilespmem:s0], [sflag:$0x2] =	stream.indirect_vreg.gather [hbm4b:s4+s2], $0x80, v4, vm0, $0xb8;
	[tilespmem:$0x18080] =	vst v63  }
0x75: {  	s13 =	rddreg [dreg:$0x18];
	v3 =	vadd.s32 v1, v3  }
0x76: {  	[tilespmem:s13], [sflag:$0x2] =	stream.indirect_vreg.gather [hbm4b:s5+s2], $0x80, v4, vm0, $0xb8;
	[tilespmem:$0x18080] =	vst v63  }
0x77: {  	s0 =	rddreg [dreg:$0x19]  }
0x78: {  	[tilespmem:s0], [sflag:$0x2] =	stream.indirect_vreg.gather [hbm4b:s6+s2], $0x80, v4, vm0, $0xb8;
	[tilespmem:$0x18080] =	vst v63  }
0x79: {  	s13 =	rddreg [dreg:$0x1a]  }
0x7a: {  	[tilespmem:s13], [sflag:$0x2] =	stream.indirect_vreg.gather [hbm4b:s4+s2], $0x80, v3, vm0, $0xb8;
	[tilespmem:$0x18080] =	vst v63  }
0x7b: {  	s0 =	rddreg [dreg:$0x1b]  }
0x7c: {  	[tilespmem:s0], [sflag:$0x2] =	stream.indirect_vreg.gather [hbm4b:s5+s2], $0x80, v3, vm0, $0xb8;
	[tilespmem:$0x18080] =	vst v63  }
0x7d: {  	s13 =	rddreg [dreg:$0x1c]  }
0x7e: {  	[tilespmem:s13], [sflag:$0x2] =	stream.indirect_vreg.gather [hbm4b:s6+s2], $0x80, v3, vm0, $0xb8;
	[tilespmem:$0x18080] =	vst v63  }
0x7f: {  	v3 =	vld [tilespmem:$0x40];
	_ =	sdelay $0x4  }
0x80: {  	v60 =	vshrl.u32 v3, $0x3  }
0x81: {  	v4 =	vmul.u32 $0x30, v60  }
0x82: {  	v3 =	vand.u32 $0x7, v3  }
0x83: {  	v3 =	vor.u32 v3, v4  }
0x84: {  	v4 =	vperm.xlane v3, v0;
	_ =	sdelay $0x1  }
0x85: {  	v4 =	vadd.s32 v1, v4;
	_ =	sdelay $0x3  }
0x86: {  	s0 =	rddreg [dreg:$0x1d];
	v3 =	vperm.xlane v3, v2  }
0x87: {  	[tilespmem:s11], [sflag:$0x3] =	stream.indirect_vreg.gather [hbm4b:s4+s2], $0x80, v4, vm0, $0xb8;
	[tilespmem:$0x18080] =	vst v63  }
0x88: {  	s13 =	rddreg [dreg:$0x1e];
	v3 =	vadd.s32 v1, v3  }
0x89: {  	[tilespmem:s0], [sflag:$0x3] =	stream.indirect_vreg.gather [hbm4b:s5+s2], $0x80, v4, vm0, $0xb8;
	[tilespmem:$0x18080] =	vst v63  }
0x8a: {  	s0 =	rddreg [dreg:$0x1f]  }
0x8b: {  	[tilespmem:s13], [sflag:$0x3] =	stream.indirect_vreg.gather [hbm4b:s6+s2], $0x80, v4, vm0, $0xb8;
	[tilespmem:$0x18080] =	vst v63  }
0x8c: {  	s13 =	sld [smem:$0x7F6]  }
0x8d: {  	[tilespmem:s0], [sflag:$0x3] =	stream.indirect_vreg.gather [hbm4b:s4+s2], $0x80, v3, vm0, $0xb8;
	[tilespmem:$0x18080] =	vst v63  }
0x8e: {  	s0 =	sld [smem:$0x7F7]  }
0x8f: {  	[tilespmem:s13], [sflag:$0x3] =	stream.indirect_vreg.gather [hbm4b:s5+s2], $0x80, v3, vm0, $0xb8;
	[tilespmem:$0x18080] =	vst v63  }
0x90: {  	_ = 	snop  }
0x91: {  	[tilespmem:s0], [sflag:$0x3] =	stream.indirect_vreg.gather [hbm4b:s6+s2], $0x80, v3, vm0, $0xb8;
	[tilespmem:$0x18080] =	vst v63  }
0x92: {  	v3 =	vld [tilespmem:$0x50];
	_ =	sdelay $0x4  }
0x93: {  	v61 =	vshrl.u32 v3, $0x3  }
0x94: {  	v4 =	vmul.u32 $0x30, v61  }
0x95: {  	v3 =	vand.u32 $0x7, v3  }
0x96: {  	v3 =	vor.u32 v3, v4  }
0x97: {  	v4 =	vperm.xlane v3, v0;
	_ =	sdelay $0x1  }
0x98: {  	v4 =	vadd.s32 v1, v4;
	_ =	sdelay $0x1  }
0x99: {  	s0 =	sld [smem:$0x7F8];
	_ =	sdelay $0x1  }
0x9a: {  	s13 =	sld [smem:$0x7F9];
	v3 =	vperm.xlane v3, v2  }
0x9b: {  	[tilespmem:s0], [sflag:$0x3] =	stream.indirect_vreg.gather [hbm4b:s4+s2], $0x80, v4, vm0, $0xb8;
	[tilespmem:$0x18080] =	vst v63  }
0x9c: {  	v3 =	vadd.s32 v1, v3;
	s0 =	sld [smem:$0x7FA]  }
0x9d: {  	[tilespmem:s13], [sflag:$0x3] =	stream.indirect_vreg.gather [hbm4b:s5+s2], $0x80, v4, vm0, $0xb8;
	[tilespmem:$0x18080] =	vst v63  }
0x9e: {  	s13 =	sld [smem:$0x7FB]  }
0x9f: {  	[tilespmem:s0], [sflag:$0x3] =	stream.indirect_vreg.gather [hbm4b:s6+s2], $0x80, v4, vm0, $0xb8;
	[tilespmem:$0x18080] =	vst v63  }
0xa0: {  	s0 =	sld [smem:$0x7FC]  }
0xa1: {  	[tilespmem:s13], [sflag:$0x3] =	stream.indirect_vreg.gather [hbm4b:s4+s2], $0x80, v3, vm0, $0xb8;
	[tilespmem:$0x18080] =	vst v63  }
0xa2: {  	s13 =	sld [smem:$0x7FD]  }
0xa3: {  	[tilespmem:s0], [sflag:$0x3] =	stream.indirect_vreg.gather [hbm4b:s5+s2], $0x80, v3, vm0, $0xb8;
	[tilespmem:$0x18080] =	vst v63  }
0xa4: {  	_ = 	snop  }
0xa5: {  	[tilespmem:s13], [sflag:$0x3] =	stream.indirect_vreg.gather [hbm4b:s6+s2], $0x80, v3, vm0, $0xb8;
	[tilespmem:$0x18080] =	vst v63  }
0xa6: {  	v3 =	vld [tilespmem:$0x60];
	_ =	sdelay $0x4  }
0xa7: {  	v62 =	vshrl.u32 v3, $0x3  }
0xa8: {  	v4 =	vmul.u32 $0x30, v62  }
0xa9: {  	v3 =	vand.u32 $0x7, v3  }
0xaa: {  	v3 =	vor.u32 v3, v4  }
0xab: {  	v4 =	vperm.xlane v3, v0;
	_ =	sdelay $0x1  }
0xac: {  	v4 =	vadd.s32 v1, v4;
	_ =	sdelay $0x3  }
0xad: {  	v3 =	vperm.xlane v3, v2  }
0xae: {  	[tilespmem:s12], [sflag:$0x4] =	stream.indirect_vreg.gather [hbm4b:s4+s2], $0x80, v4, vm0, $0xb8;
	[tilespmem:$0x18080] =	vst v63  }
0xaf: {  	s13 =	simm.s32 $0x12880;
	v3 =	vadd.s32 v1, v3  }
0xb0: {  	[tilespmem:s13], [sflag:$0x4] =	stream.indirect_vreg.gather [hbm4b:s5+s2], $0x80, v4, vm0, $0xb8;
	[tilespmem:$0x18080] =	vst v63  }
0xb1: {  	_ = 	snop  }
0xb2: {  	[tilespmem:s14], [sflag:$0x4] =	stream.indirect_vreg.gather [hbm4b:s6+s2], $0x80, v4, vm0, $0xb8;
	[tilespmem:$0x18080] =	vst v63  }
0xb3: {  	_ = 	snop  }
0xb4: {  	[tilespmem:s15], [sflag:$0x4] =	stream.indirect_vreg.gather [hbm4b:s4+s2], $0x80, v3, vm0, $0xb8;
	[tilespmem:$0x18080] =	vst v63  }
0xb5: {  	_ = 	snop  }
0xb6: {  	[tilespmem:s16], [sflag:$0x4] =	stream.indirect_vreg.gather [hbm4b:s5+s2], $0x80, v3, vm0, $0xb8;
	[tilespmem:$0x18080] =	vst v63  }
0xb7: {  	_ = 	snop  }
0xb8: {  	[tilespmem:s17], [sflag:$0x4] =	stream.indirect_vreg.gather [hbm4b:s6+s2], $0x80, v3, vm0, $0xb8;
	[tilespmem:$0x18080] =	vst v63  }
0xb9: {  	v3 =	vld [tilespmem:$0x70];
	_ =	sdelay $0x4  }
0xba: {  	v63 =	vshrl.u32 v3, $0x3  }
0xbb: {  	v4 =	vmul.u32 $0x30, v63  }
0xbc: {  	v3 =	vand.u32 $0x7, v3  }
0xbd: {  	v3 =	vor.u32 v3, v4  }
0xbe: {  	v4 =	vperm.xlane v3, v0;
	_ =	sdelay $0x1  }
0xbf: {  	v4 =	vadd.s32 v1, v4;
	_ =	sdelay $0x3  }
0xc0: {  	v3 =	vperm.xlane v3, v2  }
0xc1: {  	[tilespmem:s18], [sflag:$0x4] =	stream.indirect_vreg.gather [hbm4b:s4+s2], $0x80, v4, vm0, $0xb8;
	[tilespmem:$0x18080] =	vst v63  }
0xc2: {  	v3 =	vadd.s32 v1, v3  }
0xc3: {  	[tilespmem:s19], [sflag:$0x4] =	stream.indirect_vreg.gather [hbm4b:s5+s2], $0x80, v4, vm0, $0xb8;
	[tilespmem:$0x18080] =	vst v63  }
0xc4: {  	_ = 	snop  }
0xc5: {  	[tilespmem:s20], [sflag:$0x4] =	stream.indirect_vreg.gather [hbm4b:s6+s2], $0x80, v4, vm0, $0xb8;
	[tilespmem:$0x18080] =	vst v63  }
0xc6: {  	_ = 	snop  }
0xc7: {  	[tilespmem:s21], [sflag:$0x4] =	stream.indirect_vreg.gather [hbm4b:s4+s2], $0x80, v3, vm0, $0xb8;
	[tilespmem:$0x18080] =	vst v63  }
0xc8: {  	_ = 	snop  }
0xc9: {  	[tilespmem:s22], [sflag:$0x4] =	stream.indirect_vreg.gather [hbm4b:s5+s2], $0x80, v3, vm0, $0xb8;
	[tilespmem:$0x18080] =	vst v63  }
0xca: {  	_ = 	snop  }
0xcb: {  	[tilespmem:s23], [sflag:$0x4] =	stream.indirect_vreg.gather [hbm4b:s6+s2], $0x80, v3, vm0, $0xb8;
	[tilespmem:$0x18080] =	vst v63  }
0xcc: {  	_ =	swait.ge [sflag:s24], $0x6000  }
0xcd: {  	[sflag:s24] =	ssyncset.done $0x0  }
0xce: {  	[sflag:s24] =	ssyncadd.s32 $0xFFFFA000  }
0xcf: {  	[hbm4b:s3+s2] =	stream.linear.scatter [tilespmem:s9], [sflag:$0x5], $0x6000, $0x38;
	[tilespmem:$0x18080] =	vst v63  }
0xd0: {  	_ =	swait.ge [sflag:s25], $0x6000  }
0xd1: {  	[sflag:s25] =	ssyncset.done $0x0  }
0xd2: {  	s13 =	rddreg [dreg:$0x4];
	[sflag:s25] =	ssyncadd.s32 $0xFFFFA000  }
0xd3: {  	[hbm4b:s13+s2] =	stream.linear.scatter [tilespmem:s10], [sflag:$0x6], $0x6000, $0x38;
	[tilespmem:$0x18080] =	vst v63  }
0xd4: {  	_ =	swait.ge [sflag:s26], $0x6000  }
0xd5: {  	[sflag:s26] =	ssyncset.done $0x0  }
0xd6: {  	s13 =	rddreg [dreg:$0x5];
	[sflag:s26] =	ssyncadd.s32 $0xFFFFA000  }
0xd7: {  	[hbm4b:s13+s2] =	stream.linear.scatter [tilespmem:s11], [sflag:$0x7], $0x6000, $0x38;
	[tilespmem:$0x18080] =	vst v63  }
0xd8: {  	_ =	swait.ge [sflag:s28], $0x6000  }
0xd9: {  	[sflag:s28] =	ssyncset.done $0x0  }
0xda: {  	s13 =	rddreg [dreg:$0x6];
	[sflag:s28] =	ssyncadd.s32 $0xFFFFA000  }
0xdb: {  	[hbm4b:s13+s2] =	stream.linear.scatter [tilespmem:s12], [sflag:$0x8], $0x6000, $0x38;
	[tilespmem:$0x18080] =	vst v63  }
0xdc: {  	_ =	swait.ge [sflag:s29], $0x6000  }
0xdd: {  	[sflag:s29] =	ssyncset.done $0x0  }
0xde: {  	[sflag:s29] =	ssyncadd.s32 $0xFFFFA000  }
0xdf: {  	_ =	swait.ge [sflag:s30], $0x6000  }
0xe0: {  	[sflag:s30] =	ssyncset.done $0x0  }
0xe1: {  	[sflag:s30] =	ssyncadd.s32 $0xFFFFA000  }
0xe2: {  	p0 =	sne.s32 s7, $0x1;
	_ =	swait.ge [sflag:s31], $0x6000  }
.Ltmp0:
0xe3: {  	[sflag:s31] =	ssyncset.done $0x0;
	(pc) =	sbr.rel @p0 .LBB2_1-.Ltmp0, $4  }
0xe4: {  	[sflag:s31] =	ssyncadd.s32 $0xFFFFA000  }
0xe5: {  	_ =	swait.ge [sflag:s1], $0x6000  }
0xe6: {  	[sflag:s1] =	ssyncset.done $0x0  }
0xe7: {  	s7 =	sadd.s32 $0xFFFFFFFF, s7;
	[sflag:s1] =	ssyncadd.s32 $0xFFFFA000  }
0xe8: {  	_ =	sfence.sel $0x180000  }
0xe9: {  	[bflag:$0x0] =	sbarrier.arrive $0xFFFF  }
0xea: {  	_ =	strace $0x9000004A  }
0xeb: {  	s0 =	stileid.u32;
	[bflag:$0x2] =	sbarrier.arrive $0xFFFF  }
0xec: {  	p0 =	sne.s32 s0, $0x0;
	s0 =	rddreg [dreg:$0x2]  }
0xed: {  	s0 =	sadd.s32 @!p0 $0x100000, s0  }
0xee: {  	[sflag:s0] =	ssyncadd.tile.s32 @!p0 $0x1;
	_ =	shalt  }
.Lfunc_end2:
_tile_overlayer_lowered:
.L_overlay_start_2:
0xef: {  	(tag) =	ssettag $0x2  }
0xf0: {  	s0 =	rddreg [dreg:$0x0];
	s2 =	stileid.u32  }
0xf1: {  	s1 =	rddreg [dreg:$0x1];
	p0 =	sne.s32 s2, $0x0  }
0xf2: {  	s3 =	rddreg [dreg:$0x2];
	[bflag:$0x3] =	sbarrier.arrive $0xFFFF;
	s2 =	simm.s32 @!p0 $0x1C09  }
0xf3: {  	[timem:s3], [sflag:s2] =	dma.local @!p0 [hbm:s0], s1  }
0xf4: {  	s0 =	simm.s32 @!p0 $0x9  }
0xf5: {  	_ =	swait.ge @!p0 [sflag:s0], s1  }
0xf6: {  	s1 =	ssub.s32 @!p0 $0x0, s1;
	[sflag:s0] =	ssyncset.done @!p0 $0x0  }
0xf7: {  	[sflag:s0] =	ssyncadd.s32 @!p0 s1  }
0xf8: {  	[bflag:$0x3] =	sbarrier.arrive $0xFFFF  }
0xf9: {  	_ =	shalt  }

// kernel: kernel.17.cloned.1.call-start
scs
__scs_entry_jumppad:
0x0: {  	(pc) =	sbr.rel $0x88, $3  }
0x1: {  	(tag) =	ssettag $0x0;
	lr =	simm.s32 $0x1  }
0x2: {  	[smem:$0x3F96] =	sst lr;
	_ =	strace $0xD0000000  }
0x3: {  	_ = 	snop  }
0x4: {  	_ = 	snop  }
0x5: {  	_ = 	snop  }
0x6: {  	_ = 	snop  }
0x7: {  	_ = 	snop  }
__scs_overlays_trampoline_lowered:
0x8: {  	[smem:$0x3FA5] =	sst s0  }
0x9: {  	[smem:$0x3FA6] =	sst s1  }
0xa: {  	[smem:$0x3FA7] =	sst s2  }
0xb: {  	[smem:$0x3FA8] =	sst s3  }
0xc: {  	[smem:$0x3FA9] =	sst s4  }
0xd: {  	[smem:$0x3FAA] =	sst s5  }
0xe: {  	[smem:$0x3FAB] =	sst s6  }
0xf: {  	[smem:$0x3FAC] =	sst s7  }
0x10: {  	[smem:$0x3FAD] =	sst s8  }
0x11: {  	[smem:$0x3FAE] =	sst s9;
	s0 =	simm.s32 @!p0 $0x0  }
0x12: {  	s1 =	sld [smem:$0x3F94];
	s0 =	simm.s32 @p0 $0x1  }
0x13: {  	[smem:$0x3FAF] =	sst s0;
	s0 =	simm.s32 @!p1 $0x0  }
0x14: {  	s2 =	sld [smem:$0x3F93];
	s0 =	simm.s32 @p1 $0x1  }
0x15: {  	[smem:$0x3FB0] =	sst s0;
	s0 =	simm.s32 @!p2 $0x0  }
0x16: {  	s3 =	sld [smem:$0x3FDB];
	s0 =	simm.s32 @p2 $0x1  }
0x17: {  	s4 =	simm.s32 $0x1BF5;
	[smem:$0x3FB2] =	sst s0  }
0x18: {  	s0 =	sld [smem:$0x3F95];
	_ =	swait.ge [sflag:s4], $0x0  }
0x19: {  	s7 =	sld [smem:$0x3F96]  }
0x1a: {  	s8 =	sadd.s32 $0xFFFFE003, lr  }
0x1b: {  	s9 =	sadd.s32 $0xFFFFFEF7, lr;
	s5 =	simm.s32 $0xFFFFFFFF;
	p2 =	slt.u32 s8, $0xFFFFF086  }
0x1c: {  	p1 =	slt.u32 s9, $0xF7A;
	s5 =	simm.s32 @!p2 $0x0  }
0x1d: {  	s5 =	simm.s32 @p1 $0x1;
	p0 =	seq.s32 s7, s2  }
0x1e: {  	s7 =	smul.u32 @!p0 $0xF7A, s2;
	p2 =	seq.s32 @!p0 s5, $0x0  }
0x1f: {  	s9 =	smul.u32 $0xF7A, s1;
	s8 =	simm.s32 @!p0 $0x1BF5;
	p2 =	por !p2, p0  }
0x20: {  	[sflag:s8] =	ssyncset.s32 @!p0 $0xFFFFF086;
	s6 =	sadd.s32 @!p0 s3, s7;
	s7 =	simm.s32 @!p0 $0x108  }
0x21: {  	s3 =	sadd.s32 s3, s9;
	s6 =	sadd.s32 @!p0 $0x88, s6;
	s7 =	simm.s32 @p2 $0x1082  }
0x22: {  	[simem:s7], [sflag:s8] =	dma.local @!p0 [hbm:s6], $0xF7A  }
0x23: {  	s9 =	sor.u32 $0xD0000000, s2;
	s6 =	simm.s32 $0x108;
	_ =	swait.ge @!p0 [sflag:s8], $0x0  }
0x24: {  	s3 =	sadd.s32 $0x88, s3;
	s6 =	simm.s32 @!p1 $0x1082;
	[sflag:s4] =	ssyncset.s32 $0xFFFFF086  }
0x25: {  	[simem:s6], [sflag:s4] =	dma.local [hbm:s3], $0xF7A  }
0x26: {  	[smem:$0x3F96] =	sst s1;
	(tag) =	ssettag s2;
	_ =	strace s9  }
0x27: {  	s1 =	sld [smem:$0x3FA6]  }
0x28: {  	s2 =	sld [smem:$0x3FA7]  }
0x29: {  	s4 =	sld [smem:$0x3FA9]  }
0x2a: {  	p0 =	seq.s32 s5, $0x0;
	s5 =	sld [smem:$0x3FAA]  }
0x2b: {  	s6 =	sld [smem:$0x3FAB]  }
0x2c: {  	s7 =	sld [smem:$0x3FAC]  }
0x2d: {  	s3 =	simm.s32 $0x108;
	s8 =	sld [smem:$0x3FAD]  }
0x2e: {  	s3 =	simm.s32 @!p0 $0x1082;
	s9 =	sld [smem:$0x3FAE]  }
0x2f: {  	lr =	sadd.s32 s0, s3;
	s0 =	sld [smem:$0x3FA5]  }
0x30: {  	s3 =	sld [smem:$0x3FA8]  }
0x31: {  	[smem:$0x3FB1] =	sst s10  }
0x32: {  	s10 =	sld [smem:$0x3FAF];
	_ =	sdelay $0x3  }
0x33: {  	p0 =	seq.s32 s10, $0x1;
	s10 =	sld [smem:$0x3FB1];
	_ =	sdelay $0x3  }
0x34: {  	[smem:$0x3FB1] =	sst s10  }
0x35: {  	s10 =	sld [smem:$0x3FB0];
	_ =	sdelay $0x3  }
0x36: {  	p1 =	seq.s32 s10, $0x1;
	s10 =	sld [smem:$0x3FB1];
	_ =	sdelay $0x3  }
0x37: {  	[smem:$0x3FB1] =	sst s10  }
0x38: {  	s10 =	sld [smem:$0x3FB2]  }
0x39: {  	_ = 	snop;
	(pc) =	sbr.ind lr, $3  }
0x3a: {  	_ = 	snop  }
0x3b: {  	_ = 	snop  }
0x3c: {  	p2 =	seq.s32 s10, $0x1;
	s10 =	sld [smem:$0x3FB1]  }
0x3d: {  	_ =	shalt  }
0x3e: {  	_ =	shalt  }
0x3f: {  	_ =	shalt  }
0x40: {  	_ =	shalt  }
0x41: {  	_ =	shalt  }
0x42: {  	_ =	shalt  }
0x43: {  	_ =	shalt  }
0x44: {  	_ =	shalt  }
0x45: {  	_ =	shalt  }
0x46: {  	_ =	shalt  }
0x47: {  	_ =	shalt  }
0x48: {  	_ =	shalt  }
0x49: {  	_ =	shalt  }
0x4a: {  	_ =	shalt  }
0x4b: {  	_ =	shalt  }
0x4c: {  	_ =	shalt  }
0x4d: {  	_ =	shalt  }
0x4e: {  	_ =	shalt  }
0x4f: {  	_ =	shalt  }
0x50: {  	_ =	shalt  }
0x51: {  	_ =	shalt  }
0x52: {  	_ =	shalt  }
0x53: {  	_ =	shalt  }
0x54: {  	_ =	shalt  }
0x55: {  	_ =	shalt  }
0x56: {  	_ =	shalt  }
0x57: {  	_ =	shalt  }
0x58: {  	_ =	shalt  }
0x59: {  	_ =	shalt  }
0x5a: {  	_ =	shalt  }
0x5b: {  	_ =	shalt  }
0x5c: {  	_ =	shalt  }
0x5d: {  	_ =	shalt  }
0x5e: {  	_ =	shalt  }
0x5f: {  	_ =	shalt  }
0x60: {  	_ =	shalt  }
0x61: {  	_ =	shalt  }
0x62: {  	_ =	shalt  }
0x63: {  	_ =	shalt  }
0x64: {  	_ =	shalt  }
0x65: {  	_ =	shalt  }
0x66: {  	_ =	shalt  }
0x67: {  	_ =	shalt  }
0x68: {  	_ =	shalt  }
0x69: {  	_ =	shalt  }
0x6a: {  	_ =	shalt  }
0x6b: {  	_ =	shalt  }
0x6c: {  	_ =	shalt  }
0x6d: {  	_ =	shalt  }
0x6e: {  	_ =	shalt  }
0x6f: {  	_ =	shalt  }
0x70: {  	_ =	shalt  }
0x71: {  	_ =	shalt  }
0x72: {  	_ =	shalt  }
0x73: {  	_ =	shalt  }
0x74: {  	_ =	shalt  }
0x75: {  	_ =	shalt  }
0x76: {  	_ =	shalt  }
0x77: {  	_ =	shalt  }
0x78: {  	_ =	shalt  }
0x79: {  	_ =	shalt  }
0x7a: {  	_ =	shalt  }
0x7b: {  	_ =	shalt  }
0x7c: {  	_ =	shalt  }
0x7d: {  	_ =	shalt  }
0x7e: {  	_ =	shalt  }
0x7f: {  	_ =	shalt  }
0x80: {  	_ =	shalt  }
0x81: {  	_ =	shalt  }
0x82: {  	_ =	shalt  }
0x83: {  	_ =	shalt  }
0x84: {  	_ =	shalt  }
0x85: {  	_ =	shalt  }
0x86: {  	_ =	shalt  }
0x87: {  	_ =	shalt  }
.Lfunc_end0:
.L_simem_size_0:
called_computation.2_lowered:
.L_overlay_start_0:
0x88: {  	s2 =	sld [smem:$0x3FD9]  }
0x89: {  	s3 =	sld [smem:$0x3FFE];
	_ =	sdelay $0x1  }
0x8a: {  	s1 =	srdreg.scid  }
0x8b: {  	s0 =	sand.u32 $0x1, s1  }
0x8c: {  	s14 =	sshll.u32 s0, $0xA;
	s2 =	sadd.s32 s3, s2  }
0x8d: {  	s2 =	sadd.s32 s2, s14  }
0x8e: {  	[smem:$0x3FBD] =	sst s2  }
0x8f: {  	_ = 	snop  }
0x90: {  	s2 =	sld [smem:$0x3FD0];
	_ =	sdelay $0x2  }
0x91: {  	s15 =	simm.s32 $0xA;
	s4 =	simm.s32 $0x10  }
0x92: {  	[smem:s4], [sflag:s15] =	dma.local [hbm:s2], $0x1  }
0x93: {  	_ =	swait.eq [sflag:s15], $0x1  }
0x94: {  	[sflag:s15] =	ssyncset.done $0x0  }
0x95: {  	[sflag:s15] =	ssyncadd.s32 $0xFFFFFFFF  }
0x96: {  	s16 =	sld [smem:$0x10];
	(tm) =	ssettm $0x1  }
0x97: {  	s17 =	sld [smem:$0x3FFB];
	_ =	sdelay $0x3  }
0x98: {  	_ =	strace s17  }
0x99: {  	s3 =	sld [smem:$0x3FFC];
	_ =	sdelay $0x3  }
0x9a: {  	_ =	strace s3  }
0x9b: {  	s3 =	sld [smem:$0x3FFD];
	_ =	sdelay $0x3  }
0x9c: {  	_ =	strace s3  }
0x9d: {  	_ =	strace $0x8FFFFFFF  }
0x9e: {  	s18 =	sld [smem:$0x3FDB];
	_ =	sdelay $0x1  }
0x9f: {  	s19 =	simm.s32 $_scs_section_size  }
0xa0: {  	s5 =	simm.s32 $_size__tile_overlayer_lowered;
	s6 =	simm.s32 $_tile_overlayer_lowered  }
0xa1: {  	s22 =	simm.s32 $0x1BFF;
	s21 =	sshll.u32 s6, $0x1;
	s3 =	sadd.s32 s19, s18  }
0xa2: {  	s7 =	simm.s32 $0x0;
	s20 =	sshll.u32 s5, $0x1;
	s5 =	sadd.s32 s21, s3  }
0xa3: {  	[timem:s7], [sflag:s22] =	dma.local [hbm:s5], s20  }
0xa4: {  	_ =	swait.ge [sflag:s22], s20  }
0xa5: {  	s4 =	ssub.s32 $0x0, s20;
	[sflag:s22] =	ssyncset.done $0x0  }
0xa6: {  	[sflag:s22] =	ssyncadd.s32 s4;
	_ =	sdelay $0x1  }
0xa7: {  	s23 =	simm.s32 $0x1B8B  }
0xa8: {  	_ =	swait.ge [sflag:s23], $0x1  }
0xa9: {  	[sflag:s23] =	ssyncset.done $0x0  }
0xaa: {  	s25 =	simm.s32 $0x1B8E;
	s24 =	sld [smem:$0x3FFE];
	[sflag:s23] =	ssyncadd.s32 $0xFFFFFFFF  }
0xab: {  	s26 =	simm.s32 $execute0_lowered;
	[smem:$0x3FD2] =	sst s25  }
0xac: {  	s5 =	sshll.u32 s26, $0x1;
	_ =	strace $0x8000004C;
	[dreg:$0x1] =	wrdreg $0xFFFFFFFF  }
0xad: {  	s28 =	simm.s32 $_size_execute0_lowered;
	s3 =	sadd.s32 s3, s5;
	[dreg:$0x0] =	wrdreg $0x0  }
0xae: {  	s5 =	sshll.u32 s28, $0x1;
	[dreg:$0x2] =	wrdreg s3  }
0xaf: {  	[dreg:$0x3] =	wrdreg s5  }
0xb0: {  	[dreg:$0x4] =	wrdreg $0xC0  }
0xb1: {  	_ =	task [dreg:s7], $0x5FFFF  }
0xb2: {  	[dreg:$0x1] =	wrdreg $0xFFFFFFFF  }
0xb3: {  	[dreg:$0x0] =	wrdreg $0x60  }
0xb4: {  	[dreg:$0x2] =	wrdreg s24  }
0xb5: {  	[dreg:$0x3] =	wrdreg s16  }
0xb6: {  	[dreg:$0x4] =	wrdreg $0x9  }
0xb7: {  	_ =	task.clear_ibuf [dreg:s7], $0x5FFFF;
	_ =	strace $0x9000004C  }
0xb8: {  	s29 =	simm.s32 $0x9;
	_ =	strace $0x8000004E  }
0xb9: {  	_ =	swait.ge [sflag:s29], $0x1  }
0xba: {  	[sflag:s29] =	ssyncadd.s32 $0xFFFFFFFF  }
0xbb: {  	_ =	strace $0x9000004E  }
0xbc: {  	_ =	sfence  }
0xbd: {  	s30 =	sld [smem:$0x0];
	_ =	sdelay $0x2  }
0xbe: {  	s31 =	sshll.u32 s1, $0xD;
	s1 =	sshrl.u32 s1, $0x2  }
0xbf: {  	s3 =	sand.u32 $0x4000, s31;
	s1 =	sadd.s32 s1, s30  }
0xc0: {  	s0 =	sor.u32 s3, s0;
	s1 =	sshll.u32 s1, $0x11  }
0xc1: {  	s0 =	sor.u32 s1, s0  }
0xc2: {  	s0 =	sadd.s32 $0x8F2B, s0  }
0xc3: {  	[sflag:s0] =	ssyncadd.remote.s32 $0x1  }
0xc4: {  	_ =	sfence.sel $0xFFFF  }
0xc5: {  	[dreg:$0x0] =	wrdreg $0xFFFFFFFF;
	(pc) =	sbr.abs _section_cstart, $3  }
0xc6: {  	[dreg:$0x1] =	wrdreg $0xFFFFFFFF  }
0xc7: {  	_ =	task.clear_ibuf [dreg:s7], $0x2FFFF;
	_ =	strace $0x9FFFFFFF  }
0xc8: {  	(tm) =	ssettm $0x7FFFFFFF  }
0xc9: {  	_ =	shalt  }
tec
execute0_lowered:
.L_overlay_start_1:
0x0: {  	(tag) =	ssettag $0x1  }
0x1: {  	s1 =	srdreg.scid;
	s0 =	stileid.u32  }
0x2: {  	s5 =	sand.u32 $0x1, s1;
	s2 =	sshll.u32 s0, $0x1  }
0x3: {  	s3 =	rddreg [dreg:$0x1];
	s2 =	sor.u32 s5, s2  }
0x4: {  	s1 =	rddreg [dreg:$0x0];
	s4 =	smul.u32 $0xA0, s2;
	s2 =	simm.s32 $0x0  }
0x5: {  	s25 =	simm.s32 $0x900;
	[smem:$0x7FF] =	sst s2  }
0x6: {  	s26 =	simm.s32 $0x1100;
	_ =	strace $0x8000004D;
	[dreg:$0x7] =	wrdreg s25  }
0x7: {  	s0 =	simm.s32 $0x1900;
	[dreg:$0x8] =	wrdreg s26  }
0x8: {  	s9 =	simm.s32 $0x3900;
	[dreg:$0x9] =	wrdreg s0  }
0x9: {  	s10 =	simm.s32 $0x4100;
	[dreg:$0xd] =	wrdreg s9  }
0xa: {  	s11 =	simm.s32 $0x4900;
	[dreg:$0xe] =	wrdreg s10  }
0xb: {  	s12 =	simm.s32 $0x5100;
	[dreg:$0xf] =	wrdreg s11  }
0xc: {  	s13 =	simm.s32 $0x5900;
	[dreg:$0x10] =	wrdreg s12  }
0xd: {  	s14 =	simm.s32 $0x6100;
	[dreg:$0x11] =	wrdreg s13  }
0xe: {  	s15 =	simm.s32 $0x6900;
	[dreg:$0x12] =	wrdreg s14  }
0xf: {  	s16 =	simm.s32 $0x7100;
	[dreg:$0x13] =	wrdreg s15  }
0x10: {  	s17 =	simm.s32 $0x8100;
	[dreg:$0x14] =	wrdreg s16  }
0x11: {  	s18 =	simm.s32 $0x8900;
	[dreg:$0x15] =	wrdreg s17  }
0x12: {  	s19 =	simm.s32 $0x9100;
	[dreg:$0x16] =	wrdreg s18  }
0x13: {  	s20 =	simm.s32 $0x9900;
	[dreg:$0x17] =	wrdreg s19  }
0x14: {  	s21 =	simm.s32 $0xA100;
	[dreg:$0x18] =	wrdreg s20  }
0x15: {  	[dreg:$0x19] =	wrdreg s21;
	s25 =	simm.s32 $0xC100  }
0x16: {  	s28 =	simm.s32 $0x4;
	s26 =	simm.s32 $0xC900;
	[dreg:$0x1d] =	wrdreg s25  }
0x17: {  	s29 =	simm.s32 $0x5;
	s0 =	simm.s32 $0xD100;
	[dreg:$0x1e] =	wrdreg s26  }
0x18: {  	s30 =	simm.s32 $0x6;
	s9 =	simm.s32 $0xF900;
	[dreg:$0x1f] =	wrdreg s0  }
0x19: {  	s31 =	simm.s32 $0x7;
	s10 =	simm.s32 $0x10100;
	[smem:$0x7ED] =	sst s9  }
0x1a: {  	s23 =	sadd.s32 $0x73E00, s1;
	s11 =	simm.s32 $0x10900;
	[smem:$0x7EE] =	sst s10  }
0x1b: {  	s5 =	ssub.s32 $0x2, s5;
	s12 =	simm.s32 $0x11100;
	[smem:$0x7EF] =	sst s11  }
0x1c: {  	s6 =	sshrl.u32 s4, $0x3;
	s13 =	simm.s32 $0x11900;
	[smem:$0x7F0] =	sst s12  }
0x1d: {  	s7 =	sadd.s32 $0x28, s4;
	s14 =	simm.s32 $0x12100;
	[smem:$0x7F1] =	sst s13  }
0x1e: {  	s4 =	sadd.s32 $0x78, s4;
	s15 =	simm.s32 $0x12900;
	[smem:$0x7F2] =	sst s14  }
0x1f: {  	s16 =	simm.s32 $0x13100;
	s17 =	sshrl.u32 s5, $0x1;
	[smem:$0x7F3] =	sst s15  }
0x20: {  	s18 =	simm.s32 $0x13900;
	s19 =	simm.s32 $0x14100;
	[smem:$0x7F4] =	sst s16  }
0x21: {  	s20 =	simm.s32 $0x14900;
	s21 =	simm.s32 $0x15100;
	[smem:$0x7F5] =	sst s18  }
0x22: {  	s8 =	smul.u32 $0x300, s6;
	s7 =	sshrl.u32 s7, $0x3;
	[smem:$0x7F6] =	sst s19  }
0x23: {  	s3 =	sadd.s32 s3, s6;
	s4 =	sshrl.u32 s4, $0x3;
	[smem:$0x7F7] =	sst s20  }
0x24: {  	[smem:$0x7F8] =	sst s21;
	s9 =	simm.s32 $0x100;
	s10 =	simm.s32 $0x7900  }
0x25: {  	s25 =	simm.s32 $0x17900;
	s11 =	simm.s32 $0xF100;
	s26 =	simm.s32 $0x18100  }
0x26: {  	s12 =	simm.s32 $0x16900;
	s14 =	simm.s32 $0x19100;
	s15 =	simm.s32 $0x19900  }
0x27: {  	s16 =	simm.s32 $0x1A100;
	s18 =	simm.s32 $0x1B100;
	[dreg:$0x3] =	wrdreg s3  }
0x28: {  	s19 =	simm.s32 $0x1B900;
	s20 =	simm.s32 $0x1C100;
	[smem:$0x7FC] =	sst s25  }
0x29: {  	s22 =	smul.u32 $0x300, s7;
	s7 =	simm.s32 $0x2900;
	[smem:$0x7FD] =	sst s26  }
0x2a: {  	s3 =	sadd.s32 s23, s8;
	[dreg:$0xb] =	wrdreg s7;
	s8 =	simm.s32 $0x3100  }
0x2b: {  	s21 =	simm.s32 $0x1C900;
	s7 =	simm.s32 $0xE100;
	[dreg:$0xc] =	wrdreg s8  }
0x2c: {  	s4 =	smul.u32 $0x300, s4;
	s6 =	sadd.s32 s23, s22;
	[smem:$0x7EB] =	sst s7  }
0x2d: {  	s25 =	simm.s32 $0x2;
	s24 =	sadd.s32 $0x1E00, s3;
	[dreg:$0x4] =	wrdreg s6  }
0x2e: {  	s26 =	simm.s32 $0x3;
	s4 =	sadd.s32 s23, s4;
	[dreg:$0x5] =	wrdreg s24  }
0x2f: {  	s22 =	simm.s32 $0xA900;
	s23 =	simm.s32 $0xB100;
	[dreg:$0x6] =	wrdreg s4  }
0x30: {  	s8 =	simm.s32 $0xE900;
	s7 =	ssub.s32 s5, s17;
	[dreg:$0x1a] =	wrdreg s22  }
0x31: {  	s5 =	sadd.s32 $0x2700, s1;
	s17 =	simm.s32 $0x1A900;
	[dreg:$0x1b] =	wrdreg s23  }
0x32: {  	s6 =	simm.s32 $0x2100;
	s24 =	simm.s32 $0xB900;
	[smem:$0x7EC] =	sst s8  }
0x33: {  	s4 =	sadd.s32 $0x2600, s1;
	s7 =	smax.u32 s7, $0x1;
	[dreg:$0xa] =	wrdreg s6  }
0x34: {  	s22 =	simm.s32 $0x15900;
	s8 =	simm.s32 $0x9;
	[dreg:$0x1c] =	wrdreg s24  }
0x35: {  	s23 =	simm.s32 $0x16100;
	s6 =	simm.s32 $0xD900;
	[smem:$0x7F9] =	sst s22  }
0x36: {  	v2 =	vlaneseq.u32;
	[smem:$0x7FA] =	sst s23;
	s24 =	simm.s32 $0x17100;
	s22 =	simm.s32 $0x1D100  }
0x37: {  	vm0 =	vmmov $0xffff;
	v1 =	vshrl.u32 v2, $0x3;
	s23 =	simm.s32 $0x1D900;
	[smem:$0x7EA] =	sst s6;
	s6 =	sadd.s32 $0x2800, s1  }
0x38: {  	v0 =	vand.u32 $0x7, v2;
	v2 =	vor.u32 $0x8, v2;
	v1 =	vmul.u32 $0x8, v1;
	[smem:$0x7FB] =	sst s24;
	s24 =	simm.s32 $0x1;
	s1 =	simm.s32 $0x8  }
.LBB2_1:
0x39: {  	s0 =	rddreg [dreg:$0x3]  }
0x3a: {  	[tilespmem:s2], [sflag:$0x9] =	stream.linear.gather [hbm4b:s0+s2], $0xA0, $0x38;
	[tilespmem:$0x1E100] =	vst v63  }
0x3b: {  	_ =	swait.ge [sflag:s8], $0xA0  }
0x3c: {  	[sflag:s8] =	ssyncset.done $0x0  }
0x3d: {  	[sflag:s8] =	ssyncadd.s32 $0xFFFFFF60  }
0x3e: {  	v3 =	vld [tilespmem:$0x0];
	_ =	sdelay $0x4  }
0x3f: {  	v4 =	vshrl.u32 v3, $0x3  }
0x40: {  	v4 =	vmul.u32 $0x30, v4  }
0x41: {  	v3 =	vand.u32 $0x7, v3  }
0x42: {  	v3 =	vor.u32 v3, v4  }
0x43: {  	v4 =	vperm.xlane v3, v0;
	_ =	sdelay $0x1  }
0x44: {  	v4 =	vadd.s32 v1, v4;
	_ =	sdelay $0x3  }
0x45: {  	v3 =	vperm.xlane v3, v2  }
0x46: {  	[tilespmem:s9], [sflag:$0x1] =	stream.indirect_vreg.gather [hbm4b:s4+s2], $0x80, v4, vm0, $0xb8;
	[tilespmem:$0x1E100] =	vst v63  }
0x47: {  	s0 =	rddreg [dreg:$0x7];
	v3 =	vadd.s32 v1, v3  }
0x48: {  	[tilespmem:s0], [sflag:$0x1] =	stream.indirect_vreg.gather [hbm4b:s5+s2], $0x80, v4, vm0, $0xb8;
	[tilespmem:$0x1E100] =	vst v63  }
0x49: {  	s13 =	rddreg [dreg:$0x8]  }
0x4a: {  	[tilespmem:s13], [sflag:$0x1] =	stream.indirect_vreg.gather [hbm4b:s6+s2], $0x80, v4, vm0, $0xb8;
	[tilespmem:$0x1E100] =	vst v63  }
0x4b: {  	s0 =	rddreg [dreg:$0x9]  }
0x4c: {  	[tilespmem:s0], [sflag:$0x1] =	stream.indirect_vreg.gather [hbm4b:s4+s2], $0x80, v3, vm0, $0xb8;
	[tilespmem:$0x1E100] =	vst v63  }
0x4d: {  	s13 =	rddreg [dreg:$0xa]  }
0x4e: {  	[tilespmem:s13], [sflag:$0x1] =	stream.indirect_vreg.gather [hbm4b:s5+s2], $0x80, v3, vm0, $0xb8;
	[tilespmem:$0x1E100] =	vst v63  }
0x4f: {  	s0 =	rddreg [dreg:$0xb]  }
0x50: {  	[tilespmem:s0], [sflag:$0x1] =	stream.indirect_vreg.gather [hbm4b:s6+s2], $0x80, v3, vm0, $0xb8;
	[tilespmem:$0x1E100] =	vst v63  }
0x51: {  	v3 =	vld [tilespmem:$0x10];
	_ =	sdelay $0x4  }
0x52: {  	v53 =	vshrl.u32 v3, $0x3  }
0x53: {  	v4 =	vmul.u32 $0x30, v53  }
0x54: {  	v3 =	vand.u32 $0x7, v3  }
0x55: {  	v3 =	vor.u32 v3, v4  }
0x56: {  	v4 =	vperm.xlane v3, v0;
	_ =	sdelay $0x1  }
0x57: {  	v4 =	vadd.s32 v1, v4;
	_ =	sdelay $0x3  }
0x58: {  	s0 =	rddreg [dreg:$0xc];
	v3 =	vperm.xlane v3, v2  }
0x59: {  	[tilespmem:s0], [sflag:$0x1] =	stream.indirect_vreg.gather [hbm4b:s4+s2], $0x80, v4, vm0, $0xb8;
	[tilespmem:$0x1E100] =	vst v63  }
0x5a: {  	s13 =	rddreg [dreg:$0xd];
	v3 =	vadd.s32 v1, v3  }
0x5b: {  	[tilespmem:s13], [sflag:$0x1] =	stream.indirect_vreg.gather [hbm4b:s5+s2], $0x80, v4, vm0, $0xb8;
	[tilespmem:$0x1E100] =	vst v63  }
0x5c: {  	s0 =	rddreg [dreg:$0xe]  }
0x5d: {  	[tilespmem:s0], [sflag:$0x1] =	stream.indirect_vreg.gather [hbm4b:s6+s2], $0x80, v4, vm0, $0xb8;
	[tilespmem:$0x1E100] =	vst v63  }
0x5e: {  	s13 =	rddreg [dreg:$0xf]  }
0x5f: {  	[tilespmem:s13], [sflag:$0x1] =	stream.indirect_vreg.gather [hbm4b:s4+s2], $0x80, v3, vm0, $0xb8;
	[tilespmem:$0x1E100] =	vst v63  }
0x60: {  	s0 =	rddreg [dreg:$0x10]  }
0x61: {  	[tilespmem:s0], [sflag:$0x1] =	stream.indirect_vreg.gather [hbm4b:s5+s2], $0x80, v3, vm0, $0xb8;
	[tilespmem:$0x1E100] =	vst v63  }
0x62: {  	s13 =	rddreg [dreg:$0x11]  }
0x63: {  	[tilespmem:s13], [sflag:$0x1] =	stream.indirect_vreg.gather [hbm4b:s6+s2], $0x80, v3, vm0, $0xb8;
	[tilespmem:$0x1E100] =	vst v63  }
0x64: {  	v3 =	vld.msk [tilespmem:$0x20], $0xff;
	_ =	sdelay $0x4  }
0x65: {  	v54 =	vshrl.u32 v3, $0x3  }
0x66: {  	v4 =	vmul.u32 $0x30, v54  }
0x67: {  	v3 =	vand.u32 $0x7, v3  }
0x68: {  	v3 =	vor.u32 v3, v4  }
0x69: {  	v3 =	vperm.xlane v3, v0;
	_ =	sdelay $0x1  }
0x6a: {  	v3 =	vadd.s32 v1, v3;
	_ =	sdelay $0x3  }
0x6b: {  	s0 =	rddreg [dreg:$0x12]  }
0x6c: {  	[tilespmem:s0], [sflag:$0x1] =	stream.indirect_vreg.gather [hbm4b:s4+s2], $0x80, v3, vm0, $0xb8;
	[tilespmem:$0x1E100] =	vst v63  }
0x6d: {  	s13 =	rddreg [dreg:$0x13]  }
0x6e: {  	[tilespmem:s13], [sflag:$0x1] =	stream.indirect_vreg.gather [hbm4b:s5+s2], $0x80, v3, vm0, $0xb8;
	[tilespmem:$0x1E100] =	vst v63  }
0x6f: {  	s0 =	rddreg [dreg:$0x14]  }
0x70: {  	[tilespmem:s0], [sflag:$0x1] =	stream.indirect_vreg.gather [hbm4b:s6+s2], $0x80, v3, vm0, $0xb8;
	[tilespmem:$0x1E100] =	vst v63  }
0x71: {  	v3 =	vld [tilespmem:$0x28];
	_ =	sdelay $0x4  }
0x72: {  	v55 =	vshrl.u32 v3, $0x3  }
0x73: {  	v4 =	vmul.u32 $0x30, v55  }
0x74: {  	v3 =	vand.u32 $0x7, v3  }
0x75: {  	v3 =	vor.u32 v3, v4  }
0x76: {  	v4 =	vperm.xlane v3, v0;
	_ =	sdelay $0x1  }
0x77: {  	v4 =	vadd.s32 v1, v4;
	_ =	sdelay $0x3  }
0x78: {  	v3 =	vperm.xlane v3, v2  }
0x79: {  	[tilespmem:s10], [sflag:$0x2] =	stream.indirect_vreg.gather [hbm4b:s4+s2], $0x80, v4, vm0, $0xb8;
	[tilespmem:$0x1E100] =	vst v63  }
0x7a: {  	s0 =	rddreg [dreg:$0x15];
	v3 =	vadd.s32 v1, v3  }
0x7b: {  	[tilespmem:s0], [sflag:$0x2] =	stream.indirect_vreg.gather [hbm4b:s5+s2], $0x80, v4, vm0, $0xb8;
	[tilespmem:$0x1E100] =	vst v63  }
0x7c: {  	s13 =	rddreg [dreg:$0x16]  }
0x7d: {  	[tilespmem:s13], [sflag:$0x2] =	stream.indirect_vreg.gather [hbm4b:s6+s2], $0x80, v4, vm0, $0xb8;
	[tilespmem:$0x1E100] =	vst v63  }
0x7e: {  	s0 =	rddreg [dreg:$0x17]  }
0x7f: {  	[tilespmem:s0], [sflag:$0x2] =	stream.indirect_vreg.gather [hbm4b:s4+s2], $0x80, v3, vm0, $0xb8;
	[tilespmem:$0x1E100] =	vst v63  }
0x80: {  	s13 =	rddreg [dreg:$0x18]  }
0x81: {  	[tilespmem:s13], [sflag:$0x2] =	stream.indirect_vreg.gather [hbm4b:s5+s2], $0x80, v3, vm0, $0xb8;
	[tilespmem:$0x1E100] =	vst v63  }
0x82: {  	s0 =	rddreg [dreg:$0x19]  }
0x83: {  	[tilespmem:s0], [sflag:$0x2] =	stream.indirect_vreg.gather [hbm4b:s6+s2], $0x80, v3, vm0, $0xb8;
	[tilespmem:$0x1E100] =	vst v63  }
0x84: {  	v3 =	vld [tilespmem:$0x38];
	_ =	sdelay $0x4  }
0x85: {  	v56 =	vshrl.u32 v3, $0x3  }
0x86: {  	v4 =	vmul.u32 $0x30, v56  }
0x87: {  	v3 =	vand.u32 $0x7, v3  }
0x88: {  	v3 =	vor.u32 v3, v4  }
0x89: {  	v4 =	vperm.xlane v3, v0;
	_ =	sdelay $0x1  }
0x8a: {  	v4 =	vadd.s32 v1, v4;
	_ =	sdelay $0x3  }
0x8b: {  	s0 =	rddreg [dreg:$0x1a];
	v3 =	vperm.xlane v3, v2  }
0x8c: {  	[tilespmem:s0], [sflag:$0x2] =	stream.indirect_vreg.gather [hbm4b:s4+s2], $0x80, v4, vm0, $0xb8;
	[tilespmem:$0x1E100] =	vst v63  }
0x8d: {  	s13 =	rddreg [dreg:$0x1b];
	v3 =	vadd.s32 v1, v3  }
0x8e: {  	[tilespmem:s13], [sflag:$0x2] =	stream.indirect_vreg.gather [hbm4b:s5+s2], $0x80, v4, vm0, $0xb8;
	[tilespmem:$0x1E100] =	vst v63  }
0x8f: {  	s0 =	rddreg [dreg:$0x1c]  }
0x90: {  	[tilespmem:s0], [sflag:$0x2] =	stream.indirect_vreg.gather [hbm4b:s6+s2], $0x80, v4, vm0, $0xb8;
	[tilespmem:$0x1E100] =	vst v63  }
0x91: {  	s13 =	rddreg [dreg:$0x1d]  }
0x92: {  	[tilespmem:s13], [sflag:$0x2] =	stream.indirect_vreg.gather [hbm4b:s4+s2], $0x80, v3, vm0, $0xb8;
	[tilespmem:$0x1E100] =	vst v63  }
0x93: {  	s0 =	rddreg [dreg:$0x1e]  }
0x94: {  	[tilespmem:s0], [sflag:$0x2] =	stream.indirect_vreg.gather [hbm4b:s5+s2], $0x80, v3, vm0, $0xb8;
	[tilespmem:$0x1E100] =	vst v63  }
0x95: {  	s13 =	rddreg [dreg:$0x1f]  }
0x96: {  	[tilespmem:s13], [sflag:$0x2] =	stream.indirect_vreg.gather [hbm4b:s6+s2], $0x80, v3, vm0, $0xb8;
	[tilespmem:$0x1E100] =	vst v63  }
0x97: {  	v3 =	vld.msk [tilespmem:$0x48], $0xff;
	_ =	sdelay $0x4  }
0x98: {  	v57 =	vshrl.u32 v3, $0x3  }
0x99: {  	v4 =	vmul.u32 $0x30, v57  }
0x9a: {  	v3 =	vand.u32 $0x7, v3  }
0x9b: {  	v3 =	vor.u32 v3, v4  }
0x9c: {  	v3 =	vperm.xlane v3, v0;
	_ =	sdelay $0x1  }
0x9d: {  	v3 =	vadd.s32 v1, v3;
	_ =	sdelay $0x1  }
0x9e: {  	s0 =	sld [smem:$0x7EA];
	_ =	sdelay $0x1  }
0x9f: {  	s13 =	sld [smem:$0x7EB]  }
0xa0: {  	[tilespmem:s0], [sflag:$0x2] =	stream.indirect_vreg.gather [hbm4b:s4+s2], $0x80, v3, vm0, $0xb8;
	[tilespmem:$0x1E100] =	vst v63  }
0xa1: {  	s0 =	sld [smem:$0x7EC]  }
0xa2: {  	[tilespmem:s13], [sflag:$0x2] =	stream.indirect_vreg.gather [hbm4b:s5+s2], $0x80, v3, vm0, $0xb8;
	[tilespmem:$0x1E100] =	vst v63  }
0xa3: {  	_ = 	snop  }
0xa4: {  	[tilespmem:s0], [sflag:$0x2] =	stream.indirect_vreg.gather [hbm4b:s6+s2], $0x80, v3, vm0, $0xb8;
	[tilespmem:$0x1E100] =	vst v63  }
0xa5: {  	v3 =	vld [tilespmem:$0x50];
	_ =	sdelay $0x4  }
0xa6: {  	v58 =	vshrl.u32 v3, $0x3  }
0xa7: {  	v4 =	vmul.u32 $0x30, v58  }
0xa8: {  	v3 =	vand.u32 $0x7, v3  }
0xa9: {  	v3 =	vor.u32 v3, v4  }
0xaa: {  	v4 =	vperm.xlane v3, v0;
	_ =	sdelay $0x1  }
0xab: {  	v4 =	vadd.s32 v1, v4;
	_ =	sdelay $0x3  }
0xac: {  	s0 =	sld [smem:$0x7ED];
	v3 =	vperm.xlane v3, v2  }
0xad: {  	[tilespmem:s11], [sflag:$0x3] =	stream.indirect_vreg.gather [hbm4b:s4+s2], $0x80, v4, vm0, $0xb8;
	[tilespmem:$0x1E100] =	vst v63  }
0xae: {  	s13 =	sld [smem:$0x7EE];
	v3 =	vadd.s32 v1, v3  }
0xaf: {  	[tilespmem:s0], [sflag:$0x3] =	stream.indirect_vreg.gather [hbm4b:s5+s2], $0x80, v4, vm0, $0xb8;
	[tilespmem:$0x1E100] =	vst v63  }
0xb0: {  	s0 =	sld [smem:$0x7EF]  }
0xb1: {  	[tilespmem:s13], [sflag:$0x3] =	stream.indirect_vreg.gather [hbm4b:s6+s2], $0x80, v4, vm0, $0xb8;
	[tilespmem:$0x1E100] =	vst v63  }
0xb2: {  	s13 =	sld [smem:$0x7F0]  }
0xb3: {  	[tilespmem:s0], [sflag:$0x3] =	stream.indirect_vreg.gather [hbm4b:s4+s2], $0x80, v3, vm0, $0xb8;
	[tilespmem:$0x1E100] =	vst v63  }
0xb4: {  	s0 =	sld [smem:$0x7F1]  }
0xb5: {  	[tilespmem:s13], [sflag:$0x3] =	stream.indirect_vreg.gather [hbm4b:s5+s2], $0x80, v3, vm0, $0xb8;
	[tilespmem:$0x1E100] =	vst v63  }
0xb6: {  	_ = 	snop  }
0xb7: {  	[tilespmem:s0], [sflag:$0x3] =	stream.indirect_vreg.gather [hbm4b:s6+s2], $0x80, v3, vm0, $0xb8;
	[tilespmem:$0x1E100] =	vst v63  }
0xb8: {  	v3 =	vld [tilespmem:$0x60];
	_ =	sdelay $0x4  }
0xb9: {  	v59 =	vshrl.u32 v3, $0x3  }
0xba: {  	v4 =	vmul.u32 $0x30, v59  }
0xbb: {  	v3 =	vand.u32 $0x7, v3  }
0xbc: {  	v3 =	vor.u32 v3, v4  }
0xbd: {  	v4 =	vperm.xlane v3, v0;
	_ =	sdelay $0x1  }
0xbe: {  	v4 =	vadd.s32 v1, v4;
	_ =	sdelay $0x1  }
0xbf: {  	s0 =	sld [smem:$0x7F2];
	_ =	sdelay $0x1  }
0xc0: {  	s13 =	sld [smem:$0x7F3];
	v3 =	vperm.xlane v3, v2  }
0xc1: {  	[tilespmem:s0], [sflag:$0x3] =	stream.indirect_vreg.gather [hbm4b:s4+s2], $0x80, v4, vm0, $0xb8;
	[tilespmem:$0x1E100] =	vst v63  }
0xc2: {  	v3 =	vadd.s32 v1, v3;
	s0 =	sld [smem:$0x7F4]  }
0xc3: {  	[tilespmem:s13], [sflag:$0x3] =	stream.indirect_vreg.gather [hbm4b:s5+s2], $0x80, v4, vm0, $0xb8;
	[tilespmem:$0x1E100] =	vst v63  }
0xc4: {  	s13 =	sld [smem:$0x7F5]  }
0xc5: {  	[tilespmem:s0], [sflag:$0x3] =	stream.indirect_vreg.gather [hbm4b:s6+s2], $0x80, v4, vm0, $0xb8;
	[tilespmem:$0x1E100] =	vst v63  }
0xc6: {  	s0 =	sld [smem:$0x7F6]  }
0xc7: {  	[tilespmem:s13], [sflag:$0x3] =	stream.indirect_vreg.gather [hbm4b:s4+s2], $0x80, v3, vm0, $0xb8;
	[tilespmem:$0x1E100] =	vst v63  }
0xc8: {  	s13 =	sld [smem:$0x7F7]  }
0xc9: {  	[tilespmem:s0], [sflag:$0x3] =	stream.indirect_vreg.gather [hbm4b:s5+s2], $0x80, v3, vm0, $0xb8;
	[tilespmem:$0x1E100] =	vst v63  }
0xca: {  	_ = 	snop  }
0xcb: {  	[tilespmem:s13], [sflag:$0x3] =	stream.indirect_vreg.gather [hbm4b:s6+s2], $0x80, v3, vm0, $0xb8;
	[tilespmem:$0x1E100] =	vst v63  }
0xcc: {  	v3 =	vld.msk [tilespmem:$0x70], $0xff;
	_ =	sdelay $0x4  }
0xcd: {  	v60 =	vshrl.u32 v3, $0x3  }
0xce: {  	v4 =	vmul.u32 $0x30, v60  }
0xcf: {  	v3 =	vand.u32 $0x7, v3  }
0xd0: {  	v3 =	vor.u32 v3, v4  }
0xd1: {  	v3 =	vperm.xlane v3, v0;
	_ =	sdelay $0x1  }
0xd2: {  	v3 =	vadd.s32 v1, v3;
	_ =	sdelay $0x1  }
0xd3: {  	s0 =	sld [smem:$0x7F8];
	_ =	sdelay $0x1  }
0xd4: {  	s13 =	sld [smem:$0x7F9]  }
0xd5: {  	[tilespmem:s0], [sflag:$0x3] =	stream.indirect_vreg.gather [hbm4b:s4+s2], $0x80, v3, vm0, $0xb8;
	[tilespmem:$0x1E100] =	vst v63  }
0xd6: {  	s0 =	sld [smem:$0x7FA]  }
0xd7: {  	[tilespmem:s13], [sflag:$0x3] =	stream.indirect_vreg.gather [hbm4b:s5+s2], $0x80, v3, vm0, $0xb8;
	[tilespmem:$0x1E100] =	vst v63  }
0xd8: {  	_ = 	snop  }
0xd9: {  	[tilespmem:s0], [sflag:$0x3] =	stream.indirect_vreg.gather [hbm4b:s6+s2], $0x80, v3, vm0, $0xb8;
	[tilespmem:$0x1E100] =	vst v63  }
0xda: {  	v3 =	vld [tilespmem:$0x78];
	_ =	sdelay $0x4  }
0xdb: {  	v61 =	vshrl.u32 v3, $0x3  }
0xdc: {  	v4 =	vmul.u32 $0x30, v61  }
0xdd: {  	v3 =	vand.u32 $0x7, v3  }
0xde: {  	v3 =	vor.u32 v3, v4  }
0xdf: {  	v4 =	vperm.xlane v3, v0;
	_ =	sdelay $0x1  }
0xe0: {  	v4 =	vadd.s32 v1, v4;
	_ =	sdelay $0x3  }
0xe1: {  	s0 =	sld [smem:$0x7FB];
	v3 =	vperm.xlane v3, v2  }
0xe2: {  	[tilespmem:s12], [sflag:$0x4] =	stream.indirect_vreg.gather [hbm4b:s4+s2], $0x80, v4, vm0, $0xb8;
	[tilespmem:$0x1E100] =	vst v63  }
0xe3: {  	s13 =	sld [smem:$0x7FC];
	v3 =	vadd.s32 v1, v3  }
0xe4: {  	[tilespmem:s0], [sflag:$0x4] =	stream.indirect_vreg.gather [hbm4b:s5+s2], $0x80, v4, vm0, $0xb8;
	[tilespmem:$0x1E100] =	vst v63  }
0xe5: {  	s0 =	sld [smem:$0x7FD]  }
0xe6: {  	[tilespmem:s13], [sflag:$0x4] =	stream.indirect_vreg.gather [hbm4b:s6+s2], $0x80, v4, vm0, $0xb8;
	[tilespmem:$0x1E100] =	vst v63  }
0xe7: {  	_ = 	snop  }
0xe8: {  	[tilespmem:s0], [sflag:$0x4] =	stream.indirect_vreg.gather [hbm4b:s4+s2], $0x80, v3, vm0, $0xb8;
	[tilespmem:$0x1E100] =	vst v63  }
0xe9: {  	s13 =	simm.s32 $0x18900  }
0xea: {  	[tilespmem:s13], [sflag:$0x4] =	stream.indirect_vreg.gather [hbm4b:s5+s2], $0x80, v3, vm0, $0xb8;
	[tilespmem:$0x1E100] =	vst v63  }
0xeb: {  	_ = 	snop  }
0xec: {  	[tilespmem:s14], [sflag:$0x4] =	stream.indirect_vreg.gather [hbm4b:s6+s2], $0x80, v3, vm0, $0xb8;
	[tilespmem:$0x1E100] =	vst v63  }
0xed: {  	v3 =	vld [tilespmem:$0x88];
	_ =	sdelay $0x4  }
0xee: {  	v62 =	vshrl.u32 v3, $0x3  }
0xef: {  	v4 =	vmul.u32 $0x30, v62  }
0xf0: {  	v3 =	vand.u32 $0x7, v3  }
0xf1: {  	v3 =	vor.u32 v3, v4  }
0xf2: {  	v4 =	vperm.xlane v3, v0;
	_ =	sdelay $0x1  }
0xf3: {  	v4 =	vadd.s32 v1, v4;
	_ =	sdelay $0x3  }
0xf4: {  	v3 =	vperm.xlane v3, v2  }
0xf5: {  	[tilespmem:s15], [sflag:$0x4] =	stream.indirect_vreg.gather [hbm4b:s4+s2], $0x80, v4, vm0, $0xb8;
	[tilespmem:$0x1E100] =	vst v63  }
0xf6: {  	v3 =	vadd.s32 v1, v3  }
0xf7: {  	[tilespmem:s16], [sflag:$0x4] =	stream.indirect_vreg.gather [hbm4b:s5+s2], $0x80, v4, vm0, $0xb8;
	[tilespmem:$0x1E100] =	vst v63  }
0xf8: {  	_ = 	snop  }
0xf9: {  	[tilespmem:s17], [sflag:$0x4] =	stream.indirect_vreg.gather [hbm4b:s6+s2], $0x80, v4, vm0, $0xb8;
	[tilespmem:$0x1E100] =	vst v63  }
0xfa: {  	_ = 	snop  }
0xfb: {  	[tilespmem:s18], [sflag:$0x4] =	stream.indirect_vreg.gather [hbm4b:s4+s2], $0x80, v3, vm0, $0xb8;
	[tilespmem:$0x1E100] =	vst v63  }
0xfc: {  	_ = 	snop  }
0xfd: {  	[tilespmem:s19], [sflag:$0x4] =	stream.indirect_vreg.gather [hbm4b:s5+s2], $0x80, v3, vm0, $0xb8;
	[tilespmem:$0x1E100] =	vst v63  }
0xfe: {  	_ = 	snop  }
0xff: {  	[tilespmem:s20], [sflag:$0x4] =	stream.indirect_vreg.gather [hbm4b:s6+s2], $0x80, v3, vm0, $0xb8;
	[tilespmem:$0x1E100] =	vst v63  }
0x100: {  	v3 =	vld.msk [tilespmem:$0x98], $0xff;
	_ =	sdelay $0x4  }
0x101: {  	v63 =	vshrl.u32 v3, $0x3  }
0x102: {  	v4 =	vmul.u32 $0x30, v63  }
0x103: {  	v3 =	vand.u32 $0x7, v3  }
0x104: {  	v3 =	vor.u32 v3, v4  }
0x105: {  	v3 =	vperm.xlane v3, v0;
	_ =	sdelay $0x1  }
0x106: {  	v3 =	vadd.s32 v1, v3;
	_ =	sdelay $0x4  }
0x107: {  	[tilespmem:s21], [sflag:$0x4] =	stream.indirect_vreg.gather [hbm4b:s4+s2], $0x80, v3, vm0, $0xb8;
	[tilespmem:$0x1E100] =	vst v63  }
0x108: {  	_ = 	snop  }
0x109: {  	[tilespmem:s22], [sflag:$0x4] =	stream.indirect_vreg.gather [hbm4b:s5+s2], $0x80, v3, vm0, $0xb8;
	[tilespmem:$0x1E100] =	vst v63  }
0x10a: {  	_ = 	snop  }
0x10b: {  	[tilespmem:s23], [sflag:$0x4] =	stream.indirect_vreg.gather [hbm4b:s6+s2], $0x80, v3, vm0, $0xb8;
	[tilespmem:$0x1E100] =	vst v63  }
0x10c: {  	_ =	swait.ge [sflag:s24], $0x7800  }
0x10d: {  	[sflag:s24] =	ssyncset.done $0x0  }
0x10e: {  	[sflag:s24] =	ssyncadd.s32 $0xFFFF8800  }
0x10f: {  	[hbm4b:s3+s2] =	stream.linear.scatter [tilespmem:s9], [sflag:$0x5], $0x7800, $0x38;
	[tilespmem:$0x1E100] =	vst v63  }
0x110: {  	_ =	swait.ge [sflag:s25], $0x7800  }
0x111: {  	[sflag:s25] =	ssyncset.done $0x0  }
0x112: {  	s13 =	rddreg [dreg:$0x4];
	[sflag:s25] =	ssyncadd.s32 $0xFFFF8800  }
0x113: {  	[hbm4b:s13+s2] =	stream.linear.scatter [tilespmem:s10], [sflag:$0x6], $0x7800, $0x38;
	[tilespmem:$0x1E100] =	vst v63  }
0x114: {  	_ =	swait.ge [sflag:s26], $0x7800  }
0x115: {  	[sflag:s26] =	ssyncset.done $0x0  }
0x116: {  	s13 =	rddreg [dreg:$0x5];
	[sflag:s26] =	ssyncadd.s32 $0xFFFF8800  }
0x117: {  	[hbm4b:s13+s2] =	stream.linear.scatter [tilespmem:s11], [sflag:$0x7], $0x7800, $0x38;
	[tilespmem:$0x1E100] =	vst v63  }
0x118: {  	_ =	swait.ge [sflag:s28], $0x7800  }
0x119: {  	[sflag:s28] =	ssyncset.done $0x0  }
0x11a: {  	s13 =	rddreg [dreg:$0x6];
	[sflag:s28] =	ssyncadd.s32 $0xFFFF8800  }
0x11b: {  	[hbm4b:s13+s2] =	stream.linear.scatter [tilespmem:s12], [sflag:$0x8], $0x7800, $0x38;
	[tilespmem:$0x1E100] =	vst v63  }
0x11c: {  	_ =	swait.ge [sflag:s29], $0x7800  }
0x11d: {  	[sflag:s29] =	ssyncset.done $0x0  }
0x11e: {  	[sflag:s29] =	ssyncadd.s32 $0xFFFF8800  }
0x11f: {  	_ =	swait.ge [sflag:s30], $0x7800  }
0x120: {  	[sflag:s30] =	ssyncset.done $0x0  }
0x121: {  	[sflag:s30] =	ssyncadd.s32 $0xFFFF8800  }
0x122: {  	p0 =	sne.s32 s7, $0x1;
	_ =	swait.ge [sflag:s31], $0x7800  }
.Ltmp0:
0x123: {  	[sflag:s31] =	ssyncset.done $0x0;
	(pc) =	sbr.rel @p0 .LBB2_1-.Ltmp0, $4  }
0x124: {  	[sflag:s31] =	ssyncadd.s32 $0xFFFF8800  }
0x125: {  	_ =	swait.ge [sflag:s1], $0x7800  }
0x126: {  	[sflag:s1] =	ssyncset.done $0x0  }
0x127: {  	s7 =	sadd.s32 $0xFFFFFFFF, s7;
	[sflag:s1] =	ssyncadd.s32 $0xFFFF8800  }
0x128: {  	_ =	sfence.sel $0x180000  }
0x129: {  	[bflag:$0x0] =	sbarrier.arrive $0xFFFF  }
0x12a: {  	_ =	strace $0x9000004D  }
0x12b: {  	s0 =	stileid.u32;
	[bflag:$0x2] =	sbarrier.arrive $0xFFFF  }
0x12c: {  	p0 =	sne.s32 s0, $0x0;
	s0 =	rddreg [dreg:$0x2]  }
0x12d: {  	s0 =	sadd.s32 @!p0 $0x100000, s0  }
0x12e: {  	[sflag:s0] =	ssyncadd.tile.s32 @!p0 $0x1;
	_ =	shalt  }
.Lfunc_end2:
_tile_overlayer_lowered:
.L_overlay_start_2:
0x12f: {  	(tag) =	ssettag $0x2  }
0x130: {  	s0 =	rddreg [dreg:$0x0];
	s2 =	stileid.u32  }
0x131: {  	s1 =	rddreg [dreg:$0x1];
	p0 =	sne.s32 s2, $0x0  }
0x132: {  	s3 =	rddreg [dreg:$0x2];
	[bflag:$0x3] =	sbarrier.arrive $0xFFFF;
	s2 =	simm.s32 @!p0 $0x1C09  }
0x133: {  	[timem:s3], [sflag:s2] =	dma.local @!p0 [hbm:s0], s1  }
0x134: {  	s0 =	simm.s32 @!p0 $0x9  }
0x135: {  	_ =	swait.ge @!p0 [sflag:s0], s1  }
0x136: {  	s1 =	ssub.s32 @!p0 $0x0, s1;
	[sflag:s0] =	ssyncset.done @!p0 $0x0  }
0x137: {  	[sflag:s0] =	ssyncadd.s32 @!p0 s1  }
0x138: {  	[bflag:$0x3] =	sbarrier.arrive $0xFFFF  }
0x139: {  	_ =	shalt  }

// kernel: kernel.20.cloned.1.call-start
scs
__scs_entry_jumppad:
0x0: {  	(pc) =	sbr.rel $0x88, $3  }
0x1: {  	(tag) =	ssettag $0x0;
	lr =	simm.s32 $0x1  }
0x2: {  	[smem:$0x3F96] =	sst lr;
	_ =	strace $0xD0000000  }
0x3: {  	_ = 	snop  }
0x4: {  	_ = 	snop  }
0x5: {  	_ = 	snop  }
0x6: {  	_ = 	snop  }
0x7: {  	_ = 	snop  }
__scs_overlays_trampoline_lowered:
0x8: {  	[smem:$0x3FA5] =	sst s0  }
0x9: {  	[smem:$0x3FA6] =	sst s1  }
0xa: {  	[smem:$0x3FA7] =	sst s2  }
0xb: {  	[smem:$0x3FA8] =	sst s3  }
0xc: {  	[smem:$0x3FA9] =	sst s4  }
0xd: {  	[smem:$0x3FAA] =	sst s5  }
0xe: {  	[smem:$0x3FAB] =	sst s6  }
0xf: {  	[smem:$0x3FAC] =	sst s7  }
0x10: {  	[smem:$0x3FAD] =	sst s8  }
0x11: {  	[smem:$0x3FAE] =	sst s9;
	s0 =	simm.s32 @!p0 $0x0  }
0x12: {  	s1 =	sld [smem:$0x3F94];
	s0 =	simm.s32 @p0 $0x1  }
0x13: {  	[smem:$0x3FAF] =	sst s0;
	s0 =	simm.s32 @!p1 $0x0  }
0x14: {  	s2 =	sld [smem:$0x3F93];
	s0 =	simm.s32 @p1 $0x1  }
0x15: {  	[smem:$0x3FB0] =	sst s0;
	s0 =	simm.s32 @!p2 $0x0  }
0x16: {  	s3 =	sld [smem:$0x3FDB];
	s0 =	simm.s32 @p2 $0x1  }
0x17: {  	s4 =	simm.s32 $0x1BF5;
	[smem:$0x3FB2] =	sst s0  }
0x18: {  	s0 =	sld [smem:$0x3F95];
	_ =	swait.ge [sflag:s4], $0x0  }
0x19: {  	s7 =	sld [smem:$0x3F96]  }
0x1a: {  	s8 =	sadd.s32 $0xFFFFE003, lr  }
0x1b: {  	s9 =	sadd.s32 $0xFFFFFEF7, lr;
	s5 =	simm.s32 $0xFFFFFFFF;
	p2 =	slt.u32 s8, $0xFFFFF086  }
0x1c: {  	p1 =	slt.u32 s9, $0xF7A;
	s5 =	simm.s32 @!p2 $0x0  }
0x1d: {  	s5 =	simm.s32 @p1 $0x1;
	p0 =	seq.s32 s7, s2  }
0x1e: {  	s7 =	smul.u32 @!p0 $0xF7A, s2;
	p2 =	seq.s32 @!p0 s5, $0x0  }
0x1f: {  	s9 =	smul.u32 $0xF7A, s1;
	s8 =	simm.s32 @!p0 $0x1BF5;
	p2 =	por !p2, p0  }
0x20: {  	[sflag:s8] =	ssyncset.s32 @!p0 $0xFFFFF086;
	s6 =	sadd.s32 @!p0 s3, s7;
	s7 =	simm.s32 @!p0 $0x108  }
0x21: {  	s3 =	sadd.s32 s3, s9;
	s6 =	sadd.s32 @!p0 $0x88, s6;
	s7 =	simm.s32 @p2 $0x1082  }
0x22: {  	[simem:s7], [sflag:s8] =	dma.local @!p0 [hbm:s6], $0xF7A  }
0x23: {  	s9 =	sor.u32 $0xD0000000, s2;
	s6 =	simm.s32 $0x108;
	_ =	swait.ge @!p0 [sflag:s8], $0x0  }
0x24: {  	s3 =	sadd.s32 $0x88, s3;
	s6 =	simm.s32 @!p1 $0x1082;
	[sflag:s4] =	ssyncset.s32 $0xFFFFF086  }
0x25: {  	[simem:s6], [sflag:s4] =	dma.local [hbm:s3], $0xF7A  }
0x26: {  	[smem:$0x3F96] =	sst s1;
	(tag) =	ssettag s2;
	_ =	strace s9  }
0x27: {  	s1 =	sld [smem:$0x3FA6]  }
0x28: {  	s2 =	sld [smem:$0x3FA7]  }
0x29: {  	s4 =	sld [smem:$0x3FA9]  }
0x2a: {  	p0 =	seq.s32 s5, $0x0;
	s5 =	sld [smem:$0x3FAA]  }
0x2b: {  	s6 =	sld [smem:$0x3FAB]  }
0x2c: {  	s7 =	sld [smem:$0x3FAC]  }
0x2d: {  	s3 =	simm.s32 $0x108;
	s8 =	sld [smem:$0x3FAD]  }
0x2e: {  	s3 =	simm.s32 @!p0 $0x1082;
	s9 =	sld [smem:$0x3FAE]  }
0x2f: {  	lr =	sadd.s32 s0, s3;
	s0 =	sld [smem:$0x3FA5]  }
0x30: {  	s3 =	sld [smem:$0x3FA8]  }
0x31: {  	[smem:$0x3FB1] =	sst s10  }
0x32: {  	s10 =	sld [smem:$0x3FAF];
	_ =	sdelay $0x3  }
0x33: {  	p0 =	seq.s32 s10, $0x1;
	s10 =	sld [smem:$0x3FB1];
	_ =	sdelay $0x3  }
0x34: {  	[smem:$0x3FB1] =	sst s10  }
0x35: {  	s10 =	sld [smem:$0x3FB0];
	_ =	sdelay $0x3  }
0x36: {  	p1 =	seq.s32 s10, $0x1;
	s10 =	sld [smem:$0x3FB1];
	_ =	sdelay $0x3  }
0x37: {  	[smem:$0x3FB1] =	sst s10  }
0x38: {  	s10 =	sld [smem:$0x3FB2]  }
0x39: {  	_ = 	snop;
	(pc) =	sbr.ind lr, $3  }
0x3a: {  	_ = 	snop  }
0x3b: {  	_ = 	snop  }
0x3c: {  	p2 =	seq.s32 s10, $0x1;
	s10 =	sld [smem:$0x3FB1]  }
0x3d: {  	_ =	shalt  }
0x3e: {  	_ =	shalt  }
0x3f: {  	_ =	shalt  }
0x40: {  	_ =	shalt  }
0x41: {  	_ =	shalt  }
0x42: {  	_ =	shalt  }
0x43: {  	_ =	shalt  }
0x44: {  	_ =	shalt  }
0x45: {  	_ =	shalt  }
0x46: {  	_ =	shalt  }
0x47: {  	_ =	shalt  }
0x48: {  	_ =	shalt  }
0x49: {  	_ =	shalt  }
0x4a: {  	_ =	shalt  }
0x4b: {  	_ =	shalt  }
0x4c: {  	_ =	shalt  }
0x4d: {  	_ =	shalt  }
0x4e: {  	_ =	shalt  }
0x4f: {  	_ =	shalt  }
0x50: {  	_ =	shalt  }
0x51: {  	_ =	shalt  }
0x52: {  	_ =	shalt  }
0x53: {  	_ =	shalt  }
0x54: {  	_ =	shalt  }
0x55: {  	_ =	shalt  }
0x56: {  	_ =	shalt  }
0x57: {  	_ =	shalt  }
0x58: {  	_ =	shalt  }
0x59: {  	_ =	shalt  }
0x5a: {  	_ =	shalt  }
0x5b: {  	_ =	shalt  }
0x5c: {  	_ =	shalt  }
0x5d: {  	_ =	shalt  }
0x5e: {  	_ =	shalt  }
0x5f: {  	_ =	shalt  }
0x60: {  	_ =	shalt  }
0x61: {  	_ =	shalt  }
0x62: {  	_ =	shalt  }
0x63: {  	_ =	shalt  }
0x64: {  	_ =	shalt  }
0x65: {  	_ =	shalt  }
0x66: {  	_ =	shalt  }
0x67: {  	_ =	shalt  }
0x68: {  	_ =	shalt  }
0x69: {  	_ =	shalt  }
0x6a: {  	_ =	shalt  }
0x6b: {  	_ =	shalt  }
0x6c: {  	_ =	shalt  }
0x6d: {  	_ =	shalt  }
0x6e: {  	_ =	shalt  }
0x6f: {  	_ =	shalt  }
0x70: {  	_ =	shalt  }
0x71: {  	_ =	shalt  }
0x72: {  	_ =	shalt  }
0x73: {  	_ =	shalt  }
0x74: {  	_ =	shalt  }
0x75: {  	_ =	shalt  }
0x76: {  	_ =	shalt  }
0x77: {  	_ =	shalt  }
0x78: {  	_ =	shalt  }
0x79: {  	_ =	shalt  }
0x7a: {  	_ =	shalt  }
0x7b: {  	_ =	shalt  }
0x7c: {  	_ =	shalt  }
0x7d: {  	_ =	shalt  }
0x7e: {  	_ =	shalt  }
0x7f: {  	_ =	shalt  }
0x80: {  	_ =	shalt  }
0x81: {  	_ =	shalt  }
0x82: {  	_ =	shalt  }
0x83: {  	_ =	shalt  }
0x84: {  	_ =	shalt  }
0x85: {  	_ =	shalt  }
0x86: {  	_ =	shalt  }
0x87: {  	_ =	shalt  }
.Lfunc_end0:
.L_simem_size_0:
called_computation.3_lowered:
.L_overlay_start_0:
0x88: {  	s2 =	sld [smem:$0x3FD9]  }
0x89: {  	s3 =	sld [smem:$0x3FFE];
	_ =	sdelay $0x1  }
0x8a: {  	s1 =	srdreg.scid  }
0x8b: {  	s0 =	sand.u32 $0x1, s1  }
0x8c: {  	s14 =	sshll.u32 s0, $0xA;
	s2 =	sadd.s32 s3, s2  }
0x8d: {  	s2 =	sadd.s32 s2, s14  }
0x8e: {  	[smem:$0x3FBD] =	sst s2  }
0x8f: {  	_ = 	snop  }
0x90: {  	s2 =	sld [smem:$0x3FD0];
	_ =	sdelay $0x2  }
0x91: {  	s15 =	simm.s32 $0xA;
	s4 =	simm.s32 $0x10  }
0x92: {  	[smem:s4], [sflag:s15] =	dma.local [hbm:s2], $0x1  }
0x93: {  	_ =	swait.eq [sflag:s15], $0x1  }
0x94: {  	[sflag:s15] =	ssyncset.done $0x0  }
0x95: {  	[sflag:s15] =	ssyncadd.s32 $0xFFFFFFFF  }
0x96: {  	s16 =	sld [smem:$0x10];
	(tm) =	ssettm $0x1  }
0x97: {  	s17 =	sld [smem:$0x3FFB];
	_ =	sdelay $0x3  }
0x98: {  	_ =	strace s17  }
0x99: {  	s3 =	sld [smem:$0x3FFC];
	_ =	sdelay $0x3  }
0x9a: {  	_ =	strace s3  }
0x9b: {  	s3 =	sld [smem:$0x3FFD];
	_ =	sdelay $0x3  }
0x9c: {  	_ =	strace s3  }
0x9d: {  	_ =	strace $0x8FFFFFFF  }
0x9e: {  	s18 =	sld [smem:$0x3FDB];
	_ =	sdelay $0x1  }
0x9f: {  	s19 =	simm.s32 $_scs_section_size  }
0xa0: {  	s5 =	simm.s32 $_size__tile_overlayer_lowered;
	s6 =	simm.s32 $_tile_overlayer_lowered  }
0xa1: {  	s22 =	simm.s32 $0x1BFF;
	s21 =	sshll.u32 s6, $0x1;
	s3 =	sadd.s32 s19, s18  }
0xa2: {  	s7 =	simm.s32 $0x0;
	s20 =	sshll.u32 s5, $0x1;
	s5 =	sadd.s32 s21, s3  }
0xa3: {  	[timem:s7], [sflag:s22] =	dma.local [hbm:s5], s20  }
0xa4: {  	_ =	swait.ge [sflag:s22], s20  }
0xa5: {  	s4 =	ssub.s32 $0x0, s20;
	[sflag:s22] =	ssyncset.done $0x0  }
0xa6: {  	[sflag:s22] =	ssyncadd.s32 s4;
	_ =	sdelay $0x1  }
0xa7: {  	s23 =	simm.s32 $0x1B8B  }
0xa8: {  	_ =	swait.ge [sflag:s23], $0x1  }
0xa9: {  	[sflag:s23] =	ssyncset.done $0x0  }
0xaa: {  	s25 =	simm.s32 $0x1B8E;
	s24 =	sld [smem:$0x3FFE];
	[sflag:s23] =	ssyncadd.s32 $0xFFFFFFFF  }
0xab: {  	s26 =	simm.s32 $execute0_lowered;
	[smem:$0x3FD2] =	sst s25  }
0xac: {  	s5 =	sshll.u32 s26, $0x1;
	_ =	strace $0x8000004F;
	[dreg:$0x1] =	wrdreg $0xFFFFFFFF  }
0xad: {  	s28 =	simm.s32 $_size_execute0_lowered;
	s3 =	sadd.s32 s3, s5;
	[dreg:$0x0] =	wrdreg $0x0  }
0xae: {  	s5 =	sshll.u32 s28, $0x1;
	[dreg:$0x2] =	wrdreg s3  }
0xaf: {  	[dreg:$0x3] =	wrdreg s5  }
0xb0: {  	[dreg:$0x4] =	wrdreg $0xC0  }
0xb1: {  	_ =	task [dreg:s7], $0x5FFFF  }
0xb2: {  	[dreg:$0x1] =	wrdreg $0xFFFFFFFF  }
0xb3: {  	[dreg:$0x0] =	wrdreg $0x60  }
0xb4: {  	[dreg:$0x2] =	wrdreg s24  }
0xb5: {  	[dreg:$0x3] =	wrdreg s16  }
0xb6: {  	[dreg:$0x4] =	wrdreg $0x9  }
0xb7: {  	_ =	task.clear_ibuf [dreg:s7], $0x5FFFF;
	_ =	strace $0x9000004F  }
0xb8: {  	s29 =	simm.s32 $0x9;
	_ =	strace $0x80000051  }
0xb9: {  	_ =	swait.ge [sflag:s29], $0x1  }
0xba: {  	[sflag:s29] =	ssyncadd.s32 $0xFFFFFFFF  }
0xbb: {  	_ =	strace $0x90000051  }
0xbc: {  	_ =	sfence  }
0xbd: {  	s30 =	sld [smem:$0x0];
	_ =	sdelay $0x2  }
0xbe: {  	s31 =	sshll.u32 s1, $0xD;
	s1 =	sshrl.u32 s1, $0x2  }
0xbf: {  	s3 =	sand.u32 $0x4000, s31;
	s1 =	sadd.s32 s1, s30  }
0xc0: {  	s0 =	sor.u32 s3, s0;
	s1 =	sshll.u32 s1, $0x11  }
0xc1: {  	s0 =	sor.u32 s1, s0  }
0xc2: {  	s0 =	sadd.s32 $0x8F2B, s0  }
0xc3: {  	[sflag:s0] =	ssyncadd.remote.s32 $0x1  }
0xc4: {  	_ =	sfence.sel $0xFFFF  }
0xc5: {  	[dreg:$0x0] =	wrdreg $0xFFFFFFFF;
	(pc) =	sbr.abs _section_cstart, $3  }
0xc6: {  	[dreg:$0x1] =	wrdreg $0xFFFFFFFF  }
0xc7: {  	_ =	task.clear_ibuf [dreg:s7], $0x2FFFF;
	_ =	strace $0x9FFFFFFF  }
0xc8: {  	(tm) =	ssettm $0x7FFFFFFF  }
0xc9: {  	_ =	shalt  }
tec
execute0_lowered:
.L_overlay_start_1:
0x0: {  	(tag) =	ssettag $0x1  }
0x1: {  	s1 =	srdreg.scid  }
0x2: {  	s0 =	stileid.u32;
	s5 =	sand.u32 $0x1, s1  }
0x3: {  	s4 =	rddreg [dreg:$0x1];
	s2 =	sshll.u32 s0, $0x5;
	s3 =	sshll.u32 s5, $0x4  }
0x4: {  	s1 =	rddreg [dreg:$0x0];
	s3 =	sor.u32 s3, s2;
	s2 =	simm.s32 $0x0  }
0x5: {  	s15 =	simm.s32 $0x880;
	[smem:$0x7FF] =	sst s2  }
0x6: {  	s16 =	simm.s32 $0x1080;
	_ =	strace $0x80000050;
	[dreg:$0x7] =	wrdreg s15  }
0x7: {  	s17 =	simm.s32 $0x1880;
	[dreg:$0x8] =	wrdreg s16  }
0x8: {  	s18 =	simm.s32 $0x2080;
	[dreg:$0x9] =	wrdreg s17  }
0x9: {  	s19 =	simm.s32 $0x2880;
	[dreg:$0xa] =	wrdreg s18  }
0xa: {  	s20 =	simm.s32 $0x3080;
	[dreg:$0xb] =	wrdreg s19  }
0xb: {  	s21 =	simm.s32 $0x3880;
	[dreg:$0xc] =	wrdreg s20  }
0xc: {  	s22 =	simm.s32 $0x4080;
	[dreg:$0xd] =	wrdreg s21  }
0xd: {  	s23 =	simm.s32 $0x4880;
	[dreg:$0xe] =	wrdreg s22  }
0xe: {  	s24 =	simm.s32 $0x5080;
	[dreg:$0xf] =	wrdreg s23  }
0xf: {  	s25 =	simm.s32 $0x5880;
	[dreg:$0x10] =	wrdreg s24  }
0x10: {  	s26 =	simm.s32 $0x6880;
	[dreg:$0x11] =	wrdreg s25  }
0x11: {  	s9 =	simm.s32 $0x9080;
	s0 =	simm.s32 $0x7080;
	[dreg:$0x12] =	wrdreg s26  }
0x12: {  	s10 =	simm.s32 $0x9880;
	s11 =	simm.s32 $0xA080;
	[dreg:$0x13] =	wrdreg s0  }
0x13: {  	s12 =	simm.s32 $0xA880;
	s28 =	simm.s32 $0x4;
	[dreg:$0x17] =	wrdreg s9  }
0x14: {  	s29 =	simm.s32 $0x5;
	s6 =	smul.u32 $0x300, s3;
	[dreg:$0x18] =	wrdreg s10  }
0x15: {  	s7 =	smul.u32 $0x1800, s3;
	s3 =	sadd.s32 s3, s1;
	[dreg:$0x19] =	wrdreg s11  }
0x16: {  	s30 =	simm.s32 $0x6;
	s8 =	sadd.s32 $0xEBE00, s3;
	[dreg:$0x1a] =	wrdreg s12  }
0x17: {  	s31 =	simm.s32 $0x7;
	s15 =	simm.s32 $0xC880;
	[dreg:$0x3] =	wrdreg s8  }
0x18: {  	s5 =	ssub.s32 $0x2, s5;
	s16 =	simm.s32 $0xD080;
	[dreg:$0x1d] =	wrdreg s15  }
0x19: {  	s17 =	sshrl.u32 s5, $0x1;
	s18 =	simm.s32 $0xD880;
	[dreg:$0x1e] =	wrdreg s16  }
0x1a: {  	s19 =	simm.s32 $0xE080;
	s20 =	simm.s32 $0xE880;
	[dreg:$0x1f] =	wrdreg s18  }
0x1b: {  	s21 =	simm.s32 $0xF080;
	s22 =	simm.s32 $0xF880;
	[smem:$0x7F6] =	sst s19  }
0x1c: {  	s23 =	simm.s32 $0x10080;
	s9 =	simm.s32 $0x80;
	[smem:$0x7F7] =	sst s20  }
0x1d: {  	s24 =	simm.s32 $0x10880;
	s10 =	simm.s32 $0x6080;
	[smem:$0x7F8] =	sst s21  }
0x1e: {  	s25 =	simm.s32 $0x11080;
	s11 =	simm.s32 $0xC080;
	[smem:$0x7F9] =	sst s22  }
0x1f: {  	s26 =	simm.s32 $0x11880;
	s12 =	simm.s32 $0x12080;
	[smem:$0x7FA] =	sst s23  }
0x20: {  	s3 =	sadd.s32 s4, s6;
	s13 =	sshrl.u32 s7, $0x3;
	[smem:$0x7FB] =	sst s24  }
0x21: {  	s7 =	simm.s32 $0x8080;
	s8 =	simm.s32 $0x8880;
	[smem:$0x7FC] =	sst s25  }
0x22: {  	[smem:$0x7FD] =	sst s26;
	s15 =	simm.s32 $0x13880;
	s16 =	simm.s32 $0x14080  }
0x23: {  	s18 =	simm.s32 $0x15080;
	s19 =	simm.s32 $0x15880;
	s20 =	simm.s32 $0x16080  }
0x24: {  	s21 =	simm.s32 $0x16880;
	s22 =	simm.s32 $0x17080;
	s23 =	simm.s32 $0x17880  }
0x25: {  	s24 =	simm.s32 $0x1;
	s25 =	simm.s32 $0x2;
	s26 =	simm.s32 $0x3  }
0x26: {  	s14 =	sadd.s32 $0xC00, s3;
	s4 =	sadd.s32 s4, s13;
	[dreg:$0x15] =	wrdreg s7  }
0x27: {  	[dreg:$0x16] =	wrdreg s8;
	s13 =	simm.s32 $0xB080;
	s7 =	ssub.s32 s5, s17  }
0x28: {  	s5 =	sadd.s32 $0x73F00, s1;
	s8 =	simm.s32 $0x9;
	[dreg:$0x4] =	wrdreg s14  }
0x29: {  	s17 =	simm.s32 $0x14880;
	s6 =	sadd.s32 $0x1800, s4;
	[dreg:$0x1b] =	wrdreg s13  }
0x2a: {  	s4 =	sadd.s32 $0x2400, s4;
	s14 =	simm.s32 $0xB880;
	[dreg:$0x5] =	wrdreg s6  }
0x2b: {  	v2 =	vlaneseq.u32;
	s7 =	smax.u32 s7, $0x1;
	[dreg:$0x6] =	wrdreg s4;
	s6 =	simm.s32 $0x7880  }
0x2c: {  	vm0 =	vmmov $0xffff;
	v1 =	vshrl.u32 v2, $0x3;
	s4 =	sadd.s32 $0x73E00, s1;
	[dreg:$0x1c] =	wrdreg s14;
	s14 =	simm.s32 $0x13080  }
0x2d: {  	v0 =	vand.u32 $0x7, v2;
	v2 =	vor.u32 $0x8, v2;
	v1 =	vmul.u32 $0x8, v1;
	[dreg:$0x14] =	wrdreg s6;
	s6 =	sadd.s32 $0x74000, s1;
	s1 =	simm.s32 $0x8  }
.LBB2_1:
0x2e: {  	s0 =	rddreg [dreg:$0x3]  }
0x2f: {  	[tilespmem:s2], [sflag:$0x9] =	stream.linear.gather [hbm4b:s0+s2], $0x80, $0x38;
	[tilespmem:$0x18080] =	vst v63  }
0x30: {  	_ =	swait.ge [sflag:s8], $0x80  }
0x31: {  	[sflag:s8] =	ssyncset.done $0x0  }
0x32: {  	[sflag:s8] =	ssyncadd.s32 $0xFFFFFF80  }
0x33: {  	v3 =	vld [tilespmem:$0x0];
	_ =	sdelay $0x4  }
0x34: {  	v4 =	vshrl.u32 v3, $0x3  }
0x35: {  	v4 =	vmul.u32 $0x30, v4  }
0x36: {  	v3 =	vand.u32 $0x7, v3  }
0x37: {  	v3 =	vor.u32 v3, v4  }
0x38: {  	v4 =	vperm.xlane v3, v0;
	_ =	sdelay $0x1  }
0x39: {  	v4 =	vadd.s32 v1, v4;
	_ =	sdelay $0x3  }
0x3a: {  	v3 =	vperm.xlane v3, v2  }
0x3b: {  	[tilespmem:s9], [sflag:$0x1] =	stream.indirect_vreg.gather [hbm4b:s4+s2], $0x80, v4, vm0, $0xb8;
	[tilespmem:$0x18080] =	vst v63  }
0x3c: {  	s0 =	rddreg [dreg:$0x7];
	v3 =	vadd.s32 v1, v3  }
0x3d: {  	[tilespmem:s0], [sflag:$0x1] =	stream.indirect_vreg.gather [hbm4b:s5+s2], $0x80, v4, vm0, $0xb8;
	[tilespmem:$0x18080] =	vst v63  }
0x3e: {  	s13 =	rddreg [dreg:$0x8]  }
0x3f: {  	[tilespmem:s13], [sflag:$0x1] =	stream.indirect_vreg.gather [hbm4b:s6+s2], $0x80, v4, vm0, $0xb8;
	[tilespmem:$0x18080] =	vst v63  }
0x40: {  	s0 =	rddreg [dreg:$0x9]  }
0x41: {  	[tilespmem:s0], [sflag:$0x1] =	stream.indirect_vreg.gather [hbm4b:s4+s2], $0x80, v3, vm0, $0xb8;
	[tilespmem:$0x18080] =	vst v63  }
0x42: {  	s13 =	rddreg [dreg:$0xa]  }
0x43: {  	[tilespmem:s13], [sflag:$0x1] =	stream.indirect_vreg.gather [hbm4b:s5+s2], $0x80, v3, vm0, $0xb8;
	[tilespmem:$0x18080] =	vst v63  }
0x44: {  	s0 =	rddreg [dreg:$0xb]  }
0x45: {  	[tilespmem:s0], [sflag:$0x1] =	stream.indirect_vreg.gather [hbm4b:s6+s2], $0x80, v3, vm0, $0xb8;
	[tilespmem:$0x18080] =	vst v63  }
0x46: {  	v3 =	vld [tilespmem:$0x10];
	_ =	sdelay $0x4  }
0x47: {  	v57 =	vshrl.u32 v3, $0x3  }
0x48: {  	v4 =	vmul.u32 $0x30, v57  }
0x49: {  	v3 =	vand.u32 $0x7, v3  }
0x4a: {  	v3 =	vor.u32 v3, v4  }
0x4b: {  	v4 =	vperm.xlane v3, v0;
	_ =	sdelay $0x1  }
0x4c: {  	v4 =	vadd.s32 v1, v4;
	_ =	sdelay $0x3  }
0x4d: {  	s0 =	rddreg [dreg:$0xc];
	v3 =	vperm.xlane v3, v2  }
0x4e: {  	[tilespmem:s0], [sflag:$0x1] =	stream.indirect_vreg.gather [hbm4b:s4+s2], $0x80, v4, vm0, $0xb8;
	[tilespmem:$0x18080] =	vst v63  }
0x4f: {  	s13 =	rddreg [dreg:$0xd];
	v3 =	vadd.s32 v1, v3  }
0x50: {  	[tilespmem:s13], [sflag:$0x1] =	stream.indirect_vreg.gather [hbm4b:s5+s2], $0x80, v4, vm0, $0xb8;
	[tilespmem:$0x18080] =	vst v63  }
0x51: {  	s0 =	rddreg [dreg:$0xe]  }
0x52: {  	[tilespmem:s0], [sflag:$0x1] =	stream.indirect_vreg.gather [hbm4b:s6+s2], $0x80, v4, vm0, $0xb8;
	[tilespmem:$0x18080] =	vst v63  }
0x53: {  	s13 =	rddreg [dreg:$0xf]  }
0x54: {  	[tilespmem:s13], [sflag:$0x1] =	stream.indirect_vreg.gather [hbm4b:s4+s2], $0x80, v3, vm0, $0xb8;
	[tilespmem:$0x18080] =	vst v63  }
0x55: {  	s0 =	rddreg [dreg:$0x10]  }
0x56: {  	[tilespmem:s0], [sflag:$0x1] =	stream.indirect_vreg.gather [hbm4b:s5+s2], $0x80, v3, vm0, $0xb8;
	[tilespmem:$0x18080] =	vst v63  }
0x57: {  	s13 =	rddreg [dreg:$0x11]  }
0x58: {  	[tilespmem:s13], [sflag:$0x1] =	stream.indirect_vreg.gather [hbm4b:s6+s2], $0x80, v3, vm0, $0xb8;
	[tilespmem:$0x18080] =	vst v63  }
0x59: {  	v3 =	vld [tilespmem:$0x20];
	_ =	sdelay $0x4  }
0x5a: {  	v58 =	vshrl.u32 v3, $0x3  }
0x5b: {  	v4 =	vmul.u32 $0x30, v58  }
0x5c: {  	v3 =	vand.u32 $0x7, v3  }
0x5d: {  	v3 =	vor.u32 v3, v4  }
0x5e: {  	v4 =	vperm.xlane v3, v0;
	_ =	sdelay $0x1  }
0x5f: {  	v4 =	vadd.s32 v1, v4;
	_ =	sdelay $0x3  }
0x60: {  	v3 =	vperm.xlane v3, v2  }
0x61: {  	[tilespmem:s10], [sflag:$0x2] =	stream.indirect_vreg.gather [hbm4b:s4+s2], $0x80, v4, vm0, $0xb8;
	[tilespmem:$0x18080] =	vst v63  }
0x62: {  	s0 =	rddreg [dreg:$0x12];
	v3 =	vadd.s32 v1, v3  }
0x63: {  	[tilespmem:s0], [sflag:$0x2] =	stream.indirect_vreg.gather [hbm4b:s5+s2], $0x80, v4, vm0, $0xb8;
	[tilespmem:$0x18080] =	vst v63  }
0x64: {  	s13 =	rddreg [dreg:$0x13]  }
0x65: {  	[tilespmem:s13], [sflag:$0x2] =	stream.indirect_vreg.gather [hbm4b:s6+s2], $0x80, v4, vm0, $0xb8;
	[tilespmem:$0x18080] =	vst v63  }
0x66: {  	s0 =	rddreg [dreg:$0x14]  }
0x67: {  	[tilespmem:s0], [sflag:$0x2] =	stream.indirect_vreg.gather [hbm4b:s4+s2], $0x80, v3, vm0, $0xb8;
	[tilespmem:$0x18080] =	vst v63  }
0x68: {  	s13 =	rddreg [dreg:$0x15]  }
0x69: {  	[tilespmem:s13], [sflag:$0x2] =	stream.indirect_vreg.gather [hbm4b:s5+s2], $0x80, v3, vm0, $0xb8;
	[tilespmem:$0x18080] =	vst v63  }
0x6a: {  	s0 =	rddreg [dreg:$0x16]  }
0x6b: {  	[tilespmem:s0], [sflag:$0x2] =	stream.indirect_vreg.gather [hbm4b:s6+s2], $0x80, v3, vm0, $0xb8;
	[tilespmem:$0x18080] =	vst v63  }
0x6c: {  	v3 =	vld [tilespmem:$0x30];
	_ =	sdelay $0x4  }
0x6d: {  	v59 =	vshrl.u32 v3, $0x3  }
0x6e: {  	v4 =	vmul.u32 $0x30, v59  }
0x6f: {  	v3 =	vand.u32 $0x7, v3  }
0x70: {  	v3 =	vor.u32 v3, v4  }
0x71: {  	v4 =	vperm.xlane v3, v0;
	_ =	sdelay $0x1  }
0x72: {  	v4 =	vadd.s32 v1, v4;
	_ =	sdelay $0x3  }
0x73: {  	s0 =	rddreg [dreg:$0x17];
	v3 =	vperm.xlane v3, v2  }
0x74: {  	[tilespmem:s0], [sflag:$0x2] =	stream.indirect_vreg.gather [hbm4b:s4+s2], $0x80, v4, vm0, $0xb8;
	[tilespmem:$0x18080] =	vst v63  }
0x75: {  	s13 =	rddreg [dreg:$0x18];
	v3 =	vadd.s32 v1, v3  }
0x76: {  	[tilespmem:s13], [sflag:$0x2] =	stream.indirect_vreg.gather [hbm4b:s5+s2], $0x80, v4, vm0, $0xb8;
	[tilespmem:$0x18080] =	vst v63  }
0x77: {  	s0 =	rddreg [dreg:$0x19]  }
0x78: {  	[tilespmem:s0], [sflag:$0x2] =	stream.indirect_vreg.gather [hbm4b:s6+s2], $0x80, v4, vm0, $0xb8;
	[tilespmem:$0x18080] =	vst v63  }
0x79: {  	s13 =	rddreg [dreg:$0x1a]  }
0x7a: {  	[tilespmem:s13], [sflag:$0x2] =	stream.indirect_vreg.gather [hbm4b:s4+s2], $0x80, v3, vm0, $0xb8;
	[tilespmem:$0x18080] =	vst v63  }
0x7b: {  	s0 =	rddreg [dreg:$0x1b]  }
0x7c: {  	[tilespmem:s0], [sflag:$0x2] =	stream.indirect_vreg.gather [hbm4b:s5+s2], $0x80, v3, vm0, $0xb8;
	[tilespmem:$0x18080] =	vst v63  }
0x7d: {  	s13 =	rddreg [dreg:$0x1c]  }
0x7e: {  	[tilespmem:s13], [sflag:$0x2] =	stream.indirect_vreg.gather [hbm4b:s6+s2], $0x80, v3, vm0, $0xb8;
	[tilespmem:$0x18080] =	vst v63  }
0x7f: {  	v3 =	vld [tilespmem:$0x40];
	_ =	sdelay $0x4  }
0x80: {  	v60 =	vshrl.u32 v3, $0x3  }
0x81: {  	v4 =	vmul.u32 $0x30, v60  }
0x82: {  	v3 =	vand.u32 $0x7, v3  }
0x83: {  	v3 =	vor.u32 v3, v4  }
0x84: {  	v4 =	vperm.xlane v3, v0;
	_ =	sdelay $0x1  }
0x85: {  	v4 =	vadd.s32 v1, v4;
	_ =	sdelay $0x3  }
0x86: {  	s0 =	rddreg [dreg:$0x1d];
	v3 =	vperm.xlane v3, v2  }
0x87: {  	[tilespmem:s11], [sflag:$0x3] =	stream.indirect_vreg.gather [hbm4b:s4+s2], $0x80, v4, vm0, $0xb8;
	[tilespmem:$0x18080] =	vst v63  }
0x88: {  	s13 =	rddreg [dreg:$0x1e];
	v3 =	vadd.s32 v1, v3  }
0x89: {  	[tilespmem:s0], [sflag:$0x3] =	stream.indirect_vreg.gather [hbm4b:s5+s2], $0x80, v4, vm0, $0xb8;
	[tilespmem:$0x18080] =	vst v63  }
0x8a: {  	s0 =	rddreg [dreg:$0x1f]  }
0x8b: {  	[tilespmem:s13], [sflag:$0x3] =	stream.indirect_vreg.gather [hbm4b:s6+s2], $0x80, v4, vm0, $0xb8;
	[tilespmem:$0x18080] =	vst v63  }
0x8c: {  	s13 =	sld [smem:$0x7F6]  }
0x8d: {  	[tilespmem:s0], [sflag:$0x3] =	stream.indirect_vreg.gather [hbm4b:s4+s2], $0x80, v3, vm0, $0xb8;
	[tilespmem:$0x18080] =	vst v63  }
0x8e: {  	s0 =	sld [smem:$0x7F7]  }
0x8f: {  	[tilespmem:s13], [sflag:$0x3] =	stream.indirect_vreg.gather [hbm4b:s5+s2], $0x80, v3, vm0, $0xb8;
	[tilespmem:$0x18080] =	vst v63  }
0x90: {  	_ = 	snop  }
0x91: {  	[tilespmem:s0], [sflag:$0x3] =	stream.indirect_vreg.gather [hbm4b:s6+s2], $0x80, v3, vm0, $0xb8;
	[tilespmem:$0x18080] =	vst v63  }
0x92: {  	v3 =	vld [tilespmem:$0x50];
	_ =	sdelay $0x4  }
0x93: {  	v61 =	vshrl.u32 v3, $0x3  }
0x94: {  	v4 =	vmul.u32 $0x30, v61  }
0x95: {  	v3 =	vand.u32 $0x7, v3  }
0x96: {  	v3 =	vor.u32 v3, v4  }
0x97: {  	v4 =	vperm.xlane v3, v0;
	_ =	sdelay $0x1  }
0x98: {  	v4 =	vadd.s32 v1, v4;
	_ =	sdelay $0x1  }
0x99: {  	s0 =	sld [smem:$0x7F8];
	_ =	sdelay $0x1  }
0x9a: {  	s13 =	sld [smem:$0x7F9];
	v3 =	vperm.xlane v3, v2  }
0x9b: {  	[tilespmem:s0], [sflag:$0x3] =	stream.indirect_vreg.gather [hbm4b:s4+s2], $0x80, v4, vm0, $0xb8;
	[tilespmem:$0x18080] =	vst v63  }
0x9c: {  	v3 =	vadd.s32 v1, v3;
	s0 =	sld [smem:$0x7FA]  }
0x9d: {  	[tilespmem:s13], [sflag:$0x3] =	stream.indirect_vreg.gather [hbm4b:s5+s2], $0x80, v4, vm0, $0xb8;
	[tilespmem:$0x18080] =	vst v63  }
0x9e: {  	s13 =	sld [smem:$0x7FB]  }
0x9f: {  	[tilespmem:s0], [sflag:$0x3] =	stream.indirect_vreg.gather [hbm4b:s6+s2], $0x80, v4, vm0, $0xb8;
	[tilespmem:$0x18080] =	vst v63  }
0xa0: {  	s0 =	sld [smem:$0x7FC]  }
0xa1: {  	[tilespmem:s13], [sflag:$0x3] =	stream.indirect_vreg.gather [hbm4b:s4+s2], $0x80, v3, vm0, $0xb8;
	[tilespmem:$0x18080] =	vst v63  }
0xa2: {  	s13 =	sld [smem:$0x7FD]  }
0xa3: {  	[tilespmem:s0], [sflag:$0x3] =	stream.indirect_vreg.gather [hbm4b:s5+s2], $0x80, v3, vm0, $0xb8;
	[tilespmem:$0x18080] =	vst v63  }
0xa4: {  	_ = 	snop  }
0xa5: {  	[tilespmem:s13], [sflag:$0x3] =	stream.indirect_vreg.gather [hbm4b:s6+s2], $0x80, v3, vm0, $0xb8;
	[tilespmem:$0x18080] =	vst v63  }
0xa6: {  	v3 =	vld [tilespmem:$0x60];
	_ =	sdelay $0x4  }
0xa7: {  	v62 =	vshrl.u32 v3, $0x3  }
0xa8: {  	v4 =	vmul.u32 $0x30, v62  }
0xa9: {  	v3 =	vand.u32 $0x7, v3  }
0xaa: {  	v3 =	vor.u32 v3, v4  }
0xab: {  	v4 =	vperm.xlane v3, v0;
	_ =	sdelay $0x1  }
0xac: {  	v4 =	vadd.s32 v1, v4;
	_ =	sdelay $0x3  }
0xad: {  	v3 =	vperm.xlane v3, v2  }
0xae: {  	[tilespmem:s12], [sflag:$0x4] =	stream.indirect_vreg.gather [hbm4b:s4+s2], $0x80, v4, vm0, $0xb8;
	[tilespmem:$0x18080] =	vst v63  }
0xaf: {  	s13 =	simm.s32 $0x12880;
	v3 =	vadd.s32 v1, v3  }
0xb0: {  	[tilespmem:s13], [sflag:$0x4] =	stream.indirect_vreg.gather [hbm4b:s5+s2], $0x80, v4, vm0, $0xb8;
	[tilespmem:$0x18080] =	vst v63  }
0xb1: {  	_ = 	snop  }
0xb2: {  	[tilespmem:s14], [sflag:$0x4] =	stream.indirect_vreg.gather [hbm4b:s6+s2], $0x80, v4, vm0, $0xb8;
	[tilespmem:$0x18080] =	vst v63  }
0xb3: {  	_ = 	snop  }
0xb4: {  	[tilespmem:s15], [sflag:$0x4] =	stream.indirect_vreg.gather [hbm4b:s4+s2], $0x80, v3, vm0, $0xb8;
	[tilespmem:$0x18080] =	vst v63  }
0xb5: {  	_ = 	snop  }
0xb6: {  	[tilespmem:s16], [sflag:$0x4] =	stream.indirect_vreg.gather [hbm4b:s5+s2], $0x80, v3, vm0, $0xb8;
	[tilespmem:$0x18080] =	vst v63  }
0xb7: {  	_ = 	snop  }
0xb8: {  	[tilespmem:s17], [sflag:$0x4] =	stream.indirect_vreg.gather [hbm4b:s6+s2], $0x80, v3, vm0, $0xb8;
	[tilespmem:$0x18080] =	vst v63  }
0xb9: {  	v3 =	vld [tilespmem:$0x70];
	_ =	sdelay $0x4  }
0xba: {  	v63 =	vshrl.u32 v3, $0x3  }
0xbb: {  	v4 =	vmul.u32 $0x30, v63  }
0xbc: {  	v3 =	vand.u32 $0x7, v3  }
0xbd: {  	v3 =	vor.u32 v3, v4  }
0xbe: {  	v4 =	vperm.xlane v3, v0;
	_ =	sdelay $0x1  }
0xbf: {  	v4 =	vadd.s32 v1, v4;
	_ =	sdelay $0x3  }
0xc0: {  	v3 =	vperm.xlane v3, v2  }
0xc1: {  	[tilespmem:s18], [sflag:$0x4] =	stream.indirect_vreg.gather [hbm4b:s4+s2], $0x80, v4, vm0, $0xb8;
	[tilespmem:$0x18080] =	vst v63  }
0xc2: {  	v3 =	vadd.s32 v1, v3  }
0xc3: {  	[tilespmem:s19], [sflag:$0x4] =	stream.indirect_vreg.gather [hbm4b:s5+s2], $0x80, v4, vm0, $0xb8;
	[tilespmem:$0x18080] =	vst v63  }
0xc4: {  	_ = 	snop  }
0xc5: {  	[tilespmem:s20], [sflag:$0x4] =	stream.indirect_vreg.gather [hbm4b:s6+s2], $0x80, v4, vm0, $0xb8;
	[tilespmem:$0x18080] =	vst v63  }
0xc6: {  	_ = 	snop  }
0xc7: {  	[tilespmem:s21], [sflag:$0x4] =	stream.indirect_vreg.gather [hbm4b:s4+s2], $0x80, v3, vm0, $0xb8;
	[tilespmem:$0x18080] =	vst v63  }
0xc8: {  	_ = 	snop  }
0xc9: {  	[tilespmem:s22], [sflag:$0x4] =	stream.indirect_vreg.gather [hbm4b:s5+s2], $0x80, v3, vm0, $0xb8;
	[tilespmem:$0x18080] =	vst v63  }
0xca: {  	_ = 	snop  }
0xcb: {  	[tilespmem:s23], [sflag:$0x4] =	stream.indirect_vreg.gather [hbm4b:s6+s2], $0x80, v3, vm0, $0xb8;
	[tilespmem:$0x18080] =	vst v63  }
0xcc: {  	_ =	swait.ge [sflag:s24], $0x6000  }
0xcd: {  	[sflag:s24] =	ssyncset.done $0x0  }
0xce: {  	[sflag:s24] =	ssyncadd.s32 $0xFFFFA000  }
0xcf: {  	[hbm4b:s3+s2] =	stream.linear.scatter [tilespmem:s9], [sflag:$0x5], $0x6000, $0x38;
	[tilespmem:$0x18080] =	vst v63  }
0xd0: {  	_ =	swait.ge [sflag:s25], $0x6000  }
0xd1: {  	[sflag:s25] =	ssyncset.done $0x0  }
0xd2: {  	s13 =	rddreg [dreg:$0x4];
	[sflag:s25] =	ssyncadd.s32 $0xFFFFA000  }
0xd3: {  	[hbm4b:s13+s2] =	stream.linear.scatter [tilespmem:s10], [sflag:$0x6], $0x6000, $0x38;
	[tilespmem:$0x18080] =	vst v63  }
0xd4: {  	_ =	swait.ge [sflag:s26], $0x6000  }
0xd5: {  	[sflag:s26] =	ssyncset.done $0x0  }
0xd6: {  	s13 =	rddreg [dreg:$0x5];
	[sflag:s26] =	ssyncadd.s32 $0xFFFFA000  }
0xd7: {  	[hbm4b:s13+s2] =	stream.linear.scatter [tilespmem:s11], [sflag:$0x7], $0x6000, $0x38;
	[tilespmem:$0x18080] =	vst v63  }
0xd8: {  	_ =	swait.ge [sflag:s28], $0x6000  }
0xd9: {  	[sflag:s28] =	ssyncset.done $0x0  }
0xda: {  	s13 =	rddreg [dreg:$0x6];
	[sflag:s28] =	ssyncadd.s32 $0xFFFFA000  }
0xdb: {  	[hbm4b:s13+s2] =	stream.linear.scatter [tilespmem:s12], [sflag:$0x8], $0x6000, $0x38;
	[tilespmem:$0x18080] =	vst v63  }
0xdc: {  	_ =	swait.ge [sflag:s29], $0x6000  }
0xdd: {  	[sflag:s29] =	ssyncset.done $0x0  }
0xde: {  	[sflag:s29] =	ssyncadd.s32 $0xFFFFA000  }
0xdf: {  	_ =	swait.ge [sflag:s30], $0x6000  }
0xe0: {  	[sflag:s30] =	ssyncset.done $0x0  }
0xe1: {  	[sflag:s30] =	ssyncadd.s32 $0xFFFFA000  }
0xe2: {  	p0 =	sne.s32 s7, $0x1;
	_ =	swait.ge [sflag:s31], $0x6000  }
.Ltmp0:
0xe3: {  	[sflag:s31] =	ssyncset.done $0x0;
	(pc) =	sbr.rel @p0 .LBB2_1-.Ltmp0, $4  }
0xe4: {  	[sflag:s31] =	ssyncadd.s32 $0xFFFFA000  }
0xe5: {  	_ =	swait.ge [sflag:s1], $0x6000  }
0xe6: {  	[sflag:s1] =	ssyncset.done $0x0  }
0xe7: {  	s7 =	sadd.s32 $0xFFFFFFFF, s7;
	[sflag:s1] =	ssyncadd.s32 $0xFFFFA000  }
0xe8: {  	_ =	sfence.sel $0x180000  }
0xe9: {  	[bflag:$0x0] =	sbarrier.arrive $0xFFFF  }
0xea: {  	_ =	strace $0x90000050  }
0xeb: {  	s0 =	stileid.u32;
	[bflag:$0x2] =	sbarrier.arrive $0xFFFF  }
0xec: {  	p0 =	sne.s32 s0, $0x0;
	s0 =	rddreg [dreg:$0x2]  }
0xed: {  	s0 =	sadd.s32 @!p0 $0x100000, s0  }
0xee: {  	[sflag:s0] =	ssyncadd.tile.s32 @!p0 $0x1;
	_ =	shalt  }
.Lfunc_end2:
_tile_overlayer_lowered:
.L_overlay_start_2:
0xef: {  	(tag) =	ssettag $0x2  }
0xf0: {  	s0 =	rddreg [dreg:$0x0];
	s2 =	stileid.u32  }
0xf1: {  	s1 =	rddreg [dreg:$0x1];
	p0 =	sne.s32 s2, $0x0  }
0xf2: {  	s3 =	rddreg [dreg:$0x2];
	[bflag:$0x3] =	sbarrier.arrive $0xFFFF;
	s2 =	simm.s32 @!p0 $0x1C09  }
0xf3: {  	[timem:s3], [sflag:s2] =	dma.local @!p0 [hbm:s0], s1  }
0xf4: {  	s0 =	simm.s32 @!p0 $0x9  }
0xf5: {  	_ =	swait.ge @!p0 [sflag:s0], s1  }
0xf6: {  	s1 =	ssub.s32 @!p0 $0x0, s1;
	[sflag:s0] =	ssyncset.done @!p0 $0x0  }
0xf7: {  	[sflag:s0] =	ssyncadd.s32 @!p0 s1  }
0xf8: {  	[bflag:$0x3] =	sbarrier.arrive $0xFFFF  }
0xf9: {  	_ =	shalt  }

</sc_bundles>
